<compile_context>
chip_gen: v7x
topology: tpu7x:2x2x1
jax: 0.10.2.dev20260603
libtpu: 0.0.44.dev20260713+nightly
codegen_flags: <defaults>
</compile_context>

<pallas_src>
import functools

import jax
import jax.numpy as jnp
from jax import lax
from jax.experimental import pallas as pl
from jax.experimental.pallas import tpu as pltpu
from jax.experimental.pallas import tpu_sc as plsc

N = 8192
NCHUNK = 4
CHUNK = N // NCHUNK
NW = 32
NS = 16
L = 16
G = 8

J1 = 2560
I2 = 2560
TB = 512


def _derive(px, py, pz, d_n, d_xm2, d_ym2, d_zm2):
    def body(v, _):
        sl = pl.ds(v * L, L)
        x = px[sl]
        y = py[sl]
        z = pz[sl]
        d_n[sl] = x * x + y * y + z * z
        d_xm2[sl] = -2.0 * x
        d_ym2[sl] = -2.0 * y
        d_zm2[sl] = -2.0 * z
        return 0

    lax.fori_loop(0, N // L, body, 0)


def _direction_sum(wid, s, per_w, own_x, own_y, own_z, own_n,
                   sc_n, sc_xm2, sc_ym2, sc_zm2):

    def per_block(jb, s):
        jbase = wid * per_w + jb * L
        vjx = own_x[pl.ds(jbase, L)]
        vjy = own_y[pl.ds(jbase, L)]
        vjz = own_z[pl.ds(jbase, L)]
        vjn = own_n[pl.ds(jbase, L)]
        for h in range(L // G):
            bx = [vjx[h * G + g] for g in range(G)]
            by = [vjy[h * G + g] for g in range(G)]
            bz = [vjz[h * G + g] for g in range(G)]
            bn = [vjn[h * G + g] for g in range(G)]
            for c in range(NCHUNK):

                def body(iv, maccs):
                    sl = pl.ds(iv * L, L)
                    vn = sc_n[sl]
                    vx = sc_xm2[sl]
                    vy = sc_ym2[sl]
                    vz = sc_zm2[sl]
                    out = []
                    for g in range(G):
                        w = vx * bx[g] + vy * by[g] + vz * bz[g]
                        out.append(jnp.minimum(maccs[g], vn + w))
                    return tuple(out)

                inf = jnp.full((L,), jnp.inf, dtype=jnp.float32)
                maccs = lax.fori_loop(c * (CHUNK // L), (c + 1) * (CHUNK // L),
                                      body, (inf,) * G)
                for g in range(G):
                    s = s + jnp.min(maccs[g]) + bn[g]
        return s

    return lax.fori_loop(0, per_w // L, per_block, s)


def _sc_body(x1_hbm, y1_hbm, z1_hbm, x2_hbm, y2_hbm, z2_hbm, out_hbm,
             c1x, c1y, c1z, c1n, c1xm2, c1ym2, c1zm2,
             c2x, c2y, c2z, c2n, c2xm2, c2ym2, c2zm2,
             svec):
    sid = lax.axis_index("s")
    cid = lax.axis_index("c")
    wid = cid * NS + sid

    pltpu.sync_copy(x1_hbm, c1x)
    pltpu.sync_copy(y1_hbm, c1y)
    pltpu.sync_copy(z1_hbm, c1z)
    pltpu.sync_copy(x2_hbm, c2x)
    pltpu.sync_copy(y2_hbm, c2y)
    pltpu.sync_copy(z2_hbm, c2z)

    _derive(c1x, c1y, c1z, c1n, c1xm2, c1ym2, c1zm2)
    _derive(c2x, c2y, c2z, c2n, c2xm2, c2ym2, c2zm2)

    s = jnp.float32(0.0)
    if J1:
        s = _direction_sum(wid, s, J1 // NW, c2x, c2y, c2z, c2n,
                           c1n, c1xm2, c1ym2, c1zm2)
    if I2:
        s = _direction_sum(wid, s, I2 // NW, c1x, c1y, c1z, c1n,
                           c2n, c2xm2, c2ym2, c2zm2)

    svec[...] = jnp.full((L,), s * (1.0 / L), dtype=jnp.float32)
    pltpu.sync_copy(svec, out_hbm.at[wid])


@jax.jit
def _chamfer_sc(x1, y1, z1, x2, y2, z2):
    mesh = plsc.VectorSubcoreMesh(core_axis_name="c", subcore_axis_name="s")
    vec = pltpu.VMEM((N,), jnp.float32)
    run = pl.kernel(
        _sc_body,
        out_type=jax.ShapeDtypeStruct((NW, L), jnp.float32),
        mesh=mesh,
        scratch_types=[vec] * 14 + [pltpu.VMEM((L,), jnp.float32)],
        compiler_params=pltpu.CompilerParams(needs_layout_passes=False),
    )
    return run(x1, y1, z1, x2, y2, z2)


def _tc_block_body(pom2_ref, no_ref, pst_ref, nsr_ref, out_ref):
    a = pom2_ref[...]
    t = (nsr_ref[...] + a[:, 0:1] * pst_ref[0:1, :]
         + a[:, 1:2] * pst_ref[1:2, :]
         + a[:, 2:3] * pst_ref[2:3, :])
    s = jnp.float32(0.0)
    for c in range(NCHUNK):
        m = jnp.min(t[:, c * CHUNK:(c + 1) * CHUNK], axis=1)
        s = s + jnp.sum(m + no_ref[:, 0])
    out_ref[...] = jnp.full((1, 8, 128), s * (1.0 / 1024), dtype=jnp.float32)


def _tc_direction(pom2, no, pst, nsr):
    nb = pom2.shape[0] // TB
    return pl.pallas_call(
        _tc_block_body,
        grid=(nb,),
        in_specs=[
            pl.BlockSpec((TB, 3), lambda i: (i, 0)),
            pl.BlockSpec((TB, 1), lambda i: (i, 0)),
            pl.BlockSpec((3, N), lambda i: (0, 0)),
            pl.BlockSpec((1, N), lambda i: (0, 0)),
        ],
        out_specs=pl.BlockSpec((1, 8, 128), lambda i: (i, 0, 0)),
        out_shape=jax.ShapeDtypeStruct((nb, 8, 128), jnp.float32),
    )(pom2, no, pst, nsr)


def kernel(output_pc, gt_pc):
    p1 = jnp.squeeze(output_pc)
    p2 = jnp.squeeze(gt_pc)

    sc_partials = _chamfer_sc(p1[:, 0], p1[:, 1], p1[:, 2],
                              p2[:, 0], p2[:, 1], p2[:, 2])
    total = jnp.sum(sc_partials)

    n1 = jnp.sum(p1 * p1, axis=1)
    n2 = jnp.sum(p2 * p2, axis=1)
    t1 = _tc_direction(-2.0 * p2[J1:], n2[J1:, None], p1.T, n1[None, :])
    t2 = _tc_direction(-2.0 * p1[I2:], n1[I2:, None], p2.T, n2[None, :])
    total = total + jnp.sum(t1) + jnp.sum(t2)
    return total / (NCHUNK * N)

# --- scband reference (transcript-rebuilt; emitter-appended) ---
"""Pipeline reference for scband-chamfer-loss-8194797601432 (READ-ONLY COPY).

The authoritative reference and input builder live on the scoring server;
editing this copy changes nothing except your own understanding.
"""

import jax, jax.numpy as jnp
import numpy as np


def setup_inputs(seed: int = 0) -> dict:
    key = jax.random.key(seed)
    k1, k2 = jax.random.split(key)
    output_pc = jax.random.normal(k1, (8192, 3), dtype=jnp.float32)
    gt_pc = jax.random.normal(k2, (8192, 3), dtype=jnp.float32)
    return {"output_pc": output_pc, "gt_pc": gt_pc}


def _chamfer(pc1, pc2):
    # Faithful translation of the torch module's (unusual) chunked reduction:
    # for each 2048-point chunk of pc1, take for every pc2 point the min squared
    # distance to the chunk (min over dim 1 of the [M, c] distance matrix),
    # then concatenate over chunks; symmetric for pc2 chunks vs pc1.
    num_chunks1 = pc1.shape[0] // 2048
    dist1_li = []
    for chunk in jnp.split(pc1, num_chunks1, axis=0):
        # chunk: [c, 3], pc2: [M, 3] -> pairwise squared dists [M, c]
        d = jnp.sum((chunk[None, :, :] - pc2[:, None, :]) ** 2, axis=2)
        dist1_li.append(jnp.min(d, axis=1))  # [M]
    dist1 = jnp.concatenate(dist1_li, axis=0)

    num_chunks2 = pc2.shape[0] // 2048
    dist2_li = []
    for chunk in jnp.split(pc2, num_chunks2, axis=0):
        d = jnp.sum((chunk[None, :, :] - pc1[:, None, :]) ** 2, axis=2)
        dist2_li.append(jnp.min(d, axis=1))  # [N1]
    dist2 = jnp.concatenate(dist2_li, axis=0)

    return jnp.mean(dist1) + jnp.mean(dist2)


def reference(output_pc, gt_pc):
    pc1 = jnp.squeeze(output_pc)
    pc2 = jnp.squeeze(gt_pc)
    return _chamfer(pc1, pc2)

if __name__ == "__main__":
    import jax
    _d = setup_inputs()
    print(jax.jit(kernel)(*tuple(_d.values())))

</pallas_src>

<mosaic_0001>
#map = affine_map<(d0, d1) -> (0)>
#map1 = affine_map<(d0, d1) -> (0, 0)>
module attributes {stable_mosaic.version = 14 : i64} {
  func.func @_sc_body(%arg0: i32, %arg1: i32, %arg2: memref<8192xf32, #tpu.memory_space<hbm>>, %arg3: memref<8192xf32, #tpu.memory_space<hbm>>, %arg4: memref<8192xf32, #tpu.memory_space<hbm>>, %arg5: memref<8192xf32, #tpu.memory_space<hbm>>, %arg6: memref<8192xf32, #tpu.memory_space<hbm>>, %arg7: memref<8192xf32, #tpu.memory_space<hbm>>, %arg8: memref<32x16xf32, #tpu.memory_space<hbm>>, %arg9: memref<8192xf32, #tpu.memory_space<vmem>>, %arg10: memref<8192xf32, #tpu.memory_space<vmem>>, %arg11: memref<8192xf32, #tpu.memory_space<vmem>>, %arg12: memref<8192xf32, #tpu.memory_space<vmem>>, %arg13: memref<8192xf32, #tpu.memory_space<vmem>>, %arg14: memref<8192xf32, #tpu.memory_space<vmem>>, %arg15: memref<8192xf32, #tpu.memory_space<vmem>>, %arg16: memref<8192xf32, #tpu.memory_space<vmem>>, %arg17: memref<8192xf32, #tpu.memory_space<vmem>>, %arg18: memref<8192xf32, #tpu.memory_space<vmem>>, %arg19: memref<8192xf32, #tpu.memory_space<vmem>>, %arg20: memref<8192xf32, #tpu.memory_space<vmem>>, %arg21: memref<8192xf32, #tpu.memory_space<vmem>>, %arg22: memref<8192xf32, #tpu.memory_space<vmem>>, %arg23: memref<16xf32, #tpu.memory_space<vmem>>) attributes {dimension_semantics = [#tpu.dimension_semantics<core_parallel>, #tpu.dimension_semantics<subcore_parallel>], iteration_bounds = array<i64: 2, 16>, scalar_prefetch = 0 : i64, scratch_operands = 15 : i64, tpu.core_type = #tpu.core_type<sc_vector_subcore>, window_params = [{transform_indices = #map}, {transform_indices = #map}, {transform_indices = #map}, {transform_indices = #map}, {transform_indices = #map}, {transform_indices = #map}, {transform_indices = #map1}]} {
    %mul3A = arith.constant 16 : i32
    %mul3A_0 = arith.muli %arg0, %mul3A : i32
    %add3A = arith.addi %mul3A_0, %arg1 : i32
    "tpu.region"() ({
      %run_scoped3A = tpu.sem_alloc : memref<!tpu.dma_semaphore, #tpu.memory_space<semaphore_mem>>
      tpu.enqueue_dma source(%arg2 : memref<8192xf32, #tpu.memory_space<hbm>>) target(%arg9 : memref<8192xf32, #tpu.memory_space<vmem>>) target_semaphore(%run_scoped3A : memref<!tpu.dma_semaphore, #tpu.memory_space<semaphore_mem>>)
      tpu.wait_dma2 semaphore(%run_scoped3A : memref<!tpu.dma_semaphore, #tpu.memory_space<semaphore_mem>>) src(%arg2 : memref<8192xf32, #tpu.memory_space<hbm>>) dst(%arg9 : memref<8192xf32, #tpu.memory_space<vmem>>)
      tpu.yield
    }) : () -> ()
    "tpu.region"() ({
      %run_scoped3A = tpu.sem_alloc : memref<!tpu.dma_semaphore, #tpu.memory_space<semaphore_mem>>
      tpu.enqueue_dma source(%arg3 : memref<8192xf32, #tpu.memory_space<hbm>>) target(%arg10 : memref<8192xf32, #tpu.memory_space<vmem>>) target_semaphore(%run_scoped3A : memref<!tpu.dma_semaphore, #tpu.memory_space<semaphore_mem>>)
      tpu.wait_dma2 semaphore(%run_scoped3A : memref<!tpu.dma_semaphore, #tpu.memory_space<semaphore_mem>>) src(%arg3 : memref<8192xf32, #tpu.memory_space<hbm>>) dst(%arg10 : memref<8192xf32, #tpu.memory_space<vmem>>)
      tpu.yield
    }) : () -> ()
    "tpu.region"() ({
      %run_scoped3A = tpu.sem_alloc : memref<!tpu.dma_semaphore, #tpu.memory_space<semaphore_mem>>
      tpu.enqueue_dma source(%arg4 : memref<8192xf32, #tpu.memory_space<hbm>>) target(%arg11 : memref<8192xf32, #tpu.memory_space<vmem>>) target_semaphore(%run_scoped3A : memref<!tpu.dma_semaphore, #tpu.memory_space<semaphore_mem>>)
      tpu.wait_dma2 semaphore(%run_scoped3A : memref<!tpu.dma_semaphore, #tpu.memory_space<semaphore_mem>>) src(%arg4 : memref<8192xf32, #tpu.memory_space<hbm>>) dst(%arg11 : memref<8192xf32, #tpu.memory_space<vmem>>)
      tpu.yield
    }) : () -> ()
    "tpu.region"() ({
      %run_scoped3A = tpu.sem_alloc : memref<!tpu.dma_semaphore, #tpu.memory_space<semaphore_mem>>
      tpu.enqueue_dma source(%arg5 : memref<8192xf32, #tpu.memory_space<hbm>>) target(%arg16 : memref<8192xf32, #tpu.memory_space<vmem>>) target_semaphore(%run_scoped3A : memref<!tpu.dma_semaphore, #tpu.memory_space<semaphore_mem>>)
      tpu.wait_dma2 semaphore(%run_scoped3A : memref<!tpu.dma_semaphore, #tpu.memory_space<semaphore_mem>>) src(%arg5 : memref<8192xf32, #tpu.memory_space<hbm>>) dst(%arg16 : memref<8192xf32, #tpu.memory_space<vmem>>)
      tpu.yield
    }) : () -> ()
    "tpu.region"() ({
      %run_scoped3A = tpu.sem_alloc : memref<!tpu.dma_semaphore, #tpu.memory_space<semaphore_mem>>
      tpu.enqueue_dma source(%arg6 : memref<8192xf32, #tpu.memory_space<hbm>>) target(%arg17 : memref<8192xf32, #tpu.memory_space<vmem>>) target_semaphore(%run_scoped3A : memref<!tpu.dma_semaphore, #tpu.memory_space<semaphore_mem>>)
      tpu.wait_dma2 semaphore(%run_scoped3A : memref<!tpu.dma_semaphore, #tpu.memory_space<semaphore_mem>>) src(%arg6 : memref<8192xf32, #tpu.memory_space<hbm>>) dst(%arg17 : memref<8192xf32, #tpu.memory_space<vmem>>)
      tpu.yield
    }) : () -> ()
    "tpu.region"() ({
      %run_scoped3A = tpu.sem_alloc : memref<!tpu.dma_semaphore, #tpu.memory_space<semaphore_mem>>
      tpu.enqueue_dma source(%arg7 : memref<8192xf32, #tpu.memory_space<hbm>>) target(%arg18 : memref<8192xf32, #tpu.memory_space<vmem>>) target_semaphore(%run_scoped3A : memref<!tpu.dma_semaphore, #tpu.memory_space<semaphore_mem>>)
      tpu.wait_dma2 semaphore(%run_scoped3A : memref<!tpu.dma_semaphore, #tpu.memory_space<semaphore_mem>>) src(%arg7 : memref<8192xf32, #tpu.memory_space<hbm>>) dst(%arg18 : memref<8192xf32, #tpu.memory_space<vmem>>)
      tpu.yield
    }) : () -> ()
    %scan3A = arith.constant 0 : i32
    %scan3A_1 = arith.constant 0 : i32
    %scan3A_2 = arith.constant 512 : i32
    %scan3A_3 = arith.addi %scan3A_1, %scan3A_2 : i32
    %scan3A_4 = arith.constant 1 : i32
    %scan3A_5 = scf.for %scan3A_30 = %scan3A_1 to %scan3A_3 step %scan3A_4 iter_args(%scan3A_31 = %scan3A) -> (i32)  : i32 {
      %mul3A_32 = arith.constant 16 : i32
      %mul3A_33 = arith.muli %scan3A_30, %mul3A_32 : i32
      %get3A = arith.index_cast %mul3A_33 : i32 to index
      %get3A_34 = tpu.vector_load %arg9[%get3A] {strides = array<i32>} : memref<8192xf32, #tpu.memory_space<vmem>>, vector<16xf32>,
      %get3A_35 = arith.index_cast %mul3A_33 : i32 to index
      %get3A_36 = tpu.vector_load %arg10[%get3A_35] {strides = array<i32>} : memref<8192xf32, #tpu.memory_space<vmem>>, vector<16xf32>,
      %get3A_37 = arith.index_cast %mul3A_33 : i32 to index
      %get3A_38 = tpu.vector_load %arg11[%get3A_37] {strides = array<i32>} : memref<8192xf32, #tpu.memory_space<vmem>>, vector<16xf32>,
      %mul3A_39 = arith.mulf %get3A_34, %get3A_34 : vector<16xf32>
      %mul3A_40 = arith.mulf %get3A_36, %get3A_36 : vector<16xf32>
      %add3A_41 = arith.addf %mul3A_39, %mul3A_40 : vector<16xf32>
      %mul3A_42 = arith.mulf %get3A_38, %get3A_38 : vector<16xf32>
      %add3A_43 = arith.addf %add3A_41, %mul3A_42 : vector<16xf32>
      %swap3A_44 = arith.index_cast %mul3A_33 : i32 to index
      %swap3A_45 = tpu.vector_load %arg12[%swap3A_44] {strides = array<i32>} : memref<8192xf32, #tpu.memory_space<vmem>>, vector<16xf32>,
      tpu.vector_store %arg12[%swap3A_44], %add3A_43 {strides = array<i32>} : memref<8192xf32, #tpu.memory_space<vmem>>, vector<16xf32>,
      %mul3A_46 = arith.constant -2.000000e+00 : f32
      %mul3A_47 = vector.broadcast %mul3A_46 : f32 to vector<16xf32>
      %mul3A_48 = arith.mulf %mul3A_47, %get3A_34 : vector<16xf32>
      %swap3A_49 = arith.index_cast %mul3A_33 : i32 to index
      %swap3A_50 = tpu.vector_load %arg13[%swap3A_49] {strides = array<i32>} : memref<8192xf32, #tpu.memory_space<vmem>>, vector<16xf32>,
      tpu.vector_store %arg13[%swap3A_49], %mul3A_48 {strides = array<i32>} : memref<8192xf32, #tpu.memory_space<vmem>>, vector<16xf32>,
      %mul3A_51 = arith.constant -2.000000e+00 : f32
      %mul3A_52 = vector.broadcast %mul3A_51 : f32 to vector<16xf32>
      %mul3A_53 = arith.mulf %mul3A_52, %get3A_36 : vector<16xf32>
      %swap3A_54 = arith.index_cast %mul3A_33 : i32 to index
      %swap3A_55 = tpu.vector_load %arg14[%swap3A_54] {strides = array<i32>} : memref<8192xf32, #tpu.memory_space<vmem>>, vector<16xf32>,
      tpu.vector_store %arg14[%swap3A_54], %mul3A_53 {strides = array<i32>} : memref<8192xf32, #tpu.memory_space<vmem>>, vector<16xf32>,
      %mul3A_56 = arith.constant -2.000000e+00 : f32
      %mul3A_57 = vector.broadcast %mul3A_56 : f32 to vector<16xf32>
      %mul3A_58 = arith.mulf %mul3A_57, %get3A_38 : vector<16xf32>
      %swap3A_59 = arith.index_cast %mul3A_33 : i32 to index
      %swap3A_60 = tpu.vector_load %arg15[%swap3A_59] {strides = array<i32>} : memref<8192xf32, #tpu.memory_space<vmem>>, vector<16xf32>,
      tpu.vector_store %arg15[%swap3A_59], %mul3A_58 {strides = array<i32>} : memref<8192xf32, #tpu.memory_space<vmem>>, vector<16xf32>,
      %scan3A_61 = arith.constant 0 : i32
      scf.yield %scan3A_61 : i32
    }
    %scan3A_6 = arith.constant 512 : i32
    %scan3A_7 = arith.constant 0 : i32
    %scan3A_8 = arith.constant 0 : i32
    %scan3A_9 = arith.constant 512 : i32
    %scan3A_10 = arith.addi %scan3A_8, %scan3A_9 : i32
    %scan3A_11 = arith.constant 1 : i32
    %scan3A_12 = scf.for %scan3A_30 = %scan3A_8 to %scan3A_10 step %scan3A_11 iter_args(%scan3A_31 = %scan3A_7) -> (i32)  : i32 {
      %mul3A_32 = arith.constant 16 : i32
      %mul3A_33 = arith.muli %scan3A_30, %mul3A_32 : i32
      %get3A = arith.index_cast %mul3A_33 : i32 to index
      %get3A_34 = tpu.vector_load %arg16[%get3A] {strides = array<i32>} : memref<8192xf32, #tpu.memory_space<vmem>>, vector<16xf32>,
      %get3A_35 = arith.index_cast %mul3A_33 : i32 to index
      %get3A_36 = tpu.vector_load %arg17[%get3A_35] {strides = array<i32>} : memref<8192xf32, #tpu.memory_space<vmem>>, vector<16xf32>,
      %get3A_37 = arith.index_cast %mul3A_33 : i32 to index
      %get3A_38 = tpu.vector_load %arg18[%get3A_37] {strides = array<i32>} : memref<8192xf32, #tpu.memory_space<vmem>>, vector<16xf32>,
      %mul3A_39 = arith.mulf %get3A_34, %get3A_34 : vector<16xf32>
      %mul3A_40 = arith.mulf %get3A_36, %get3A_36 : vector<16xf32>
      %add3A_41 = arith.addf %mul3A_39, %mul3A_40 : vector<16xf32>
      %mul3A_42 = arith.mulf %get3A_38, %get3A_38 : vector<16xf32>
      %add3A_43 = arith.addf %add3A_41, %mul3A_42 : vector<16xf32>
      %swap3A_44 = arith.index_cast %mul3A_33 : i32 to index
      %swap3A_45 = tpu.vector_load %arg19[%swap3A_44] {strides = array<i32>} : memref<8192xf32, #tpu.memory_space<vmem>>, vector<16xf32>,
      tpu.vector_store %arg19[%swap3A_44], %add3A_43 {strides = array<i32>} : memref<8192xf32, #tpu.memory_space<vmem>>, vector<16xf32>,
      %mul3A_46 = arith.constant -2.000000e+00 : f32
      %mul3A_47 = vector.broadcast %mul3A_46 : f32 to vector<16xf32>
      %mul3A_48 = arith.mulf %mul3A_47, %get3A_34 : vector<16xf32>
      %swap3A_49 = arith.index_cast %mul3A_33 : i32 to index
      %swap3A_50 = tpu.vector_load %arg20[%swap3A_49] {strides = array<i32>} : memref<8192xf32, #tpu.memory_space<vmem>>, vector<16xf32>,
      tpu.vector_store %arg20[%swap3A_49], %mul3A_48 {strides = array<i32>} : memref<8192xf32, #tpu.memory_space<vmem>>, vector<16xf32>,
      %mul3A_51 = arith.constant -2.000000e+00 : f32
      %mul3A_52 = vector.broadcast %mul3A_51 : f32 to vector<16xf32>
      %mul3A_53 = arith.mulf %mul3A_52, %get3A_36 : vector<16xf32>
      %swap3A_54 = arith.index_cast %mul3A_33 : i32 to index
      %swap3A_55 = tpu.vector_load %arg21[%swap3A_54] {strides = array<i32>} : memref<8192xf32, #tpu.memory_space<vmem>>, vector<16xf32>,
      tpu.vector_store %arg21[%swap3A_54], %mul3A_53 {strides = array<i32>} : memref<8192xf32, #tpu.memory_space<vmem>>, vector<16xf32>,
      %mul3A_56 = arith.constant -2.000000e+00 : f32
      %mul3A_57 = vector.broadcast %mul3A_56 : f32 to vector<16xf32>
      %mul3A_58 = arith.mulf %mul3A_57, %get3A_38 : vector<16xf32>
      %swap3A_59 = arith.index_cast %mul3A_33 : i32 to index
      %swap3A_60 = tpu.vector_load %arg22[%swap3A_59] {strides = array<i32>} : memref<8192xf32, #tpu.memory_space<vmem>>, vector<16xf32>,
      tpu.vector_store %arg22[%swap3A_59], %mul3A_58 {strides = array<i32>} : memref<8192xf32, #tpu.memory_space<vmem>>, vector<16xf32>,
      %scan3A_61 = arith.constant 0 : i32
      scf.yield %scan3A_61 : i32
    }
    %scan3A_13 = arith.constant 512 : i32
    %scan3A_14 = arith.constant 0.000000e+00 : f32
    %scan3A_15 = arith.constant 0 : i32
    %scan3A_16 = arith.constant 5 : i32
    %scan3A_17 = arith.addi %scan3A_15, %scan3A_16 : i32
    %scan3A_18 = arith.constant 1 : i32
    %scan3A_19 = scf.for %scan3A_30 = %scan3A_15 to %scan3A_17 step %scan3A_18 iter_args(%scan3A_31 = %scan3A_14) -> (f32)  : i32 {
      %mul3A_32 = arith.constant 80 : i32
      %mul3A_33 = arith.muli %add3A, %mul3A_32 : i32
      %mul3A_34 = arith.constant 16 : i32
      %mul3A_35 = arith.muli %scan3A_30, %mul3A_34 : i32
      %add3A_36 = arith.addi %mul3A_33, %mul3A_35 : i32
      %get3A = arith.index_cast %add3A_36 : i32 to index
      %get3A_37 = tpu.vector_load %arg16[%get3A] {strides = array<i32>} : memref<8192xf32, #tpu.memory_space<vmem>>, vector<16xf32>,
      %get3A_38 = arith.index_cast %add3A_36 : i32 to index
      %get3A_39 = tpu.vector_load %arg17[%get3A_38] {strides = array<i32>} : memref<8192xf32, #tpu.memory_space<vmem>>, vector<16xf32>,
      %get3A_40 = arith.index_cast %add3A_36 : i32 to index
      %get3A_41 = tpu.vector_load %arg18[%get3A_40] {strides = array<i32>} : memref<8192xf32, #tpu.memory_space<vmem>>, vector<16xf32>,
      %get3A_42 = arith.index_cast %add3A_36 : i32 to index
      %get3A_43 = tpu.vector_load %arg19[%get3A_42] {strides = array<i32>} : memref<8192xf32, #tpu.memory_space<vmem>>, vector<16xf32>,
      %slice3A = vector.extract_strided_slice %get3A_37 {offsets = [0], sizes = [1], strides = [1]} : vector<16xf32> to vector<1xf32>
      %squeeze3A = vector.extract %slice3A[0] : f32 from vector<1xf32>
      %slice3A_44 = vector.extract_strided_slice %get3A_37 {offsets = [1], sizes = [1], strides = [1]} : vector<16xf32> to vector<1xf32>
      %squeeze3A_45 = vector.extract %slice3A_44[0] : f32 from vector<1xf32>
      %slice3A_46 = vector.extract_strided_slice %get3A_37 {offsets = [2], sizes = [1], strides = [1]} : vector<16xf32> to vector<1xf32>
      %squeeze3A_47 = vector.extract %slice3A_46[0] : f32 from vector<1xf32>
      %slice3A_48 = vector.extract_strided_slice %get3A_37 {offsets = [3], sizes = [1], strides = [1]} : vector<16xf32> to vector<1xf32>
      %squeeze3A_49 = vector.extract %slice3A_48[0] : f32 from vector<1xf32>
      %slice3A_50 = vector.extract_strided_slice %get3A_37 {offsets = [4], sizes = [1], strides = [1]} : vector<16xf32> to vector<1xf32>
      %squeeze3A_51 = vector.extract %slice3A_50[0] : f32 from vector<1xf32>
      %slice3A_52 = vector.extract_strided_slice %get3A_37 {offsets = [5], sizes = [1], strides = [1]} : vector<16xf32> to vector<1xf32>
      %squeeze3A_53 = vector.extract %slice3A_52[0] : f32 from vector<1xf32>
      %slice3A_54 = vector.extract_strided_slice %get3A_37 {offsets = [6], sizes = [1], strides = [1]} : vector<16xf32> to vector<1xf32>
      %squeeze3A_55 = vector.extract %slice3A_54[0] : f32 from vector<1xf32>
      %slice3A_56 = vector.extract_strided_slice %get3A_37 {offsets = [7], sizes = [1], strides = [1]} : vector<16xf32> to vector<1xf32>
      %squeeze3A_57 = vector.extract %slice3A_56[0] : f32 from vector<1xf32>
      %slice3A_58 = vector.extract_strided_slice %get3A_39 {offsets = [0], sizes = [1], strides = [1]} : vector<16xf32> to vector<1xf32>
      %squeeze3A_59 = vector.extract %slice3A_58[0] : f32 from vector<1xf32>
      %slice3A_60 = vector.extract_strided_slice %get3A_39 {offsets = [1], sizes = [1], strides = [1]} : vector<16xf32> to vector<1xf32>
      %squeeze3A_61 = vector.extract %slice3A_60[0] : f32 from vector<1xf32>
      %slice3A_62 = vector.extract_strided_slice %get3A_39 {offsets = [2], sizes = [1], strides = [1]} : vector<16xf32> to vector<1xf32>
      %squeeze3A_63 = vector.extract %slice3A_62[0] : f32 from vector<1xf32>
      %slice3A_64 = vector.extract_strided_slice %get3A_39 {offsets = [3], sizes = [1], strides = [1]} : vector<16xf32> to vector<1xf32>
      %squeeze3A_65 = vector.extract %slice3A_64[0] : f32 from vector<1xf32>
      %slice3A_66 = vector.extract_strided_slice %get3A_39 {offsets = [4], sizes = [1], strides = [1]} : vector<16xf32> to vector<1xf32>
      %squeeze3A_67 = vector.extract %slice3A_66[0] : f32 from vector<1xf32>
      %slice3A_68 = vector.extract_strided_slice %get3A_39 {offsets = [5], sizes = [1], strides = [1]} : vector<16xf32> to vector<1xf32>
      %squeeze3A_69 = vector.extract %slice3A_68[0] : f32 from vector<1xf32>
      %slice3A_70 = vector.extract_strided_slice %get3A_39 {offsets = [6], sizes = [1], strides = [1]} : vector<16xf32> to vector<1xf32>
      %squeeze3A_71 = vector.extract %slice3A_70[0] : f32 from vector<1xf32>
      %slice3A_72 = vector.extract_strided_slice %get3A_39 {offsets = [7], sizes = [1], strides = [1]} : vector<16xf32> to vector<1xf32>
      %squeeze3A_73 = vector.extract %slice3A_72[0] : f32 from vector<1xf32>
      %slice3A_74 = vector.extract_strided_slice %get3A_41 {offsets = [0], sizes = [1], strides = [1]} : vector<16xf32> to vector<1xf32>
      %squeeze3A_75 = vector.extract %slice3A_74[0] : f32 from vector<1xf32>
      %slice3A_76 = vector.extract_strided_slice %get3A_41 {offsets = [1], sizes = [1], strides = [1]} : vector<16xf32> to vector<1xf32>
      %squeeze3A_77 = vector.extract %slice3A_76[0] : f32 from vector<1xf32>
      %slice3A_78 = vector.extract_strided_slice %get3A_41 {offsets = [2], sizes = [1], strides = [1]} : vector<16xf32> to vector<1xf32>
      %squeeze3A_79 = vector.extract %slice3A_78[0] : f32 from vector<1xf32>
      %slice3A_80 = vector.extract_strided_slice %get3A_41 {offsets = [3], sizes = [1], strides = [1]} : vector<16xf32> to vector<1xf32>
      %squeeze3A_81 = vector.extract %slice3A_80[0] : f32 from vector<1xf32>
      %slice3A_82 = vector.extract_strided_slice %get3A_41 {offsets = [4], sizes = [1], strides = [1]} : vector<16xf32> to vector<1xf32>
      %squeeze3A_83 = vector.extract %slice3A_82[0] : f32 from vector<1xf32>
      %slice3A_84 = vector.extract_strided_slice %get3A_41 {offsets = [5], sizes = [1], strides = [1]} : vector<16xf32> to vector<1xf32>
      %squeeze3A_85 = vector.extract %slice3A_84[0] : f32 from vector<1xf32>
      %slice3A_86 = vector.extract_strided_slice %get3A_41 {offsets = [6], sizes = [1], strides = [1]} : vector<16xf32> to vector<1xf32>
      %squeeze3A_87 = vector.extract %slice3A_86[0] : f32 from vector<1xf32>
      %slice3A_88 = vector.extract_strided_slice %get3A_41 {offsets = [7], sizes = [1], strides = [1]} : vector<16xf32> to vector<1xf32>
      %squeeze3A_89 = vector.extract %slice3A_88[0] : f32 from vector<1xf32>
      %slice3A_90 = vector.extract_strided_slice %get3A_43 {offsets = [0], sizes = [1], strides = [1]} : vector<16xf32> to vector<1xf32>
      %squeeze3A_91 = vector.extract %slice3A_90[0] : f32 from vector<1xf32>
      %slice3A_92 = vector.extract_strided_slice %get3A_43 {offsets = [1], sizes = [1], strides = [1]} : vector<16xf32> to vector<1xf32>
      %squeeze3A_93 = vector.extract %slice3A_92[0] : f32 from vector<1xf32>
      %slice3A_94 = vector.extract_strided_slice %get3A_43 {offsets = [2], sizes = [1], strides = [1]} : vector<16xf32> to vector<1xf32>
      %squeeze3A_95 = vector.extract %slice3A_94[0] : f32 from vector<1xf32>
      %slice3A_96 = vector.extract_strided_slice %get3A_43 {offsets = [3], sizes = [1], strides = [1]} : vector<16xf32> to vector<1xf32>
      %squeeze3A_97 = vector.extract %slice3A_96[0] : f32 from vector<1xf32>
      %slice3A_98 = vector.extract_strided_slice %get3A_43 {offsets = [4], sizes = [1], strides = [1]} : vector<16xf32> to vector<1xf32>
      %squeeze3A_99 = vector.extract %slice3A_98[0] : f32 from vector<1xf32>
      %slice3A_100 = vector.extract_strided_slice %get3A_43 {offsets = [5], sizes = [1], strides = [1]} : vector<16xf32> to vector<1xf32>
      %squeeze3A_101 = vector.extract %slice3A_100[0] : f32 from vector<1xf32>
      %slice3A_102 = vector.extract_strided_slice %get3A_43 {offsets = [6], sizes = [1], strides = [1]} : vector<16xf32> to vector<1xf32>
      %squeeze3A_103 = vector.extract %slice3A_102[0] : f32 from vector<1xf32>
      %slice3A_104 = vector.extract_strided_slice %get3A_43 {offsets = [7], sizes = [1], strides = [1]} : vector<16xf32> to vector<1xf32>
      %squeeze3A_105 = vector.extract %slice3A_104[0] : f32 from vector<1xf32>
      %broadcast_in_dim3A_106 = arith.constant 0x7F800000 : f32
      %broadcast_in_dim3A_107 = vector.broadcast %broadcast_in_dim3A_106 : f32 to vector<16xf32>
      %scan3A_108 = arith.constant 0 : i32
      %scan3A_109 = arith.constant 128 : i32
      %scan3A_110 = arith.addi %scan3A_108, %scan3A_109 : i32
      %scan3A_111 = arith.constant 1 : i32
      %scan3A_112:8 = scf.for %scan3A_617 = %scan3A_108 to %scan3A_110 step %scan3A_111 iter_args(%scan3A_618 = %broadcast_in_dim3A_107, %scan3A_619 = %broadcast_in_dim3A_107, %scan3A_620 = %broadcast_in_dim3A_107, %scan3A_621 = %broadcast_in_dim3A_107, %scan3A_622 = %broadcast_in_dim3A_107, %scan3A_623 = %broadcast_in_dim3A_107, %scan3A_624 = %broadcast_in_dim3A_107, %scan3A_625 = %broadcast_in_dim3A_107) -> (vector<16xf32>, vector<16xf32>, vector<16xf32>, vector<16xf32>, vector<16xf32>, vector<16xf32>, vector<16xf32>, vector<16xf32>)  : i32 {
        %mul3A_626 = arith.constant 16 : i32
        %mul3A_627 = arith.muli %scan3A_617, %mul3A_626 : i32
        %get3A_628 = arith.index_cast %mul3A_627 : i32 to index
        %get3A_629 = tpu.vector_load %arg12[%get3A_628] {strides = array<i32>} : memref<8192xf32, #tpu.memory_space<vmem>>, vector<16xf32>,
        %get3A_630 = arith.index_cast %mul3A_627 : i32 to index
        %get3A_631 = tpu.vector_load %arg13[%get3A_630] {strides = array<i32>} : memref<8192xf32, #tpu.memory_space<vmem>>, vector<16xf32>,
        %get3A_632 = arith.index_cast %mul3A_627 : i32 to index
        %get3A_633 = tpu.vector_load %arg14[%get3A_632] {strides = array<i32>} : memref<8192xf32, #tpu.memory_space<vmem>>, vector<16xf32>,
        %get3A_634 = arith.index_cast %mul3A_627 : i32 to index
        %get3A_635 = tpu.vector_load %arg15[%get3A_634] {strides = array<i32>} : memref<8192xf32, #tpu.memory_space<vmem>>, vector<16xf32>,
        %mul3A_636 = vector.broadcast %squeeze3A : f32 to vector<16xf32>
        %mul3A_637 = arith.mulf %get3A_631, %mul3A_636 : vector<16xf32>
        %mul3A_638 = vector.broadcast %squeeze3A_59 : f32 to vector<16xf32>
        %mul3A_639 = arith.mulf %get3A_633, %mul3A_638 : vector<16xf32>
        %add3A_640 = arith.addf %mul3A_637, %mul3A_639 : vector<16xf32>
        %mul3A_641 = vector.broadcast %squeeze3A_75 : f32 to vector<16xf32>
        %mul3A_642 = arith.mulf %get3A_635, %mul3A_641 : vector<16xf32>
        %add3A_643 = arith.addf %add3A_640, %mul3A_642 : vector<16xf32>
        %add3A_644 = arith.addf %get3A_629, %add3A_643 : vector<16xf32>
        %min3A = arith.minimumf %scan3A_618, %add3A_644 : vector<16xf32>
        %mul3A_645 = vector.broadcast %squeeze3A_45 : f32 to vector<16xf32>
        %mul3A_646 = arith.mulf %get3A_631, %mul3A_645 : vector<16xf32>
        %mul3A_647 = vector.broadcast %squeeze3A_61 : f32 to vector<16xf32>
        %mul3A_648 = arith.mulf %get3A_633, %mul3A_647 : vector<16xf32>
        %add3A_649 = arith.addf %mul3A_646, %mul3A_648 : vector<16xf32>
        %mul3A_650 = vector.broadcast %squeeze3A_77 : f32 to vector<16xf32>
        %mul3A_651 = arith.mulf %get3A_635, %mul3A_650 : vector<16xf32>
        %add3A_652 = arith.addf %add3A_649, %mul3A_651 : vector<16xf32>
        %add3A_653 = arith.addf %get3A_629, %add3A_652 : vector<16xf32>
        %min3A_654 = arith.minimumf %scan3A_619, %add3A_653 : vector<16xf32>
        %mul3A_655 = vector.broadcast %squeeze3A_47 : f32 to vector<16xf32>
        %mul3A_656 = arith.mulf %get3A_631, %mul3A_655 : vector<16xf32>
        %mul3A_657 = vector.broadcast %squeeze3A_63 : f32 to vector<16xf32>
        %mul3A_658 = arith.mulf %get3A_633, %mul3A_657 : vector<16xf32>
        %add3A_659 = arith.addf %mul3A_656, %mul3A_658 : vector<16xf32>
        %mul3A_660 = vector.broadcast %squeeze3A_79 : f32 to vector<16xf32>
        %mul3A_661 = arith.mulf %get3A_635, %mul3A_660 : vector<16xf32>
        %add3A_662 = arith.addf %add3A_659, %mul3A_661 : vector<16xf32>
        %add3A_663 = arith.addf %get3A_629, %add3A_662 : vector<16xf32>
        %min3A_664 = arith.minimumf %scan3A_620, %add3A_663 : vector<16xf32>
        %mul3A_665 = vector.broadcast %squeeze3A_49 : f32 to vector<16xf32>
        %mul3A_666 = arith.mulf %get3A_631, %mul3A_665 : vector<16xf32>
        %mul3A_667 = vector.broadcast %squeeze3A_65 : f32 to vector<16xf32>
        %mul3A_668 = arith.mulf %get3A_633, %mul3A_667 : vector<16xf32>
        %add3A_669 = arith.addf %mul3A_666, %mul3A_668 : vector<16xf32>
        %mul3A_670 = vector.broadcast %squeeze3A_81 : f32 to vector<16xf32>
        %mul3A_671 = arith.mulf %get3A_635, %mul3A_670 : vector<16xf32>
        %add3A_672 = arith.addf %add3A_669, %mul3A_671 : vector<16xf32>
        %add3A_673 = arith.addf %get3A_629, %add3A_672 : vector<16xf32>
        %min3A_674 = arith.minimumf %scan3A_621, %add3A_673 : vector<16xf32>
        %mul3A_675 = vector.broadcast %squeeze3A_51 : f32 to vector<16xf32>
        %mul3A_676 = arith.mulf %get3A_631, %mul3A_675 : vector<16xf32>
        %mul3A_677 = vector.broadcast %squeeze3A_67 : f32 to vector<16xf32>
        %mul3A_678 = arith.mulf %get3A_633, %mul3A_677 : vector<16xf32>
        %add3A_679 = arith.addf %mul3A_676, %mul3A_678 : vector<16xf32>
        %mul3A_680 = vector.broadcast %squeeze3A_83 : f32 to vector<16xf32>
        %mul3A_681 = arith.mulf %get3A_635, %mul3A_680 : vector<16xf32>
        %add3A_682 = arith.addf %add3A_679, %mul3A_681 : vector<16xf32>
        %add3A_683 = arith.addf %get3A_629, %add3A_682 : vector<16xf32>
        %min3A_684 = arith.minimumf %scan3A_622, %add3A_683 : vector<16xf32>
        %mul3A_685 = vector.broadcast %squeeze3A_53 : f32 to vector<16xf32>
        %mul3A_686 = arith.mulf %get3A_631, %mul3A_685 : vector<16xf32>
        %mul3A_687 = vector.broadcast %squeeze3A_69 : f32 to vector<16xf32>
        %mul3A_688 = arith.mulf %get3A_633, %mul3A_687 : vector<16xf32>
        %add3A_689 = arith.addf %mul3A_686, %mul3A_688 : vector<16xf32>
        %mul3A_690 = vector.broadcast %squeeze3A_85 : f32 to vector<16xf32>
        %mul3A_691 = arith.mulf %get3A_635, %mul3A_690 : vector<16xf32>
        %add3A_692 = arith.addf %add3A_689, %mul3A_691 : vector<16xf32>
        %add3A_693 = arith.addf %get3A_629, %add3A_692 : vector<16xf32>
        %min3A_694 = arith.minimumf %scan3A_623, %add3A_693 : vector<16xf32>
        %mul3A_695 = vector.broadcast %squeeze3A_55 : f32 to vector<16xf32>
        %mul3A_696 = arith.mulf %get3A_631, %mul3A_695 : vector<16xf32>
        %mul3A_697 = vector.broadcast %squeeze3A_71 : f32 to vector<16xf32>
        %mul3A_698 = arith.mulf %get3A_633, %mul3A_697 : vector<16xf32>
        %add3A_699 = arith.addf %mul3A_696, %mul3A_698 : vector<16xf32>
        %mul3A_700 = vector.broadcast %squeeze3A_87 : f32 to vector<16xf32>
        %mul3A_701 = arith.mulf %get3A_635, %mul3A_700 : vector<16xf32>
        %add3A_702 = arith.addf %add3A_699, %mul3A_701 : vector<16xf32>
        %add3A_703 = arith.addf %get3A_629, %add3A_702 : vector<16xf32>
        %min3A_704 = arith.minimumf %scan3A_624, %add3A_703 : vector<16xf32>
        %mul3A_705 = vector.broadcast %squeeze3A_57 : f32 to vector<16xf32>
        %mul3A_706 = arith.mulf %get3A_631, %mul3A_705 : vector<16xf32>
        %mul3A_707 = vector.broadcast %squeeze3A_73 : f32 to vector<16xf32>
        %mul3A_708 = arith.mulf %get3A_633, %mul3A_707 : vector<16xf32>
        %add3A_709 = arith.addf %mul3A_706, %mul3A_708 : vector<16xf32>
        %mul3A_710 = vector.broadcast %squeeze3A_89 : f32 to vector<16xf32>
        %mul3A_711 = arith.mulf %get3A_635, %mul3A_710 : vector<16xf32>
        %add3A_712 = arith.addf %add3A_709, %mul3A_711 : vector<16xf32>
        %add3A_713 = arith.addf %get3A_629, %add3A_712 : vector<16xf32>
        %min3A_714 = arith.minimumf %scan3A_625, %add3A_713 : vector<16xf32>
        scf.yield %min3A, %min3A_654, %min3A_664, %min3A_674, %min3A_684, %min3A_694, %min3A_704, %min3A_714 : vector<16xf32>, vector<16xf32>, vector<16xf32>, vector<16xf32>, vector<16xf32>, vector<16xf32>, vector<16xf32>, vector<16xf32>
      }
      %scan3A_113 = arith.constant 128 : i32
      %reduce_min3A = arith.constant true
      %reduce_min3A_114 = vector.broadcast %reduce_min3A : i1 to vector<16xi1>
      %reduce_min3A_115 = tpu.scan <min>, %scan3A_112#0 masked %reduce_min3A_114 : vector<16xf32>, vector<16xi1> -> vector<16xf32>
      %reduce_min3A_116 = vector.extract %reduce_min3A_115[15] : f32 from vector<16xf32>
      %add3A_117 = arith.addf %scan3A_31, %reduce_min3A_116 : f32
      %add3A_118 = arith.addf %add3A_117, %squeeze3A_91 : f32
      %reduce_min3A_119 = arith.constant true
      %reduce_min3A_120 = vector.broadcast %reduce_min3A_119 : i1 to vector<16xi1>
      %reduce_min3A_121 = tpu.scan <min>, %scan3A_112#1 masked %reduce_min3A_120 : vector<16xf32>, vector<16xi1> -> vector<16xf32>
      %reduce_min3A_122 = vector.extract %reduce_min3A_121[15] : f32 from vector<16xf32>
      %add3A_123 = arith.addf %add3A_118, %reduce_min3A_122 : f32
      %add3A_124 = arith.addf %add3A_123, %squeeze3A_93 : f32
      %reduce_min3A_125 = arith.constant true
      %reduce_min3A_126 = vector.broadcast %reduce_min3A_125 : i1 to vector<16xi1>
      %reduce_min3A_127 = tpu.scan <min>, %scan3A_112#2 masked %reduce_min3A_126 : vector<16xf32>, vector<16xi1> -> vector<16xf32>
      %reduce_min3A_128 = vector.extract %reduce_min3A_127[15] : f32 from vector<16xf32>
      %add3A_129 = arith.addf %add3A_124, %reduce_min3A_128 : f32
      %add3A_130 = arith.addf %add3A_129, %squeeze3A_95 : f32
      %reduce_min3A_131 = arith.constant true
      %reduce_min3A_132 = vector.broadcast %reduce_min3A_131 : i1 to vector<16xi1>
      %reduce_min3A_133 = tpu.scan <min>, %scan3A_112#3 masked %reduce_min3A_132 : vector<16xf32>, vector<16xi1> -> vector<16xf32>
      %reduce_min3A_134 = vector.extract %reduce_min3A_133[15] : f32 from vector<16xf32>
      %add3A_135 = arith.addf %add3A_130, %reduce_min3A_134 : f32
      %add3A_136 = arith.addf %add3A_135, %squeeze3A_97 : f32
      %reduce_min3A_137 = arith.constant true
      %reduce_min3A_138 = vector.broadcast %reduce_min3A_137 : i1 to vector<16xi1>
      %reduce_min3A_139 = tpu.scan <min>, %scan3A_112#4 masked %reduce_min3A_138 : vector<16xf32>, vector<16xi1> -> vector<16xf32>
      %reduce_min3A_140 = vector.extract %reduce_min3A_139[15] : f32 from vector<16xf32>
      %add3A_141 = arith.addf %add3A_136, %reduce_min3A_140 : f32
      %add3A_142 = arith.addf %add3A_141, %squeeze3A_99 : f32
      %reduce_min3A_143 = arith.constant true
      %reduce_min3A_144 = vector.broadcast %reduce_min3A_143 : i1 to vector<16xi1>
      %reduce_min3A_145 = tpu.scan <min>, %scan3A_112#5 masked %reduce_min3A_144 : vector<16xf32>, vector<16xi1> -> vector<16xf32>
      %reduce_min3A_146 = vector.extract %reduce_min3A_145[15] : f32 from vector<16xf32>
      %add3A_147 = arith.addf %add3A_142, %reduce_min3A_146 : f32
      %add3A_148 = arith.addf %add3A_147, %squeeze3A_101 : f32
      %reduce_min3A_149 = arith.constant true
      %reduce_min3A_150 = vector.broadcast %reduce_min3A_149 : i1 to vector<16xi1>
      %reduce_min3A_151 = tpu.scan <min>, %scan3A_112#6 masked %reduce_min3A_150 : vector<16xf32>, vector<16xi1> -> vector<16xf32>
      %reduce_min3A_152 = vector.extract %reduce_min3A_151[15] : f32 from vector<16xf32>
      %add3A_153 = arith.addf %add3A_148, %reduce_min3A_152 : f32
      %add3A_154 = arith.addf %add3A_153, %squeeze3A_103 : f32
      %reduce_min3A_155 = arith.constant true
      %reduce_min3A_156 = vector.broadcast %reduce_min3A_155 : i1 to vector<16xi1>
      %reduce_min3A_157 = tpu.scan <min>, %scan3A_112#7 masked %reduce_min3A_156 : vector<16xf32>, vector<16xi1> -> vector<16xf32>
      %reduce_min3A_158 = vector.extract %reduce_min3A_157[15] : f32 from vector<16xf32>
      %add3A_159 = arith.addf %add3A_154, %reduce_min3A_158 : f32
      %add3A_160 = arith.addf %add3A_159, %squeeze3A_105 : f32
      %broadcast_in_dim3A_161 = arith.constant 0x7F800000 : f32
      %broadcast_in_dim3A_162 = vector.broadcast %broadcast_in_dim3A_161 : f32 to vector<16xf32>
      %scan3A_163 = arith.constant 128 : i32
      %scan3A_164 = arith.constant 128 : i32
      %scan3A_165 = arith.addi %scan3A_163, %scan3A_164 : i32
      %scan3A_166 = arith.constant 1 : i32
      %scan3A_167:8 = scf.for %scan3A_617 = %scan3A_163 to %scan3A_165 step %scan3A_166 iter_args(%scan3A_618 = %broadcast_in_dim3A_162, %scan3A_619 = %broadcast_in_dim3A_162, %scan3A_620 = %broadcast_in_dim3A_162, %scan3A_621 = %broadcast_in_dim3A_162, %scan3A_622 = %broadcast_in_dim3A_162, %scan3A_623 = %broadcast_in_dim3A_162, %scan3A_624 = %broadcast_in_dim3A_162, %scan3A_625 = %broadcast_in_dim3A_162) -> (vector<16xf32>, vector<16xf32>, vector<16xf32>, vector<16xf32>, vector<16xf32>, vector<16xf32>, vector<16xf32>, vector<16xf32>)  : i32 {
        %mul3A_626 = arith.constant 16 : i32
        %mul3A_627 = arith.muli %scan3A_617, %mul3A_626 : i32
        %get3A_628 = arith.index_cast %mul3A_627 : i32 to index
        %get3A_629 = tpu.vector_load %arg12[%get3A_628] {strides = array<i32>} : memref<8192xf32, #tpu.memory_space<vmem>>, vector<16xf32>,
        %get3A_630 = arith.index_cast %mul3A_627 : i32 to index
        %get3A_631 = tpu.vector_load %arg13[%get3A_630] {strides = array<i32>} : memref<8192xf32, #tpu.memory_space<vmem>>, vector<16xf32>,
        %get3A_632 = arith.index_cast %mul3A_627 : i32 to index
        %get3A_633 = tpu.vector_load %arg14[%get3A_632] {strides = array<i32>} : memref<8192xf32, #tpu.memory_space<vmem>>, vector<16xf32>,
        %get3A_634 = arith.index_cast %mul3A_627 : i32 to index
        %get3A_635 = tpu.vector_load %arg15[%get3A_634] {strides = array<i32>} : memref<8192xf32, #tpu.memory_space<vmem>>, vector<16xf32>,
        %mul3A_636 = vector.broadcast %squeeze3A : f32 to vector<16xf32>
        %mul3A_637 = arith.mulf %get3A_631, %mul3A_636 : vector<16xf32>
        %mul3A_638 = vector.broadcast %squeeze3A_59 : f32 to vector<16xf32>
        %mul3A_639 = arith.mulf %get3A_633, %mul3A_638 : vector<16xf32>
        %add3A_640 = arith.addf %mul3A_637, %mul3A_639 : vector<16xf32>
        %mul3A_641 = vector.broadcast %squeeze3A_75 : f32 to vector<16xf32>
        %mul3A_642 = arith.mulf %get3A_635, %mul3A_641 : vector<16xf32>
        %add3A_643 = arith.addf %add3A_640, %mul3A_642 : vector<16xf32>
        %add3A_644 = arith.addf %get3A_629, %add3A_643 : vector<16xf32>
        %min3A = arith.minimumf %scan3A_618, %add3A_644 : vector<16xf32>
        %mul3A_645 = vector.broadcast %squeeze3A_45 : f32 to vector<16xf32>
        %mul3A_646 = arith.mulf %get3A_631, %mul3A_645 : vector<16xf32>
        %mul3A_647 = vector.broadcast %squeeze3A_61 : f32 to vector<16xf32>
        %mul3A_648 = arith.mulf %get3A_633, %mul3A_647 : vector<16xf32>
        %add3A_649 = arith.addf %mul3A_646, %mul3A_648 : vector<16xf32>
        %mul3A_650 = vector.broadcast %squeeze3A_77 : f32 to vector<16xf32>
        %mul3A_651 = arith.mulf %get3A_635, %mul3A_650 : vector<16xf32>
        %add3A_652 = arith.addf %add3A_649, %mul3A_651 : vector<16xf32>
        %add3A_653 = arith.addf %get3A_629, %add3A_652 : vector<16xf32>
        %min3A_654 = arith.minimumf %scan3A_619, %add3A_653 : vector<16xf32>
        %mul3A_655 = vector.broadcast %squeeze3A_47 : f32 to vector<16xf32>
        %mul3A_656 = arith.mulf %get3A_631, %mul3A_655 : vector<16xf32>
        %mul3A_657 = vector.broadcast %squeeze3A_63 : f32 to vector<16xf32>
        %mul3A_658 = arith.mulf %get3A_633, %mul3A_657 : vector<16xf32>
        %add3A_659 = arith.addf %mul3A_656, %mul3A_658 : vector<16xf32>
        %mul3A_660 = vector.broadcast %squeeze3A_79 : f32 to vector<16xf32>
        %mul3A_661 = arith.mulf %get3A_635, %mul3A_660 : vector<16xf32>
        %add3A_662 = arith.addf %add3A_659, %mul3A_661 : vector<16xf32>
        %add3A_663 = arith.addf %get3A_629, %add3A_662 : vector<16xf32>
        %min3A_664 = arith.minimumf %scan3A_620, %add3A_663 : vector<16xf32>
        %mul3A_665 = vector.broadcast %squeeze3A_49 : f32 to vector<16xf32>
        %mul3A_666 = arith.mulf %get3A_631, %mul3A_665 : vector<16xf32>
        %mul3A_667 = vector.broadcast %squeeze3A_65 : f32 to vector<16xf32>
        %mul3A_668 = arith.mulf %get3A_633, %mul3A_667 : vector<16xf32>
        %add3A_669 = arith.addf %mul3A_666, %mul3A_668 : vector<16xf32>
        %mul3A_670 = vector.broadcast %squeeze3A_81 : f32 to vector<16xf32>
        %mul3A_671 = arith.mulf %get3A_635, %mul3A_670 : vector<16xf32>
        %add3A_672 = arith.addf %add3A_669, %mul3A_671 : vector<16xf32>
        %add3A_673 = arith.addf %get3A_629, %add3A_672 : vector<16xf32>
        %min3A_674 = arith.minimumf %scan3A_621, %add3A_673 : vector<16xf32>
        %mul3A_675 = vector.broadcast %squeeze3A_51 : f32 to vector<16xf32>
        %mul3A_676 = arith.mulf %get3A_631, %mul3A_675 : vector<16xf32>
        %mul3A_677 = vector.broadcast %squeeze3A_67 : f32 to vector<16xf32>
        %mul3A_678 = arith.mulf %get3A_633, %mul3A_677 : vector<16xf32>
        %add3A_679 = arith.addf %mul3A_676, %mul3A_678 : vector<16xf32>
        %mul3A_680 = vector.broadcast %squeeze3A_83 : f32 to vector<16xf32>
        %mul3A_681 = arith.mulf %get3A_635, %mul3A_680 : vector<16xf32>
        %add3A_682 = arith.addf %add3A_679, %mul3A_681 : vector<16xf32>
        %add3A_683 = arith.addf %get3A_629, %add3A_682 : vector<16xf32>
        %min3A_684 = arith.minimumf %scan3A_622, %add3A_683 : vector<16xf32>
        %mul3A_685 = vector.broadcast %squeeze3A_53 : f32 to vector<16xf32>
        %mul3A_686 = arith.mulf %get3A_631, %mul3A_685 : vector<16xf32>
        %mul3A_687 = vector.broadcast %squeeze3A_69 : f32 to vector<16xf32>
        %mul3A_688 = arith.mulf %get3A_633, %mul3A_687 : vector<16xf32>
        %add3A_689 = arith.addf %mul3A_686, %mul3A_688 : vector<16xf32>
        %mul3A_690 = vector.broadcast %squeeze3A_85 : f32 to vector<16xf32>
        %mul3A_691 = arith.mulf %get3A_635, %mul3A_690 : vector<16xf32>
        %add3A_692 = arith.addf %add3A_689, %mul3A_691 : vector<16xf32>
        %add3A_693 = arith.addf %get3A_629, %add3A_692 : vector<16xf32>
        %min3A_694 = arith.minimumf %scan3A_623, %add3A_693 : vector<16xf32>
        %mul3A_695 = vector.broadcast %squeeze3A_55 : f32 to vector<16xf32>
        %mul3A_696 = arith.mulf %get3A_631, %mul3A_695 : vector<16xf32>
        %mul3A_697 = vector.broadcast %squeeze3A_71 : f32 to vector<16xf32>
        %mul3A_698 = arith.mulf %get3A_633, %mul3A_697 : vector<16xf32>
        %add3A_699 = arith.addf %mul3A_696, %mul3A_698 : vector<16xf32>
        %mul3A_700 = vector.broadcast %squeeze3A_87 : f32 to vector<16xf32>
        %mul3A_701 = arith.mulf %get3A_635, %mul3A_700 : vector<16xf32>
        %add3A_702 = arith.addf %add3A_699, %mul3A_701 : vector<16xf32>
        %add3A_703 = arith.addf %get3A_629, %add3A_702 : vector<16xf32>
        %min3A_704 = arith.minimumf %scan3A_624, %add3A_703 : vector<16xf32>
        %mul3A_705 = vector.broadcast %squeeze3A_57 : f32 to vector<16xf32>
        %mul3A_706 = arith.mulf %get3A_631, %mul3A_705 : vector<16xf32>
        %mul3A_707 = vector.broadcast %squeeze3A_73 : f32 to vector<16xf32>
        %mul3A_708 = arith.mulf %get3A_633, %mul3A_707 : vector<16xf32>
        %add3A_709 = arith.addf %mul3A_706, %mul3A_708 : vector<16xf32>
        %mul3A_710 = vector.broadcast %squeeze3A_89 : f32 to vector<16xf32>
        %mul3A_711 = arith.mulf %get3A_635, %mul3A_710 : vector<16xf32>
        %add3A_712 = arith.addf %add3A_709, %mul3A_711 : vector<16xf32>
        %add3A_713 = arith.addf %get3A_629, %add3A_712 : vector<16xf32>
        %min3A_714 = arith.minimumf %scan3A_625, %add3A_713 : vector<16xf32>
        scf.yield %min3A, %min3A_654, %min3A_664, %min3A_674, %min3A_684, %min3A_694, %min3A_704, %min3A_714 : vector<16xf32>, vector<16xf32>, vector<16xf32>, vector<16xf32>, vector<16xf32>, vector<16xf32>, vector<16xf32>, vector<16xf32>
      }
      %scan3A_168 = arith.constant 128 : i32
      %reduce_min3A_169 = arith.constant true
      %reduce_min3A_170 = vector.broadcast %reduce_min3A_169 : i1 to vector<16xi1>
      %reduce_min3A_171 = tpu.scan <min>, %scan3A_167#0 masked %reduce_min3A_170 : vector<16xf32>, vector<16xi1> -> vector<16xf32>
      %reduce_min3A_172 = vector.extract %reduce_min3A_171[15] : f32 from vector<16xf32>
      %add3A_173 = arith.addf %add3A_160, %reduce_min3A_172 : f32
      %add3A_174 = arith.addf %add3A_173, %squeeze3A_91 : f32
      %reduce_min3A_175 = arith.constant true
      %reduce_min3A_176 = vector.broadcast %reduce_min3A_175 : i1 to vector<16xi1>
      %reduce_min3A_177 = tpu.scan <min>, %scan3A_167#1 masked %reduce_min3A_176 : vector<16xf32>, vector<16xi1> -> vector<16xf32>
      %reduce_min3A_178 = vector.extract %reduce_min3A_177[15] : f32 from vector<16xf32>
      %add3A_179 = arith.addf %add3A_174, %reduce_min3A_178 : f32
      %add3A_180 = arith.addf %add3A_179, %squeeze3A_93 : f32
      %reduce_min3A_181 = arith.constant true
      %reduce_min3A_182 = vector.broadcast %reduce_min3A_181 : i1 to vector<16xi1>
      %reduce_min3A_183 = tpu.scan <min>, %scan3A_167#2 masked %reduce_min3A_182 : vector<16xf32>, vector<16xi1> -> vector<16xf32>
      %reduce_min3A_184 = vector.extract %reduce_min3A_183[15] : f32 from vector<16xf32>
      %add3A_185 = arith.addf %add3A_180, %reduce_min3A_184 : f32
      %add3A_186 = arith.addf %add3A_185, %squeeze3A_95 : f32
      %reduce_min3A_187 = arith.constant true
      %reduce_min3A_188 = vector.broadcast %reduce_min3A_187 : i1 to vector<16xi1>
      %reduce_min3A_189 = tpu.scan <min>, %scan3A_167#3 masked %reduce_min3A_188 : vector<16xf32>, vector<16xi1> -> vector<16xf32>
      %reduce_min3A_190 = vector.extract %reduce_min3A_189[15] : f32 from vector<16xf32>
      %add3A_191 = arith.addf %add3A_186, %reduce_min3A_190 : f32
      %add3A_192 = arith.addf %add3A_191, %squeeze3A_97 : f32
      %reduce_min3A_193 = arith.constant true
      %reduce_min3A_194 = vector.broadcast %reduce_min3A_193 : i1 to vector<16xi1>
      %reduce_min3A_195 = tpu.scan <min>, %scan3A_167#4 masked %reduce_min3A_194 : vector<16xf32>, vector<16xi1> -> vector<16xf32>
      %reduce_min3A_196 = vector.extract %reduce_min3A_195[15] : f32 from vector<16xf32>
      %add3A_197 = arith.addf %add3A_192, %reduce_min3A_196 : f32
      %add3A_198 = arith.addf %add3A_197, %squeeze3A_99 : f32
      %reduce_min3A_199 = arith.constant true
      %reduce_min3A_200 = vector.broadcast %reduce_min3A_199 : i1 to vector<16xi1>
      %reduce_min3A_201 = tpu.scan <min>, %scan3A_167#5 masked %reduce_min3A_200 : vector<16xf32>, vector<16xi1> -> vector<16xf32>
      %reduce_min3A_202 = vector.extract %reduce_min3A_201[15] : f32 from vector<16xf32>
      %add3A_203 = arith.addf %add3A_198, %reduce_min3A_202 : f32
      %add3A_204 = arith.addf %add3A_203, %squeeze3A_101 : f32
      %reduce_min3A_205 = arith.constant true
      %reduce_min3A_206 = vector.broadcast %reduce_min3A_205 : i1 to vector<16xi1>
      %reduce_min3A_207 = tpu.scan <min>, %scan3A_167#6 masked %reduce_min3A_206 : vector<16xf32>, vector<16xi1> -> vector<16xf32>
      %reduce_min3A_208 = vector.extract %reduce_min3A_207[15] : f32 from vector<16xf32>
      %add3A_209 = arith.addf %add3A_204, %reduce_min3A_208 : f32
      %add3A_210 = arith.addf %add3A_209, %squeeze3A_103 : f32
      %reduce_min3A_211 = arith.constant true
      %reduce_min3A_212 = vector.broadcast %reduce_min3A_211 : i1 to vector<16xi1>
      %reduce_min3A_213 = tpu.scan <min>, %scan3A_167#7 masked %reduce_min3A_212 : vector<16xf32>, vector<16xi1> -> vector<16xf32>
      %reduce_min3A_214 = vector.extract %reduce_min3A_213[15] : f32 from vector<16xf32>
      %add3A_215 = arith.addf %add3A_210, %reduce_min3A_214 : f32
      %add3A_216 = arith.addf %add3A_215, %squeeze3A_105 : f32
      %broadcast_in_dim3A_217 = arith.constant 0x7F800000 : f32
      %broadcast_in_dim3A_218 = vector.broadcast %broadcast_in_dim3A_217 : f32 to vector<16xf32>
      %scan3A_219 = arith.constant 256 : i32
      %scan3A_220 = arith.constant 128 : i32
      %scan3A_221 = arith.addi %scan3A_219, %scan3A_220 : i32
      %scan3A_222 = arith.constant 1 : i32
      %scan3A_223:8 = scf.for %scan3A_617 = %scan3A_219 to %scan3A_221 step %scan3A_222 iter_args(%scan3A_618 = %broadcast_in_dim3A_218, %scan3A_619 = %broadcast_in_dim3A_218, %scan3A_620 = %broadcast_in_dim3A_218, %scan3A_621 = %broadcast_in_dim3A_218, %scan3A_622 = %broadcast_in_dim3A_218, %scan3A_623 = %broadcast_in_dim3A_218, %scan3A_624 = %broadcast_in_dim3A_218, %scan3A_625 = %broadcast_in_dim3A_218) -> (vector<16xf32>, vector<16xf32>, vector<16xf32>, vector<16xf32>, vector<16xf32>, vector<16xf32>, vector<16xf32>, vector<16xf32>)  : i32 {
        %mul3A_626 = arith.constant 16 : i32
        %mul3A_627 = arith.muli %scan3A_617, %mul3A_626 : i32
        %get3A_628 = arith.index_cast %mul3A_627 : i32 to index
        %get3A_629 = tpu.vector_load %arg12[%get3A_628] {strides = array<i32>} : memref<8192xf32, #tpu.memory_space<vmem>>, vector<16xf32>,
        %get3A_630 = arith.index_cast %mul3A_627 : i32 to index
        %get3A_631 = tpu.vector_load %arg13[%get3A_630] {strides = array<i32>} : memref<8192xf32, #tpu.memory_space<vmem>>, vector<16xf32>,
        %get3A_632 = arith.index_cast %mul3A_627 : i32 to index
        %get3A_633 = tpu.vector_load %arg14[%get3A_632] {strides = array<i32>} : memref<8192xf32, #tpu.memory_space<vmem>>, vector<16xf32>,
        %get3A_634 = arith.index_cast %mul3A_627 : i32 to index
        %get3A_635 = tpu.vector_load %arg15[%get3A_634] {strides = array<i32>} : memref<8192xf32, #tpu.memory_space<vmem>>, vector<16xf32>,
        %mul3A_636 = vector.broadcast %squeeze3A : f32 to vector<16xf32>
        %mul3A_637 = arith.mulf %get3A_631, %mul3A_636 : vector<16xf32>
        %mul3A_638 = vector.broadcast %squeeze3A_59 : f32 to vector<16xf32>
        %mul3A_639 = arith.mulf %get3A_633, %mul3A_638 : vector<16xf32>
        %add3A_640 = arith.addf %mul3A_637, %mul3A_639 : vector<16xf32>
        %mul3A_641 = vector.broadcast %squeeze3A_75 : f32 to vector<16xf32>
        %mul3A_642 = arith.mulf %get3A_635, %mul3A_641 : vector<16xf32>
        %add3A_643 = arith.addf %add3A_640, %mul3A_642 : vector<16xf32>
        %add3A_644 = arith.addf %get3A_629, %add3A_643 : vector<16xf32>
        %min3A = arith.minimumf %scan3A_618, %add3A_644 : vector<16xf32>
        %mul3A_645 = vector.broadcast %squeeze3A_45 : f32 to vector<16xf32>
        %mul3A_646 = arith.mulf %get3A_631, %mul3A_645 : vector<16xf32>
        %mul3A_647 = vector.broadcast %squeeze3A_61 : f32 to vector<16xf32>
        %mul3A_648 = arith.mulf %get3A_633, %mul3A_647 : vector<16xf32>
        %add3A_649 = arith.addf %mul3A_646, %mul3A_648 : vector<16xf32>
        %mul3A_650 = vector.broadcast %squeeze3A_77 : f32 to vector<16xf32>
        %mul3A_651 = arith.mulf %get3A_635, %mul3A_650 : vector<16xf32>
        %add3A_652 = arith.addf %add3A_649, %mul3A_651 : vector<16xf32>
        %add3A_653 = arith.addf %get3A_629, %add3A_652 : vector<16xf32>
        %min3A_654 = arith.minimumf %scan3A_619, %add3A_653 : vector<16xf32>
        %mul3A_655 = vector.broadcast %squeeze3A_47 : f32 to vector<16xf32>
        %mul3A_656 = arith.mulf %get3A_631, %mul3A_655 : vector<16xf32>
        %mul3A_657 = vector.broadcast %squeeze3A_63 : f32 to vector<16xf32>
        %mul3A_658 = arith.mulf %get3A_633, %mul3A_657 : vector<16xf32>
        %add3A_659 = arith.addf %mul3A_656, %mul3A_658 : vector<16xf32>
        %mul3A_660 = vector.broadcast %squeeze3A_79 : f32 to vector<16xf32>
        %mul3A_661 = arith.mulf %get3A_635, %mul3A_660 : vector<16xf32>
        %add3A_662 = arith.addf %add3A_659, %mul3A_661 : vector<16xf32>
        %add3A_663 = arith.addf %get3A_629, %add3A_662 : vector<16xf32>
        %min3A_664 = arith.minimumf %scan3A_620, %add3A_663 : vector<16xf32>
        %mul3A_665 = vector.broadcast %squeeze3A_49 : f32 to vector<16xf32>
        %mul3A_666 = arith.mulf %get3A_631, %mul3A_665 : vector<16xf32>
        %mul3A_667 = vector.broadcast %squeeze3A_65 : f32 to vector<16xf32>
        %mul3A_668 = arith.mulf %get3A_633, %mul3A_667 : vector<16xf32>
        %add3A_669 = arith.addf %mul3A_666, %mul3A_668 : vector<16xf32>
        %mul3A_670 = vector.broadcast %squeeze3A_81 : f32 to vector<16xf32>
        %mul3A_671 = arith.mulf %get3A_635, %mul3A_670 : vector<16xf32>
        %add3A_672 = arith.addf %add3A_669, %mul3A_671 : vector<16xf32>
        %add3A_673 = arith.addf %get3A_629, %add3A_672 : vector<16xf32>
        %min3A_674 = arith.minimumf %scan3A_621, %add3A_673 : vector<16xf32>
        %mul3A_675 = vector.broadcast %squeeze3A_51 : f32 to vector<16xf32>
        %mul3A_676 = arith.mulf %get3A_631, %mul3A_675 : vector<16xf32>
        %mul3A_677 = vector.broadcast %squeeze3A_67 : f32 to vector<16xf32>
        %mul3A_678 = arith.mulf %get3A_633, %mul3A_677 : vector<16xf32>
        %add3A_679 = arith.addf %mul3A_676, %mul3A_678 : vector<16xf32>
        %mul3A_680 = vector.broadcast %squeeze3A_83 : f32 to vector<16xf32>
        %mul3A_681 = arith.mulf %get3A_635, %mul3A_680 : vector<16xf32>
        %add3A_682 = arith.addf %add3A_679, %mul3A_681 : vector<16xf32>
        %add3A_683 = arith.addf %get3A_629, %add3A_682 : vector<16xf32>
        %min3A_684 = arith.minimumf %scan3A_622, %add3A_683 : vector<16xf32>
        %mul3A_685 = vector.broadcast %squeeze3A_53 : f32 to vector<16xf32>
        %mul3A_686 = arith.mulf %get3A_631, %mul3A_685 : vector<16xf32>
        %mul3A_687 = vector.broadcast %squeeze3A_69 : f32 to vector<16xf32>
        %mul3A_688 = arith.mulf %get3A_633, %mul3A_687 : vector<16xf32>
        %add3A_689 = arith.addf %mul3A_686, %mul3A_688 : vector<16xf32>
        %mul3A_690 = vector.broadcast %squeeze3A_85 : f32 to vector<16xf32>
        %mul3A_691 = arith.mulf %get3A_635, %mul3A_690 : vector<16xf32>
        %add3A_692 = arith.addf %add3A_689, %mul3A_691 : vector<16xf32>
        %add3A_693 = arith.addf %get3A_629, %add3A_692 : vector<16xf32>
        %min3A_694 = arith.minimumf %scan3A_623, %add3A_693 : vector<16xf32>
        %mul3A_695 = vector.broadcast %squeeze3A_55 : f32 to vector<16xf32>
        %mul3A_696 = arith.mulf %get3A_631, %mul3A_695 : vector<16xf32>
        %mul3A_697 = vector.broadcast %squeeze3A_71 : f32 to vector<16xf32>
        %mul3A_698 = arith.mulf %get3A_633, %mul3A_697 : vector<16xf32>
        %add3A_699 = arith.addf %mul3A_696, %mul3A_698 : vector<16xf32>
        %mul3A_700 = vector.broadcast %squeeze3A_87 : f32 to vector<16xf32>
        %mul3A_701 = arith.mulf %get3A_635, %mul3A_700 : vector<16xf32>
        %add3A_702 = arith.addf %add3A_699, %mul3A_701 : vector<16xf32>
        %add3A_703 = arith.addf %get3A_629, %add3A_702 : vector<16xf32>
        %min3A_704 = arith.minimumf %scan3A_624, %add3A_703 : vector<16xf32>
        %mul3A_705 = vector.broadcast %squeeze3A_57 : f32 to vector<16xf32>
        %mul3A_706 = arith.mulf %get3A_631, %mul3A_705 : vector<16xf32>
        %mul3A_707 = vector.broadcast %squeeze3A_73 : f32 to vector<16xf32>
        %mul3A_708 = arith.mulf %get3A_633, %mul3A_707 : vector<16xf32>
        %add3A_709 = arith.addf %mul3A_706, %mul3A_708 : vector<16xf32>
        %mul3A_710 = vector.broadcast %squeeze3A_89 : f32 to vector<16xf32>
        %mul3A_711 = arith.mulf %get3A_635, %mul3A_710 : vector<16xf32>
        %add3A_712 = arith.addf %add3A_709, %mul3A_711 : vector<16xf32>
        %add3A_713 = arith.addf %get3A_629, %add3A_712 : vector<16xf32>
        %min3A_714 = arith.minimumf %scan3A_625, %add3A_713 : vector<16xf32>
        scf.yield %min3A, %min3A_654, %min3A_664, %min3A_674, %min3A_684, %min3A_694, %min3A_704, %min3A_714 : vector<16xf32>, vector<16xf32>, vector<16xf32>, vector<16xf32>, vector<16xf32>, vector<16xf32>, vector<16xf32>, vector<16xf32>
      }
      %scan3A_224 = arith.constant 128 : i32
      %reduce_min3A_225 = arith.constant true
      %reduce_min3A_226 = vector.broadcast %reduce_min3A_225 : i1 to vector<16xi1>
      %reduce_min3A_227 = tpu.scan <min>, %scan3A_223#0 masked %reduce_min3A_226 : vector<16xf32>, vector<16xi1> -> vector<16xf32>
      %reduce_min3A_228 = vector.extract %reduce_min3A_227[15] : f32 from vector<16xf32>
      %add3A_229 = arith.addf %add3A_216, %reduce_min3A_228 : f32
      %add3A_230 = arith.addf %add3A_229, %squeeze3A_91 : f32
      %reduce_min3A_231 = arith.constant true
      %reduce_min3A_232 = vector.broadcast %reduce_min3A_231 : i1 to vector<16xi1>
      %reduce_min3A_233 = tpu.scan <min>, %scan3A_223#1 masked %reduce_min3A_232 : vector<16xf32>, vector<16xi1> -> vector<16xf32>
      %reduce_min3A_234 = vector.extract %reduce_min3A_233[15] : f32 from vector<16xf32>
      %add3A_235 = arith.addf %add3A_230, %reduce_min3A_234 : f32
      %add3A_236 = arith.addf %add3A_235, %squeeze3A_93 : f32
      %reduce_min3A_237 = arith.constant true
      %reduce_min3A_238 = vector.broadcast %reduce_min3A_237 : i1 to vector<16xi1>
      %reduce_min3A_239 = tpu.scan <min>, %scan3A_223#2 masked %reduce_min3A_238 : vector<16xf32>, vector<16xi1> -> vector<16xf32>
      %reduce_min3A_240 = vector.extract %reduce_min3A_239[15] : f32 from vector<16xf32>
      %add3A_241 = arith.addf %add3A_236, %reduce_min3A_240 : f32
      %add3A_242 = arith.addf %add3A_241, %squeeze3A_95 : f32
      %reduce_min3A_243 = arith.constant true
      %reduce_min3A_244 = vector.broadcast %reduce_min3A_243 : i1 to vector<16xi1>
      %reduce_min3A_245 = tpu.scan <min>, %scan3A_223#3 masked %reduce_min3A_244 : vector<16xf32>, vector<16xi1> -> vector<16xf32>
      %reduce_min3A_246 = vector.extract %reduce_min3A_245[15] : f32 from vector<16xf32>
      %add3A_247 = arith.addf %add3A_242, %reduce_min3A_246 : f32
      %add3A_248 = arith.addf %add3A_247, %squeeze3A_97 : f32
      %reduce_min3A_249 = arith.constant true
      %reduce_min3A_250 = vector.broadcast %reduce_min3A_249 : i1 to vector<16xi1>
      %reduce_min3A_251 = tpu.scan <min>, %scan3A_223#4 masked %reduce_min3A_250 : vector<16xf32>, vector<16xi1> -> vector<16xf32>
      %reduce_min3A_252 = vector.extract %reduce_min3A_251[15] : f32 from vector<16xf32>
      %add3A_253 = arith.addf %add3A_248, %reduce_min3A_252 : f32
      %add3A_254 = arith.addf %add3A_253, %squeeze3A_99 : f32
      %reduce_min3A_255 = arith.constant true
      %reduce_min3A_256 = vector.broadcast %reduce_min3A_255 : i1 to vector<16xi1>
      %reduce_min3A_257 = tpu.scan <min>, %scan3A_223#5 masked %reduce_min3A_256 : vector<16xf32>, vector<16xi1> -> vector<16xf32>
      %reduce_min3A_258 = vector.extract %reduce_min3A_257[15] : f32 from vector<16xf32>
      %add3A_259 = arith.addf %add3A_254, %reduce_min3A_258 : f32
      %add3A_260 = arith.addf %add3A_259, %squeeze3A_101 : f32
      %reduce_min3A_261 = arith.constant true
      %reduce_min3A_262 = vector.broadcast %reduce_min3A_261 : i1 to vector<16xi1>
      %reduce_min3A_263 = tpu.scan <min>, %scan3A_223#6 masked %reduce_min3A_262 : vector<16xf32>, vector<16xi1> -> vector<16xf32>
      %reduce_min3A_264 = vector.extract %reduce_min3A_263[15] : f32 from vector<16xf32>
      %add3A_265 = arith.addf %add3A_260, %reduce_min3A_264 : f32
      %add3A_266 = arith.addf %add3A_265, %squeeze3A_103 : f32
      %reduce_min3A_267 = arith.constant true
      %reduce_min3A_268 = vector.broadcast %reduce_min3A_267 : i1 to vector<16xi1>
      %reduce_min3A_269 = tpu.scan <min>, %scan3A_223#7 masked %reduce_min3A_268 : vector<16xf32>, vector<16xi1> -> vector<16xf32>
      %reduce_min3A_270 = vector.extract %reduce_min3A_269[15] : f32 from vector<16xf32>
      %add3A_271 = arith.addf %add3A_266, %reduce_min3A_270 : f32
      %add3A_272 = arith.addf %add3A_271, %squeeze3A_105 : f32
      %broadcast_in_dim3A_273 = arith.constant 0x7F800000 : f32
      %broadcast_in_dim3A_274 = vector.broadcast %broadcast_in_dim3A_273 : f32 to vector<16xf32>
      %scan3A_275 = arith.constant 384 : i32
      %scan3A_276 = arith.constant 128 : i32
      %scan3A_277 = arith.addi %scan3A_275, %scan3A_276 : i32
      %scan3A_278 = arith.constant 1 : i32
      %scan3A_279:8 = scf.for %scan3A_617 = %scan3A_275 to %scan3A_277 step %scan3A_278 iter_args(%scan3A_618 = %broadcast_in_dim3A_274, %scan3A_619 = %broadcast_in_dim3A_274, %scan3A_620 = %broadcast_in_dim3A_274, %scan3A_621 = %broadcast_in_dim3A_274, %scan3A_622 = %broadcast_in_dim3A_274, %scan3A_623 = %broadcast_in_dim3A_274, %scan3A_624 = %broadcast_in_dim3A_274, %scan3A_625 = %broadcast_in_dim3A_274) -> (vector<16xf32>, vector<16xf32>, vector<16xf32>, vector<16xf32>, vector<16xf32>, vector<16xf32>, vector<16xf32>, vector<16xf32>)  : i32 {
        %mul3A_626 = arith.constant 16 : i32
        %mul3A_627 = arith.muli %scan3A_617, %mul3A_626 : i32
        %get3A_628 = arith.index_cast %mul3A_627 : i32 to index
        %get3A_629 = tpu.vector_load %arg12[%get3A_628] {strides = array<i32>} : memref<8192xf32, #tpu.memory_space<vmem>>, vector<16xf32>,
        %get3A_630 = arith.index_cast %mul3A_627 : i32 to index
        %get3A_631 = tpu.vector_load %arg13[%get3A_630] {strides = array<i32>} : memref<8192xf32, #tpu.memory_space<vmem>>, vector<16xf32>,
        %get3A_632 = arith.index_cast %mul3A_627 : i32 to index
        %get3A_633 = tpu.vector_load %arg14[%get3A_632] {strides = array<i32>} : memref<8192xf32, #tpu.memory_space<vmem>>, vector<16xf32>,
        %get3A_634 = arith.index_cast %mul3A_627 : i32 to index
        %get3A_635 = tpu.vector_load %arg15[%get3A_634] {strides = array<i32>} : memref<8192xf32, #tpu.memory_space<vmem>>, vector<16xf32>,
        %mul3A_636 = vector.broadcast %squeeze3A : f32 to vector<16xf32>
        %mul3A_637 = arith.mulf %get3A_631, %mul3A_636 : vector<16xf32>
        %mul3A_638 = vector.broadcast %squeeze3A_59 : f32 to vector<16xf32>
        %mul3A_639 = arith.mulf %get3A_633, %mul3A_638 : vector<16xf32>
        %add3A_640 = arith.addf %mul3A_637, %mul3A_639 : vector<16xf32>
        %mul3A_641 = vector.broadcast %squeeze3A_75 : f32 to vector<16xf32>
        %mul3A_642 = arith.mulf %get3A_635, %mul3A_641 : vector<16xf32>
        %add3A_643 = arith.addf %add3A_640, %mul3A_642 : vector<16xf32>
        %add3A_644 = arith.addf %get3A_629, %add3A_643 : vector<16xf32>
        %min3A = arith.minimumf %scan3A_618, %add3A_644 : vector<16xf32>
        %mul3A_645 = vector.broadcast %squeeze3A_45 : f32 to vector<16xf32>
        %mul3A_646 = arith.mulf %get3A_631, %mul3A_645 : vector<16xf32>
        %mul3A_647 = vector.broadcast %squeeze3A_61 : f32 to vector<16xf32>
        %mul3A_648 = arith.mulf %get3A_633, %mul3A_647 : vector<16xf32>
        %add3A_649 = arith.addf %mul3A_646, %mul3A_648 : vector<16xf32>
        %mul3A_650 = vector.broadcast %squeeze3A_77 : f32 to vector<16xf32>
        %mul3A_651 = arith.mulf %get3A_635, %mul3A_650 : vector<16xf32>
        %add3A_652 = arith.addf %add3A_649, %mul3A_651 : vector<16xf32>
        %add3A_653 = arith.addf %get3A_629, %add3A_652 : vector<16xf32>
        %min3A_654 = arith.minimumf %scan3A_619, %add3A_653 : vector<16xf32>
        %mul3A_655 = vector.broadcast %squeeze3A_47 : f32 to vector<16xf32>
        %mul3A_656 = arith.mulf %get3A_631, %mul3A_655 : vector<16xf32>
        %mul3A_657 = vector.broadcast %squeeze3A_63 : f32 to vector<16xf32>
        %mul3A_658 = arith.mulf %get3A_633, %mul3A_657 : vector<16xf32>
        %add3A_659 = arith.addf %mul3A_656, %mul3A_658 : vector<16xf32>
        %mul3A_660 = vector.broadcast %squeeze3A_79 : f32 to vector<16xf32>
        %mul3A_661 = arith.mulf %get3A_635, %mul3A_660 : vector<16xf32>
        %add3A_662 = arith.addf %add3A_659, %mul3A_661 : vector<16xf32>
        %add3A_663 = arith.addf %get3A_629, %add3A_662 : vector<16xf32>
        %min3A_664 = arith.minimumf %scan3A_620, %add3A_663 : vector<16xf32>
        %mul3A_665 = vector.broadcast %squeeze3A_49 : f32 to vector<16xf32>
        %mul3A_666 = arith.mulf %get3A_631, %mul3A_665 : vector<16xf32>
        %mul3A_667 = vector.broadcast %squeeze3A_65 : f32 to vector<16xf32>
        %mul3A_668 = arith.mulf %get3A_633, %mul3A_667 : vector<16xf32>
        %add3A_669 = arith.addf %mul3A_666, %mul3A_668 : vector<16xf32>
        %mul3A_670 = vector.broadcast %squeeze3A_81 : f32 to vector<16xf32>
        %mul3A_671 = arith.mulf %get3A_635, %mul3A_670 : vector<16xf32>
        %add3A_672 = arith.addf %add3A_669, %mul3A_671 : vector<16xf32>
        %add3A_673 = arith.addf %get3A_629, %add3A_672 : vector<16xf32>
        %min3A_674 = arith.minimumf %scan3A_621, %add3A_673 : vector<16xf32>
        %mul3A_675 = vector.broadcast %squeeze3A_51 : f32 to vector<16xf32>
        %mul3A_676 = arith.mulf %get3A_631, %mul3A_675 : vector<16xf32>
        %mul3A_677 = vector.broadcast %squeeze3A_67 : f32 to vector<16xf32>
        %mul3A_678 = arith.mulf %get3A_633, %mul3A_677 : vector<16xf32>
        %add3A_679 = arith.addf %mul3A_676, %mul3A_678 : vector<16xf32>
        %mul3A_680 = vector.broadcast %squeeze3A_83 : f32 to vector<16xf32>
        %mul3A_681 = arith.mulf %get3A_635, %mul3A_680 : vector<16xf32>
        %add3A_682 = arith.addf %add3A_679, %mul3A_681 : vector<16xf32>
        %add3A_683 = arith.addf %get3A_629, %add3A_682 : vector<16xf32>
        %min3A_684 = arith.minimumf %scan3A_622, %add3A_683 : vector<16xf32>
        %mul3A_685 = vector.broadcast %squeeze3A_53 : f32 to vector<16xf32>
        %mul3A_686 = arith.mulf %get3A_631, %mul3A_685 : vector<16xf32>
        %mul3A_687 = vector.broadcast %squeeze3A_69 : f32 to vector<16xf32>
        %mul3A_688 = arith.mulf %get3A_633, %mul3A_687 : vector<16xf32>
        %add3A_689 = arith.addf %mul3A_686, %mul3A_688 : vector<16xf32>
        %mul3A_690 = vector.broadcast %squeeze3A_85 : f32 to vector<16xf32>
        %mul3A_691 = arith.mulf %get3A_635, %mul3A_690 : vector<16xf32>
        %add3A_692 = arith.addf %add3A_689, %mul3A_691 : vector<16xf32>
        %add3A_693 = arith.addf %get3A_629, %add3A_692 : vector<16xf32>
        %min3A_694 = arith.minimumf %scan3A_623, %add3A_693 : vector<16xf32>
        %mul3A_695 = vector.broadcast %squeeze3A_55 : f32 to vector<16xf32>
        %mul3A_696 = arith.mulf %get3A_631, %mul3A_695 : vector<16xf32>
        %mul3A_697 = vector.broadcast %squeeze3A_71 : f32 to vector<16xf32>
        %mul3A_698 = arith.mulf %get3A_633, %mul3A_697 : vector<16xf32>
        %add3A_699 = arith.addf %mul3A_696, %mul3A_698 : vector<16xf32>
        %mul3A_700 = vector.broadcast %squeeze3A_87 : f32 to vector<16xf32>
        %mul3A_701 = arith.mulf %get3A_635, %mul3A_700 : vector<16xf32>
        %add3A_702 = arith.addf %add3A_699, %mul3A_701 : vector<16xf32>
        %add3A_703 = arith.addf %get3A_629, %add3A_702 : vector<16xf32>
        %min3A_704 = arith.minimumf %scan3A_624, %add3A_703 : vector<16xf32>
        %mul3A_705 = vector.broadcast %squeeze3A_57 : f32 to vector<16xf32>
        %mul3A_706 = arith.mulf %get3A_631, %mul3A_705 : vector<16xf32>
        %mul3A_707 = vector.broadcast %squeeze3A_73 : f32 to vector<16xf32>
        %mul3A_708 = arith.mulf %get3A_633, %mul3A_707 : vector<16xf32>
        %add3A_709 = arith.addf %mul3A_706, %mul3A_708 : vector<16xf32>
        %mul3A_710 = vector.broadcast %squeeze3A_89 : f32 to vector<16xf32>
        %mul3A_711 = arith.mulf %get3A_635, %mul3A_710 : vector<16xf32>
        %add3A_712 = arith.addf %add3A_709, %mul3A_711 : vector<16xf32>
        %add3A_713 = arith.addf %get3A_629, %add3A_712 : vector<16xf32>
        %min3A_714 = arith.minimumf %scan3A_625, %add3A_713 : vector<16xf32>
        scf.yield %min3A, %min3A_654, %min3A_664, %min3A_674, %min3A_684, %min3A_694, %min3A_704, %min3A_714 : vector<16xf32>, vector<16xf32>, vector<16xf32>, vector<16xf32>, vector<16xf32>, vector<16xf32>, vector<16xf32>, vector<16xf32>
      }
      %scan3A_280 = arith.constant 128 : i32
      %reduce_min3A_281 = arith.constant true
      %reduce_min3A_282 = vector.broadcast %reduce_min3A_281 : i1 to vector<16xi1>
      %reduce_min3A_283 = tpu.scan <min>, %scan3A_279#0 masked %reduce_min3A_282 : vector<16xf32>, vector<16xi1> -> vector<16xf32>
      %reduce_min3A_284 = vector.extract %reduce_min3A_283[15] : f32 from vector<16xf32>
      %add3A_285 = arith.addf %add3A_272, %reduce_min3A_284 : f32
      %add3A_286 = arith.addf %add3A_285, %squeeze3A_91 : f32
      %reduce_min3A_287 = arith.constant true
      %reduce_min3A_288 = vector.broadcast %reduce_min3A_287 : i1 to vector<16xi1>
      %reduce_min3A_289 = tpu.scan <min>, %scan3A_279#1 masked %reduce_min3A_288 : vector<16xf32>, vector<16xi1> -> vector<16xf32>
      %reduce_min3A_290 = vector.extract %reduce_min3A_289[15] : f32 from vector<16xf32>
      %add3A_291 = arith.addf %add3A_286, %reduce_min3A_290 : f32
      %add3A_292 = arith.addf %add3A_291, %squeeze3A_93 : f32
      %reduce_min3A_293 = arith.constant true
      %reduce_min3A_294 = vector.broadcast %reduce_min3A_293 : i1 to vector<16xi1>
      %reduce_min3A_295 = tpu.scan <min>, %scan3A_279#2 masked %reduce_min3A_294 : vector<16xf32>, vector<16xi1> -> vector<16xf32>
      %reduce_min3A_296 = vector.extract %reduce_min3A_295[15] : f32 from vector<16xf32>
      %add3A_297 = arith.addf %add3A_292, %reduce_min3A_296 : f32
      %add3A_298 = arith.addf %add3A_297, %squeeze3A_95 : f32
      %reduce_min3A_299 = arith.constant true
      %reduce_min3A_300 = vector.broadcast %reduce_min3A_299 : i1 to vector<16xi1>
      %reduce_min3A_301 = tpu.scan <min>, %scan3A_279#3 masked %reduce_min3A_300 : vector<16xf32>, vector<16xi1> -> vector<16xf32>
      %reduce_min3A_302 = vector.extract %reduce_min3A_301[15] : f32 from vector<16xf32>
      %add3A_303 = arith.addf %add3A_298, %reduce_min3A_302 : f32
      %add3A_304 = arith.addf %add3A_303, %squeeze3A_97 : f32
      %reduce_min3A_305 = arith.constant true
      %reduce_min3A_306 = vector.broadcast %reduce_min3A_305 : i1 to vector<16xi1>
      %reduce_min3A_307 = tpu.scan <min>, %scan3A_279#4 masked %reduce_min3A_306 : vector<16xf32>, vector<16xi1> -> vector<16xf32>
      %reduce_min3A_308 = vector.extract %reduce_min3A_307[15] : f32 from vector<16xf32>
      %add3A_309 = arith.addf %add3A_304, %reduce_min3A_308 : f32
      %add3A_310 = arith.addf %add3A_309, %squeeze3A_99 : f32
      %reduce_min3A_311 = arith.constant true
      %reduce_min3A_312 = vector.broadcast %reduce_min3A_311 : i1 to vector<16xi1>
      %reduce_min3A_313 = tpu.scan <min>, %scan3A_279#5 masked %reduce_min3A_312 : vector<16xf32>, vector<16xi1> -> vector<16xf32>
      %reduce_min3A_314 = vector.extract %reduce_min3A_313[15] : f32 from vector<16xf32>
      %add3A_315 = arith.addf %add3A_310, %reduce_min3A_314 : f32
      %add3A_316 = arith.addf %add3A_315, %squeeze3A_101 : f32
      %reduce_min3A_317 = arith.constant true
      %reduce_min3A_318 = vector.broadcast %reduce_min3A_317 : i1 to vector<16xi1>
      %reduce_min3A_319 = tpu.scan <min>, %scan3A_279#6 masked %reduce_min3A_318 : vector<16xf32>, vector<16xi1> -> vector<16xf32>
      %reduce_min3A_320 = vector.extract %reduce_min3A_319[15] : f32 from vector<16xf32>
      %add3A_321 = arith.addf %add3A_316, %reduce_min3A_320 : f32
      %add3A_322 = arith.addf %add3A_321, %squeeze3A_103 : f32
      %reduce_min3A_323 = arith.constant true
      %reduce_min3A_324 = vector.broadcast %reduce_min3A_323 : i1 to vector<16xi1>
      %reduce_min3A_325 = tpu.scan <min>, %scan3A_279#7 masked %reduce_min3A_324 : vector<16xf32>, vector<16xi1> -> vector<16xf32>
      %reduce_min3A_326 = vector.extract %reduce_min3A_325[15] : f32 from vector<16xf32>
      %add3A_327 = arith.addf %add3A_322, %reduce_min3A_326 : f32
      %add3A_328 = arith.addf %add3A_327, %squeeze3A_105 : f32
      %slice3A_329 = vector.extract_strided_slice %get3A_37 {offsets = [8], sizes = [1], strides = [1]} : vector<16xf32> to vector<1xf32>
      %squeeze3A_330 = vector.extract %slice3A_329[0] : f32 from vector<1xf32>
      %slice3A_331 = vector.extract_strided_slice %get3A_37 {offsets = [9], sizes = [1], strides = [1]} : vector<16xf32> to vector<1xf32>
      %squeeze3A_332 = vector.extract %slice3A_331[0] : f32 from vector<1xf32>
      %slice3A_333 = vector.extract_strided_slice %get3A_37 {offsets = [10], sizes = [1], strides = [1]} : vector<16xf32> to vector<1xf32>
      %squeeze3A_334 = vector.extract %slice3A_333[0] : f32 from vector<1xf32>
      %slice3A_335 = vector.extract_strided_slice %get3A_37 {offsets = [11], sizes = [1], strides = [1]} : vector<16xf32> to vector<1xf32>
      %squeeze3A_336 = vector.extract %slice3A_335[0] : f32 from vector<1xf32>
      %slice3A_337 = vector.extract_strided_slice %get3A_37 {offsets = [12], sizes = [1], strides = [1]} : vector<16xf32> to vector<1xf32>
      %squeeze3A_338 = vector.extract %slice3A_337[0] : f32 from vector<1xf32>
      %slice3A_339 = vector.extract_strided_slice %get3A_37 {offsets = [13], sizes = [1], strides = [1]} : vector<16xf32> to vector<1xf32>
      %squeeze3A_340 = vector.extract %slice3A_339[0] : f32 from vector<1xf32>
      %slice3A_341 = vector.extract_strided_slice %get3A_37 {offsets = [14], sizes = [1], strides = [1]} : vector<16xf32> to vector<1xf32>
      %squeeze3A_342 = vector.extract %slice3A_341[0] : f32 from vector<1xf32>
      %slice3A_343 = vector.extract_strided_slice %get3A_37 {offsets = [15], sizes = [1], strides = [1]} : vector<16xf32> to vector<1xf32>
      %squeeze3A_344 = vector.extract %slice3A_343[0] : f32 from vector<1xf32>
      %slice3A_345 = vector.extract_strided_slice %get3A_39 {offsets = [8], sizes = [1], strides = [1]} : vector<16xf32> to vector<1xf32>
      %squeeze3A_346 = vector.extract %slice3A_345[0] : f32 from vector<1xf32>
      %slice3A_347 = vector.extract_strided_slice %get3A_39 {offsets = [9], sizes = [1], strides = [1]} : vector<16xf32> to vector<1xf32>
      %squeeze3A_348 = vector.extract %slice3A_347[0] : f32 from vector<1xf32>
      %slice3A_349 = vector.extract_strided_slice %get3A_39 {offsets = [10], sizes = [1], strides = [1]} : vector<16xf32> to vector<1xf32>
      %squeeze3A_350 = vector.extract %slice3A_349[0] : f32 from vector<1xf32>
      %slice3A_351 = vector.extract_strided_slice %get3A_39 {offsets = [11], sizes = [1], strides = [1]} : vector<16xf32> to vector<1xf32>
      %squeeze3A_352 = vector.extract %slice3A_351[0] : f32 from vector<1xf32>
      %slice3A_353 = vector.extract_strided_slice %get3A_39 {offsets = [12], sizes = [1], strides = [1]} : vector<16xf32> to vector<1xf32>
      %squeeze3A_354 = vector.extract %slice3A_353[0] : f32 from vector<1xf32>
      %slice3A_355 = vector.extract_strided_slice %get3A_39 {offsets = [13], sizes = [1], strides = [1]} : vector<16xf32> to vector<1xf32>
      %squeeze3A_356 = vector.extract %slice3A_355[0] : f32 from vector<1xf32>
      %slice3A_357 = vector.extract_strided_slice %get3A_39 {offsets = [14], sizes = [1], strides = [1]} : vector<16xf32> to vector<1xf32>
      %squeeze3A_358 = vector.extract %slice3A_357[0] : f32 from vector<1xf32>
      %slice3A_359 = vector.extract_strided_slice %get3A_39 {offsets = [15], sizes = [1], strides = [1]} : vector<16xf32> to vector<1xf32>
      %squeeze3A_360 = vector.extract %slice3A_359[0] : f32 from vector<1xf32>
      %slice3A_361 = vector.extract_strided_slice %get3A_41 {offsets = [8], sizes = [1], strides = [1]} : vector<16xf32> to vector<1xf32>
      %squeeze3A_362 = vector.extract %slice3A_361[0] : f32 from vector<1xf32>
      %slice3A_363 = vector.extract_strided_slice %get3A_41 {offsets = [9], sizes = [1], strides = [1]} : vector<16xf32> to vector<1xf32>
      %squeeze3A_364 = vector.extract %slice3A_363[0] : f32 from vector<1xf32>
      %slice3A_365 = vector.extract_strided_slice %get3A_41 {offsets = [10], sizes = [1], strides = [1]} : vector<16xf32> to vector<1xf32>
      %squeeze3A_366 = vector.extract %slice3A_365[0] : f32 from vector<1xf32>
      %slice3A_367 = vector.extract_strided_slice %get3A_41 {offsets = [11], sizes = [1], strides = [1]} : vector<16xf32> to vector<1xf32>
      %squeeze3A_368 = vector.extract %slice3A_367[0] : f32 from vector<1xf32>
      %slice3A_369 = vector.extract_strided_slice %get3A_41 {offsets = [12], sizes = [1], strides = [1]} : vector<16xf32> to vector<1xf32>
      %squeeze3A_370 = vector.extract %slice3A_369[0] : f32 from vector<1xf32>
      %slice3A_371 = vector.extract_strided_slice %get3A_41 {offsets = [13], sizes = [1], strides = [1]} : vector<16xf32> to vector<1xf32>
      %squeeze3A_372 = vector.extract %slice3A_371[0] : f32 from vector<1xf32>
      %slice3A_373 = vector.extract_strided_slice %get3A_41 {offsets = [14], sizes = [1], strides = [1]} : vector<16xf32> to vector<1xf32>
      %squeeze3A_374 = vector.extract %slice3A_373[0] : f32 from vector<1xf32>
      %slice3A_375 = vector.extract_strided_slice %get3A_41 {offsets = [15], sizes = [1], strides = [1]} : vector<16xf32> to vector<1xf32>
      %squeeze3A_376 = vector.extract %slice3A_375[0] : f32 from vector<1xf32>
      %slice3A_377 = vector.extract_strided_slice %get3A_43 {offsets = [8], sizes = [1], strides = [1]} : vector<16xf32> to vector<1xf32>
      %squeeze3A_378 = vector.extract %slice3A_377[0] : f32 from vector<1xf32>
      %slice3A_379 = vector.extract_strided_slice %get3A_43 {offsets = [9], sizes = [1], strides = [1]} : vector<16xf32> to vector<1xf32>
      %squeeze3A_380 = vector.extract %slice3A_379[0] : f32 from vector<1xf32>
      %slice3A_381 = vector.extract_strided_slice %get3A_43 {offsets = [10], sizes = [1], strides = [1]} : vector<16xf32> to vector<1xf32>
      %squeeze3A_382 = vector.extract %slice3A_381[0] : f32 from vector<1xf32>
      %slice3A_383 = vector.extract_strided_slice %get3A_43 {offsets = [11], sizes = [1], strides = [1]} : vector<16xf32> to vector<1xf32>
      %squeeze3A_384 = vector.extract %slice3A_383[0] : f32 from vector<1xf32>
      %slice3A_385 = vector.extract_strided_slice %get3A_43 {offsets = [12], sizes = [1], strides = [1]} : vector<16xf32> to vector<1xf32>
      %squeeze3A_386 = vector.extract %slice3A_385[0] : f32 from vector<1xf32>
      %slice3A_387 = vector.extract_strided_slice %get3A_43 {offsets = [13], sizes = [1], strides = [1]} : vector<16xf32> to vector<1xf32>
      %squeeze3A_388 = vector.extract %slice3A_387[0] : f32 from vector<1xf32>
      %slice3A_389 = vector.extract_strided_slice %get3A_43 {offsets = [14], sizes = [1], strides = [1]} : vector<16xf32> to vector<1xf32>
      %squeeze3A_390 = vector.extract %slice3A_389[0] : f32 from vector<1xf32>
      %slice3A_391 = vector.extract_strided_slice %get3A_43 {offsets = [15], sizes = [1], strides = [1]} : vector<16xf32> to vector<1xf32>
      %squeeze3A_392 = vector.extract %slice3A_391[0] : f32 from vector<1xf32>
      %broadcast_in_dim3A_393 = arith.constant 0x7F800000 : f32
      %broadcast_in_dim3A_394 = vector.broadcast %broadcast_in_dim3A_393 : f32 to vector<16xf32>
      %scan3A_395 = arith.constant 0 : i32
      %scan3A_396 = arith.constant 128 : i32
      %scan3A_397 = arith.addi %scan3A_395, %scan3A_396 : i32
      %scan3A_398 = arith.constant 1 : i32
      %scan3A_399:8 = scf.for %scan3A_617 = %scan3A_395 to %scan3A_397 step %scan3A_398 iter_args(%scan3A_618 = %broadcast_in_dim3A_394, %scan3A_619 = %broadcast_in_dim3A_394, %scan3A_620 = %broadcast_in_dim3A_394, %scan3A_621 = %broadcast_in_dim3A_394, %scan3A_622 = %broadcast_in_dim3A_394, %scan3A_623 = %broadcast_in_dim3A_394, %scan3A_624 = %broadcast_in_dim3A_394, %scan3A_625 = %broadcast_in_dim3A_394) -> (vector<16xf32>, vector<16xf32>, vector<16xf32>, vector<16xf32>, vector<16xf32>, vector<16xf32>, vector<16xf32>, vector<16xf32>)  : i32 {
        %mul3A_626 = arith.constant 16 : i32
        %mul3A_627 = arith.muli %scan3A_617, %mul3A_626 : i32
        %get3A_628 = arith.index_cast %mul3A_627 : i32 to index
        %get3A_629 = tpu.vector_load %arg12[%get3A_628] {strides = array<i32>} : memref<8192xf32, #tpu.memory_space<vmem>>, vector<16xf32>,
        %get3A_630 = arith.index_cast %mul3A_627 : i32 to index
        %get3A_631 = tpu.vector_load %arg13[%get3A_630] {strides = array<i32>} : memref<8192xf32, #tpu.memory_space<vmem>>, vector<16xf32>,
        %get3A_632 = arith.index_cast %mul3A_627 : i32 to index
        %get3A_633 = tpu.vector_load %arg14[%get3A_632] {strides = array<i32>} : memref<8192xf32, #tpu.memory_space<vmem>>, vector<16xf32>,
        %get3A_634 = arith.index_cast %mul3A_627 : i32 to index
        %get3A_635 = tpu.vector_load %arg15[%get3A_634] {strides = array<i32>} : memref<8192xf32, #tpu.memory_space<vmem>>, vector<16xf32>,
        %mul3A_636 = vector.broadcast %squeeze3A_330 : f32 to vector<16xf32>
        %mul3A_637 = arith.mulf %get3A_631, %mul3A_636 : vector<16xf32>
        %mul3A_638 = vector.broadcast %squeeze3A_346 : f32 to vector<16xf32>
        %mul3A_639 = arith.mulf %get3A_633, %mul3A_638 : vector<16xf32>
        %add3A_640 = arith.addf %mul3A_637, %mul3A_639 : vector<16xf32>
        %mul3A_641 = vector.broadcast %squeeze3A_362 : f32 to vector<16xf32>
        %mul3A_642 = arith.mulf %get3A_635, %mul3A_641 : vector<16xf32>
        %add3A_643 = arith.addf %add3A_640, %mul3A_642 : vector<16xf32>
        %add3A_644 = arith.addf %get3A_629, %add3A_643 : vector<16xf32>
        %min3A = arith.minimumf %scan3A_618, %add3A_644 : vector<16xf32>
        %mul3A_645 = vector.broadcast %squeeze3A_332 : f32 to vector<16xf32>
        %mul3A_646 = arith.mulf %get3A_631, %mul3A_645 : vector<16xf32>
        %mul3A_647 = vector.broadcast %squeeze3A_348 : f32 to vector<16xf32>
        %mul3A_648 = arith.mulf %get3A_633, %mul3A_647 : vector<16xf32>
        %add3A_649 = arith.addf %mul3A_646, %mul3A_648 : vector<16xf32>
        %mul3A_650 = vector.broadcast %squeeze3A_364 : f32 to vector<16xf32>
        %mul3A_651 = arith.mulf %get3A_635, %mul3A_650 : vector<16xf32>
        %add3A_652 = arith.addf %add3A_649, %mul3A_651 : vector<16xf32>
        %add3A_653 = arith.addf %get3A_629, %add3A_652 : vector<16xf32>
        %min3A_654 = arith.minimumf %scan3A_619, %add3A_653 : vector<16xf32>
        %mul3A_655 = vector.broadcast %squeeze3A_334 : f32 to vector<16xf32>
        %mul3A_656 = arith.mulf %get3A_631, %mul3A_655 : vector<16xf32>
        %mul3A_657 = vector.broadcast %squeeze3A_350 : f32 to vector<16xf32>
        %mul3A_658 = arith.mulf %get3A_633, %mul3A_657 : vector<16xf32>
        %add3A_659 = arith.addf %mul3A_656, %mul3A_658 : vector<16xf32>
        %mul3A_660 = vector.broadcast %squeeze3A_366 : f32 to vector<16xf32>
        %mul3A_661 = arith.mulf %get3A_635, %mul3A_660 : vector<16xf32>
        %add3A_662 = arith.addf %add3A_659, %mul3A_661 : vector<16xf32>
        %add3A_663 = arith.addf %get3A_629, %add3A_662 : vector<16xf32>
        %min3A_664 = arith.minimumf %scan3A_620, %add3A_663 : vector<16xf32>
        %mul3A_665 = vector.broadcast %squeeze3A_336 : f32 to vector<16xf32>
        %mul3A_666 = arith.mulf %get3A_631, %mul3A_665 : vector<16xf32>
        %mul3A_667 = vector.broadcast %squeeze3A_352 : f32 to vector<16xf32>
        %mul3A_668 = arith.mulf %get3A_633, %mul3A_667 : vector<16xf32>
        %add3A_669 = arith.addf %mul3A_666, %mul3A_668 : vector<16xf32>
        %mul3A_670 = vector.broadcast %squeeze3A_368 : f32 to vector<16xf32>
        %mul3A_671 = arith.mulf %get3A_635, %mul3A_670 : vector<16xf32>
        %add3A_672 = arith.addf %add3A_669, %mul3A_671 : vector<16xf32>
        %add3A_673 = arith.addf %get3A_629, %add3A_672 : vector<16xf32>
        %min3A_674 = arith.minimumf %scan3A_621, %add3A_673 : vector<16xf32>
        %mul3A_675 = vector.broadcast %squeeze3A_338 : f32 to vector<16xf32>
        %mul3A_676 = arith.mulf %get3A_631, %mul3A_675 : vector<16xf32>
        %mul3A_677 = vector.broadcast %squeeze3A_354 : f32 to vector<16xf32>
        %mul3A_678 = arith.mulf %get3A_633, %mul3A_677 : vector<16xf32>
        %add3A_679 = arith.addf %mul3A_676, %mul3A_678 : vector<16xf32>
        %mul3A_680 = vector.broadcast %squeeze3A_370 : f32 to vector<16xf32>
        %mul3A_681 = arith.mulf %get3A_635, %mul3A_680 : vector<16xf32>
        %add3A_682 = arith.addf %add3A_679, %mul3A_681 : vector<16xf32>
        %add3A_683 = arith.addf %get3A_629, %add3A_682 : vector<16xf32>
        %min3A_684 = arith.minimumf %scan3A_622, %add3A_683 : vector<16xf32>
        %mul3A_685 = vector.broadcast %squeeze3A_340 : f32 to vector<16xf32>
        %mul3A_686 = arith.mulf %get3A_631, %mul3A_685 : vector<16xf32>
        %mul3A_687 = vector.broadcast %squeeze3A_356 : f32 to vector<16xf32>
        %mul3A_688 = arith.mulf %get3A_633, %mul3A_687 : vector<16xf32>
        %add3A_689 = arith.addf %mul3A_686, %mul3A_688 : vector<16xf32>
        %mul3A_690 = vector.broadcast %squeeze3A_372 : f32 to vector<16xf32>
        %mul3A_691 = arith.mulf %get3A_635, %mul3A_690 : vector<16xf32>
        %add3A_692 = arith.addf %add3A_689, %mul3A_691 : vector<16xf32>
        %add3A_693 = arith.addf %get3A_629, %add3A_692 : vector<16xf32>
        %min3A_694 = arith.minimumf %scan3A_623, %add3A_693 : vector<16xf32>
        %mul3A_695 = vector.broadcast %squeeze3A_342 : f32 to vector<16xf32>
        %mul3A_696 = arith.mulf %get3A_631, %mul3A_695 : vector<16xf32>
        %mul3A_697 = vector.broadcast %squeeze3A_358 : f32 to vector<16xf32>
        %mul3A_698 = arith.mulf %get3A_633, %mul3A_697 : vector<16xf32>
        %add3A_699 = arith.addf %mul3A_696, %mul3A_698 : vector<16xf32>
        %mul3A_700 = vector.broadcast %squeeze3A_374 : f32 to vector<16xf32>
        %mul3A_701 = arith.mulf %get3A_635, %mul3A_700 : vector<16xf32>
        %add3A_702 = arith.addf %add3A_699, %mul3A_701 : vector<16xf32>
        %add3A_703 = arith.addf %get3A_629, %add3A_702 : vector<16xf32>
        %min3A_704 = arith.minimumf %scan3A_624, %add3A_703 : vector<16xf32>
        %mul3A_705 = vector.broadcast %squeeze3A_344 : f32 to vector<16xf32>
        %mul3A_706 = arith.mulf %get3A_631, %mul3A_705 : vector<16xf32>
        %mul3A_707 = vector.broadcast %squeeze3A_360 : f32 to vector<16xf32>
        %mul3A_708 = arith.mulf %get3A_633, %mul3A_707 : vector<16xf32>
        %add3A_709 = arith.addf %mul3A_706, %mul3A_708 : vector<16xf32>
        %mul3A_710 = vector.broadcast %squeeze3A_376 : f32 to vector<16xf32>
        %mul3A_711 = arith.mulf %get3A_635, %mul3A_710 : vector<16xf32>
        %add3A_712 = arith.addf %add3A_709, %mul3A_711 : vector<16xf32>
        %add3A_713 = arith.addf %get3A_629, %add3A_712 : vector<16xf32>
        %min3A_714 = arith.minimumf %scan3A_625, %add3A_713 : vector<16xf32>
        scf.yield %min3A, %min3A_654, %min3A_664, %min3A_674, %min3A_684, %min3A_694, %min3A_704, %min3A_714 : vector<16xf32>, vector<16xf32>, vector<16xf32>, vector<16xf32>, vector<16xf32>, vector<16xf32>, vector<16xf32>, vector<16xf32>
      }
      %scan3A_400 = arith.constant 128 : i32
      %reduce_min3A_401 = arith.constant true
      %reduce_min3A_402 = vector.broadcast %reduce_min3A_401 : i1 to vector<16xi1>
      %reduce_min3A_403 = tpu.scan <min>, %scan3A_399#0 masked %reduce_min3A_402 : vector<16xf32>, vector<16xi1> -> vector<16xf32>
      %reduce_min3A_404 = vector.extract %reduce_min3A_403[15] : f32 from vector<16xf32>
      %add3A_405 = arith.addf %add3A_328, %reduce_min3A_404 : f32
      %add3A_406 = arith.addf %add3A_405, %squeeze3A_378 : f32
      %reduce_min3A_407 = arith.constant true
      %reduce_min3A_408 = vector.broadcast %reduce_min3A_407 : i1 to vector<16xi1>
      %reduce_min3A_409 = tpu.scan <min>, %scan3A_399#1 masked %reduce_min3A_408 : vector<16xf32>, vector<16xi1> -> vector<16xf32>
      %reduce_min3A_410 = vector.extract %reduce_min3A_409[15] : f32 from vector<16xf32>
      %add3A_411 = arith.addf %add3A_406, %reduce_min3A_410 : f32
      %add3A_412 = arith.addf %add3A_411, %squeeze3A_380 : f32
      %reduce_min3A_413 = arith.constant true
      %reduce_min3A_414 = vector.broadcast %reduce_min3A_413 : i1 to vector<16xi1>
      %reduce_min3A_415 = tpu.scan <min>, %scan3A_399#2 masked %reduce_min3A_414 : vector<16xf32>, vector<16xi1> -> vector<16xf32>
      %reduce_min3A_416 = vector.extract %reduce_min3A_415[15] : f32 from vector<16xf32>
      %add3A_417 = arith.addf %add3A_412, %reduce_min3A_416 : f32
      %add3A_418 = arith.addf %add3A_417, %squeeze3A_382 : f32
      %reduce_min3A_419 = arith.constant true
      %reduce_min3A_420 = vector.broadcast %reduce_min3A_419 : i1 to vector<16xi1>
      %reduce_min3A_421 = tpu.scan <min>, %scan3A_399#3 masked %reduce_min3A_420 : vector<16xf32>, vector<16xi1> -> vector<16xf32>
      %reduce_min3A_422 = vector.extract %reduce_min3A_421[15] : f32 from vector<16xf32>
      %add3A_423 = arith.addf %add3A_418, %reduce_min3A_422 : f32
      %add3A_424 = arith.addf %add3A_423, %squeeze3A_384 : f32
      %reduce_min3A_425 = arith.constant true
      %reduce_min3A_426 = vector.broadcast %reduce_min3A_425 : i1 to vector<16xi1>
      %reduce_min3A_427 = tpu.scan <min>, %scan3A_399#4 masked %reduce_min3A_426 : vector<16xf32>, vector<16xi1> -> vector<16xf32>
      %reduce_min3A_428 = vector.extract %reduce_min3A_427[15] : f32 from vector<16xf32>
      %add3A_429 = arith.addf %add3A_424, %reduce_min3A_428 : f32
      %add3A_430 = arith.addf %add3A_429, %squeeze3A_386 : f32
      %reduce_min3A_431 = arith.constant true
      %reduce_min3A_432 = vector.broadcast %reduce_min3A_431 : i1 to vector<16xi1>
      %reduce_min3A_433 = tpu.scan <min>, %scan3A_399#5 masked %reduce_min3A_432 : vector<16xf32>, vector<16xi1> -> vector<16xf32>
      %reduce_min3A_434 = vector.extract %reduce_min3A_433[15] : f32 from vector<16xf32>
      %add3A_435 = arith.addf %add3A_430, %reduce_min3A_434 : f32
      %add3A_436 = arith.addf %add3A_435, %squeeze3A_388 : f32
      %reduce_min3A_437 = arith.constant true
      %reduce_min3A_438 = vector.broadcast %reduce_min3A_437 : i1 to vector<16xi1>
      %reduce_min3A_439 = tpu.scan <min>, %scan3A_399#6 masked %reduce_min3A_438 : vector<16xf32>, vector<16xi1> -> vector<16xf32>
      %reduce_min3A_440 = vector.extract %reduce_min3A_439[15] : f32 from vector<16xf32>
      %add3A_441 = arith.addf %add3A_436, %reduce_min3A_440 : f32
      %add3A_442 = arith.addf %add3A_441, %squeeze3A_390 : f32
      %reduce_min3A_443 = arith.constant true
      %reduce_min3A_444 = vector.broadcast %reduce_min3A_443 : i1 to vector<16xi1>
      %reduce_min3A_445 = tpu.scan <min>, %scan3A_399#7 masked %reduce_min3A_444 : vector<16xf32>, vector<16xi1> -> vector<16xf32>
      %reduce_min3A_446 = vector.extract %reduce_min3A_445[15] : f32 from vector<16xf32>
      %add3A_447 = arith.addf %add3A_442, %reduce_min3A_446 : f32
      %add3A_448 = arith.addf %add3A_447, %squeeze3A_392 : f32
      %broadcast_in_dim3A_449 = arith.constant 0x7F800000 : f32
      %broadcast_in_dim3A_450 = vector.broadcast %broadcast_in_dim3A_449 : f32 to vector<16xf32>
      %scan3A_451 = arith.constant 128 : i32
      %scan3A_452 = arith.constant 128 : i32
      %scan3A_453 = arith.addi %scan3A_451, %scan3A_452 : i32
      %scan3A_454 = arith.constant 1 : i32
      %scan3A_455:8 = scf.for %scan3A_617 = %scan3A_451 to %scan3A_453 step %scan3A_454 iter_args(%scan3A_618 = %broadcast_in_dim3A_450, %scan3A_619 = %broadcast_in_dim3A_450, %scan3A_620 = %broadcast_in_dim3A_450, %scan3A_621 = %broadcast_in_dim3A_450, %scan3A_622 = %broadcast_in_dim3A_450, %scan3A_623 = %broadcast_in_dim3A_450, %scan3A_624 = %broadcast_in_dim3A_450, %scan3A_625 = %broadcast_in_dim3A_450) -> (vector<16xf32>, vector<16xf32>, vector<16xf32>, vector<16xf32>, vector<16xf32>, vector<16xf32>, vector<16xf32>, vector<16xf32>)  : i32 {
        %mul3A_626 = arith.constant 16 : i32
        %mul3A_627 = arith.muli %scan3A_617, %mul3A_626 : i32
        %get3A_628 = arith.index_cast %mul3A_627 : i32 to index
        %get3A_629 = tpu.vector_load %arg12[%get3A_628] {strides = array<i32>} : memref<8192xf32, #tpu.memory_space<vmem>>, vector<16xf32>,
        %get3A_630 = arith.index_cast %mul3A_627 : i32 to index
        %get3A_631 = tpu.vector_load %arg13[%get3A_630] {strides = array<i32>} : memref<8192xf32, #tpu.memory_space<vmem>>, vector<16xf32>,
        %get3A_632 = arith.index_cast %mul3A_627 : i32 to index
        %get3A_633 = tpu.vector_load %arg14[%get3A_632] {strides = array<i32>} : memref<8192xf32, #tpu.memory_space<vmem>>, vector<16xf32>,
        %get3A_634 = arith.index_cast %mul3A_627 : i32 to index
        %get3A_635 = tpu.vector_load %arg15[%get3A_634] {strides = array<i32>} : memref<8192xf32, #tpu.memory_space<vmem>>, vector<16xf32>,
        %mul3A_636 = vector.broadcast %squeeze3A_330 : f32 to vector<16xf32>
        %mul3A_637 = arith.mulf %get3A_631, %mul3A_636 : vector<16xf32>
        %mul3A_638 = vector.broadcast %squeeze3A_346 : f32 to vector<16xf32>
        %mul3A_639 = arith.mulf %get3A_633, %mul3A_638 : vector<16xf32>
        %add3A_640 = arith.addf %mul3A_637, %mul3A_639 : vector<16xf32>
        %mul3A_641 = vector.broadcast %squeeze3A_362 : f32 to vector<16xf32>
        %mul3A_642 = arith.mulf %get3A_635, %mul3A_641 : vector<16xf32>
        %add3A_643 = arith.addf %add3A_640, %mul3A_642 : vector<16xf32>
        %add3A_644 = arith.addf %get3A_629, %add3A_643 : vector<16xf32>
        %min3A = arith.minimumf %scan3A_618, %add3A_644 : vector<16xf32>
        %mul3A_645 = vector.broadcast %squeeze3A_332 : f32 to vector<16xf32>
        %mul3A_646 = arith.mulf %get3A_631, %mul3A_645 : vector<16xf32>
        %mul3A_647 = vector.broadcast %squeeze3A_348 : f32 to vector<16xf32>
        %mul3A_648 = arith.mulf %get3A_633, %mul3A_647 : vector<16xf32>
        %add3A_649 = arith.addf %mul3A_646, %mul3A_648 : vector<16xf32>
        %mul3A_650 = vector.broadcast %squeeze3A_364 : f32 to vector<16xf32>
        %mul3A_651 = arith.mulf %get3A_635, %mul3A_650 : vector<16xf32>
        %add3A_652 = arith.addf %add3A_649, %mul3A_651 : vector<16xf32>
        %add3A_653 = arith.addf %get3A_629, %add3A_652 : vector<16xf32>
        %min3A_654 = arith.minimumf %scan3A_619, %add3A_653 : vector<16xf32>
        %mul3A_655 = vector.broadcast %squeeze3A_334 : f32 to vector<16xf32>
        %mul3A_656 = arith.mulf %get3A_631, %mul3A_655 : vector<16xf32>
        %mul3A_657 = vector.broadcast %squeeze3A_350 : f32 to vector<16xf32>
        %mul3A_658 = arith.mulf %get3A_633, %mul3A_657 : vector<16xf32>
        %add3A_659 = arith.addf %mul3A_656, %mul3A_658 : vector<16xf32>
        %mul3A_660 = vector.broadcast %squeeze3A_366 : f32 to vector<16xf32>
        %mul3A_661 = arith.mulf %get3A_635, %mul3A_660 : vector<16xf32>
        %add3A_662 = arith.addf %add3A_659, %mul3A_661 : vector<16xf32>
        %add3A_663 = arith.addf %get3A_629, %add3A_662 : vector<16xf32>
        %min3A_664 = arith.minimumf %scan3A_620, %add3A_663 : vector<16xf32>
        %mul3A_665 = vector.broadcast %squeeze3A_336 : f32 to vector<16xf32>
        %mul3A_666 = arith.mulf %get3A_631, %mul3A_665 : vector<16xf32>
        %mul3A_667 = vector.broadcast %squeeze3A_352 : f32 to vector<16xf32>
        %mul3A_668 = arith.mulf %get3A_633, %mul3A_667 : vector<16xf32>
        %add3A_669 = arith.addf %mul3A_666, %mul3A_668 : vector<16xf32>
        %mul3A_670 = vector.broadcast %squeeze3A_368 : f32 to vector<16xf32>
        %mul3A_671 = arith.mulf %get3A_635, %mul3A_670 : vector<16xf32>
        %add3A_672 = arith.addf %add3A_669, %mul3A_671 : vector<16xf32>
        %add3A_673 = arith.addf %get3A_629, %add3A_672 : vector<16xf32>
        %min3A_674 = arith.minimumf %scan3A_621, %add3A_673 : vector<16xf32>
        %mul3A_675 = vector.broadcast %squeeze3A_338 : f32 to vector<16xf32>
        %mul3A_676 = arith.mulf %get3A_631, %mul3A_675 : vector<16xf32>
        %mul3A_677 = vector.broadcast %squeeze3A_354 : f32 to vector<16xf32>
        %mul3A_678 = arith.mulf %get3A_633, %mul3A_677 : vector<16xf32>
        %add3A_679 = arith.addf %mul3A_676, %mul3A_678 : vector<16xf32>
        %mul3A_680 = vector.broadcast %squeeze3A_370 : f32 to vector<16xf32>
        %mul3A_681 = arith.mulf %get3A_635, %mul3A_680 : vector<16xf32>
        %add3A_682 = arith.addf %add3A_679, %mul3A_681 : vector<16xf32>
        %add3A_683 = arith.addf %get3A_629, %add3A_682 : vector<16xf32>
        %min3A_684 = arith.minimumf %scan3A_622, %add3A_683 : vector<16xf32>
        %mul3A_685 = vector.broadcast %squeeze3A_340 : f32 to vector<16xf32>
        %mul3A_686 = arith.mulf %get3A_631, %mul3A_685 : vector<16xf32>
        %mul3A_687 = vector.broadcast %squeeze3A_356 : f32 to vector<16xf32>
        %mul3A_688 = arith.mulf %get3A_633, %mul3A_687 : vector<16xf32>
        %add3A_689 = arith.addf %mul3A_686, %mul3A_688 : vector<16xf32>
        %mul3A_690 = vector.broadcast %squeeze3A_372 : f32 to vector<16xf32>
        %mul3A_691 = arith.mulf %get3A_635, %mul3A_690 : vector<16xf32>
        %add3A_692 = arith.addf %add3A_689, %mul3A_691 : vector<16xf32>
        %add3A_693 = arith.addf %get3A_629, %add3A_692 : vector<16xf32>
        %min3A_694 = arith.minimumf %scan3A_623, %add3A_693 : vector<16xf32>
        %mul3A_695 = vector.broadcast %squeeze3A_342 : f32 to vector<16xf32>
        %mul3A_696 = arith.mulf %get3A_631, %mul3A_695 : vector<16xf32>
        %mul3A_697 = vector.broadcast %squeeze3A_358 : f32 to vector<16xf32>
        %mul3A_698 = arith.mulf %get3A_633, %mul3A_697 : vector<16xf32>
        %add3A_699 = arith.addf %mul3A_696, %mul3A_698 : vector<16xf32>
        %mul3A_700 = vector.broadcast %squeeze3A_374 : f32 to vector<16xf32>
        %mul3A_701 = arith.mulf %get3A_635, %mul3A_700 : vector<16xf32>
        %add3A_702 = arith.addf %add3A_699, %mul3A_701 : vector<16xf32>
        %add3A_703 = arith.addf %get3A_629, %add3A_702 : vector<16xf32>
        %min3A_704 = arith.minimumf %scan3A_624, %add3A_703 : vector<16xf32>
        %mul3A_705 = vector.broadcast %squeeze3A_344 : f32 to vector<16xf32>
        %mul3A_706 = arith.mulf %get3A_631, %mul3A_705 : vector<16xf32>
        %mul3A_707 = vector.broadcast %squeeze3A_360 : f32 to vector<16xf32>
        %mul3A_708 = arith.mulf %get3A_633, %mul3A_707 : vector<16xf32>
        %add3A_709 = arith.addf %mul3A_706, %mul3A_708 : vector<16xf32>
        %mul3A_710 = vector.broadcast %squeeze3A_376 : f32 to vector<16xf32>
        %mul3A_711 = arith.mulf %get3A_635, %mul3A_710 : vector<16xf32>
        %add3A_712 = arith.addf %add3A_709, %mul3A_711 : vector<16xf32>
        %add3A_713 = arith.addf %get3A_629, %add3A_712 : vector<16xf32>
        %min3A_714 = arith.minimumf %scan3A_625, %add3A_713 : vector<16xf32>
        scf.yield %min3A, %min3A_654, %min3A_664, %min3A_674, %min3A_684, %min3A_694, %min3A_704, %min3A_714 : vector<16xf32>, vector<16xf32>, vector<16xf32>, vector<16xf32>, vector<16xf32>, vector<16xf32>, vector<16xf32>, vector<16xf32>
      }
      %scan3A_456 = arith.constant 128 : i32
      %reduce_min3A_457 = arith.constant true
      %reduce_min3A_458 = vector.broadcast %reduce_min3A_457 : i1 to vector<16xi1>
      %reduce_min3A_459 = tpu.scan <min>, %scan3A_455#0 masked %reduce_min3A_458 : vector<16xf32>, vector<16xi1> -> vector<16xf32>
      %reduce_min3A_460 = vector.extract %reduce_min3A_459[15] : f32 from vector<16xf32>
      %add3A_461 = arith.addf %add3A_448, %reduce_min3A_460 : f32
      %add3A_462 = arith.addf %add3A_461, %squeeze3A_378 : f32
      %reduce_min3A_463 = arith.constant true
      %reduce_min3A_464 = vector.broadcast %reduce_min3A_463 : i1 to vector<16xi1>
      %reduce_min3A_465 = tpu.scan <min>, %scan3A_455#1 masked %reduce_min3A_464 : vector<16xf32>, vector<16xi1> -> vector<16xf32>
      %reduce_min3A_466 = vector.extract %reduce_min3A_465[15] : f32 from vector<16xf32>
      %add3A_467 = arith.addf %add3A_462, %reduce_min3A_466 : f32
      %add3A_468 = arith.addf %add3A_467, %squeeze3A_380 : f32
      %reduce_min3A_469 = arith.constant true
      %reduce_min3A_470 = vector.broadcast %reduce_min3A_469 : i1 to vector<16xi1>
      %reduce_min3A_471 = tpu.scan <min>, %scan3A_455#2 masked %reduce_min3A_470 : vector<16xf32>, vector<16xi1> -> vector<16xf32>
      %reduce_min3A_472 = vector.extract %reduce_min3A_471[15] : f32 from vector<16xf32>
      %add3A_473 = arith.addf %add3A_468, %reduce_min3A_472 : f32
      %add3A_474 = arith.addf %add3A_473, %squeeze3A_382 : f32
      %reduce_min3A_475 = arith.constant true
      %reduce_min3A_476 = vector.broadcast %reduce_min3A_475 : i1 to vector<16xi1>
      %reduce_min3A_477 = tpu.scan <min>, %scan3A_455#3 masked %reduce_min3A_476 : vector<16xf32>, vector<16xi1> -> vector<16xf32>
      %reduce_min3A_478 = vector.extract %reduce_min3A_477[15] : f32 from vector<16xf32>
      %add3A_479 = arith.addf %add3A_474, %reduce_min3A_478 : f32
      %add3A_480 = arith.addf %add3A_479, %squeeze3A_384 : f32
      %reduce_min3A_481 = arith.constant true
      %reduce_min3A_482 = vector.broadcast %reduce_min3A_481 : i1 to vector<16xi1>
      %reduce_min3A_483 = tpu.scan <min>, %scan3A_455#4 masked %reduce_min3A_482 : vector<16xf32>, vector<16xi1> -> vector<16xf32>
      %reduce_min3A_484 = vector.extract %reduce_min3A_483[15] : f32 from vector<16xf32>
      %add3A_485 = arith.addf %add3A_480, %reduce_min3A_484 : f32
      %add3A_486 = arith.addf %add3A_485, %squeeze3A_386 : f32
      %reduce_min3A_487 = arith.constant true
      %reduce_min3A_488 = vector.broadcast %reduce_min3A_487 : i1 to vector<16xi1>
      %reduce_min3A_489 = tpu.scan <min>, %scan3A_455#5 masked %reduce_min3A_488 : vector<16xf32>, vector<16xi1> -> vector<16xf32>
      %reduce_min3A_490 = vector.extract %reduce_min3A_489[15] : f32 from vector<16xf32>
      %add3A_491 = arith.addf %add3A_486, %reduce_min3A_490 : f32
      %add3A_492 = arith.addf %add3A_491, %squeeze3A_388 : f32
      %reduce_min3A_493 = arith.constant true
      %reduce_min3A_494 = vector.broadcast %reduce_min3A_493 : i1 to vector<16xi1>
      %reduce_min3A_495 = tpu.scan <min>, %scan3A_455#6 masked %reduce_min3A_494 : vector<16xf32>, vector<16xi1> -> vector<16xf32>
      %reduce_min3A_496 = vector.extract %reduce_min3A_495[15] : f32 from vector<16xf32>
      %add3A_497 = arith.addf %add3A_492, %reduce_min3A_496 : f32
      %add3A_498 = arith.addf %add3A_497, %squeeze3A_390 : f32
      %reduce_min3A_499 = arith.constant true
      %reduce_min3A_500 = vector.broadcast %reduce_min3A_499 : i1 to vector<16xi1>
      %reduce_min3A_501 = tpu.scan <min>, %scan3A_455#7 masked %reduce_min3A_500 : vector<16xf32>, vector<16xi1> -> vector<16xf32>
      %reduce_min3A_502 = vector.extract %reduce_min3A_501[15] : f32 from vector<16xf32>
      %add3A_503 = arith.addf %add3A_498, %reduce_min3A_502 : f32
      %add3A_504 = arith.addf %add3A_503, %squeeze3A_392 : f32
      %broadcast_in_dim3A_505 = arith.constant 0x7F800000 : f32
      %broadcast_in_dim3A_506 = vector.broadcast %broadcast_in_dim3A_505 : f32 to vector<16xf32>
      %scan3A_507 = arith.constant 256 : i32
      %scan3A_508 = arith.constant 128 : i32
      %scan3A_509 = arith.addi %scan3A_507, %scan3A_508 : i32
      %scan3A_510 = arith.constant 1 : i32
      %scan3A_511:8 = scf.for %scan3A_617 = %scan3A_507 to %scan3A_509 step %scan3A_510 iter_args(%scan3A_618 = %broadcast_in_dim3A_506, %scan3A_619 = %broadcast_in_dim3A_506, %scan3A_620 = %broadcast_in_dim3A_506, %scan3A_621 = %broadcast_in_dim3A_506, %scan3A_622 = %broadcast_in_dim3A_506, %scan3A_623 = %broadcast_in_dim3A_506, %scan3A_624 = %broadcast_in_dim3A_506, %scan3A_625 = %broadcast_in_dim3A_506) -> (vector<16xf32>, vector<16xf32>, vector<16xf32>, vector<16xf32>, vector<16xf32>, vector<16xf32>, vector<16xf32>, vector<16xf32>)  : i32 {
        %mul3A_626 = arith.constant 16 : i32
        %mul3A_627 = arith.muli %scan3A_617, %mul3A_626 : i32
        %get3A_628 = arith.index_cast %mul3A_627 : i32 to index
        %get3A_629 = tpu.vector_load %arg12[%get3A_628] {strides = array<i32>} : memref<8192xf32, #tpu.memory_space<vmem>>, vector<16xf32>,
        %get3A_630 = arith.index_cast %mul3A_627 : i32 to index
        %get3A_631 = tpu.vector_load %arg13[%get3A_630] {strides = array<i32>} : memref<8192xf32, #tpu.memory_space<vmem>>, vector<16xf32>,
        %get3A_632 = arith.index_cast %mul3A_627 : i32 to index
        %get3A_633 = tpu.vector_load %arg14[%get3A_632] {strides = array<i32>} : memref<8192xf32, #tpu.memory_space<vmem>>, vector<16xf32>,
        %get3A_634 = arith.index_cast %mul3A_627 : i32 to index
        %get3A_635 = tpu.vector_load %arg15[%get3A_634] {strides = array<i32>} : memref<8192xf32, #tpu.memory_space<vmem>>, vector<16xf32>,
        %mul3A_636 = vector.broadcast %squeeze3A_330 : f32 to vector<16xf32>
        %mul3A_637 = arith.mulf %get3A_631, %mul3A_636 : vector<16xf32>
        %mul3A_638 = vector.broadcast %squeeze3A_346 : f32 to vector<16xf32>
        %mul3A_639 = arith.mulf %get3A_633, %mul3A_638 : vector<16xf32>
        %add3A_640 = arith.addf %mul3A_637, %mul3A_639 : vector<16xf32>
        %mul3A_641 = vector.broadcast %squeeze3A_362 : f32 to vector<16xf32>
        %mul3A_642 = arith.mulf %get3A_635, %mul3A_641 : vector<16xf32>
        %add3A_643 = arith.addf %add3A_640, %mul3A_642 : vector<16xf32>
        %add3A_644 = arith.addf %get3A_629, %add3A_643 : vector<16xf32>
        %min3A = arith.minimumf %scan3A_618, %add3A_644 : vector<16xf32>
        %mul3A_645 = vector.broadcast %squeeze3A_332 : f32 to vector<16xf32>
        %mul3A_646 = arith.mulf %get3A_631, %mul3A_645 : vector<16xf32>
        %mul3A_647 = vector.broadcast %squeeze3A_348 : f32 to vector<16xf32>
        %mul3A_648 = arith.mulf %get3A_633, %mul3A_647 : vector<16xf32>
        %add3A_649 = arith.addf %mul3A_646, %mul3A_648 : vector<16xf32>
        %mul3A_650 = vector.broadcast %squeeze3A_364 : f32 to vector<16xf32>
        %mul3A_651 = arith.mulf %get3A_635, %mul3A_650 : vector<16xf32>
        %add3A_652 = arith.addf %add3A_649, %mul3A_651 : vector<16xf32>
        %add3A_653 = arith.addf %get3A_629, %add3A_652 : vector<16xf32>
        %min3A_654 = arith.minimumf %scan3A_619, %add3A_653 : vector<16xf32>
        %mul3A_655 = vector.broadcast %squeeze3A_334 : f32 to vector<16xf32>
        %mul3A_656 = arith.mulf %get3A_631, %mul3A_655 : vector<16xf32>
        %mul3A_657 = vector.broadcast %squeeze3A_350 : f32 to vector<16xf32>
        %mul3A_658 = arith.mulf %get3A_633, %mul3A_657 : vector<16xf32>
        %add3A_659 = arith.addf %mul3A_656, %mul3A_658 : vector<16xf32>
        %mul3A_660 = vector.broadcast %squeeze3A_366 : f32 to vector<16xf32>
        %mul3A_661 = arith.mulf %get3A_635, %mul3A_660 : vector<16xf32>
        %add3A_662 = arith.addf %add3A_659, %mul3A_661 : vector<16xf32>
        %add3A_663 = arith.addf %get3A_629, %add3A_662 : vector<16xf32>
        %min3A_664 = arith.minimumf %scan3A_620, %add3A_663 : vector<16xf32>
        %mul3A_665 = vector.broadcast %squeeze3A_336 : f32 to vector<16xf32>
        %mul3A_666 = arith.mulf %get3A_631, %mul3A_665 : vector<16xf32>
        %mul3A_667 = vector.broadcast %squeeze3A_352 : f32 to vector<16xf32>
        %mul3A_668 = arith.mulf %get3A_633, %mul3A_667 : vector<16xf32>
        %add3A_669 = arith.addf %mul3A_666, %mul3A_668 : vector<16xf32>
        %mul3A_670 = vector.broadcast %squeeze3A_368 : f32 to vector<16xf32>
        %mul3A_671 = arith.mulf %get3A_635, %mul3A_670 : vector<16xf32>
        %add3A_672 = arith.addf %add3A_669, %mul3A_671 : vector<16xf32>
        %add3A_673 = arith.addf %get3A_629, %add3A_672 : vector<16xf32>
        %min3A_674 = arith.minimumf %scan3A_621, %add3A_673 : vector<16xf32>
        %mul3A_675 = vector.broadcast %squeeze3A_338 : f32 to vector<16xf32>
        %mul3A_676 = arith.mulf %get3A_631, %mul3A_675 : vector<16xf32>
        %mul3A_677 = vector.broadcast %squeeze3A_354 : f32 to vector<16xf32>
        %mul3A_678 = arith.mulf %get3A_633, %mul3A_677 : vector<16xf32>
        %add3A_679 = arith.addf %mul3A_676, %mul3A_678 : vector<16xf32>
        %mul3A_680 = vector.broadcast %squeeze3A_370 : f32 to vector<16xf32>
        %mul3A_681 = arith.mulf %get3A_635, %mul3A_680 : vector<16xf32>
        %add3A_682 = arith.addf %add3A_679, %mul3A_681 : vector<16xf32>
        %add3A_683 = arith.addf %get3A_629, %add3A_682 : vector<16xf32>
        %min3A_684 = arith.minimumf %scan3A_622, %add3A_683 : vector<16xf32>
        %mul3A_685 = vector.broadcast %squeeze3A_340 : f32 to vector<16xf32>
        %mul3A_686 = arith.mulf %get3A_631, %mul3A_685 : vector<16xf32>
        %mul3A_687 = vector.broadcast %squeeze3A_356 : f32 to vector<16xf32>
        %mul3A_688 = arith.mulf %get3A_633, %mul3A_687 : vector<16xf32>
        %add3A_689 = arith.addf %mul3A_686, %mul3A_688 : vector<16xf32>
        %mul3A_690 = vector.broadcast %squeeze3A_372 : f32 to vector<16xf32>
        %mul3A_691 = arith.mulf %get3A_635, %mul3A_690 : vector<16xf32>
        %add3A_692 = arith.addf %add3A_689, %mul3A_691 : vector<16xf32>
        %add3A_693 = arith.addf %get3A_629, %add3A_692 : vector<16xf32>
        %min3A_694 = arith.minimumf %scan3A_623, %add3A_693 : vector<16xf32>
        %mul3A_695 = vector.broadcast %squeeze3A_342 : f32 to vector<16xf32>
        %mul3A_696 = arith.mulf %get3A_631, %mul3A_695 : vector<16xf32>
        %mul3A_697 = vector.broadcast %squeeze3A_358 : f32 to vector<16xf32>
        %mul3A_698 = arith.mulf %get3A_633, %mul3A_697 : vector<16xf32>
        %add3A_699 = arith.addf %mul3A_696, %mul3A_698 : vector<16xf32>
        %mul3A_700 = vector.broadcast %squeeze3A_374 : f32 to vector<16xf32>
        %mul3A_701 = arith.mulf %get3A_635, %mul3A_700 : vector<16xf32>
        %add3A_702 = arith.addf %add3A_699, %mul3A_701 : vector<16xf32>
        %add3A_703 = arith.addf %get3A_629, %add3A_702 : vector<16xf32>
        %min3A_704 = arith.minimumf %scan3A_624, %add3A_703 : vector<16xf32>
        %mul3A_705 = vector.broadcast %squeeze3A_344 : f32 to vector<16xf32>
        %mul3A_706 = arith.mulf %get3A_631, %mul3A_705 : vector<16xf32>
        %mul3A_707 = vector.broadcast %squeeze3A_360 : f32 to vector<16xf32>
        %mul3A_708 = arith.mulf %get3A_633, %mul3A_707 : vector<16xf32>
        %add3A_709 = arith.addf %mul3A_706, %mul3A_708 : vector<16xf32>
        %mul3A_710 = vector.broadcast %squeeze3A_376 : f32 to vector<16xf32>
        %mul3A_711 = arith.mulf %get3A_635, %mul3A_710 : vector<16xf32>
        %add3A_712 = arith.addf %add3A_709, %mul3A_711 : vector<16xf32>
        %add3A_713 = arith.addf %get3A_629, %add3A_712 : vector<16xf32>
        %min3A_714 = arith.minimumf %scan3A_625, %add3A_713 : vector<16xf32>
        scf.yield %min3A, %min3A_654, %min3A_664, %min3A_674, %min3A_684, %min3A_694, %min3A_704, %min3A_714 : vector<16xf32>, vector<16xf32>, vector<16xf32>, vector<16xf32>, vector<16xf32>, vector<16xf32>, vector<16xf32>, vector<16xf32>
      }
      %scan3A_512 = arith.constant 128 : i32
      %reduce_min3A_513 = arith.constant true
      %reduce_min3A_514 = vector.broadcast %reduce_min3A_513 : i1 to vector<16xi1>
      %reduce_min3A_515 = tpu.scan <min>, %scan3A_511#0 masked %reduce_min3A_514 : vector<16xf32>, vector<16xi1> -> vector<16xf32>
      %reduce_min3A_516 = vector.extract %reduce_min3A_515[15] : f32 from vector<16xf32>
      %add3A_517 = arith.addf %add3A_504, %reduce_min3A_516 : f32
      %add3A_518 = arith.addf %add3A_517, %squeeze3A_378 : f32
      %reduce_min3A_519 = arith.constant true
      %reduce_min3A_520 = vector.broadcast %reduce_min3A_519 : i1 to vector<16xi1>
      %reduce_min3A_521 = tpu.scan <min>, %scan3A_511#1 masked %reduce_min3A_520 : vector<16xf32>, vector<16xi1> -> vector<16xf32>
      %reduce_min3A_522 = vector.extract %reduce_min3A_521[15] : f32 from vector<16xf32>
      %add3A_523 = arith.addf %add3A_518, %reduce_min3A_522 : f32
      %add3A_524 = arith.addf %add3A_523, %squeeze3A_380 : f32
      %reduce_min3A_525 = arith.constant true
      %reduce_min3A_526 = vector.broadcast %reduce_min3A_525 : i1 to vector<16xi1>
      %reduce_min3A_527 = tpu.scan <min>, %scan3A_511#2 masked %reduce_min3A_526 : vector<16xf32>, vector<16xi1> -> vector<16xf32>
      %reduce_min3A_528 = vector.extract %reduce_min3A_527[15] : f32 from vector<16xf32>
      %add3A_529 = arith.addf %add3A_524, %reduce_min3A_528 : f32
      %add3A_530 = arith.addf %add3A_529, %squeeze3A_382 : f32
      %reduce_min3A_531 = arith.constant true
      %reduce_min3A_532 = vector.broadcast %reduce_min3A_531 : i1 to vector<16xi1>
      %reduce_min3A_533 = tpu.scan <min>, %scan3A_511#3 masked %reduce_min3A_532 : vector<16xf32>, vector<16xi1> -> vector<16xf32>
      %reduce_min3A_534 = vector.extract %reduce_min3A_533[15] : f32 from vector<16xf32>
      %add3A_535 = arith.addf %add3A_530, %reduce_min3A_534 : f32
      %add3A_536 = arith.addf %add3A_535, %squeeze3A_384 : f32
      %reduce_min3A_537 = arith.constant true
      %reduce_min3A_538 = vector.broadcast %reduce_min3A_537 : i1 to vector<16xi1>
      %reduce_min3A_539 = tpu.scan <min>, %scan3A_511#4 masked %reduce_min3A_538 : vector<16xf32>, vector<16xi1> -> vector<16xf32>
      %reduce_min3A_540 = vector.extract %reduce_min3A_539[15] : f32 from vector<16xf32>
      %add3A_541 = arith.addf %add3A_536, %reduce_min3A_540 : f32
      %add3A_542 = arith.addf %add3A_541, %squeeze3A_386 : f32
      %reduce_min3A_543 = arith.constant true
      %reduce_min3A_544 = vector.broadcast %reduce_min3A_543 : i1 to vector<16xi1>
      %reduce_min3A_545 = tpu.scan <min>, %scan3A_511#5 masked %reduce_min3A_544 : vector<16xf32>, vector<16xi1> -> vector<16xf32>
      %reduce_min3A_546 = vector.extract %reduce_min3A_545[15] : f32 from vector<16xf32>
      %add3A_547 = arith.addf %add3A_542, %reduce_min3A_546 : f32
      %add3A_548 = arith.addf %add3A_547, %squeeze3A_388 : f32
      %reduce_min3A_549 = arith.constant true
      %reduce_min3A_550 = vector.broadcast %reduce_min3A_549 : i1 to vector<16xi1>
      %reduce_min3A_551 = tpu.scan <min>, %scan3A_511#6 masked %reduce_min3A_550 : vector<16xf32>, vector<16xi1> -> vector<16xf32>
      %reduce_min3A_552 = vector.extract %reduce_min3A_551[15] : f32 from vector<16xf32>
      %add3A_553 = arith.addf %add3A_548, %reduce_min3A_552 : f32
      %add3A_554 = arith.addf %add3A_553, %squeeze3A_390 : f32
      %reduce_min3A_555 = arith.constant true
      %reduce_min3A_556 = vector.broadcast %reduce_min3A_555 : i1 to vector<16xi1>
      %reduce_min3A_557 = tpu.scan <min>, %scan3A_511#7 masked %reduce_min3A_556 : vector<16xf32>, vector<16xi1> -> vector<16xf32>
      %reduce_min3A_558 = vector.extract %reduce_min3A_557[15] : f32 from vector<16xf32>
      %add3A_559 = arith.addf %add3A_554, %reduce_min3A_558 : f32
      %add3A_560 = arith.addf %add3A_559, %squeeze3A_392 : f32
      %broadcast_in_dim3A_561 = arith.constant 0x7F800000 : f32
      %broadcast_in_dim3A_562 = vector.broadcast %broadcast_in_dim3A_561 : f32 to vector<16xf32>
      %scan3A_563 = arith.constant 384 : i32
      %scan3A_564 = arith.constant 128 : i32
      %scan3A_565 = arith.addi %scan3A_563, %scan3A_564 : i32
      %scan3A_566 = arith.constant 1 : i32
      %scan3A_567:8 = scf.for %scan3A_617 = %scan3A_563 to %scan3A_565 step %scan3A_566 iter_args(%scan3A_618 = %broadcast_in_dim3A_562, %scan3A_619 = %broadcast_in_dim3A_562, %scan3A_620 = %broadcast_in_dim3A_562, %scan3A_621 = %broadcast_in_dim3A_562, %scan3A_622 = %broadcast_in_dim3A_562, %scan3A_623 = %broadcast_in_dim3A_562, %scan3A_624 = %broadcast_in_dim3A_562, %scan3A_625 = %broadcast_in_dim3A_562) -> (vector<16xf32>, vector<16xf32>, vector<16xf32>, vector<16xf32>, vector<16xf32>, vector<16xf32>, vector<16xf32>, vector<16xf32>)  : i32 {
        %mul3A_626 = arith.constant 16 : i32
        %mul3A_627 = arith.muli %scan3A_617, %mul3A_626 : i32
        %get3A_628 = arith.index_cast %mul3A_627 : i32 to index
        %get3A_629 = tpu.vector_load %arg12[%get3A_628] {strides = array<i32>} : memref<8192xf32, #tpu.memory_space<vmem>>, vector<16xf32>,
        %get3A_630 = arith.index_cast %mul3A_627 : i32 to index
        %get3A_631 = tpu.vector_load %arg13[%get3A_630] {strides = array<i32>} : memref<8192xf32, #tpu.memory_space<vmem>>, vector<16xf32>,
        %get3A_632 = arith.index_cast %mul3A_627 : i32 to index
        %get3A_633 = tpu.vector_load %arg14[%get3A_632] {strides = array<i32>} : memref<8192xf32, #tpu.memory_space<vmem>>, vector<16xf32>,
        %get3A_634 = arith.index_cast %mul3A_627 : i32 to index
        %get3A_635 = tpu.vector_load %arg15[%get3A_634] {strides = array<i32>} : memref<8192xf32, #tpu.memory_space<vmem>>, vector<16xf32>,
        %mul3A_636 = vector.broadcast %squeeze3A_330 : f32 to vector<16xf32>
        %mul3A_637 = arith.mulf %get3A_631, %mul3A_636 : vector<16xf32>
        %mul3A_638 = vector.broadcast %squeeze3A_346 : f32 to vector<16xf32>
        %mul3A_639 = arith.mulf %get3A_633, %mul3A_638 : vector<16xf32>
        %add3A_640 = arith.addf %mul3A_637, %mul3A_639 : vector<16xf32>
        %mul3A_641 = vector.broadcast %squeeze3A_362 : f32 to vector<16xf32>
        %mul3A_642 = arith.mulf %get3A_635, %mul3A_641 : vector<16xf32>
        %add3A_643 = arith.addf %add3A_640, %mul3A_642 : vector<16xf32>
        %add3A_644 = arith.addf %get3A_629, %add3A_643 : vector<16xf32>
        %min3A = arith.minimumf %scan3A_618, %add3A_644 : vector<16xf32>
        %mul3A_645 = vector.broadcast %squeeze3A_332 : f32 to vector<16xf32>
        %mul3A_646 = arith.mulf %get3A_631, %mul3A_645 : vector<16xf32>
        %mul3A_647 = vector.broadcast %squeeze3A_348 : f32 to vector<16xf32>
        %mul3A_648 = arith.mulf %get3A_633, %mul3A_647 : vector<16xf32>
        %add3A_649 = arith.addf %mul3A_646, %mul3A_648 : vector<16xf32>
        %mul3A_650 = vector.broadcast %squeeze3A_364 : f32 to vector<16xf32>
        %mul3A_651 = arith.mulf %get3A_635, %mul3A_650 : vector<16xf32>
        %add3A_652 = arith.addf %add3A_649, %mul3A_651 : vector<16xf32>
        %add3A_653 = arith.addf %get3A_629, %add3A_652 : vector<16xf32>
        %min3A_654 = arith.minimumf %scan3A_619, %add3A_653 : vector<16xf32>
        %mul3A_655 = vector.broadcast %squeeze3A_334 : f32 to vector<16xf32>
        %mul3A_656 = arith.mulf %get3A_631, %mul3A_655 : vector<16xf32>
        %mul3A_657 = vector.broadcast %squeeze3A_350 : f32 to vector<16xf32>
        %mul3A_658 = arith.mulf %get3A_633, %mul3A_657 : vector<16xf32>
        %add3A_659 = arith.addf %mul3A_656, %mul3A_658 : vector<16xf32>
        %mul3A_660 = vector.broadcast %squeeze3A_366 : f32 to vector<16xf32>
        %mul3A_661 = arith.mulf %get3A_635, %mul3A_660 : vector<16xf32>
        %add3A_662 = arith.addf %add3A_659, %mul3A_661 : vector<16xf32>
        %add3A_663 = arith.addf %get3A_629, %add3A_662 : vector<16xf32>
        %min3A_664 = arith.minimumf %scan3A_620, %add3A_663 : vector<16xf32>
        %mul3A_665 = vector.broadcast %squeeze3A_336 : f32 to vector<16xf32>
        %mul3A_666 = arith.mulf %get3A_631, %mul3A_665 : vector<16xf32>
        %mul3A_667 = vector.broadcast %squeeze3A_352 : f32 to vector<16xf32>
        %mul3A_668 = arith.mulf %get3A_633, %mul3A_667 : vector<16xf32>
        %add3A_669 = arith.addf %mul3A_666, %mul3A_668 : vector<16xf32>
        %mul3A_670 = vector.broadcast %squeeze3A_368 : f32 to vector<16xf32>
        %mul3A_671 = arith.mulf %get3A_635, %mul3A_670 : vector<16xf32>
        %add3A_672 = arith.addf %add3A_669, %mul3A_671 : vector<16xf32>
        %add3A_673 = arith.addf %get3A_629, %add3A_672 : vector<16xf32>
        %min3A_674 = arith.minimumf %scan3A_621, %add3A_673 : vector<16xf32>
        %mul3A_675 = vector.broadcast %squeeze3A_338 : f32 to vector<16xf32>
        %mul3A_676 = arith.mulf %get3A_631, %mul3A_675 : vector<16xf32>
        %mul3A_677 = vector.broadcast %squeeze3A_354 : f32 to vector<16xf32>
        %mul3A_678 = arith.mulf %get3A_633, %mul3A_677 : vector<16xf32>
        %add3A_679 = arith.addf %mul3A_676, %mul3A_678 : vector<16xf32>
        %mul3A_680 = vector.broadcast %squeeze3A_370 : f32 to vector<16xf32>
        %mul3A_681 = arith.mulf %get3A_635, %mul3A_680 : vector<16xf32>
        %add3A_682 = arith.addf %add3A_679, %mul3A_681 : vector<16xf32>
        %add3A_683 = arith.addf %get3A_629, %add3A_682 : vector<16xf32>
        %min3A_684 = arith.minimumf %scan3A_622, %add3A_683 : vector<16xf32>
        %mul3A_685 = vector.broadcast %squeeze3A_340 : f32 to vector<16xf32>
        %mul3A_686 = arith.mulf %get3A_631, %mul3A_685 : vector<16xf32>
        %mul3A_687 = vector.broadcast %squeeze3A_356 : f32 to vector<16xf32>
        %mul3A_688 = arith.mulf %get3A_633, %mul3A_687 : vector<16xf32>
        %add3A_689 = arith.addf %mul3A_686, %mul3A_688 : vector<16xf32>
        %mul3A_690 = vector.broadcast %squeeze3A_372 : f32 to vector<16xf32>
        %mul3A_691 = arith.mulf %get3A_635, %mul3A_690 : vector<16xf32>
        %add3A_692 = arith.addf %add3A_689, %mul3A_691 : vector<16xf32>
        %add3A_693 = arith.addf %get3A_629, %add3A_692 : vector<16xf32>
        %min3A_694 = arith.minimumf %scan3A_623, %add3A_693 : vector<16xf32>
        %mul3A_695 = vector.broadcast %squeeze3A_342 : f32 to vector<16xf32>
        %mul3A_696 = arith.mulf %get3A_631, %mul3A_695 : vector<16xf32>
        %mul3A_697 = vector.broadcast %squeeze3A_358 : f32 to vector<16xf32>
        %mul3A_698 = arith.mulf %get3A_633, %mul3A_697 : vector<16xf32>
        %add3A_699 = arith.addf %mul3A_696, %mul3A_698 : vector<16xf32>
        %mul3A_700 = vector.broadcast %squeeze3A_374 : f32 to vector<16xf32>
        %mul3A_701 = arith.mulf %get3A_635, %mul3A_700 : vector<16xf32>
        %add3A_702 = arith.addf %add3A_699, %mul3A_701 : vector<16xf32>
        %add3A_703 = arith.addf %get3A_629, %add3A_702 : vector<16xf32>
        %min3A_704 = arith.minimumf %scan3A_624, %add3A_703 : vector<16xf32>
        %mul3A_705 = vector.broadcast %squeeze3A_344 : f32 to vector<16xf32>
        %mul3A_706 = arith.mulf %get3A_631, %mul3A_705 : vector<16xf32>
        %mul3A_707 = vector.broadcast %squeeze3A_360 : f32 to vector<16xf32>
        %mul3A_708 = arith.mulf %get3A_633, %mul3A_707 : vector<16xf32>
        %add3A_709 = arith.addf %mul3A_706, %mul3A_708 : vector<16xf32>
        %mul3A_710 = vector.broadcast %squeeze3A_376 : f32 to vector<16xf32>
        %mul3A_711 = arith.mulf %get3A_635, %mul3A_710 : vector<16xf32>
        %add3A_712 = arith.addf %add3A_709, %mul3A_711 : vector<16xf32>
        %add3A_713 = arith.addf %get3A_629, %add3A_712 : vector<16xf32>
        %min3A_714 = arith.minimumf %scan3A_625, %add3A_713 : vector<16xf32>
        scf.yield %min3A, %min3A_654, %min3A_664, %min3A_674, %min3A_684, %min3A_694, %min3A_704, %min3A_714 : vector<16xf32>, vector<16xf32>, vector<16xf32>, vector<16xf32>, vector<16xf32>, vector<16xf32>, vector<16xf32>, vector<16xf32>
      }
      %scan3A_568 = arith.constant 128 : i32
      %reduce_min3A_569 = arith.constant true
      %reduce_min3A_570 = vector.broadcast %reduce_min3A_569 : i1 to vector<16xi1>
      %reduce_min3A_571 = tpu.scan <min>, %scan3A_567#0 masked %reduce_min3A_570 : vector<16xf32>, vector<16xi1> -> vector<16xf32>
      %reduce_min3A_572 = vector.extract %reduce_min3A_571[15] : f32 from vector<16xf32>
      %add3A_573 = arith.addf %add3A_560, %reduce_min3A_572 : f32
      %add3A_574 = arith.addf %add3A_573, %squeeze3A_378 : f32
      %reduce_min3A_575 = arith.constant true
      %reduce_min3A_576 = vector.broadcast %reduce_min3A_575 : i1 to vector<16xi1>
      %reduce_min3A_577 = tpu.scan <min>, %scan3A_567#1 masked %reduce_min3A_576 : vector<16xf32>, vector<16xi1> -> vector<16xf32>
      %reduce_min3A_578 = vector.extract %reduce_min3A_577[15] : f32 from vector<16xf32>
      %add3A_579 = arith.addf %add3A_574, %reduce_min3A_578 : f32
      %add3A_580 = arith.addf %add3A_579, %squeeze3A_380 : f32
      %reduce_min3A_581 = arith.constant true
      %reduce_min3A_582 = vector.broadcast %reduce_min3A_581 : i1 to vector<16xi1>
      %reduce_min3A_583 = tpu.scan <min>, %scan3A_567#2 masked %reduce_min3A_582 : vector<16xf32>, vector<16xi1> -> vector<16xf32>
      %reduce_min3A_584 = vector.extract %reduce_min3A_583[15] : f32 from vector<16xf32>
      %add3A_585 = arith.addf %add3A_580, %reduce_min3A_584 : f32
      %add3A_586 = arith.addf %add3A_585, %squeeze3A_382 : f32
      %reduce_min3A_587 = arith.constant true
      %reduce_min3A_588 = vector.broadcast %reduce_min3A_587 : i1 to vector<16xi1>
      %reduce_min3A_589 = tpu.scan <min>, %scan3A_567#3 masked %reduce_min3A_588 : vector<16xf32>, vector<16xi1> -> vector<16xf32>
      %reduce_min3A_590 = vector.extract %reduce_min3A_589[15] : f32 from vector<16xf32>
      %add3A_591 = arith.addf %add3A_586, %reduce_min3A_590 : f32
      %add3A_592 = arith.addf %add3A_591, %squeeze3A_384 : f32
      %reduce_min3A_593 = arith.constant true
      %reduce_min3A_594 = vector.broadcast %reduce_min3A_593 : i1 to vector<16xi1>
      %reduce_min3A_595 = tpu.scan <min>, %scan3A_567#4 masked %reduce_min3A_594 : vector<16xf32>, vector<16xi1> -> vector<16xf32>
      %reduce_min3A_596 = vector.extract %reduce_min3A_595[15] : f32 from vector<16xf32>
      %add3A_597 = arith.addf %add3A_592, %reduce_min3A_596 : f32
      %add3A_598 = arith.addf %add3A_597, %squeeze3A_386 : f32
      %reduce_min3A_599 = arith.constant true
      %reduce_min3A_600 = vector.broadcast %reduce_min3A_599 : i1 to vector<16xi1>
      %reduce_min3A_601 = tpu.scan <min>, %scan3A_567#5 masked %reduce_min3A_600 : vector<16xf32>, vector<16xi1> -> vector<16xf32>
      %reduce_min3A_602 = vector.extract %reduce_min3A_601[15] : f32 from vector<16xf32>
      %add3A_603 = arith.addf %add3A_598, %reduce_min3A_602 : f32
      %add3A_604 = arith.addf %add3A_603, %squeeze3A_388 : f32
      %reduce_min3A_605 = arith.constant true
      %reduce_min3A_606 = vector.broadcast %reduce_min3A_605 : i1 to vector<16xi1>
      %reduce_min3A_607 = tpu.scan <min>, %scan3A_567#6 masked %reduce_min3A_606 : vector<16xf32>, vector<16xi1> -> vector<16xf32>
      %reduce_min3A_608 = vector.extract %reduce_min3A_607[15] : f32 from vector<16xf32>
      %add3A_609 = arith.addf %add3A_604, %reduce_min3A_608 : f32
      %add3A_610 = arith.addf %add3A_609, %squeeze3A_390 : f32
      %reduce_min3A_611 = arith.constant true
      %reduce_min3A_612 = vector.broadcast %reduce_min3A_611 : i1 to vector<16xi1>
      %reduce_min3A_613 = tpu.scan <min>, %scan3A_567#7 masked %reduce_min3A_612 : vector<16xf32>, vector<16xi1> -> vector<16xf32>
      %reduce_min3A_614 = vector.extract %reduce_min3A_613[15] : f32 from vector<16xf32>
      %add3A_615 = arith.addf %add3A_610, %reduce_min3A_614 : f32
      %add3A_616 = arith.addf %add3A_615, %squeeze3A_392 : f32
      scf.yield %add3A_616 : f32
    }
    %scan3A_20 = arith.constant 5 : i32
    %scan3A_21 = arith.constant 0 : i32
    %scan3A_22 = arith.constant 5 : i32
    %scan3A_23 = arith.addi %scan3A_21, %scan3A_22 : i32
    %scan3A_24 = arith.constant 1 : i32
    %scan3A_25 = scf.for %scan3A_30 = %scan3A_21 to %scan3A_23 step %scan3A_24 iter_args(%scan3A_31 = %scan3A_19) -> (f32)  : i32 {
      %mul3A_32 = arith.constant 80 : i32
      %mul3A_33 = arith.muli %add3A, %mul3A_32 : i32
      %mul3A_34 = arith.constant 16 : i32
      %mul3A_35 = arith.muli %scan3A_30, %mul3A_34 : i32
      %add3A_36 = arith.addi %mul3A_33, %mul3A_35 : i32
      %get3A = arith.index_cast %add3A_36 : i32 to index
      %get3A_37 = tpu.vector_load %arg9[%get3A] {strides = array<i32>} : memref<8192xf32, #tpu.memory_space<vmem>>, vector<16xf32>,
      %get3A_38 = arith.index_cast %add3A_36 : i32 to index
      %get3A_39 = tpu.vector_load %arg10[%get3A_38] {strides = array<i32>} : memref<8192xf32, #tpu.memory_space<vmem>>, vector<16xf32>,
      %get3A_40 = arith.index_cast %add3A_36 : i32 to index
      %get3A_41 = tpu.vector_load %arg11[%get3A_40] {strides = array<i32>} : memref<8192xf32, #tpu.memory_space<vmem>>, vector<16xf32>,
      %get3A_42 = arith.index_cast %add3A_36 : i32 to index
      %get3A_43 = tpu.vector_load %arg12[%get3A_42] {strides = array<i32>} : memref<8192xf32, #tpu.memory_space<vmem>>, vector<16xf32>,
      %slice3A = vector.extract_strided_slice %get3A_37 {offsets = [0], sizes = [1], strides = [1]} : vector<16xf32> to vector<1xf32>
      %squeeze3A = vector.extract %slice3A[0] : f32 from vector<1xf32>
      %slice3A_44 = vector.extract_strided_slice %get3A_37 {offsets = [1], sizes = [1], strides = [1]} : vector<16xf32> to vector<1xf32>
      %squeeze3A_45 = vector.extract %slice3A_44[0] : f32 from vector<1xf32>
      %slice3A_46 = vector.extract_strided_slice %get3A_37 {offsets = [2], sizes = [1], strides = [1]} : vector<16xf32> to vector<1xf32>
      %squeeze3A_47 = vector.extract %slice3A_46[0] : f32 from vector<1xf32>
      %slice3A_48 = vector.extract_strided_slice %get3A_37 {offsets = [3], sizes = [1], strides = [1]} : vector<16xf32> to vector<1xf32>
      %squeeze3A_49 = vector.extract %slice3A_48[0] : f32 from vector<1xf32>
      %slice3A_50 = vector.extract_strided_slice %get3A_37 {offsets = [4], sizes = [1], strides = [1]} : vector<16xf32> to vector<1xf32>
      %squeeze3A_51 = vector.extract %slice3A_50[0] : f32 from vector<1xf32>
      %slice3A_52 = vector.extract_strided_slice %get3A_37 {offsets = [5], sizes = [1], strides = [1]} : vector<16xf32> to vector<1xf32>
      %squeeze3A_53 = vector.extract %slice3A_52[0] : f32 from vector<1xf32>
      %slice3A_54 = vector.extract_strided_slice %get3A_37 {offsets = [6], sizes = [1], strides = [1]} : vector<16xf32> to vector<1xf32>
      %squeeze3A_55 = vector.extract %slice3A_54[0] : f32 from vector<1xf32>
      %slice3A_56 = vector.extract_strided_slice %get3A_37 {offsets = [7], sizes = [1], strides = [1]} : vector<16xf32> to vector<1xf32>
      %squeeze3A_57 = vector.extract %slice3A_56[0] : f32 from vector<1xf32>
      %slice3A_58 = vector.extract_strided_slice %get3A_39 {offsets = [0], sizes = [1], strides = [1]} : vector<16xf32> to vector<1xf32>
      %squeeze3A_59 = vector.extract %slice3A_58[0] : f32 from vector<1xf32>
      %slice3A_60 = vector.extract_strided_slice %get3A_39 {offsets = [1], sizes = [1], strides = [1]} : vector<16xf32> to vector<1xf32>
      %squeeze3A_61 = vector.extract %slice3A_60[0] : f32 from vector<1xf32>
      %slice3A_62 = vector.extract_strided_slice %get3A_39 {offsets = [2], sizes = [1], strides = [1]} : vector<16xf32> to vector<1xf32>
      %squeeze3A_63 = vector.extract %slice3A_62[0] : f32 from vector<1xf32>
      %slice3A_64 = vector.extract_strided_slice %get3A_39 {offsets = [3], sizes = [1], strides = [1]} : vector<16xf32> to vector<1xf32>
      %squeeze3A_65 = vector.extract %slice3A_64[0] : f32 from vector<1xf32>
      %slice3A_66 = vector.extract_strided_slice %get3A_39 {offsets = [4], sizes = [1], strides = [1]} : vector<16xf32> to vector<1xf32>
      %squeeze3A_67 = vector.extract %slice3A_66[0] : f32 from vector<1xf32>
      %slice3A_68 = vector.extract_strided_slice %get3A_39 {offsets = [5], sizes = [1], strides = [1]} : vector<16xf32> to vector<1xf32>
      %squeeze3A_69 = vector.extract %slice3A_68[0] : f32 from vector<1xf32>
      %slice3A_70 = vector.extract_strided_slice %get3A_39 {offsets = [6], sizes = [1], strides = [1]} : vector<16xf32> to vector<1xf32>
      %squeeze3A_71 = vector.extract %slice3A_70[0] : f32 from vector<1xf32>
      %slice3A_72 = vector.extract_strided_slice %get3A_39 {offsets = [7], sizes = [1], strides = [1]} : vector<16xf32> to vector<1xf32>
      %squeeze3A_73 = vector.extract %slice3A_72[0] : f32 from vector<1xf32>
      %slice3A_74 = vector.extract_strided_slice %get3A_41 {offsets = [0], sizes = [1], strides = [1]} : vector<16xf32> to vector<1xf32>
      %squeeze3A_75 = vector.extract %slice3A_74[0] : f32 from vector<1xf32>
      %slice3A_76 = vector.extract_strided_slice %get3A_41 {offsets = [1], sizes = [1], strides = [1]} : vector<16xf32> to vector<1xf32>
      %squeeze3A_77 = vector.extract %slice3A_76[0] : f32 from vector<1xf32>
      %slice3A_78 = vector.extract_strided_slice %get3A_41 {offsets = [2], sizes = [1], strides = [1]} : vector<16xf32> to vector<1xf32>
      %squeeze3A_79 = vector.extract %slice3A_78[0] : f32 from vector<1xf32>
      %slice3A_80 = vector.extract_strided_slice %get3A_41 {offsets = [3], sizes = [1], strides = [1]} : vector<16xf32> to vector<1xf32>
      %squeeze3A_81 = vector.extract %slice3A_80[0] : f32 from vector<1xf32>
      %slice3A_82 = vector.extract_strided_slice %get3A_41 {offsets = [4], sizes = [1], strides = [1]} : vector<16xf32> to vector<1xf32>
      %squeeze3A_83 = vector.extract %slice3A_82[0] : f32 from vector<1xf32>
      %slice3A_84 = vector.extract_strided_slice %get3A_41 {offsets = [5], sizes = [1], strides = [1]} : vector<16xf32> to vector<1xf32>
      %squeeze3A_85 = vector.extract %slice3A_84[0] : f32 from vector<1xf32>
      %slice3A_86 = vector.extract_strided_slice %get3A_41 {offsets = [6], sizes = [1], strides = [1]} : vector<16xf32> to vector<1xf32>
      %squeeze3A_87 = vector.extract %slice3A_86[0] : f32 from vector<1xf32>
      %slice3A_88 = vector.extract_strided_slice %get3A_41 {offsets = [7], sizes = [1], strides = [1]} : vector<16xf32> to vector<1xf32>
      %squeeze3A_89 = vector.extract %slice3A_88[0] : f32 from vector<1xf32>
      %slice3A_90 = vector.extract_strided_slice %get3A_43 {offsets = [0], sizes = [1], strides = [1]} : vector<16xf32> to vector<1xf32>
      %squeeze3A_91 = vector.extract %slice3A_90[0] : f32 from vector<1xf32>
      %slice3A_92 = vector.extract_strided_slice %get3A_43 {offsets = [1], sizes = [1], strides = [1]} : vector<16xf32> to vector<1xf32>
      %squeeze3A_93 = vector.extract %slice3A_92[0] : f32 from vector<1xf32>
      %slice3A_94 = vector.extract_strided_slice %get3A_43 {offsets = [2], sizes = [1], strides = [1]} : vector<16xf32> to vector<1xf32>
      %squeeze3A_95 = vector.extract %slice3A_94[0] : f32 from vector<1xf32>
      %slice3A_96 = vector.extract_strided_slice %get3A_43 {offsets = [3], sizes = [1], strides = [1]} : vector<16xf32> to vector<1xf32>
      %squeeze3A_97 = vector.extract %slice3A_96[0] : f32 from vector<1xf32>
      %slice3A_98 = vector.extract_strided_slice %get3A_43 {offsets = [4], sizes = [1], strides = [1]} : vector<16xf32> to vector<1xf32>
      %squeeze3A_99 = vector.extract %slice3A_98[0] : f32 from vector<1xf32>
      %slice3A_100 = vector.extract_strided_slice %get3A_43 {offsets = [5], sizes = [1], strides = [1]} : vector<16xf32> to vector<1xf32>
      %squeeze3A_101 = vector.extract %slice3A_100[0] : f32 from vector<1xf32>
      %slice3A_102 = vector.extract_strided_slice %get3A_43 {offsets = [6], sizes = [1], strides = [1]} : vector<16xf32> to vector<1xf32>
      %squeeze3A_103 = vector.extract %slice3A_102[0] : f32 from vector<1xf32>
      %slice3A_104 = vector.extract_strided_slice %get3A_43 {offsets = [7], sizes = [1], strides = [1]} : vector<16xf32> to vector<1xf32>
      %squeeze3A_105 = vector.extract %slice3A_104[0] : f32 from vector<1xf32>
      %broadcast_in_dim3A_106 = arith.constant 0x7F800000 : f32
      %broadcast_in_dim3A_107 = vector.broadcast %broadcast_in_dim3A_106 : f32 to vector<16xf32>
      %scan3A_108 = arith.constant 0 : i32
      %scan3A_109 = arith.constant 128 : i32
      %scan3A_110 = arith.addi %scan3A_108, %scan3A_109 : i32
      %scan3A_111 = arith.constant 1 : i32
      %scan3A_112:8 = scf.for %scan3A_617 = %scan3A_108 to %scan3A_110 step %scan3A_111 iter_args(%scan3A_618 = %broadcast_in_dim3A_107, %scan3A_619 = %broadcast_in_dim3A_107, %scan3A_620 = %broadcast_in_dim3A_107, %scan3A_621 = %broadcast_in_dim3A_107, %scan3A_622 = %broadcast_in_dim3A_107, %scan3A_623 = %broadcast_in_dim3A_107, %scan3A_624 = %broadcast_in_dim3A_107, %scan3A_625 = %broadcast_in_dim3A_107) -> (vector<16xf32>, vector<16xf32>, vector<16xf32>, vector<16xf32>, vector<16xf32>, vector<16xf32>, vector<16xf32>, vector<16xf32>)  : i32 {
        %mul3A_626 = arith.constant 16 : i32
        %mul3A_627 = arith.muli %scan3A_617, %mul3A_626 : i32
        %get3A_628 = arith.index_cast %mul3A_627 : i32 to index
        %get3A_629 = tpu.vector_load %arg19[%get3A_628] {strides = array<i32>} : memref<8192xf32, #tpu.memory_space<vmem>>, vector<16xf32>,
        %get3A_630 = arith.index_cast %mul3A_627 : i32 to index
        %get3A_631 = tpu.vector_load %arg20[%get3A_630] {strides = array<i32>} : memref<8192xf32, #tpu.memory_space<vmem>>, vector<16xf32>,
        %get3A_632 = arith.index_cast %mul3A_627 : i32 to index
        %get3A_633 = tpu.vector_load %arg21[%get3A_632] {strides = array<i32>} : memref<8192xf32, #tpu.memory_space<vmem>>, vector<16xf32>,
        %get3A_634 = arith.index_cast %mul3A_627 : i32 to index
        %get3A_635 = tpu.vector_load %arg22[%get3A_634] {strides = array<i32>} : memref<8192xf32, #tpu.memory_space<vmem>>, vector<16xf32>,
        %mul3A_636 = vector.broadcast %squeeze3A : f32 to vector<16xf32>
        %mul3A_637 = arith.mulf %get3A_631, %mul3A_636 : vector<16xf32>
        %mul3A_638 = vector.broadcast %squeeze3A_59 : f32 to vector<16xf32>
        %mul3A_639 = arith.mulf %get3A_633, %mul3A_638 : vector<16xf32>
        %add3A_640 = arith.addf %mul3A_637, %mul3A_639 : vector<16xf32>
        %mul3A_641 = vector.broadcast %squeeze3A_75 : f32 to vector<16xf32>
        %mul3A_642 = arith.mulf %get3A_635, %mul3A_641 : vector<16xf32>
        %add3A_643 = arith.addf %add3A_640, %mul3A_642 : vector<16xf32>
        %add3A_644 = arith.addf %get3A_629, %add3A_643 : vector<16xf32>
        %min3A = arith.minimumf %scan3A_618, %add3A_644 : vector<16xf32>
        %mul3A_645 = vector.broadcast %squeeze3A_45 : f32 to vector<16xf32>
        %mul3A_646 = arith.mulf %get3A_631, %mul3A_645 : vector<16xf32>
        %mul3A_647 = vector.broadcast %squeeze3A_61 : f32 to vector<16xf32>
        %mul3A_648 = arith.mulf %get3A_633, %mul3A_647 : vector<16xf32>
        %add3A_649 = arith.addf %mul3A_646, %mul3A_648 : vector<16xf32>
        %mul3A_650 = vector.broadcast %squeeze3A_77 : f32 to vector<16xf32>
        %mul3A_651 = arith.mulf %get3A_635, %mul3A_650 : vector<16xf32>
        %add3A_652 = arith.addf %add3A_649, %mul3A_651 : vector<16xf32>
        %add3A_653 = arith.addf %get3A_629, %add3A_652 : vector<16xf32>
        %min3A_654 = arith.minimumf %scan3A_619, %add3A_653 : vector<16xf32>
        %mul3A_655 = vector.broadcast %squeeze3A_47 : f32 to vector<16xf32>
        %mul3A_656 = arith.mulf %get3A_631, %mul3A_655 : vector<16xf32>
        %mul3A_657 = vector.broadcast %squeeze3A_63 : f32 to vector<16xf32>
        %mul3A_658 = arith.mulf %get3A_633, %mul3A_657 : vector<16xf32>
        %add3A_659 = arith.addf %mul3A_656, %mul3A_658 : vector<16xf32>
        %mul3A_660 = vector.broadcast %squeeze3A_79 : f32 to vector<16xf32>
        %mul3A_661 = arith.mulf %get3A_635, %mul3A_660 : vector<16xf32>
        %add3A_662 = arith.addf %add3A_659, %mul3A_661 : vector<16xf32>
        %add3A_663 = arith.addf %get3A_629, %add3A_662 : vector<16xf32>
        %min3A_664 = arith.minimumf %scan3A_620, %add3A_663 : vector<16xf32>
        %mul3A_665 = vector.broadcast %squeeze3A_49 : f32 to vector<16xf32>
        %mul3A_666 = arith.mulf %get3A_631, %mul3A_665 : vector<16xf32>
        %mul3A_667 = vector.broadcast %squeeze3A_65 : f32 to vector<16xf32>
        %mul3A_668 = arith.mulf %get3A_633, %mul3A_667 : vector<16xf32>
        %add3A_669 = arith.addf %mul3A_666, %mul3A_668 : vector<16xf32>
        %mul3A_670 = vector.broadcast %squeeze3A_81 : f32 to vector<16xf32>
        %mul3A_671 = arith.mulf %get3A_635, %mul3A_670 : vector<16xf32>
        %add3A_672 = arith.addf %add3A_669, %mul3A_671 : vector<16xf32>
        %add3A_673 = arith.addf %get3A_629, %add3A_672 : vector<16xf32>
        %min3A_674 = arith.minimumf %scan3A_621, %add3A_673 : vector<16xf32>
        %mul3A_675 = vector.broadcast %squeeze3A_51 : f32 to vector<16xf32>
        %mul3A_676 = arith.mulf %get3A_631, %mul3A_675 : vector<16xf32>
        %mul3A_677 = vector.broadcast %squeeze3A_67 : f32 to vector<16xf32>
        %mul3A_678 = arith.mulf %get3A_633, %mul3A_677 : vector<16xf32>
        %add3A_679 = arith.addf %mul3A_676, %mul3A_678 : vector<16xf32>
        %mul3A_680 = vector.broadcast %squeeze3A_83 : f32 to vector<16xf32>
        %mul3A_681 = arith.mulf %get3A_635, %mul3A_680 : vector<16xf32>
        %add3A_682 = arith.addf %add3A_679, %mul3A_681 : vector<16xf32>
        %add3A_683 = arith.addf %get3A_629, %add3A_682 : vector<16xf32>
        %min3A_684 = arith.minimumf %scan3A_622, %add3A_683 : vector<16xf32>
        %mul3A_685 = vector.broadcast %squeeze3A_53 : f32 to vector<16xf32>
        %mul3A_686 = arith.mulf %get3A_631, %mul3A_685 : vector<16xf32>
        %mul3A_687 = vector.broadcast %squeeze3A_69 : f32 to vector<16xf32>
        %mul3A_688 = arith.mulf %get3A_633, %mul3A_687 : vector<16xf32>
        %add3A_689 = arith.addf %mul3A_686, %mul3A_688 : vector<16xf32>
        %mul3A_690 = vector.broadcast %squeeze3A_85 : f32 to vector<16xf32>
        %mul3A_691 = arith.mulf %get3A_635, %mul3A_690 : vector<16xf32>
        %add3A_692 = arith.addf %add3A_689, %mul3A_691 : vector<16xf32>
        %add3A_693 = arith.addf %get3A_629, %add3A_692 : vector<16xf32>
        %min3A_694 = arith.minimumf %scan3A_623, %add3A_693 : vector<16xf32>
        %mul3A_695 = vector.broadcast %squeeze3A_55 : f32 to vector<16xf32>
        %mul3A_696 = arith.mulf %get3A_631, %mul3A_695 : vector<16xf32>
        %mul3A_697 = vector.broadcast %squeeze3A_71 : f32 to vector<16xf32>
        %mul3A_698 = arith.mulf %get3A_633, %mul3A_697 : vector<16xf32>
        %add3A_699 = arith.addf %mul3A_696, %mul3A_698 : vector<16xf32>
        %mul3A_700 = vector.broadcast %squeeze3A_87 : f32 to vector<16xf32>
        %mul3A_701 = arith.mulf %get3A_635, %mul3A_700 : vector<16xf32>
        %add3A_702 = arith.addf %add3A_699, %mul3A_701 : vector<16xf32>
        %add3A_703 = arith.addf %get3A_629, %add3A_702 : vector<16xf32>
        %min3A_704 = arith.minimumf %scan3A_624, %add3A_703 : vector<16xf32>
        %mul3A_705 = vector.broadcast %squeeze3A_57 : f32 to vector<16xf32>
        %mul3A_706 = arith.mulf %get3A_631, %mul3A_705 : vector<16xf32>
        %mul3A_707 = vector.broadcast %squeeze3A_73 : f32 to vector<16xf32>
        %mul3A_708 = arith.mulf %get3A_633, %mul3A_707 : vector<16xf32>
        %add3A_709 = arith.addf %mul3A_706, %mul3A_708 : vector<16xf32>
        %mul3A_710 = vector.broadcast %squeeze3A_89 : f32 to vector<16xf32>
        %mul3A_711 = arith.mulf %get3A_635, %mul3A_710 : vector<16xf32>
        %add3A_712 = arith.addf %add3A_709, %mul3A_711 : vector<16xf32>
        %add3A_713 = arith.addf %get3A_629, %add3A_712 : vector<16xf32>
        %min3A_714 = arith.minimumf %scan3A_625, %add3A_713 : vector<16xf32>
        scf.yield %min3A, %min3A_654, %min3A_664, %min3A_674, %min3A_684, %min3A_694, %min3A_704, %min3A_714 : vector<16xf32>, vector<16xf32>, vector<16xf32>, vector<16xf32>, vector<16xf32>, vector<16xf32>, vector<16xf32>, vector<16xf32>
      }
      %scan3A_113 = arith.constant 128 : i32
      %reduce_min3A = arith.constant true
      %reduce_min3A_114 = vector.broadcast %reduce_min3A : i1 to vector<16xi1>
      %reduce_min3A_115 = tpu.scan <min>, %scan3A_112#0 masked %reduce_min3A_114 : vector<16xf32>, vector<16xi1> -> vector<16xf32>
      %reduce_min3A_116 = vector.extract %reduce_min3A_115[15] : f32 from vector<16xf32>
      %add3A_117 = arith.addf %scan3A_31, %reduce_min3A_116 : f32
      %add3A_118 = arith.addf %add3A_117, %squeeze3A_91 : f32
      %reduce_min3A_119 = arith.constant true
      %reduce_min3A_120 = vector.broadcast %reduce_min3A_119 : i1 to vector<16xi1>
      %reduce_min3A_121 = tpu.scan <min>, %scan3A_112#1 masked %reduce_min3A_120 : vector<16xf32>, vector<16xi1> -> vector<16xf32>
      %reduce_min3A_122 = vector.extract %reduce_min3A_121[15] : f32 from vector<16xf32>
      %add3A_123 = arith.addf %add3A_118, %reduce_min3A_122 : f32
      %add3A_124 = arith.addf %add3A_123, %squeeze3A_93 : f32
      %reduce_min3A_125 = arith.constant true
      %reduce_min3A_126 = vector.broadcast %reduce_min3A_125 : i1 to vector<16xi1>
      %reduce_min3A_127 = tpu.scan <min>, %scan3A_112#2 masked %reduce_min3A_126 : vector<16xf32>, vector<16xi1> -> vector<16xf32>
      %reduce_min3A_128 = vector.extract %reduce_min3A_127[15] : f32 from vector<16xf32>
      %add3A_129 = arith.addf %add3A_124, %reduce_min3A_128 : f32
      %add3A_130 = arith.addf %add3A_129, %squeeze3A_95 : f32
      %reduce_min3A_131 = arith.constant true
      %reduce_min3A_132 = vector.broadcast %reduce_min3A_131 : i1 to vector<16xi1>
      %reduce_min3A_133 = tpu.scan <min>, %scan3A_112#3 masked %reduce_min3A_132 : vector<16xf32>, vector<16xi1> -> vector<16xf32>
      %reduce_min3A_134 = vector.extract %reduce_min3A_133[15] : f32 from vector<16xf32>
      %add3A_135 = arith.addf %add3A_130, %reduce_min3A_134 : f32
      %add3A_136 = arith.addf %add3A_135, %squeeze3A_97 : f32
      %reduce_min3A_137 = arith.constant true
      %reduce_min3A_138 = vector.broadcast %reduce_min3A_137 : i1 to vector<16xi1>
      %reduce_min3A_139 = tpu.scan <min>, %scan3A_112#4 masked %reduce_min3A_138 : vector<16xf32>, vector<16xi1> -> vector<16xf32>
      %reduce_min3A_140 = vector.extract %reduce_min3A_139[15] : f32 from vector<16xf32>
      %add3A_141 = arith.addf %add3A_136, %reduce_min3A_140 : f32
      %add3A_142 = arith.addf %add3A_141, %squeeze3A_99 : f32
      %reduce_min3A_143 = arith.constant true
      %reduce_min3A_144 = vector.broadcast %reduce_min3A_143 : i1 to vector<16xi1>
      %reduce_min3A_145 = tpu.scan <min>, %scan3A_112#5 masked %reduce_min3A_144 : vector<16xf32>, vector<16xi1> -> vector<16xf32>
      %reduce_min3A_146 = vector.extract %reduce_min3A_145[15] : f32 from vector<16xf32>
      %add3A_147 = arith.addf %add3A_142, %reduce_min3A_146 : f32
      %add3A_148 = arith.addf %add3A_147, %squeeze3A_101 : f32
      %reduce_min3A_149 = arith.constant true
      %reduce_min3A_150 = vector.broadcast %reduce_min3A_149 : i1 to vector<16xi1>
      %reduce_min3A_151 = tpu.scan <min>, %scan3A_112#6 masked %reduce_min3A_150 : vector<16xf32>, vector<16xi1> -> vector<16xf32>
      %reduce_min3A_152 = vector.extract %reduce_min3A_151[15] : f32 from vector<16xf32>
      %add3A_153 = arith.addf %add3A_148, %reduce_min3A_152 : f32
      %add3A_154 = arith.addf %add3A_153, %squeeze3A_103 : f32
      %reduce_min3A_155 = arith.constant true
      %reduce_min3A_156 = vector.broadcast %reduce_min3A_155 : i1 to vector<16xi1>
      %reduce_min3A_157 = tpu.scan <min>, %scan3A_112#7 masked %reduce_min3A_156 : vector<16xf32>, vector<16xi1> -> vector<16xf32>
      %reduce_min3A_158 = vector.extract %reduce_min3A_157[15] : f32 from vector<16xf32>
      %add3A_159 = arith.addf %add3A_154, %reduce_min3A_158 : f32
      %add3A_160 = arith.addf %add3A_159, %squeeze3A_105 : f32
      %broadcast_in_dim3A_161 = arith.constant 0x7F800000 : f32
      %broadcast_in_dim3A_162 = vector.broadcast %broadcast_in_dim3A_161 : f32 to vector<16xf32>
      %scan3A_163 = arith.constant 128 : i32
      %scan3A_164 = arith.constant 128 : i32
      %scan3A_165 = arith.addi %scan3A_163, %scan3A_164 : i32
      %scan3A_166 = arith.constant 1 : i32
      %scan3A_167:8 = scf.for %scan3A_617 = %scan3A_163 to %scan3A_165 step %scan3A_166 iter_args(%scan3A_618 = %broadcast_in_dim3A_162, %scan3A_619 = %broadcast_in_dim3A_162, %scan3A_620 = %broadcast_in_dim3A_162, %scan3A_621 = %broadcast_in_dim3A_162, %scan3A_622 = %broadcast_in_dim3A_162, %scan3A_623 = %broadcast_in_dim3A_162, %scan3A_624 = %broadcast_in_dim3A_162, %scan3A_625 = %broadcast_in_dim3A_162) -> (vector<16xf32>, vector<16xf32>, vector<16xf32>, vector<16xf32>, vector<16xf32>, vector<16xf32>, vector<16xf32>, vector<16xf32>)  : i32 {
        %mul3A_626 = arith.constant 16 : i32
        %mul3A_627 = arith.muli %scan3A_617, %mul3A_626 : i32
        %get3A_628 = arith.index_cast %mul3A_627 : i32 to index
        %get3A_629 = tpu.vector_load %arg19[%get3A_628] {strides = array<i32>} : memref<8192xf32, #tpu.memory_space<vmem>>, vector<16xf32>,
        %get3A_630 = arith.index_cast %mul3A_627 : i32 to index
        %get3A_631 = tpu.vector_load %arg20[%get3A_630] {strides = array<i32>} : memref<8192xf32, #tpu.memory_space<vmem>>, vector<16xf32>,
        %get3A_632 = arith.index_cast %mul3A_627 : i32 to index
        %get3A_633 = tpu.vector_load %arg21[%get3A_632] {strides = array<i32>} : memref<8192xf32, #tpu.memory_space<vmem>>, vector<16xf32>,
        %get3A_634 = arith.index_cast %mul3A_627 : i32 to index
        %get3A_635 = tpu.vector_load %arg22[%get3A_634] {strides = array<i32>} : memref<8192xf32, #tpu.memory_space<vmem>>, vector<16xf32>,
        %mul3A_636 = vector.broadcast %squeeze3A : f32 to vector<16xf32>
        %mul3A_637 = arith.mulf %get3A_631, %mul3A_636 : vector<16xf32>
        %mul3A_638 = vector.broadcast %squeeze3A_59 : f32 to vector<16xf32>
        %mul3A_639 = arith.mulf %get3A_633, %mul3A_638 : vector<16xf32>
        %add3A_640 = arith.addf %mul3A_637, %mul3A_639 : vector<16xf32>
        %mul3A_641 = vector.broadcast %squeeze3A_75 : f32 to vector<16xf32>
        %mul3A_642 = arith.mulf %get3A_635, %mul3A_641 : vector<16xf32>
        %add3A_643 = arith.addf %add3A_640, %mul3A_642 : vector<16xf32>
        %add3A_644 = arith.addf %get3A_629, %add3A_643 : vector<16xf32>
        %min3A = arith.minimumf %scan3A_618, %add3A_644 : vector<16xf32>
        %mul3A_645 = vector.broadcast %squeeze3A_45 : f32 to vector<16xf32>
        %mul3A_646 = arith.mulf %get3A_631, %mul3A_645 : vector<16xf32>
        %mul3A_647 = vector.broadcast %squeeze3A_61 : f32 to vector<16xf32>
        %mul3A_648 = arith.mulf %get3A_633, %mul3A_647 : vector<16xf32>
        %add3A_649 = arith.addf %mul3A_646, %mul3A_648 : vector<16xf32>
        %mul3A_650 = vector.broadcast %squeeze3A_77 : f32 to vector<16xf32>
        %mul3A_651 = arith.mulf %get3A_635, %mul3A_650 : vector<16xf32>
        %add3A_652 = arith.addf %add3A_649, %mul3A_651 : vector<16xf32>
        %add3A_653 = arith.addf %get3A_629, %add3A_652 : vector<16xf32>
        %min3A_654 = arith.minimumf %scan3A_619, %add3A_653 : vector<16xf32>
        %mul3A_655 = vector.broadcast %squeeze3A_47 : f32 to vector<16xf32>
        %mul3A_656 = arith.mulf %get3A_631, %mul3A_655 : vector<16xf32>
        %mul3A_657 = vector.broadcast %squeeze3A_63 : f32 to vector<16xf32>
        %mul3A_658 = arith.mulf %get3A_633, %mul3A_657 : vector<16xf32>
        %add3A_659 = arith.addf %mul3A_656, %mul3A_658 : vector<16xf32>
        %mul3A_660 = vector.broadcast %squeeze3A_79 : f32 to vector<16xf32>
        %mul3A_661 = arith.mulf %get3A_635, %mul3A_660 : vector<16xf32>
        %add3A_662 = arith.addf %add3A_659, %mul3A_661 : vector<16xf32>
        %add3A_663 = arith.addf %get3A_629, %add3A_662 : vector<16xf32>
        %min3A_664 = arith.minimumf %scan3A_620, %add3A_663 : vector<16xf32>
        %mul3A_665 = vector.broadcast %squeeze3A_49 : f32 to vector<16xf32>
        %mul3A_666 = arith.mulf %get3A_631, %mul3A_665 : vector<16xf32>
        %mul3A_667 = vector.broadcast %squeeze3A_65 : f32 to vector<16xf32>
        %mul3A_668 = arith.mulf %get3A_633, %mul3A_667 : vector<16xf32>
        %add3A_669 = arith.addf %mul3A_666, %mul3A_668 : vector<16xf32>
        %mul3A_670 = vector.broadcast %squeeze3A_81 : f32 to vector<16xf32>
        %mul3A_671 = arith.mulf %get3A_635, %mul3A_670 : vector<16xf32>
        %add3A_672 = arith.addf %add3A_669, %mul3A_671 : vector<16xf32>
        %add3A_673 = arith.addf %get3A_629, %add3A_672 : vector<16xf32>
        %min3A_674 = arith.minimumf %scan3A_621, %add3A_673 : vector<16xf32>
        %mul3A_675 = vector.broadcast %squeeze3A_51 : f32 to vector<16xf32>
        %mul3A_676 = arith.mulf %get3A_631, %mul3A_675 : vector<16xf32>
        %mul3A_677 = vector.broadcast %squeeze3A_67 : f32 to vector<16xf32>
        %mul3A_678 = arith.mulf %get3A_633, %mul3A_677 : vector<16xf32>
        %add3A_679 = arith.addf %mul3A_676, %mul3A_678 : vector<16xf32>
        %mul3A_680 = vector.broadcast %squeeze3A_83 : f32 to vector<16xf32>
        %mul3A_681 = arith.mulf %get3A_635, %mul3A_680 : vector<16xf32>
        %add3A_682 = arith.addf %add3A_679, %mul3A_681 : vector<16xf32>
        %add3A_683 = arith.addf %get3A_629, %add3A_682 : vector<16xf32>
        %min3A_684 = arith.minimumf %scan3A_622, %add3A_683 : vector<16xf32>
        %mul3A_685 = vector.broadcast %squeeze3A_53 : f32 to vector<16xf32>
        %mul3A_686 = arith.mulf %get3A_631, %mul3A_685 : vector<16xf32>
        %mul3A_687 = vector.broadcast %squeeze3A_69 : f32 to vector<16xf32>
        %mul3A_688 = arith.mulf %get3A_633, %mul3A_687 : vector<16xf32>
        %add3A_689 = arith.addf %mul3A_686, %mul3A_688 : vector<16xf32>
        %mul3A_690 = vector.broadcast %squeeze3A_85 : f32 to vector<16xf32>
        %mul3A_691 = arith.mulf %get3A_635, %mul3A_690 : vector<16xf32>
        %add3A_692 = arith.addf %add3A_689, %mul3A_691 : vector<16xf32>
        %add3A_693 = arith.addf %get3A_629, %add3A_692 : vector<16xf32>
        %min3A_694 = arith.minimumf %scan3A_623, %add3A_693 : vector<16xf32>
        %mul3A_695 = vector.broadcast %squeeze3A_55 : f32 to vector<16xf32>
        %mul3A_696 = arith.mulf %get3A_631, %mul3A_695 : vector<16xf32>
        %mul3A_697 = vector.broadcast %squeeze3A_71 : f32 to vector<16xf32>
        %mul3A_698 = arith.mulf %get3A_633, %mul3A_697 : vector<16xf32>
        %add3A_699 = arith.addf %mul3A_696, %mul3A_698 : vector<16xf32>
        %mul3A_700 = vector.broadcast %squeeze3A_87 : f32 to vector<16xf32>
        %mul3A_701 = arith.mulf %get3A_635, %mul3A_700 : vector<16xf32>
        %add3A_702 = arith.addf %add3A_699, %mul3A_701 : vector<16xf32>
        %add3A_703 = arith.addf %get3A_629, %add3A_702 : vector<16xf32>
        %min3A_704 = arith.minimumf %scan3A_624, %add3A_703 : vector<16xf32>
        %mul3A_705 = vector.broadcast %squeeze3A_57 : f32 to vector<16xf32>
        %mul3A_706 = arith.mulf %get3A_631, %mul3A_705 : vector<16xf32>
        %mul3A_707 = vector.broadcast %squeeze3A_73 : f32 to vector<16xf32>
        %mul3A_708 = arith.mulf %get3A_633, %mul3A_707 : vector<16xf32>
        %add3A_709 = arith.addf %mul3A_706, %mul3A_708 : vector<16xf32>
        %mul3A_710 = vector.broadcast %squeeze3A_89 : f32 to vector<16xf32>
        %mul3A_711 = arith.mulf %get3A_635, %mul3A_710 : vector<16xf32>
        %add3A_712 = arith.addf %add3A_709, %mul3A_711 : vector<16xf32>
        %add3A_713 = arith.addf %get3A_629, %add3A_712 : vector<16xf32>
        %min3A_714 = arith.minimumf %scan3A_625, %add3A_713 : vector<16xf32>
        scf.yield %min3A, %min3A_654, %min3A_664, %min3A_674, %min3A_684, %min3A_694, %min3A_704, %min3A_714 : vector<16xf32>, vector<16xf32>, vector<16xf32>, vector<16xf32>, vector<16xf32>, vector<16xf32>, vector<16xf32>, vector<16xf32>
      }
      %scan3A_168 = arith.constant 128 : i32
      %reduce_min3A_169 = arith.constant true
      %reduce_min3A_170 = vector.broadcast %reduce_min3A_169 : i1 to vector<16xi1>
      %reduce_min3A_171 = tpu.scan <min>, %scan3A_167#0 masked %reduce_min3A_170 : vector<16xf32>, vector<16xi1> -> vector<16xf32>
      %reduce_min3A_172 = vector.extract %reduce_min3A_171[15] : f32 from vector<16xf32>
      %add3A_173 = arith.addf %add3A_160, %reduce_min3A_172 : f32
      %add3A_174 = arith.addf %add3A_173, %squeeze3A_91 : f32
      %reduce_min3A_175 = arith.constant true
      %reduce_min3A_176 = vector.broadcast %reduce_min3A_175 : i1 to vector<16xi1>
      %reduce_min3A_177 = tpu.scan <min>, %scan3A_167#1 masked %reduce_min3A_176 : vector<16xf32>, vector<16xi1> -> vector<16xf32>
      %reduce_min3A_178 = vector.extract %reduce_min3A_177[15] : f32 from vector<16xf32>
      %add3A_179 = arith.addf %add3A_174, %reduce_min3A_178 : f32
      %add3A_180 = arith.addf %add3A_179, %squeeze3A_93 : f32
      %reduce_min3A_181 = arith.constant true
      %reduce_min3A_182 = vector.broadcast %reduce_min3A_181 : i1 to vector<16xi1>
      %reduce_min3A_183 = tpu.scan <min>, %scan3A_167#2 masked %reduce_min3A_182 : vector<16xf32>, vector<16xi1> -> vector<16xf32>
      %reduce_min3A_184 = vector.extract %reduce_min3A_183[15] : f32 from vector<16xf32>
      %add3A_185 = arith.addf %add3A_180, %reduce_min3A_184 : f32
      %add3A_186 = arith.addf %add3A_185, %squeeze3A_95 : f32
      %reduce_min3A_187 = arith.constant true
      %reduce_min3A_188 = vector.broadcast %reduce_min3A_187 : i1 to vector<16xi1>
      %reduce_min3A_189 = tpu.scan <min>, %scan3A_167#3 masked %reduce_min3A_188 : vector<16xf32>, vector<16xi1> -> vector<16xf32>
      %reduce_min3A_190 = vector.extract %reduce_min3A_189[15] : f32 from vector<16xf32>
      %add3A_191 = arith.addf %add3A_186, %reduce_min3A_190 : f32
      %add3A_192 = arith.addf %add3A_191, %squeeze3A_97 : f32
      %reduce_min3A_193 = arith.constant true
      %reduce_min3A_194 = vector.broadcast %reduce_min3A_193 : i1 to vector<16xi1>
      %reduce_min3A_195 = tpu.scan <min>, %scan3A_167#4 masked %reduce_min3A_194 : vector<16xf32>, vector<16xi1> -> vector<16xf32>
      %reduce_min3A_196 = vector.extract %reduce_min3A_195[15] : f32 from vector<16xf32>
      %add3A_197 = arith.addf %add3A_192, %reduce_min3A_196 : f32
      %add3A_198 = arith.addf %add3A_197, %squeeze3A_99 : f32
      %reduce_min3A_199 = arith.constant true
      %reduce_min3A_200 = vector.broadcast %reduce_min3A_199 : i1 to vector<16xi1>
      %reduce_min3A_201 = tpu.scan <min>, %scan3A_167#5 masked %reduce_min3A_200 : vector<16xf32>, vector<16xi1> -> vector<16xf32>
      %reduce_min3A_202 = vector.extract %reduce_min3A_201[15] : f32 from vector<16xf32>
      %add3A_203 = arith.addf %add3A_198, %reduce_min3A_202 : f32
      %add3A_204 = arith.addf %add3A_203, %squeeze3A_101 : f32
      %reduce_min3A_205 = arith.constant true
      %reduce_min3A_206 = vector.broadcast %reduce_min3A_205 : i1 to vector<16xi1>
      %reduce_min3A_207 = tpu.scan <min>, %scan3A_167#6 masked %reduce_min3A_206 : vector<16xf32>, vector<16xi1> -> vector<16xf32>
      %reduce_min3A_208 = vector.extract %reduce_min3A_207[15] : f32 from vector<16xf32>
      %add3A_209 = arith.addf %add3A_204, %reduce_min3A_208 : f32
      %add3A_210 = arith.addf %add3A_209, %squeeze3A_103 : f32
      %reduce_min3A_211 = arith.constant true
      %reduce_min3A_212 = vector.broadcast %reduce_min3A_211 : i1 to vector<16xi1>
      %reduce_min3A_213 = tpu.scan <min>, %scan3A_167#7 masked %reduce_min3A_212 : vector<16xf32>, vector<16xi1> -> vector<16xf32>
      %reduce_min3A_214 = vector.extract %reduce_min3A_213[15] : f32 from vector<16xf32>
      %add3A_215 = arith.addf %add3A_210, %reduce_min3A_214 : f32
      %add3A_216 = arith.addf %add3A_215, %squeeze3A_105 : f32
      %broadcast_in_dim3A_217 = arith.constant 0x7F800000 : f32
      %broadcast_in_dim3A_218 = vector.broadcast %broadcast_in_dim3A_217 : f32 to vector<16xf32>
      %scan3A_219 = arith.constant 256 : i32
      %scan3A_220 = arith.constant 128 : i32
      %scan3A_221 = arith.addi %scan3A_219, %scan3A_220 : i32
      %scan3A_222 = arith.constant 1 : i32
      %scan3A_223:8 = scf.for %scan3A_617 = %scan3A_219 to %scan3A_221 step %scan3A_222 iter_args(%scan3A_618 = %broadcast_in_dim3A_218, %scan3A_619 = %broadcast_in_dim3A_218, %scan3A_620 = %broadcast_in_dim3A_218, %scan3A_621 = %broadcast_in_dim3A_218, %scan3A_622 = %broadcast_in_dim3A_218, %scan3A_623 = %broadcast_in_dim3A_218, %scan3A_624 = %broadcast_in_dim3A_218, %scan3A_625 = %broadcast_in_dim3A_218) -> (vector<16xf32>, vector<16xf32>, vector<16xf32>, vector<16xf32>, vector<16xf32>, vector<16xf32>, vector<16xf32>, vector<16xf32>)  : i32 {
        %mul3A_626 = arith.constant 16 : i32
        %mul3A_627 = arith.muli %scan3A_617, %mul3A_626 : i32
        %get3A_628 = arith.index_cast %mul3A_627 : i32 to index
        %get3A_629 = tpu.vector_load %arg19[%get3A_628] {strides = array<i32>} : memref<8192xf32, #tpu.memory_space<vmem>>, vector<16xf32>,
        %get3A_630 = arith.index_cast %mul3A_627 : i32 to index
        %get3A_631 = tpu.vector_load %arg20[%get3A_630] {strides = array<i32>} : memref<8192xf32, #tpu.memory_space<vmem>>, vector<16xf32>,
        %get3A_632 = arith.index_cast %mul3A_627 : i32 to index
        %get3A_633 = tpu.vector_load %arg21[%get3A_632] {strides = array<i32>} : memref<8192xf32, #tpu.memory_space<vmem>>, vector<16xf32>,
        %get3A_634 = arith.index_cast %mul3A_627 : i32 to index
        %get3A_635 = tpu.vector_load %arg22[%get3A_634] {strides = array<i32>} : memref<8192xf32, #tpu.memory_space<vmem>>, vector<16xf32>,
        %mul3A_636 = vector.broadcast %squeeze3A : f32 to vector<16xf32>
        %mul3A_637 = arith.mulf %get3A_631, %mul3A_636 : vector<16xf32>
        %mul3A_638 = vector.broadcast %squeeze3A_59 : f32 to vector<16xf32>
        %mul3A_639 = arith.mulf %get3A_633, %mul3A_638 : vector<16xf32>
        %add3A_640 = arith.addf %mul3A_637, %mul3A_639 : vector<16xf32>
        %mul3A_641 = vector.broadcast %squeeze3A_75 : f32 to vector<16xf32>
        %mul3A_642 = arith.mulf %get3A_635, %mul3A_641 : vector<16xf32>
        %add3A_643 = arith.addf %add3A_640, %mul3A_642 : vector<16xf32>
        %add3A_644 = arith.addf %get3A_629, %add3A_643 : vector<16xf32>
        %min3A = arith.minimumf %scan3A_618, %add3A_644 : vector<16xf32>
        %mul3A_645 = vector.broadcast %squeeze3A_45 : f32 to vector<16xf32>
        %mul3A_646 = arith.mulf %get3A_631, %mul3A_645 : vector<16xf32>
        %mul3A_647 = vector.broadcast %squeeze3A_61 : f32 to vector<16xf32>
        %mul3A_648 = arith.mulf %get3A_633, %mul3A_647 : vector<16xf32>
        %add3A_649 = arith.addf %mul3A_646, %mul3A_648 : vector<16xf32>
        %mul3A_650 = vector.broadcast %squeeze3A_77 : f32 to vector<16xf32>
        %mul3A_651 = arith.mulf %get3A_635, %mul3A_650 : vector<16xf32>
        %add3A_652 = arith.addf %add3A_649, %mul3A_651 : vector<16xf32>
        %add3A_653 = arith.addf %get3A_629, %add3A_652 : vector<16xf32>
        %min3A_654 = arith.minimumf %scan3A_619, %add3A_653 : vector<16xf32>
        %mul3A_655 = vector.broadcast %squeeze3A_47 : f32 to vector<16xf32>
        %mul3A_656 = arith.mulf %get3A_631, %mul3A_655 : vector<16xf32>
        %mul3A_657 = vector.broadcast %squeeze3A_63 : f32 to vector<16xf32>
        %mul3A_658 = arith.mulf %get3A_633, %mul3A_657 : vector<16xf32>
        %add3A_659 = arith.addf %mul3A_656, %mul3A_658 : vector<16xf32>
        %mul3A_660 = vector.broadcast %squeeze3A_79 : f32 to vector<16xf32>
        %mul3A_661 = arith.mulf %get3A_635, %mul3A_660 : vector<16xf32>
        %add3A_662 = arith.addf %add3A_659, %mul3A_661 : vector<16xf32>
        %add3A_663 = arith.addf %get3A_629, %add3A_662 : vector<16xf32>
        %min3A_664 = arith.minimumf %scan3A_620, %add3A_663 : vector<16xf32>
        %mul3A_665 = vector.broadcast %squeeze3A_49 : f32 to vector<16xf32>
        %mul3A_666 = arith.mulf %get3A_631, %mul3A_665 : vector<16xf32>
        %mul3A_667 = vector.broadcast %squeeze3A_65 : f32 to vector<16xf32>
        %mul3A_668 = arith.mulf %get3A_633, %mul3A_667 : vector<16xf32>
        %add3A_669 = arith.addf %mul3A_666, %mul3A_668 : vector<16xf32>
        %mul3A_670 = vector.broadcast %squeeze3A_81 : f32 to vector<16xf32>
        %mul3A_671 = arith.mulf %get3A_635, %mul3A_670 : vector<16xf32>
        %add3A_672 = arith.addf %add3A_669, %mul3A_671 : vector<16xf32>
        %add3A_673 = arith.addf %get3A_629, %add3A_672 : vector<16xf32>
        %min3A_674 = arith.minimumf %scan3A_621, %add3A_673 : vector<16xf32>
        %mul3A_675 = vector.broadcast %squeeze3A_51 : f32 to vector<16xf32>
        %mul3A_676 = arith.mulf %get3A_631, %mul3A_675 : vector<16xf32>
        %mul3A_677 = vector.broadcast %squeeze3A_67 : f32 to vector<16xf32>
        %mul3A_678 = arith.mulf %get3A_633, %mul3A_677 : vector<16xf32>
        %add3A_679 = arith.addf %mul3A_676, %mul3A_678 : vector<16xf32>
        %mul3A_680 = vector.broadcast %squeeze3A_83 : f32 to vector<16xf32>
        %mul3A_681 = arith.mulf %get3A_635, %mul3A_680 : vector<16xf32>
        %add3A_682 = arith.addf %add3A_679, %mul3A_681 : vector<16xf32>
        %add3A_683 = arith.addf %get3A_629, %add3A_682 : vector<16xf32>
        %min3A_684 = arith.minimumf %scan3A_622, %add3A_683 : vector<16xf32>
        %mul3A_685 = vector.broadcast %squeeze3A_53 : f32 to vector<16xf32>
        %mul3A_686 = arith.mulf %get3A_631, %mul3A_685 : vector<16xf32>
        %mul3A_687 = vector.broadcast %squeeze3A_69 : f32 to vector<16xf32>
        %mul3A_688 = arith.mulf %get3A_633, %mul3A_687 : vector<16xf32>
        %add3A_689 = arith.addf %mul3A_686, %mul3A_688 : vector<16xf32>
        %mul3A_690 = vector.broadcast %squeeze3A_85 : f32 to vector<16xf32>
        %mul3A_691 = arith.mulf %get3A_635, %mul3A_690 : vector<16xf32>
        %add3A_692 = arith.addf %add3A_689, %mul3A_691 : vector<16xf32>
        %add3A_693 = arith.addf %get3A_629, %add3A_692 : vector<16xf32>
        %min3A_694 = arith.minimumf %scan3A_623, %add3A_693 : vector<16xf32>
        %mul3A_695 = vector.broadcast %squeeze3A_55 : f32 to vector<16xf32>
        %mul3A_696 = arith.mulf %get3A_631, %mul3A_695 : vector<16xf32>
        %mul3A_697 = vector.broadcast %squeeze3A_71 : f32 to vector<16xf32>
        %mul3A_698 = arith.mulf %get3A_633, %mul3A_697 : vector<16xf32>
        %add3A_699 = arith.addf %mul3A_696, %mul3A_698 : vector<16xf32>
        %mul3A_700 = vector.broadcast %squeeze3A_87 : f32 to vector<16xf32>
        %mul3A_701 = arith.mulf %get3A_635, %mul3A_700 : vector<16xf32>
        %add3A_702 = arith.addf %add3A_699, %mul3A_701 : vector<16xf32>
        %add3A_703 = arith.addf %get3A_629, %add3A_702 : vector<16xf32>
        %min3A_704 = arith.minimumf %scan3A_624, %add3A_703 : vector<16xf32>
        %mul3A_705 = vector.broadcast %squeeze3A_57 : f32 to vector<16xf32>
        %mul3A_706 = arith.mulf %get3A_631, %mul3A_705 : vector<16xf32>
        %mul3A_707 = vector.broadcast %squeeze3A_73 : f32 to vector<16xf32>
        %mul3A_708 = arith.mulf %get3A_633, %mul3A_707 : vector<16xf32>
        %add3A_709 = arith.addf %mul3A_706, %mul3A_708 : vector<16xf32>
        %mul3A_710 = vector.broadcast %squeeze3A_89 : f32 to vector<16xf32>
        %mul3A_711 = arith.mulf %get3A_635, %mul3A_710 : vector<16xf32>
        %add3A_712 = arith.addf %add3A_709, %mul3A_711 : vector<16xf32>
        %add3A_713 = arith.addf %get3A_629, %add3A_712 : vector<16xf32>
        %min3A_714 = arith.minimumf %scan3A_625, %add3A_713 : vector<16xf32>
        scf.yield %min3A, %min3A_654, %min3A_664, %min3A_674, %min3A_684, %min3A_694, %min3A_704, %min3A_714 : vector<16xf32>, vector<16xf32>, vector<16xf32>, vector<16xf32>, vector<16xf32>, vector<16xf32>, vector<16xf32>, vector<16xf32>
      }
      %scan3A_224 = arith.constant 128 : i32
      %reduce_min3A_225 = arith.constant true
      %reduce_min3A_226 = vector.broadcast %reduce_min3A_225 : i1 to vector<16xi1>
      %reduce_min3A_227 = tpu.scan <min>, %scan3A_223#0 masked %reduce_min3A_226 : vector<16xf32>, vector<16xi1> -> vector<16xf32>
      %reduce_min3A_228 = vector.extract %reduce_min3A_227[15] : f32 from vector<16xf32>
      %add3A_229 = arith.addf %add3A_216, %reduce_min3A_228 : f32
      %add3A_230 = arith.addf %add3A_229, %squeeze3A_91 : f32
      %reduce_min3A_231 = arith.constant true
      %reduce_min3A_232 = vector.broadcast %reduce_min3A_231 : i1 to vector<16xi1>
      %reduce_min3A_233 = tpu.scan <min>, %scan3A_223#1 masked %reduce_min3A_232 : vector<16xf32>, vector<16xi1> -> vector<16xf32>
      %reduce_min3A_234 = vector.extract %reduce_min3A_233[15] : f32 from vector<16xf32>
      %add3A_235 = arith.addf %add3A_230, %reduce_min3A_234 : f32
      %add3A_236 = arith.addf %add3A_235, %squeeze3A_93 : f32
      %reduce_min3A_237 = arith.constant true
      %reduce_min3A_238 = vector.broadcast %reduce_min3A_237 : i1 to vector<16xi1>
      %reduce_min3A_239 = tpu.scan <min>, %scan3A_223#2 masked %reduce_min3A_238 : vector<16xf32>, vector<16xi1> -> vector<16xf32>
      %reduce_min3A_240 = vector.extract %reduce_min3A_239[15] : f32 from vector<16xf32>
      %add3A_241 = arith.addf %add3A_236, %reduce_min3A_240 : f32
      %add3A_242 = arith.addf %add3A_241, %squeeze3A_95 : f32
      %reduce_min3A_243 = arith.constant true
      %reduce_min3A_244 = vector.broadcast %reduce_min3A_243 : i1 to vector<16xi1>
      %reduce_min3A_245 = tpu.scan <min>, %scan3A_223#3 masked %reduce_min3A_244 : vector<16xf32>, vector<16xi1> -> vector<16xf32>
      %reduce_min3A_246 = vector.extract %reduce_min3A_245[15] : f32 from vector<16xf32>
      %add3A_247 = arith.addf %add3A_242, %reduce_min3A_246 : f32
      %add3A_248 = arith.addf %add3A_247, %squeeze3A_97 : f32
      %reduce_min3A_249 = arith.constant true
      %reduce_min3A_250 = vector.broadcast %reduce_min3A_249 : i1 to vector<16xi1>
      %reduce_min3A_251 = tpu.scan <min>, %scan3A_223#4 masked %reduce_min3A_250 : vector<16xf32>, vector<16xi1> -> vector<16xf32>
      %reduce_min3A_252 = vector.extract %reduce_min3A_251[15] : f32 from vector<16xf32>
      %add3A_253 = arith.addf %add3A_248, %reduce_min3A_252 : f32
      %add3A_254 = arith.addf %add3A_253, %squeeze3A_99 : f32
      %reduce_min3A_255 = arith.constant true
      %reduce_min3A_256 = vector.broadcast %reduce_min3A_255 : i1 to vector<16xi1>
      %reduce_min3A_257 = tpu.scan <min>, %scan3A_223#5 masked %reduce_min3A_256 : vector<16xf32>, vector<16xi1> -> vector<16xf32>
      %reduce_min3A_258 = vector.extract %reduce_min3A_257[15] : f32 from vector<16xf32>
      %add3A_259 = arith.addf %add3A_254, %reduce_min3A_258 : f32
      %add3A_260 = arith.addf %add3A_259, %squeeze3A_101 : f32
      %reduce_min3A_261 = arith.constant true
      %reduce_min3A_262 = vector.broadcast %reduce_min3A_261 : i1 to vector<16xi1>
      %reduce_min3A_263 = tpu.scan <min>, %scan3A_223#6 masked %reduce_min3A_262 : vector<16xf32>, vector<16xi1> -> vector<16xf32>
      %reduce_min3A_264 = vector.extract %reduce_min3A_263[15] : f32 from vector<16xf32>
      %add3A_265 = arith.addf %add3A_260, %reduce_min3A_264 : f32
      %add3A_266 = arith.addf %add3A_265, %squeeze3A_103 : f32
      %reduce_min3A_267 = arith.constant true
      %reduce_min3A_268 = vector.broadcast %reduce_min3A_267 : i1 to vector<16xi1>
      %reduce_min3A_269 = tpu.scan <min>, %scan3A_223#7 masked %reduce_min3A_268 : vector<16xf32>, vector<16xi1> -> vector<16xf32>
      %reduce_min3A_270 = vector.extract %reduce_min3A_269[15] : f32 from vector<16xf32>
      %add3A_271 = arith.addf %add3A_266, %reduce_min3A_270 : f32
      %add3A_272 = arith.addf %add3A_271, %squeeze3A_105 : f32
      %broadcast_in_dim3A_273 = arith.constant 0x7F800000 : f32
      %broadcast_in_dim3A_274 = vector.broadcast %broadcast_in_dim3A_273 : f32 to vector<16xf32>
      %scan3A_275 = arith.constant 384 : i32
      %scan3A_276 = arith.constant 128 : i32
      %scan3A_277 = arith.addi %scan3A_275, %scan3A_276 : i32
      %scan3A_278 = arith.constant 1 : i32
      %scan3A_279:8 = scf.for %scan3A_617 = %scan3A_275 to %scan3A_277 step %scan3A_278 iter_args(%scan3A_618 = %broadcast_in_dim3A_274, %scan3A_619 = %broadcast_in_dim3A_274, %scan3A_620 = %broadcast_in_dim3A_274, %scan3A_621 = %broadcast_in_dim3A_274, %scan3A_622 = %broadcast_in_dim3A_274, %scan3A_623 = %broadcast_in_dim3A_274, %scan3A_624 = %broadcast_in_dim3A_274, %scan3A_625 = %broadcast_in_dim3A_274) -> (vector<16xf32>, vector<16xf32>, vector<16xf32>, vector<16xf32>, vector<16xf32>, vector<16xf32>, vector<16xf32>, vector<16xf32>)  : i32 {
        %mul3A_626 = arith.constant 16 : i32
        %mul3A_627 = arith.muli %scan3A_617, %mul3A_626 : i32
        %get3A_628 = arith.index_cast %mul3A_627 : i32 to index
        %get3A_629 = tpu.vector_load %arg19[%get3A_628] {strides = array<i32>} : memref<8192xf32, #tpu.memory_space<vmem>>, vector<16xf32>,
        %get3A_630 = arith.index_cast %mul3A_627 : i32 to index
        %get3A_631 = tpu.vector_load %arg20[%get3A_630] {strides = array<i32>} : memref<8192xf32, #tpu.memory_space<vmem>>, vector<16xf32>,
        %get3A_632 = arith.index_cast %mul3A_627 : i32 to index
        %get3A_633 = tpu.vector_load %arg21[%get3A_632] {strides = array<i32>} : memref<8192xf32, #tpu.memory_space<vmem>>, vector<16xf32>,
        %get3A_634 = arith.index_cast %mul3A_627 : i32 to index
        %get3A_635 = tpu.vector_load %arg22[%get3A_634] {strides = array<i32>} : memref<8192xf32, #tpu.memory_space<vmem>>, vector<16xf32>,
        %mul3A_636 = vector.broadcast %squeeze3A : f32 to vector<16xf32>
        %mul3A_637 = arith.mulf %get3A_631, %mul3A_636 : vector<16xf32>
        %mul3A_638 = vector.broadcast %squeeze3A_59 : f32 to vector<16xf32>
        %mul3A_639 = arith.mulf %get3A_633, %mul3A_638 : vector<16xf32>
        %add3A_640 = arith.addf %mul3A_637, %mul3A_639 : vector<16xf32>
        %mul3A_641 = vector.broadcast %squeeze3A_75 : f32 to vector<16xf32>
        %mul3A_642 = arith.mulf %get3A_635, %mul3A_641 : vector<16xf32>
        %add3A_643 = arith.addf %add3A_640, %mul3A_642 : vector<16xf32>
        %add3A_644 = arith.addf %get3A_629, %add3A_643 : vector<16xf32>
        %min3A = arith.minimumf %scan3A_618, %add3A_644 : vector<16xf32>
        %mul3A_645 = vector.broadcast %squeeze3A_45 : f32 to vector<16xf32>
        %mul3A_646 = arith.mulf %get3A_631, %mul3A_645 : vector<16xf32>
        %mul3A_647 = vector.broadcast %squeeze3A_61 : f32 to vector<16xf32>
        %mul3A_648 = arith.mulf %get3A_633, %mul3A_647 : vector<16xf32>
        %add3A_649 = arith.addf %mul3A_646, %mul3A_648 : vector<16xf32>
        %mul3A_650 = vector.broadcast %squeeze3A_77 : f32 to vector<16xf32>
        %mul3A_651 = arith.mulf %get3A_635, %mul3A_650 : vector<16xf32>
        %add3A_652 = arith.addf %add3A_649, %mul3A_651 : vector<16xf32>
        %add3A_653 = arith.addf %get3A_629, %add3A_652 : vector<16xf32>
        %min3A_654 = arith.minimumf %scan3A_619, %add3A_653 : vector<16xf32>
        %mul3A_655 = vector.broadcast %squeeze3A_47 : f32 to vector<16xf32>
        %mul3A_656 = arith.mulf %get3A_631, %mul3A_655 : vector<16xf32>
        %mul3A_657 = vector.broadcast %squeeze3A_63 : f32 to vector<16xf32>
        %mul3A_658 = arith.mulf %get3A_633, %mul3A_657 : vector<16xf32>
        %add3A_659 = arith.addf %mul3A_656, %mul3A_658 : vector<16xf32>
        %mul3A_660 = vector.broadcast %squeeze3A_79 : f32 to vector<16xf32>
        %mul3A_661 = arith.mulf %get3A_635, %mul3A_660 : vector<16xf32>
        %add3A_662 = arith.addf %add3A_659, %mul3A_661 : vector<16xf32>
        %add3A_663 = arith.addf %get3A_629, %add3A_662 : vector<16xf32>
        %min3A_664 = arith.minimumf %scan3A_620, %add3A_663 : vector<16xf32>
        %mul3A_665 = vector.broadcast %squeeze3A_49 : f32 to vector<16xf32>
        %mul3A_666 = arith.mulf %get3A_631, %mul3A_665 : vector<16xf32>
        %mul3A_667 = vector.broadcast %squeeze3A_65 : f32 to vector<16xf32>
        %mul3A_668 = arith.mulf %get3A_633, %mul3A_667 : vector<16xf32>
        %add3A_669 = arith.addf %mul3A_666, %mul3A_668 : vector<16xf32>
        %mul3A_670 = vector.broadcast %squeeze3A_81 : f32 to vector<16xf32>
        %mul3A_671 = arith.mulf %get3A_635, %mul3A_670 : vector<16xf32>
        %add3A_672 = arith.addf %add3A_669, %mul3A_671 : vector<16xf32>
        %add3A_673 = arith.addf %get3A_629, %add3A_672 : vector<16xf32>
        %min3A_674 = arith.minimumf %scan3A_621, %add3A_673 : vector<16xf32>
        %mul3A_675 = vector.broadcast %squeeze3A_51 : f32 to vector<16xf32>
        %mul3A_676 = arith.mulf %get3A_631, %mul3A_675 : vector<16xf32>
        %mul3A_677 = vector.broadcast %squeeze3A_67 : f32 to vector<16xf32>
        %mul3A_678 = arith.mulf %get3A_633, %mul3A_677 : vector<16xf32>
        %add3A_679 = arith.addf %mul3A_676, %mul3A_678 : vector<16xf32>
        %mul3A_680 = vector.broadcast %squeeze3A_83 : f32 to vector<16xf32>
        %mul3A_681 = arith.mulf %get3A_635, %mul3A_680 : vector<16xf32>
        %add3A_682 = arith.addf %add3A_679, %mul3A_681 : vector<16xf32>
        %add3A_683 = arith.addf %get3A_629, %add3A_682 : vector<16xf32>
        %min3A_684 = arith.minimumf %scan3A_622, %add3A_683 : vector<16xf32>
        %mul3A_685 = vector.broadcast %squeeze3A_53 : f32 to vector<16xf32>
        %mul3A_686 = arith.mulf %get3A_631, %mul3A_685 : vector<16xf32>
        %mul3A_687 = vector.broadcast %squeeze3A_69 : f32 to vector<16xf32>
        %mul3A_688 = arith.mulf %get3A_633, %mul3A_687 : vector<16xf32>
        %add3A_689 = arith.addf %mul3A_686, %mul3A_688 : vector<16xf32>
        %mul3A_690 = vector.broadcast %squeeze3A_85 : f32 to vector<16xf32>
        %mul3A_691 = arith.mulf %get3A_635, %mul3A_690 : vector<16xf32>
        %add3A_692 = arith.addf %add3A_689, %mul3A_691 : vector<16xf32>
        %add3A_693 = arith.addf %get3A_629, %add3A_692 : vector<16xf32>
        %min3A_694 = arith.minimumf %scan3A_623, %add3A_693 : vector<16xf32>
        %mul3A_695 = vector.broadcast %squeeze3A_55 : f32 to vector<16xf32>
        %mul3A_696 = arith.mulf %get3A_631, %mul3A_695 : vector<16xf32>
        %mul3A_697 = vector.broadcast %squeeze3A_71 : f32 to vector<16xf32>
        %mul3A_698 = arith.mulf %get3A_633, %mul3A_697 : vector<16xf32>
        %add3A_699 = arith.addf %mul3A_696, %mul3A_698 : vector<16xf32>
        %mul3A_700 = vector.broadcast %squeeze3A_87 : f32 to vector<16xf32>
        %mul3A_701 = arith.mulf %get3A_635, %mul3A_700 : vector<16xf32>
        %add3A_702 = arith.addf %add3A_699, %mul3A_701 : vector<16xf32>
        %add3A_703 = arith.addf %get3A_629, %add3A_702 : vector<16xf32>
        %min3A_704 = arith.minimumf %scan3A_624, %add3A_703 : vector<16xf32>
        %mul3A_705 = vector.broadcast %squeeze3A_57 : f32 to vector<16xf32>
        %mul3A_706 = arith.mulf %get3A_631, %mul3A_705 : vector<16xf32>
        %mul3A_707 = vector.broadcast %squeeze3A_73 : f32 to vector<16xf32>
        %mul3A_708 = arith.mulf %get3A_633, %mul3A_707 : vector<16xf32>
        %add3A_709 = arith.addf %mul3A_706, %mul3A_708 : vector<16xf32>
        %mul3A_710 = vector.broadcast %squeeze3A_89 : f32 to vector<16xf32>
        %mul3A_711 = arith.mulf %get3A_635, %mul3A_710 : vector<16xf32>
        %add3A_712 = arith.addf %add3A_709, %mul3A_711 : vector<16xf32>
        %add3A_713 = arith.addf %get3A_629, %add3A_712 : vector<16xf32>
        %min3A_714 = arith.minimumf %scan3A_625, %add3A_713 : vector<16xf32>
        scf.yield %min3A, %min3A_654, %min3A_664, %min3A_674, %min3A_684, %min3A_694, %min3A_704, %min3A_714 : vector<16xf32>, vector<16xf32>, vector<16xf32>, vector<16xf32>, vector<16xf32>, vector<16xf32>, vector<16xf32>, vector<16xf32>
      }
      %scan3A_280 = arith.constant 128 : i32
      %reduce_min3A_281 = arith.constant true
      %reduce_min3A_282 = vector.broadcast %reduce_min3A_281 : i1 to vector<16xi1>
      %reduce_min3A_283 = tpu.scan <min>, %scan3A_279#0 masked %reduce_min3A_282 : vector<16xf32>, vector<16xi1> -> vector<16xf32>
      %reduce_min3A_284 = vector.extract %reduce_min3A_283[15] : f32 from vector<16xf32>
      %add3A_285 = arith.addf %add3A_272, %reduce_min3A_284 : f32
      %add3A_286 = arith.addf %add3A_285, %squeeze3A_91 : f32
      %reduce_min3A_287 = arith.constant true
      %reduce_min3A_288 = vector.broadcast %reduce_min3A_287 : i1 to vector<16xi1>
      %reduce_min3A_289 = tpu.scan <min>, %scan3A_279#1 masked %reduce_min3A_288 : vector<16xf32>, vector<16xi1> -> vector<16xf32>
      %reduce_min3A_290 = vector.extract %reduce_min3A_289[15] : f32 from vector<16xf32>
      %add3A_291 = arith.addf %add3A_286, %reduce_min3A_290 : f32
      %add3A_292 = arith.addf %add3A_291, %squeeze3A_93 : f32
      %reduce_min3A_293 = arith.constant true
      %reduce_min3A_294 = vector.broadcast %reduce_min3A_293 : i1 to vector<16xi1>
      %reduce_min3A_295 = tpu.scan <min>, %scan3A_279#2 masked %reduce_min3A_294 : vector<16xf32>, vector<16xi1> -> vector<16xf32>
      %reduce_min3A_296 = vector.extract %reduce_min3A_295[15] : f32 from vector<16xf32>
      %add3A_297 = arith.addf %add3A_292, %reduce_min3A_296 : f32
      %add3A_298 = arith.addf %add3A_297, %squeeze3A_95 : f32
      %reduce_min3A_299 = arith.constant true
      %reduce_min3A_300 = vector.broadcast %reduce_min3A_299 : i1 to vector<16xi1>
      %reduce_min3A_301 = tpu.scan <min>, %scan3A_279#3 masked %reduce_min3A_300 : vector<16xf32>, vector<16xi1> -> vector<16xf32>
      %reduce_min3A_302 = vector.extract %reduce_min3A_301[15] : f32 from vector<16xf32>
      %add3A_303 = arith.addf %add3A_298, %reduce_min3A_302 : f32
      %add3A_304 = arith.addf %add3A_303, %squeeze3A_97 : f32
      %reduce_min3A_305 = arith.constant true
      %reduce_min3A_306 = vector.broadcast %reduce_min3A_305 : i1 to vector<16xi1>
      %reduce_min3A_307 = tpu.scan <min>, %scan3A_279#4 masked %reduce_min3A_306 : vector<16xf32>, vector<16xi1> -> vector<16xf32>
      %reduce_min3A_308 = vector.extract %reduce_min3A_307[15] : f32 from vector<16xf32>
      %add3A_309 = arith.addf %add3A_304, %reduce_min3A_308 : f32
      %add3A_310 = arith.addf %add3A_309, %squeeze3A_99 : f32
      %reduce_min3A_311 = arith.constant true
      %reduce_min3A_312 = vector.broadcast %reduce_min3A_311 : i1 to vector<16xi1>
      %reduce_min3A_313 = tpu.scan <min>, %scan3A_279#5 masked %reduce_min3A_312 : vector<16xf32>, vector<16xi1> -> vector<16xf32>
      %reduce_min3A_314 = vector.extract %reduce_min3A_313[15] : f32 from vector<16xf32>
      %add3A_315 = arith.addf %add3A_310, %reduce_min3A_314 : f32
      %add3A_316 = arith.addf %add3A_315, %squeeze3A_101 : f32
      %reduce_min3A_317 = arith.constant true
      %reduce_min3A_318 = vector.broadcast %reduce_min3A_317 : i1 to vector<16xi1>
      %reduce_min3A_319 = tpu.scan <min>, %scan3A_279#6 masked %reduce_min3A_318 : vector<16xf32>, vector<16xi1> -> vector<16xf32>
      %reduce_min3A_320 = vector.extract %reduce_min3A_319[15] : f32 from vector<16xf32>
      %add3A_321 = arith.addf %add3A_316, %reduce_min3A_320 : f32
      %add3A_322 = arith.addf %add3A_321, %squeeze3A_103 : f32
      %reduce_min3A_323 = arith.constant true
      %reduce_min3A_324 = vector.broadcast %reduce_min3A_323 : i1 to vector<16xi1>
      %reduce_min3A_325 = tpu.scan <min>, %scan3A_279#7 masked %reduce_min3A_324 : vector<16xf32>, vector<16xi1> -> vector<16xf32>
      %reduce_min3A_326 = vector.extract %reduce_min3A_325[15] : f32 from vector<16xf32>
      %add3A_327 = arith.addf %add3A_322, %reduce_min3A_326 : f32
      %add3A_328 = arith.addf %add3A_327, %squeeze3A_105 : f32
      %slice3A_329 = vector.extract_strided_slice %get3A_37 {offsets = [8], sizes = [1], strides = [1]} : vector<16xf32> to vector<1xf32>
      %squeeze3A_330 = vector.extract %slice3A_329[0] : f32 from vector<1xf32>
      %slice3A_331 = vector.extract_strided_slice %get3A_37 {offsets = [9], sizes = [1], strides = [1]} : vector<16xf32> to vector<1xf32>
      %squeeze3A_332 = vector.extract %slice3A_331[0] : f32 from vector<1xf32>
      %slice3A_333 = vector.extract_strided_slice %get3A_37 {offsets = [10], sizes = [1], strides = [1]} : vector<16xf32> to vector<1xf32>
      %squeeze3A_334 = vector.extract %slice3A_333[0] : f32 from vector<1xf32>
      %slice3A_335 = vector.extract_strided_slice %get3A_37 {offsets = [11], sizes = [1], strides = [1]} : vector<16xf32> to vector<1xf32>
      %squeeze3A_336 = vector.extract %slice3A_335[0] : f32 from vector<1xf32>
      %slice3A_337 = vector.extract_strided_slice %get3A_37 {offsets = [12], sizes = [1], strides = [1]} : vector<16xf32> to vector<1xf32>
      %squeeze3A_338 = vector.extract %slice3A_337[0] : f32 from vector<1xf32>
      %slice3A_339 = vector.extract_strided_slice %get3A_37 {offsets = [13], sizes = [1], strides = [1]} : vector<16xf32> to vector<1xf32>
      %squeeze3A_340 = vector.extract %slice3A_339[0] : f32 from vector<1xf32>
      %slice3A_341 = vector.extract_strided_slice %get3A_37 {offsets = [14], sizes = [1], strides = [1]} : vector<16xf32> to vector<1xf32>
      %squeeze3A_342 = vector.extract %slice3A_341[0] : f32 from vector<1xf32>
      %slice3A_343 = vector.extract_strided_slice %get3A_37 {offsets = [15], sizes = [1], strides = [1]} : vector<16xf32> to vector<1xf32>
      %squeeze3A_344 = vector.extract %slice3A_343[0] : f32 from vector<1xf32>
      %slice3A_345 = vector.extract_strided_slice %get3A_39 {offsets = [8], sizes = [1], strides = [1]} : vector<16xf32> to vector<1xf32>
      %squeeze3A_346 = vector.extract %slice3A_345[0] : f32 from vector<1xf32>
      %slice3A_347 = vector.extract_strided_slice %get3A_39 {offsets = [9], sizes = [1], strides = [1]} : vector<16xf32> to vector<1xf32>
      %squeeze3A_348 = vector.extract %slice3A_347[0] : f32 from vector<1xf32>
      %slice3A_349 = vector.extract_strided_slice %get3A_39 {offsets = [10], sizes = [1], strides = [1]} : vector<16xf32> to vector<1xf32>
      %squeeze3A_350 = vector.extract %slice3A_349[0] : f32 from vector<1xf32>
      %slice3A_351 = vector.extract_strided_slice %get3A_39 {offsets = [11], sizes = [1], strides = [1]} : vector<16xf32> to vector<1xf32>
      %squeeze3A_352 = vector.extract %slice3A_351[0] : f32 from vector<1xf32>
      %slice3A_353 = vector.extract_strided_slice %get3A_39 {offsets = [12], sizes = [1], strides = [1]} : vector<16xf32> to vector<1xf32>
      %squeeze3A_354 = vector.extract %slice3A_353[0] : f32 from vector<1xf32>
      %slice3A_355 = vector.extract_strided_slice %get3A_39 {offsets = [13], sizes = [1], strides = [1]} : vector<16xf32> to vector<1xf32>
      %squeeze3A_356 = vector.extract %slice3A_355[0] : f32 from vector<1xf32>
      %slice3A_357 = vector.extract_strided_slice %get3A_39 {offsets = [14], sizes = [1], strides = [1]} : vector<16xf32> to vector<1xf32>
      %squeeze3A_358 = vector.extract %slice3A_357[0] : f32 from vector<1xf32>
      %slice3A_359 = vector.extract_strided_slice %get3A_39 {offsets = [15], sizes = [1], strides = [1]} : vector<16xf32> to vector<1xf32>
      %squeeze3A_360 = vector.extract %slice3A_359[0] : f32 from vector<1xf32>
      %slice3A_361 = vector.extract_strided_slice %get3A_41 {offsets = [8], sizes = [1], strides = [1]} : vector<16xf32> to vector<1xf32>
      %squeeze3A_362 = vector.extract %slice3A_361[0] : f32 from vector<1xf32>
      %slice3A_363 = vector.extract_strided_slice %get3A_41 {offsets = [9], sizes = [1], strides = [1]} : vector<16xf32> to vector<1xf32>
      %squeeze3A_364 = vector.extract %slice3A_363[0] : f32 from vector<1xf32>
      %slice3A_365 = vector.extract_strided_slice %get3A_41 {offsets = [10], sizes = [1], strides = [1]} : vector<16xf32> to vector<1xf32>
      %squeeze3A_366 = vector.extract %slice3A_365[0] : f32 from vector<1xf32>
      %slice3A_367 = vector.extract_strided_slice %get3A_41 {offsets = [11], sizes = [1], strides = [1]} : vector<16xf32> to vector<1xf32>
      %squeeze3A_368 = vector.extract %slice3A_367[0] : f32 from vector<1xf32>
      %slice3A_369 = vector.extract_strided_slice %get3A_41 {offsets = [12], sizes = [1], strides = [1]} : vector<16xf32> to vector<1xf32>
      %squeeze3A_370 = vector.extract %slice3A_369[0] : f32 from vector<1xf32>
      %slice3A_371 = vector.extract_strided_slice %get3A_41 {offsets = [13], sizes = [1], strides = [1]} : vector<16xf32> to vector<1xf32>
      %squeeze3A_372 = vector.extract %slice3A_371[0] : f32 from vector<1xf32>
      %slice3A_373 = vector.extract_strided_slice %get3A_41 {offsets = [14], sizes = [1], strides = [1]} : vector<16xf32> to vector<1xf32>
      %squeeze3A_374 = vector.extract %slice3A_373[0] : f32 from vector<1xf32>
      %slice3A_375 = vector.extract_strided_slice %get3A_41 {offsets = [15], sizes = [1], strides = [1]} : vector<16xf32> to vector<1xf32>
      %squeeze3A_376 = vector.extract %slice3A_375[0] : f32 from vector<1xf32>
      %slice3A_377 = vector.extract_strided_slice %get3A_43 {offsets = [8], sizes = [1], strides = [1]} : vector<16xf32> to vector<1xf32>
      %squeeze3A_378 = vector.extract %slice3A_377[0] : f32 from vector<1xf32>
      %slice3A_379 = vector.extract_strided_slice %get3A_43 {offsets = [9], sizes = [1], strides = [1]} : vector<16xf32> to vector<1xf32>
      %squeeze3A_380 = vector.extract %slice3A_379[0] : f32 from vector<1xf32>
      %slice3A_381 = vector.extract_strided_slice %get3A_43 {offsets = [10], sizes = [1], strides = [1]} : vector<16xf32> to vector<1xf32>
      %squeeze3A_382 = vector.extract %slice3A_381[0] : f32 from vector<1xf32>
      %slice3A_383 = vector.extract_strided_slice %get3A_43 {offsets = [11], sizes = [1], strides = [1]} : vector<16xf32> to vector<1xf32>
      %squeeze3A_384 = vector.extract %slice3A_383[0] : f32 from vector<1xf32>
      %slice3A_385 = vector.extract_strided_slice %get3A_43 {offsets = [12], sizes = [1], strides = [1]} : vector<16xf32> to vector<1xf32>
      %squeeze3A_386 = vector.extract %slice3A_385[0] : f32 from vector<1xf32>
      %slice3A_387 = vector.extract_strided_slice %get3A_43 {offsets = [13], sizes = [1], strides = [1]} : vector<16xf32> to vector<1xf32>
      %squeeze3A_388 = vector.extract %slice3A_387[0] : f32 from vector<1xf32>
      %slice3A_389 = vector.extract_strided_slice %get3A_43 {offsets = [14], sizes = [1], strides = [1]} : vector<16xf32> to vector<1xf32>
      %squeeze3A_390 = vector.extract %slice3A_389[0] : f32 from vector<1xf32>
      %slice3A_391 = vector.extract_strided_slice %get3A_43 {offsets = [15], sizes = [1], strides = [1]} : vector<16xf32> to vector<1xf32>
      %squeeze3A_392 = vector.extract %slice3A_391[0] : f32 from vector<1xf32>
      %broadcast_in_dim3A_393 = arith.constant 0x7F800000 : f32
      %broadcast_in_dim3A_394 = vector.broadcast %broadcast_in_dim3A_393 : f32 to vector<16xf32>
      %scan3A_395 = arith.constant 0 : i32
      %scan3A_396 = arith.constant 128 : i32
      %scan3A_397 = arith.addi %scan3A_395, %scan3A_396 : i32
      %scan3A_398 = arith.constant 1 : i32
      %scan3A_399:8 = scf.for %scan3A_617 = %scan3A_395 to %scan3A_397 step %scan3A_398 iter_args(%scan3A_618 = %broadcast_in_dim3A_394, %scan3A_619 = %broadcast_in_dim3A_394, %scan3A_620 = %broadcast_in_dim3A_394, %scan3A_621 = %broadcast_in_dim3A_394, %scan3A_622 = %broadcast_in_dim3A_394, %scan3A_623 = %broadcast_in_dim3A_394, %scan3A_624 = %broadcast_in_dim3A_394, %scan3A_625 = %broadcast_in_dim3A_394) -> (vector<16xf32>, vector<16xf32>, vector<16xf32>, vector<16xf32>, vector<16xf32>, vector<16xf32>, vector<16xf32>, vector<16xf32>)  : i32 {
        %mul3A_626 = arith.constant 16 : i32
        %mul3A_627 = arith.muli %scan3A_617, %mul3A_626 : i32
        %get3A_628 = arith.index_cast %mul3A_627 : i32 to index
        %get3A_629 = tpu.vector_load %arg19[%get3A_628] {strides = array<i32>} : memref<8192xf32, #tpu.memory_space<vmem>>, vector<16xf32>,
        %get3A_630 = arith.index_cast %mul3A_627 : i32 to index
        %get3A_631 = tpu.vector_load %arg20[%get3A_630] {strides = array<i32>} : memref<8192xf32, #tpu.memory_space<vmem>>, vector<16xf32>,
        %get3A_632 = arith.index_cast %mul3A_627 : i32 to index
        %get3A_633 = tpu.vector_load %arg21[%get3A_632] {strides = array<i32>} : memref<8192xf32, #tpu.memory_space<vmem>>, vector<16xf32>,
        %get3A_634 = arith.index_cast %mul3A_627 : i32 to index
        %get3A_635 = tpu.vector_load %arg22[%get3A_634] {strides = array<i32>} : memref<8192xf32, #tpu.memory_space<vmem>>, vector<16xf32>,
        %mul3A_636 = vector.broadcast %squeeze3A_330 : f32 to vector<16xf32>
        %mul3A_637 = arith.mulf %get3A_631, %mul3A_636 : vector<16xf32>
        %mul3A_638 = vector.broadcast %squeeze3A_346 : f32 to vector<16xf32>
        %mul3A_639 = arith.mulf %get3A_633, %mul3A_638 : vector<16xf32>
        %add3A_640 = arith.addf %mul3A_637, %mul3A_639 : vector<16xf32>
        %mul3A_641 = vector.broadcast %squeeze3A_362 : f32 to vector<16xf32>
        %mul3A_642 = arith.mulf %get3A_635, %mul3A_641 : vector<16xf32>
        %add3A_643 = arith.addf %add3A_640, %mul3A_642 : vector<16xf32>
        %add3A_644 = arith.addf %get3A_629, %add3A_643 : vector<16xf32>
        %min3A = arith.minimumf %scan3A_618, %add3A_644 : vector<16xf32>
        %mul3A_645 = vector.broadcast %squeeze3A_332 : f32 to vector<16xf32>
        %mul3A_646 = arith.mulf %get3A_631, %mul3A_645 : vector<16xf32>
        %mul3A_647 = vector.broadcast %squeeze3A_348 : f32 to vector<16xf32>
        %mul3A_648 = arith.mulf %get3A_633, %mul3A_647 : vector<16xf32>
        %add3A_649 = arith.addf %mul3A_646, %mul3A_648 : vector<16xf32>
        %mul3A_650 = vector.broadcast %squeeze3A_364 : f32 to vector<16xf32>
        %mul3A_651 = arith.mulf %get3A_635, %mul3A_650 : vector<16xf32>
        %add3A_652 = arith.addf %add3A_649, %mul3A_651 : vector<16xf32>
        %add3A_653 = arith.addf %get3A_629, %add3A_652 : vector<16xf32>
        %min3A_654 = arith.minimumf %scan3A_619, %add3A_653 : vector<16xf32>
        %mul3A_655 = vector.broadcast %squeeze3A_334 : f32 to vector<16xf32>
        %mul3A_656 = arith.mulf %get3A_631, %mul3A_655 : vector<16xf32>
        %mul3A_657 = vector.broadcast %squeeze3A_350 : f32 to vector<16xf32>
        %mul3A_658 = arith.mulf %get3A_633, %mul3A_657 : vector<16xf32>
        %add3A_659 = arith.addf %mul3A_656, %mul3A_658 : vector<16xf32>
        %mul3A_660 = vector.broadcast %squeeze3A_366 : f32 to vector<16xf32>
        %mul3A_661 = arith.mulf %get3A_635, %mul3A_660 : vector<16xf32>
        %add3A_662 = arith.addf %add3A_659, %mul3A_661 : vector<16xf32>
        %add3A_663 = arith.addf %get3A_629, %add3A_662 : vector<16xf32>
        %min3A_664 = arith.minimumf %scan3A_620, %add3A_663 : vector<16xf32>
        %mul3A_665 = vector.broadcast %squeeze3A_336 : f32 to vector<16xf32>
        %mul3A_666 = arith.mulf %get3A_631, %mul3A_665 : vector<16xf32>
        %mul3A_667 = vector.broadcast %squeeze3A_352 : f32 to vector<16xf32>
        %mul3A_668 = arith.mulf %get3A_633, %mul3A_667 : vector<16xf32>
        %add3A_669 = arith.addf %mul3A_666, %mul3A_668 : vector<16xf32>
        %mul3A_670 = vector.broadcast %squeeze3A_368 : f32 to vector<16xf32>
        %mul3A_671 = arith.mulf %get3A_635, %mul3A_670 : vector<16xf32>
        %add3A_672 = arith.addf %add3A_669, %mul3A_671 : vector<16xf32>
        %add3A_673 = arith.addf %get3A_629, %add3A_672 : vector<16xf32>
        %min3A_674 = arith.minimumf %scan3A_621, %add3A_673 : vector<16xf32>
        %mul3A_675 = vector.broadcast %squeeze3A_338 : f32 to vector<16xf32>
        %mul3A_676 = arith.mulf %get3A_631, %mul3A_675 : vector<16xf32>
        %mul3A_677 = vector.broadcast %squeeze3A_354 : f32 to vector<16xf32>
        %mul3A_678 = arith.mulf %get3A_633, %mul3A_677 : vector<16xf32>
        %add3A_679 = arith.addf %mul3A_676, %mul3A_678 : vector<16xf32>
        %mul3A_680 = vector.broadcast %squeeze3A_370 : f32 to vector<16xf32>
        %mul3A_681 = arith.mulf %get3A_635, %mul3A_680 : vector<16xf32>
        %add3A_682 = arith.addf %add3A_679, %mul3A_681 : vector<16xf32>
        %add3A_683 = arith.addf %get3A_629, %add3A_682 : vector<16xf32>
        %min3A_684 = arith.minimumf %scan3A_622, %add3A_683 : vector<16xf32>
        %mul3A_685 = vector.broadcast %squeeze3A_340 : f32 to vector<16xf32>
        %mul3A_686 = arith.mulf %get3A_631, %mul3A_685 : vector<16xf32>
        %mul3A_687 = vector.broadcast %squeeze3A_356 : f32 to vector<16xf32>
        %mul3A_688 = arith.mulf %get3A_633, %mul3A_687 : vector<16xf32>
        %add3A_689 = arith.addf %mul3A_686, %mul3A_688 : vector<16xf32>
        %mul3A_690 = vector.broadcast %squeeze3A_372 : f32 to vector<16xf32>
        %mul3A_691 = arith.mulf %get3A_635, %mul3A_690 : vector<16xf32>
        %add3A_692 = arith.addf %add3A_689, %mul3A_691 : vector<16xf32>
        %add3A_693 = arith.addf %get3A_629, %add3A_692 : vector<16xf32>
        %min3A_694 = arith.minimumf %scan3A_623, %add3A_693 : vector<16xf32>
        %mul3A_695 = vector.broadcast %squeeze3A_342 : f32 to vector<16xf32>
        %mul3A_696 = arith.mulf %get3A_631, %mul3A_695 : vector<16xf32>
        %mul3A_697 = vector.broadcast %squeeze3A_358 : f32 to vector<16xf32>
        %mul3A_698 = arith.mulf %get3A_633, %mul3A_697 : vector<16xf32>
        %add3A_699 = arith.addf %mul3A_696, %mul3A_698 : vector<16xf32>
        %mul3A_700 = vector.broadcast %squeeze3A_374 : f32 to vector<16xf32>
        %mul3A_701 = arith.mulf %get3A_635, %mul3A_700 : vector<16xf32>
        %add3A_702 = arith.addf %add3A_699, %mul3A_701 : vector<16xf32>
        %add3A_703 = arith.addf %get3A_629, %add3A_702 : vector<16xf32>
        %min3A_704 = arith.minimumf %scan3A_624, %add3A_703 : vector<16xf32>
        %mul3A_705 = vector.broadcast %squeeze3A_344 : f32 to vector<16xf32>
        %mul3A_706 = arith.mulf %get3A_631, %mul3A_705 : vector<16xf32>
        %mul3A_707 = vector.broadcast %squeeze3A_360 : f32 to vector<16xf32>
        %mul3A_708 = arith.mulf %get3A_633, %mul3A_707 : vector<16xf32>
        %add3A_709 = arith.addf %mul3A_706, %mul3A_708 : vector<16xf32>
        %mul3A_710 = vector.broadcast %squeeze3A_376 : f32 to vector<16xf32>
        %mul3A_711 = arith.mulf %get3A_635, %mul3A_710 : vector<16xf32>
        %add3A_712 = arith.addf %add3A_709, %mul3A_711 : vector<16xf32>
        %add3A_713 = arith.addf %get3A_629, %add3A_712 : vector<16xf32>
        %min3A_714 = arith.minimumf %scan3A_625, %add3A_713 : vector<16xf32>
        scf.yield %min3A, %min3A_654, %min3A_664, %min3A_674, %min3A_684, %min3A_694, %min3A_704, %min3A_714 : vector<16xf32>, vector<16xf32>, vector<16xf32>, vector<16xf32>, vector<16xf32>, vector<16xf32>, vector<16xf32>, vector<16xf32>
      }
      %scan3A_400 = arith.constant 128 : i32
      %reduce_min3A_401 = arith.constant true
      %reduce_min3A_402 = vector.broadcast %reduce_min3A_401 : i1 to vector<16xi1>
      %reduce_min3A_403 = tpu.scan <min>, %scan3A_399#0 masked %reduce_min3A_402 : vector<16xf32>, vector<16xi1> -> vector<16xf32>
      %reduce_min3A_404 = vector.extract %reduce_min3A_403[15] : f32 from vector<16xf32>
      %add3A_405 = arith.addf %add3A_328, %reduce_min3A_404 : f32
      %add3A_406 = arith.addf %add3A_405, %squeeze3A_378 : f32
      %reduce_min3A_407 = arith.constant true
      %reduce_min3A_408 = vector.broadcast %reduce_min3A_407 : i1 to vector<16xi1>
      %reduce_min3A_409 = tpu.scan <min>, %scan3A_399#1 masked %reduce_min3A_408 : vector<16xf32>, vector<16xi1> -> vector<16xf32>
      %reduce_min3A_410 = vector.extract %reduce_min3A_409[15] : f32 from vector<16xf32>
      %add3A_411 = arith.addf %add3A_406, %reduce_min3A_410 : f32
      %add3A_412 = arith.addf %add3A_411, %squeeze3A_380 : f32
      %reduce_min3A_413 = arith.constant true
      %reduce_min3A_414 = vector.broadcast %reduce_min3A_413 : i1 to vector<16xi1>
      %reduce_min3A_415 = tpu.scan <min>, %scan3A_399#2 masked %reduce_min3A_414 : vector<16xf32>, vector<16xi1> -> vector<16xf32>
      %reduce_min3A_416 = vector.extract %reduce_min3A_415[15] : f32 from vector<16xf32>
      %add3A_417 = arith.addf %add3A_412, %reduce_min3A_416 : f32
      %add3A_418 = arith.addf %add3A_417, %squeeze3A_382 : f32
      %reduce_min3A_419 = arith.constant true
      %reduce_min3A_420 = vector.broadcast %reduce_min3A_419 : i1 to vector<16xi1>
      %reduce_min3A_421 = tpu.scan <min>, %scan3A_399#3 masked %reduce_min3A_420 : vector<16xf32>, vector<16xi1> -> vector<16xf32>
      %reduce_min3A_422 = vector.extract %reduce_min3A_421[15] : f32 from vector<16xf32>
      %add3A_423 = arith.addf %add3A_418, %reduce_min3A_422 : f32
      %add3A_424 = arith.addf %add3A_423, %squeeze3A_384 : f32
      %reduce_min3A_425 = arith.constant true
      %reduce_min3A_426 = vector.broadcast %reduce_min3A_425 : i1 to vector<16xi1>
      %reduce_min3A_427 = tpu.scan <min>, %scan3A_399#4 masked %reduce_min3A_426 : vector<16xf32>, vector<16xi1> -> vector<16xf32>
      %reduce_min3A_428 = vector.extract %reduce_min3A_427[15] : f32 from vector<16xf32>
      %add3A_429 = arith.addf %add3A_424, %reduce_min3A_428 : f32
      %add3A_430 = arith.addf %add3A_429, %squeeze3A_386 : f32
      %reduce_min3A_431 = arith.constant true
      %reduce_min3A_432 = vector.broadcast %reduce_min3A_431 : i1 to vector<16xi1>
      %reduce_min3A_433 = tpu.scan <min>, %scan3A_399#5 masked %reduce_min3A_432 : vector<16xf32>, vector<16xi1> -> vector<16xf32>
      %reduce_min3A_434 = vector.extract %reduce_min3A_433[15] : f32 from vector<16xf32>
      %add3A_435 = arith.addf %add3A_430, %reduce_min3A_434 : f32
      %add3A_436 = arith.addf %add3A_435, %squeeze3A_388 : f32
      %reduce_min3A_437 = arith.constant true
      %reduce_min3A_438 = vector.broadcast %reduce_min3A_437 : i1 to vector<16xi1>
      %reduce_min3A_439 = tpu.scan <min>, %scan3A_399#6 masked %reduce_min3A_438 : vector<16xf32>, vector<16xi1> -> vector<16xf32>
      %reduce_min3A_440 = vector.extract %reduce_min3A_439[15] : f32 from vector<16xf32>
      %add3A_441 = arith.addf %add3A_436, %reduce_min3A_440 : f32
      %add3A_442 = arith.addf %add3A_441, %squeeze3A_390 : f32
      %reduce_min3A_443 = arith.constant true
      %reduce_min3A_444 = vector.broadcast %reduce_min3A_443 : i1 to vector<16xi1>
      %reduce_min3A_445 = tpu.scan <min>, %scan3A_399#7 masked %reduce_min3A_444 : vector<16xf32>, vector<16xi1> -> vector<16xf32>
      %reduce_min3A_446 = vector.extract %reduce_min3A_445[15] : f32 from vector<16xf32>
      %add3A_447 = arith.addf %add3A_442, %reduce_min3A_446 : f32
      %add3A_448 = arith.addf %add3A_447, %squeeze3A_392 : f32
      %broadcast_in_dim3A_449 = arith.constant 0x7F800000 : f32
      %broadcast_in_dim3A_450 = vector.broadcast %broadcast_in_dim3A_449 : f32 to vector<16xf32>
      %scan3A_451 = arith.constant 128 : i32
      %scan3A_452 = arith.constant 128 : i32
      %scan3A_453 = arith.addi %scan3A_451, %scan3A_452 : i32
      %scan3A_454 = arith.constant 1 : i32
      %scan3A_455:8 = scf.for %scan3A_617 = %scan3A_451 to %scan3A_453 step %scan3A_454 iter_args(%scan3A_618 = %broadcast_in_dim3A_450, %scan3A_619 = %broadcast_in_dim3A_450, %scan3A_620 = %broadcast_in_dim3A_450, %scan3A_621 = %broadcast_in_dim3A_450, %scan3A_622 = %broadcast_in_dim3A_450, %scan3A_623 = %broadcast_in_dim3A_450, %scan3A_624 = %broadcast_in_dim3A_450, %scan3A_625 = %broadcast_in_dim3A_450) -> (vector<16xf32>, vector<16xf32>, vector<16xf32>, vector<16xf32>, vector<16xf32>, vector<16xf32>, vector<16xf32>, vector<16xf32>)  : i32 {
        %mul3A_626 = arith.constant 16 : i32
        %mul3A_627 = arith.muli %scan3A_617, %mul3A_626 : i32
        %get3A_628 = arith.index_cast %mul3A_627 : i32 to index
        %get3A_629 = tpu.vector_load %arg19[%get3A_628] {strides = array<i32>} : memref<8192xf32, #tpu.memory_space<vmem>>, vector<16xf32>,
        %get3A_630 = arith.index_cast %mul3A_627 : i32 to index
        %get3A_631 = tpu.vector_load %arg20[%get3A_630] {strides = array<i32>} : memref<8192xf32, #tpu.memory_space<vmem>>, vector<16xf32>,
        %get3A_632 = arith.index_cast %mul3A_627 : i32 to index
        %get3A_633 = tpu.vector_load %arg21[%get3A_632] {strides = array<i32>} : memref<8192xf32, #tpu.memory_space<vmem>>, vector<16xf32>,
        %get3A_634 = arith.index_cast %mul3A_627 : i32 to index
        %get3A_635 = tpu.vector_load %arg22[%get3A_634] {strides = array<i32>} : memref<8192xf32, #tpu.memory_space<vmem>>, vector<16xf32>,
        %mul3A_636 = vector.broadcast %squeeze3A_330 : f32 to vector<16xf32>
        %mul3A_637 = arith.mulf %get3A_631, %mul3A_636 : vector<16xf32>
        %mul3A_638 = vector.broadcast %squeeze3A_346 : f32 to vector<16xf32>
        %mul3A_639 = arith.mulf %get3A_633, %mul3A_638 : vector<16xf32>
        %add3A_640 = arith.addf %mul3A_637, %mul3A_639 : vector<16xf32>
        %mul3A_641 = vector.broadcast %squeeze3A_362 : f32 to vector<16xf32>
        %mul3A_642 = arith.mulf %get3A_635, %mul3A_641 : vector<16xf32>
        %add3A_643 = arith.addf %add3A_640, %mul3A_642 : vector<16xf32>
        %add3A_644 = arith.addf %get3A_629, %add3A_643 : vector<16xf32>
        %min3A = arith.minimumf %scan3A_618, %add3A_644 : vector<16xf32>
        %mul3A_645 = vector.broadcast %squeeze3A_332 : f32 to vector<16xf32>
        %mul3A_646 = arith.mulf %get3A_631, %mul3A_645 : vector<16xf32>
        %mul3A_647 = vector.broadcast %squeeze3A_348 : f32 to vector<16xf32>
        %mul3A_648 = arith.mulf %get3A_633, %mul3A_647 : vector<16xf32>
        %add3A_649 = arith.addf %mul3A_646, %mul3A_648 : vector<16xf32>
        %mul3A_650 = vector.broadcast %squeeze3A_364 : f32 to vector<16xf32>
        %mul3A_651 = arith.mulf %get3A_635, %mul3A_650 : vector<16xf32>
        %add3A_652 = arith.addf %add3A_649, %mul3A_651 : vector<16xf32>
        %add3A_653 = arith.addf %get3A_629, %add3A_652 : vector<16xf32>
        %min3A_654 = arith.minimumf %scan3A_619, %add3A_653 : vector<16xf32>
        %mul3A_655 = vector.broadcast %squeeze3A_334 : f32 to vector<16xf32>
        %mul3A_656 = arith.mulf %get3A_631, %mul3A_655 : vector<16xf32>
        %mul3A_657 = vector.broadcast %squeeze3A_350 : f32 to vector<16xf32>
        %mul3A_658 = arith.mulf %get3A_633, %mul3A_657 : vector<16xf32>
        %add3A_659 = arith.addf %mul3A_656, %mul3A_658 : vector<16xf32>
        %mul3A_660 = vector.broadcast %squeeze3A_366 : f32 to vector<16xf32>
        %mul3A_661 = arith.mulf %get3A_635, %mul3A_660 : vector<16xf32>
        %add3A_662 = arith.addf %add3A_659, %mul3A_661 : vector<16xf32>
        %add3A_663 = arith.addf %get3A_629, %add3A_662 : vector<16xf32>
        %min3A_664 = arith.minimumf %scan3A_620, %add3A_663 : vector<16xf32>
        %mul3A_665 = vector.broadcast %squeeze3A_336 : f32 to vector<16xf32>
        %mul3A_666 = arith.mulf %get3A_631, %mul3A_665 : vector<16xf32>
        %mul3A_667 = vector.broadcast %squeeze3A_352 : f32 to vector<16xf32>
        %mul3A_668 = arith.mulf %get3A_633, %mul3A_667 : vector<16xf32>
        %add3A_669 = arith.addf %mul3A_666, %mul3A_668 : vector<16xf32>
        %mul3A_670 = vector.broadcast %squeeze3A_368 : f32 to vector<16xf32>
        %mul3A_671 = arith.mulf %get3A_635, %mul3A_670 : vector<16xf32>
        %add3A_672 = arith.addf %add3A_669, %mul3A_671 : vector<16xf32>
        %add3A_673 = arith.addf %get3A_629, %add3A_672 : vector<16xf32>
        %min3A_674 = arith.minimumf %scan3A_621, %add3A_673 : vector<16xf32>
        %mul3A_675 = vector.broadcast %squeeze3A_338 : f32 to vector<16xf32>
        %mul3A_676 = arith.mulf %get3A_631, %mul3A_675 : vector<16xf32>
        %mul3A_677 = vector.broadcast %squeeze3A_354 : f32 to vector<16xf32>
        %mul3A_678 = arith.mulf %get3A_633, %mul3A_677 : vector<16xf32>
        %add3A_679 = arith.addf %mul3A_676, %mul3A_678 : vector<16xf32>
        %mul3A_680 = vector.broadcast %squeeze3A_370 : f32 to vector<16xf32>
        %mul3A_681 = arith.mulf %get3A_635, %mul3A_680 : vector<16xf32>
        %add3A_682 = arith.addf %add3A_679, %mul3A_681 : vector<16xf32>
        %add3A_683 = arith.addf %get3A_629, %add3A_682 : vector<16xf32>
        %min3A_684 = arith.minimumf %scan3A_622, %add3A_683 : vector<16xf32>
        %mul3A_685 = vector.broadcast %squeeze3A_340 : f32 to vector<16xf32>
        %mul3A_686 = arith.mulf %get3A_631, %mul3A_685 : vector<16xf32>
        %mul3A_687 = vector.broadcast %squeeze3A_356 : f32 to vector<16xf32>
        %mul3A_688 = arith.mulf %get3A_633, %mul3A_687 : vector<16xf32>
        %add3A_689 = arith.addf %mul3A_686, %mul3A_688 : vector<16xf32>
        %mul3A_690 = vector.broadcast %squeeze3A_372 : f32 to vector<16xf32>
        %mul3A_691 = arith.mulf %get3A_635, %mul3A_690 : vector<16xf32>
        %add3A_692 = arith.addf %add3A_689, %mul3A_691 : vector<16xf32>
        %add3A_693 = arith.addf %get3A_629, %add3A_692 : vector<16xf32>
        %min3A_694 = arith.minimumf %scan3A_623, %add3A_693 : vector<16xf32>
        %mul3A_695 = vector.broadcast %squeeze3A_342 : f32 to vector<16xf32>
        %mul3A_696 = arith.mulf %get3A_631, %mul3A_695 : vector<16xf32>
        %mul3A_697 = vector.broadcast %squeeze3A_358 : f32 to vector<16xf32>
        %mul3A_698 = arith.mulf %get3A_633, %mul3A_697 : vector<16xf32>
        %add3A_699 = arith.addf %mul3A_696, %mul3A_698 : vector<16xf32>
        %mul3A_700 = vector.broadcast %squeeze3A_374 : f32 to vector<16xf32>
        %mul3A_701 = arith.mulf %get3A_635, %mul3A_700 : vector<16xf32>
        %add3A_702 = arith.addf %add3A_699, %mul3A_701 : vector<16xf32>
        %add3A_703 = arith.addf %get3A_629, %add3A_702 : vector<16xf32>
        %min3A_704 = arith.minimumf %scan3A_624, %add3A_703 : vector<16xf32>
        %mul3A_705 = vector.broadcast %squeeze3A_344 : f32 to vector<16xf32>
        %mul3A_706 = arith.mulf %get3A_631, %mul3A_705 : vector<16xf32>
        %mul3A_707 = vector.broadcast %squeeze3A_360 : f32 to vector<16xf32>
        %mul3A_708 = arith.mulf %get3A_633, %mul3A_707 : vector<16xf32>
        %add3A_709 = arith.addf %mul3A_706, %mul3A_708 : vector<16xf32>
        %mul3A_710 = vector.broadcast %squeeze3A_376 : f32 to vector<16xf32>
        %mul3A_711 = arith.mulf %get3A_635, %mul3A_710 : vector<16xf32>
        %add3A_712 = arith.addf %add3A_709, %mul3A_711 : vector<16xf32>
        %add3A_713 = arith.addf %get3A_629, %add3A_712 : vector<16xf32>
        %min3A_714 = arith.minimumf %scan3A_625, %add3A_713 : vector<16xf32>
        scf.yield %min3A, %min3A_654, %min3A_664, %min3A_674, %min3A_684, %min3A_694, %min3A_704, %min3A_714 : vector<16xf32>, vector<16xf32>, vector<16xf32>, vector<16xf32>, vector<16xf32>, vector<16xf32>, vector<16xf32>, vector<16xf32>
      }
      %scan3A_456 = arith.constant 128 : i32
      %reduce_min3A_457 = arith.constant true
      %reduce_min3A_458 = vector.broadcast %reduce_min3A_457 : i1 to vector<16xi1>
      %reduce_min3A_459 = tpu.scan <min>, %scan3A_455#0 masked %reduce_min3A_458 : vector<16xf32>, vector<16xi1> -> vector<16xf32>
      %reduce_min3A_460 = vector.extract %reduce_min3A_459[15] : f32 from vector<16xf32>
      %add3A_461 = arith.addf %add3A_448, %reduce_min3A_460 : f32
      %add3A_462 = arith.addf %add3A_461, %squeeze3A_378 : f32
      %reduce_min3A_463 = arith.constant true
      %reduce_min3A_464 = vector.broadcast %reduce_min3A_463 : i1 to vector<16xi1>
      %reduce_min3A_465 = tpu.scan <min>, %scan3A_455#1 masked %reduce_min3A_464 : vector<16xf32>, vector<16xi1> -> vector<16xf32>
      %reduce_min3A_466 = vector.extract %reduce_min3A_465[15] : f32 from vector<16xf32>
      %add3A_467 = arith.addf %add3A_462, %reduce_min3A_466 : f32
      %add3A_468 = arith.addf %add3A_467, %squeeze3A_380 : f32
      %reduce_min3A_469 = arith.constant true
      %reduce_min3A_470 = vector.broadcast %reduce_min3A_469 : i1 to vector<16xi1>
      %reduce_min3A_471 = tpu.scan <min>, %scan3A_455#2 masked %reduce_min3A_470 : vector<16xf32>, vector<16xi1> -> vector<16xf32>
      %reduce_min3A_472 = vector.extract %reduce_min3A_471[15] : f32 from vector<16xf32>
      %add3A_473 = arith.addf %add3A_468, %reduce_min3A_472 : f32
      %add3A_474 = arith.addf %add3A_473, %squeeze3A_382 : f32
      %reduce_min3A_475 = arith.constant true
      %reduce_min3A_476 = vector.broadcast %reduce_min3A_475 : i1 to vector<16xi1>
      %reduce_min3A_477 = tpu.scan <min>, %scan3A_455#3 masked %reduce_min3A_476 : vector<16xf32>, vector<16xi1> -> vector<16xf32>
      %reduce_min3A_478 = vector.extract %reduce_min3A_477[15] : f32 from vector<16xf32>
      %add3A_479 = arith.addf %add3A_474, %reduce_min3A_478 : f32
      %add3A_480 = arith.addf %add3A_479, %squeeze3A_384 : f32
      %reduce_min3A_481 = arith.constant true
      %reduce_min3A_482 = vector.broadcast %reduce_min3A_481 : i1 to vector<16xi1>
      %reduce_min3A_483 = tpu.scan <min>, %scan3A_455#4 masked %reduce_min3A_482 : vector<16xf32>, vector<16xi1> -> vector<16xf32>
      %reduce_min3A_484 = vector.extract %reduce_min3A_483[15] : f32 from vector<16xf32>
      %add3A_485 = arith.addf %add3A_480, %reduce_min3A_484 : f32
      %add3A_486 = arith.addf %add3A_485, %squeeze3A_386 : f32
      %reduce_min3A_487 = arith.constant true
      %reduce_min3A_488 = vector.broadcast %reduce_min3A_487 : i1 to vector<16xi1>
      %reduce_min3A_489 = tpu.scan <min>, %scan3A_455#5 masked %reduce_min3A_488 : vector<16xf32>, vector<16xi1> -> vector<16xf32>
      %reduce_min3A_490 = vector.extract %reduce_min3A_489[15] : f32 from vector<16xf32>
      %add3A_491 = arith.addf %add3A_486, %reduce_min3A_490 : f32
      %add3A_492 = arith.addf %add3A_491, %squeeze3A_388 : f32
      %reduce_min3A_493 = arith.constant true
      %reduce_min3A_494 = vector.broadcast %reduce_min3A_493 : i1 to vector<16xi1>
      %reduce_min3A_495 = tpu.scan <min>, %scan3A_455#6 masked %reduce_min3A_494 : vector<16xf32>, vector<16xi1> -> vector<16xf32>
      %reduce_min3A_496 = vector.extract %reduce_min3A_495[15] : f32 from vector<16xf32>
      %add3A_497 = arith.addf %add3A_492, %reduce_min3A_496 : f32
      %add3A_498 = arith.addf %add3A_497, %squeeze3A_390 : f32
      %reduce_min3A_499 = arith.constant true
      %reduce_min3A_500 = vector.broadcast %reduce_min3A_499 : i1 to vector<16xi1>
      %reduce_min3A_501 = tpu.scan <min>, %scan3A_455#7 masked %reduce_min3A_500 : vector<16xf32>, vector<16xi1> -> vector<16xf32>
      %reduce_min3A_502 = vector.extract %reduce_min3A_501[15] : f32 from vector<16xf32>
      %add3A_503 = arith.addf %add3A_498, %reduce_min3A_502 : f32
      %add3A_504 = arith.addf %add3A_503, %squeeze3A_392 : f32
      %broadcast_in_dim3A_505 = arith.constant 0x7F800000 : f32
      %broadcast_in_dim3A_506 = vector.broadcast %broadcast_in_dim3A_505 : f32 to vector<16xf32>
      %scan3A_507 = arith.constant 256 : i32
      %scan3A_508 = arith.constant 128 : i32
      %scan3A_509 = arith.addi %scan3A_507, %scan3A_508 : i32
      %scan3A_510 = arith.constant 1 : i32
      %scan3A_511:8 = scf.for %scan3A_617 = %scan3A_507 to %scan3A_509 step %scan3A_510 iter_args(%scan3A_618 = %broadcast_in_dim3A_506, %scan3A_619 = %broadcast_in_dim3A_506, %scan3A_620 = %broadcast_in_dim3A_506, %scan3A_621 = %broadcast_in_dim3A_506, %scan3A_622 = %broadcast_in_dim3A_506, %scan3A_623 = %broadcast_in_dim3A_506, %scan3A_624 = %broadcast_in_dim3A_506, %scan3A_625 = %broadcast_in_dim3A_506) -> (vector<16xf32>, vector<16xf32>, vector<16xf32>, vector<16xf32>, vector<16xf32>, vector<16xf32>, vector<16xf32>, vector<16xf32>)  : i32 {
        %mul3A_626 = arith.constant 16 : i32
        %mul3A_627 = arith.muli %scan3A_617, %mul3A_626 : i32
        %get3A_628 = arith.index_cast %mul3A_627 : i32 to index
        %get3A_629 = tpu.vector_load %arg19[%get3A_628] {strides = array<i32>} : memref<8192xf32, #tpu.memory_space<vmem>>, vector<16xf32>,
        %get3A_630 = arith.index_cast %mul3A_627 : i32 to index
        %get3A_631 = tpu.vector_load %arg20[%get3A_630] {strides = array<i32>} : memref<8192xf32, #tpu.memory_space<vmem>>, vector<16xf32>,
        %get3A_632 = arith.index_cast %mul3A_627 : i32 to index
        %get3A_633 = tpu.vector_load %arg21[%get3A_632] {strides = array<i32>} : memref<8192xf32, #tpu.memory_space<vmem>>, vector<16xf32>,
        %get3A_634 = arith.index_cast %mul3A_627 : i32 to index
        %get3A_635 = tpu.vector_load %arg22[%get3A_634] {strides = array<i32>} : memref<8192xf32, #tpu.memory_space<vmem>>, vector<16xf32>,
        %mul3A_636 = vector.broadcast %squeeze3A_330 : f32 to vector<16xf32>
        %mul3A_637 = arith.mulf %get3A_631, %mul3A_636 : vector<16xf32>
        %mul3A_638 = vector.broadcast %squeeze3A_346 : f32 to vector<16xf32>
        %mul3A_639 = arith.mulf %get3A_633, %mul3A_638 : vector<16xf32>
        %add3A_640 = arith.addf %mul3A_637, %mul3A_639 : vector<16xf32>
        %mul3A_641 = vector.broadcast %squeeze3A_362 : f32 to vector<16xf32>
        %mul3A_642 = arith.mulf %get3A_635, %mul3A_641 : vector<16xf32>
        %add3A_643 = arith.addf %add3A_640, %mul3A_642 : vector<16xf32>
        %add3A_644 = arith.addf %get3A_629, %add3A_643 : vector<16xf32>
        %min3A = arith.minimumf %scan3A_618, %add3A_644 : vector<16xf32>
        %mul3A_645 = vector.broadcast %squeeze3A_332 : f32 to vector<16xf32>
        %mul3A_646 = arith.mulf %get3A_631, %mul3A_645 : vector<16xf32>
        %mul3A_647 = vector.broadcast %squeeze3A_348 : f32 to vector<16xf32>
        %mul3A_648 = arith.mulf %get3A_633, %mul3A_647 : vector<16xf32>
        %add3A_649 = arith.addf %mul3A_646, %mul3A_648 : vector<16xf32>
        %mul3A_650 = vector.broadcast %squeeze3A_364 : f32 to vector<16xf32>
        %mul3A_651 = arith.mulf %get3A_635, %mul3A_650 : vector<16xf32>
        %add3A_652 = arith.addf %add3A_649, %mul3A_651 : vector<16xf32>
        %add3A_653 = arith.addf %get3A_629, %add3A_652 : vector<16xf32>
        %min3A_654 = arith.minimumf %scan3A_619, %add3A_653 : vector<16xf32>
        %mul3A_655 = vector.broadcast %squeeze3A_334 : f32 to vector<16xf32>
        %mul3A_656 = arith.mulf %get3A_631, %mul3A_655 : vector<16xf32>
        %mul3A_657 = vector.broadcast %squeeze3A_350 : f32 to vector<16xf32>
        %mul3A_658 = arith.mulf %get3A_633, %mul3A_657 : vector<16xf32>
        %add3A_659 = arith.addf %mul3A_656, %mul3A_658 : vector<16xf32>
        %mul3A_660 = vector.broadcast %squeeze3A_366 : f32 to vector<16xf32>
        %mul3A_661 = arith.mulf %get3A_635, %mul3A_660 : vector<16xf32>
        %add3A_662 = arith.addf %add3A_659, %mul3A_661 : vector<16xf32>
        %add3A_663 = arith.addf %get3A_629, %add3A_662 : vector<16xf32>
        %min3A_664 = arith.minimumf %scan3A_620, %add3A_663 : vector<16xf32>
        %mul3A_665 = vector.broadcast %squeeze3A_336 : f32 to vector<16xf32>
        %mul3A_666 = arith.mulf %get3A_631, %mul3A_665 : vector<16xf32>
        %mul3A_667 = vector.broadcast %squeeze3A_352 : f32 to vector<16xf32>
        %mul3A_668 = arith.mulf %get3A_633, %mul3A_667 : vector<16xf32>
        %add3A_669 = arith.addf %mul3A_666, %mul3A_668 : vector<16xf32>
        %mul3A_670 = vector.broadcast %squeeze3A_368 : f32 to vector<16xf32>
        %mul3A_671 = arith.mulf %get3A_635, %mul3A_670 : vector<16xf32>
        %add3A_672 = arith.addf %add3A_669, %mul3A_671 : vector<16xf32>
        %add3A_673 = arith.addf %get3A_629, %add3A_672 : vector<16xf32>
        %min3A_674 = arith.minimumf %scan3A_621, %add3A_673 : vector<16xf32>
        %mul3A_675 = vector.broadcast %squeeze3A_338 : f32 to vector<16xf32>
        %mul3A_676 = arith.mulf %get3A_631, %mul3A_675 : vector<16xf32>
        %mul3A_677 = vector.broadcast %squeeze3A_354 : f32 to vector<16xf32>
        %mul3A_678 = arith.mulf %get3A_633, %mul3A_677 : vector<16xf32>
        %add3A_679 = arith.addf %mul3A_676, %mul3A_678 : vector<16xf32>
        %mul3A_680 = vector.broadcast %squeeze3A_370 : f32 to vector<16xf32>
        %mul3A_681 = arith.mulf %get3A_635, %mul3A_680 : vector<16xf32>
        %add3A_682 = arith.addf %add3A_679, %mul3A_681 : vector<16xf32>
        %add3A_683 = arith.addf %get3A_629, %add3A_682 : vector<16xf32>
        %min3A_684 = arith.minimumf %scan3A_622, %add3A_683 : vector<16xf32>
        %mul3A_685 = vector.broadcast %squeeze3A_340 : f32 to vector<16xf32>
        %mul3A_686 = arith.mulf %get3A_631, %mul3A_685 : vector<16xf32>
        %mul3A_687 = vector.broadcast %squeeze3A_356 : f32 to vector<16xf32>
        %mul3A_688 = arith.mulf %get3A_633, %mul3A_687 : vector<16xf32>
        %add3A_689 = arith.addf %mul3A_686, %mul3A_688 : vector<16xf32>
        %mul3A_690 = vector.broadcast %squeeze3A_372 : f32 to vector<16xf32>
        %mul3A_691 = arith.mulf %get3A_635, %mul3A_690 : vector<16xf32>
        %add3A_692 = arith.addf %add3A_689, %mul3A_691 : vector<16xf32>
        %add3A_693 = arith.addf %get3A_629, %add3A_692 : vector<16xf32>
        %min3A_694 = arith.minimumf %scan3A_623, %add3A_693 : vector<16xf32>
        %mul3A_695 = vector.broadcast %squeeze3A_342 : f32 to vector<16xf32>
        %mul3A_696 = arith.mulf %get3A_631, %mul3A_695 : vector<16xf32>
        %mul3A_697 = vector.broadcast %squeeze3A_358 : f32 to vector<16xf32>
        %mul3A_698 = arith.mulf %get3A_633, %mul3A_697 : vector<16xf32>
        %add3A_699 = arith.addf %mul3A_696, %mul3A_698 : vector<16xf32>
        %mul3A_700 = vector.broadcast %squeeze3A_374 : f32 to vector<16xf32>
        %mul3A_701 = arith.mulf %get3A_635, %mul3A_700 : vector<16xf32>
        %add3A_702 = arith.addf %add3A_699, %mul3A_701 : vector<16xf32>
        %add3A_703 = arith.addf %get3A_629, %add3A_702 : vector<16xf32>
        %min3A_704 = arith.minimumf %scan3A_624, %add3A_703 : vector<16xf32>
        %mul3A_705 = vector.broadcast %squeeze3A_344 : f32 to vector<16xf32>
        %mul3A_706 = arith.mulf %get3A_631, %mul3A_705 : vector<16xf32>
        %mul3A_707 = vector.broadcast %squeeze3A_360 : f32 to vector<16xf32>
        %mul3A_708 = arith.mulf %get3A_633, %mul3A_707 : vector<16xf32>
        %add3A_709 = arith.addf %mul3A_706, %mul3A_708 : vector<16xf32>
        %mul3A_710 = vector.broadcast %squeeze3A_376 : f32 to vector<16xf32>
        %mul3A_711 = arith.mulf %get3A_635, %mul3A_710 : vector<16xf32>
        %add3A_712 = arith.addf %add3A_709, %mul3A_711 : vector<16xf32>
        %add3A_713 = arith.addf %get3A_629, %add3A_712 : vector<16xf32>
        %min3A_714 = arith.minimumf %scan3A_625, %add3A_713 : vector<16xf32>
        scf.yield %min3A, %min3A_654, %min3A_664, %min3A_674, %min3A_684, %min3A_694, %min3A_704, %min3A_714 : vector<16xf32>, vector<16xf32>, vector<16xf32>, vector<16xf32>, vector<16xf32>, vector<16xf32>, vector<16xf32>, vector<16xf32>
      }
      %scan3A_512 = arith.constant 128 : i32
      %reduce_min3A_513 = arith.constant true
      %reduce_min3A_514 = vector.broadcast %reduce_min3A_513 : i1 to vector<16xi1>
      %reduce_min3A_515 = tpu.scan <min>, %scan3A_511#0 masked %reduce_min3A_514 : vector<16xf32>, vector<16xi1> -> vector<16xf32>
      %reduce_min3A_516 = vector.extract %reduce_min3A_515[15] : f32 from vector<16xf32>
      %add3A_517 = arith.addf %add3A_504, %reduce_min3A_516 : f32
      %add3A_518 = arith.addf %add3A_517, %squeeze3A_378 : f32
      %reduce_min3A_519 = arith.constant true
      %reduce_min3A_520 = vector.broadcast %reduce_min3A_519 : i1 to vector<16xi1>
      %reduce_min3A_521 = tpu.scan <min>, %scan3A_511#1 masked %reduce_min3A_520 : vector<16xf32>, vector<16xi1> -> vector<16xf32>
      %reduce_min3A_522 = vector.extract %reduce_min3A_521[15] : f32 from vector<16xf32>
      %add3A_523 = arith.addf %add3A_518, %reduce_min3A_522 : f32
      %add3A_524 = arith.addf %add3A_523, %squeeze3A_380 : f32
      %reduce_min3A_525 = arith.constant true
      %reduce_min3A_526 = vector.broadcast %reduce_min3A_525 : i1 to vector<16xi1>
      %reduce_min3A_527 = tpu.scan <min>, %scan3A_511#2 masked %reduce_min3A_526 : vector<16xf32>, vector<16xi1> -> vector<16xf32>
      %reduce_min3A_528 = vector.extract %reduce_min3A_527[15] : f32 from vector<16xf32>
      %add3A_529 = arith.addf %add3A_524, %reduce_min3A_528 : f32
      %add3A_530 = arith.addf %add3A_529, %squeeze3A_382 : f32
      %reduce_min3A_531 = arith.constant true
      %reduce_min3A_532 = vector.broadcast %reduce_min3A_531 : i1 to vector<16xi1>
      %reduce_min3A_533 = tpu.scan <min>, %scan3A_511#3 masked %reduce_min3A_532 : vector<16xf32>, vector<16xi1> -> vector<16xf32>
      %reduce_min3A_534 = vector.extract %reduce_min3A_533[15] : f32 from vector<16xf32>
      %add3A_535 = arith.addf %add3A_530, %reduce_min3A_534 : f32
      %add3A_536 = arith.addf %add3A_535, %squeeze3A_384 : f32
      %reduce_min3A_537 = arith.constant true
      %reduce_min3A_538 = vector.broadcast %reduce_min3A_537 : i1 to vector<16xi1>
      %reduce_min3A_539 = tpu.scan <min>, %scan3A_511#4 masked %reduce_min3A_538 : vector<16xf32>, vector<16xi1> -> vector<16xf32>
      %reduce_min3A_540 = vector.extract %reduce_min3A_539[15] : f32 from vector<16xf32>
      %add3A_541 = arith.addf %add3A_536, %reduce_min3A_540 : f32
      %add3A_542 = arith.addf %add3A_541, %squeeze3A_386 : f32
      %reduce_min3A_543 = arith.constant true
      %reduce_min3A_544 = vector.broadcast %reduce_min3A_543 : i1 to vector<16xi1>
      %reduce_min3A_545 = tpu.scan <min>, %scan3A_511#5 masked %reduce_min3A_544 : vector<16xf32>, vector<16xi1> -> vector<16xf32>
      %reduce_min3A_546 = vector.extract %reduce_min3A_545[15] : f32 from vector<16xf32>
      %add3A_547 = arith.addf %add3A_542, %reduce_min3A_546 : f32
      %add3A_548 = arith.addf %add3A_547, %squeeze3A_388 : f32
      %reduce_min3A_549 = arith.constant true
      %reduce_min3A_550 = vector.broadcast %reduce_min3A_549 : i1 to vector<16xi1>
      %reduce_min3A_551 = tpu.scan <min>, %scan3A_511#6 masked %reduce_min3A_550 : vector<16xf32>, vector<16xi1> -> vector<16xf32>
      %reduce_min3A_552 = vector.extract %reduce_min3A_551[15] : f32 from vector<16xf32>
      %add3A_553 = arith.addf %add3A_548, %reduce_min3A_552 : f32
      %add3A_554 = arith.addf %add3A_553, %squeeze3A_390 : f32
      %reduce_min3A_555 = arith.constant true
      %reduce_min3A_556 = vector.broadcast %reduce_min3A_555 : i1 to vector<16xi1>
      %reduce_min3A_557 = tpu.scan <min>, %scan3A_511#7 masked %reduce_min3A_556 : vector<16xf32>, vector<16xi1> -> vector<16xf32>
      %reduce_min3A_558 = vector.extract %reduce_min3A_557[15] : f32 from vector<16xf32>
      %add3A_559 = arith.addf %add3A_554, %reduce_min3A_558 : f32
      %add3A_560 = arith.addf %add3A_559, %squeeze3A_392 : f32
      %broadcast_in_dim3A_561 = arith.constant 0x7F800000 : f32
      %broadcast_in_dim3A_562 = vector.broadcast %broadcast_in_dim3A_561 : f32 to vector<16xf32>
      %scan3A_563 = arith.constant 384 : i32
      %scan3A_564 = arith.constant 128 : i32
      %scan3A_565 = arith.addi %scan3A_563, %scan3A_564 : i32
      %scan3A_566 = arith.constant 1 : i32
      %scan3A_567:8 = scf.for %scan3A_617 = %scan3A_563 to %scan3A_565 step %scan3A_566 iter_args(%scan3A_618 = %broadcast_in_dim3A_562, %scan3A_619 = %broadcast_in_dim3A_562, %scan3A_620 = %broadcast_in_dim3A_562, %scan3A_621 = %broadcast_in_dim3A_562, %scan3A_622 = %broadcast_in_dim3A_562, %scan3A_623 = %broadcast_in_dim3A_562, %scan3A_624 = %broadcast_in_dim3A_562, %scan3A_625 = %broadcast_in_dim3A_562) -> (vector<16xf32>, vector<16xf32>, vector<16xf32>, vector<16xf32>, vector<16xf32>, vector<16xf32>, vector<16xf32>, vector<16xf32>)  : i32 {
        %mul3A_626 = arith.constant 16 : i32
        %mul3A_627 = arith.muli %scan3A_617, %mul3A_626 : i32
        %get3A_628 = arith.index_cast %mul3A_627 : i32 to index
        %get3A_629 = tpu.vector_load %arg19[%get3A_628] {strides = array<i32>} : memref<8192xf32, #tpu.memory_space<vmem>>, vector<16xf32>,
        %get3A_630 = arith.index_cast %mul3A_627 : i32 to index
        %get3A_631 = tpu.vector_load %arg20[%get3A_630] {strides = array<i32>} : memref<8192xf32, #tpu.memory_space<vmem>>, vector<16xf32>,
        %get3A_632 = arith.index_cast %mul3A_627 : i32 to index
        %get3A_633 = tpu.vector_load %arg21[%get3A_632] {strides = array<i32>} : memref<8192xf32, #tpu.memory_space<vmem>>, vector<16xf32>,
        %get3A_634 = arith.index_cast %mul3A_627 : i32 to index
        %get3A_635 = tpu.vector_load %arg22[%get3A_634] {strides = array<i32>} : memref<8192xf32, #tpu.memory_space<vmem>>, vector<16xf32>,
        %mul3A_636 = vector.broadcast %squeeze3A_330 : f32 to vector<16xf32>
        %mul3A_637 = arith.mulf %get3A_631, %mul3A_636 : vector<16xf32>
        %mul3A_638 = vector.broadcast %squeeze3A_346 : f32 to vector<16xf32>
        %mul3A_639 = arith.mulf %get3A_633, %mul3A_638 : vector<16xf32>
        %add3A_640 = arith.addf %mul3A_637, %mul3A_639 : vector<16xf32>
        %mul3A_641 = vector.broadcast %squeeze3A_362 : f32 to vector<16xf32>
        %mul3A_642 = arith.mulf %get3A_635, %mul3A_641 : vector<16xf32>
        %add3A_643 = arith.addf %add3A_640, %mul3A_642 : vector<16xf32>
        %add3A_644 = arith.addf %get3A_629, %add3A_643 : vector<16xf32>
        %min3A = arith.minimumf %scan3A_618, %add3A_644 : vector<16xf32>
        %mul3A_645 = vector.broadcast %squeeze3A_332 : f32 to vector<16xf32>
        %mul3A_646 = arith.mulf %get3A_631, %mul3A_645 : vector<16xf32>
        %mul3A_647 = vector.broadcast %squeeze3A_348 : f32 to vector<16xf32>
        %mul3A_648 = arith.mulf %get3A_633, %mul3A_647 : vector<16xf32>
        %add3A_649 = arith.addf %mul3A_646, %mul3A_648 : vector<16xf32>
        %mul3A_650 = vector.broadcast %squeeze3A_364 : f32 to vector<16xf32>
        %mul3A_651 = arith.mulf %get3A_635, %mul3A_650 : vector<16xf32>
        %add3A_652 = arith.addf %add3A_649, %mul3A_651 : vector<16xf32>
        %add3A_653 = arith.addf %get3A_629, %add3A_652 : vector<16xf32>
        %min3A_654 = arith.minimumf %scan3A_619, %add3A_653 : vector<16xf32>
        %mul3A_655 = vector.broadcast %squeeze3A_334 : f32 to vector<16xf32>
        %mul3A_656 = arith.mulf %get3A_631, %mul3A_655 : vector<16xf32>
        %mul3A_657 = vector.broadcast %squeeze3A_350 : f32 to vector<16xf32>
        %mul3A_658 = arith.mulf %get3A_633, %mul3A_657 : vector<16xf32>
        %add3A_659 = arith.addf %mul3A_656, %mul3A_658 : vector<16xf32>
        %mul3A_660 = vector.broadcast %squeeze3A_366 : f32 to vector<16xf32>
        %mul3A_661 = arith.mulf %get3A_635, %mul3A_660 : vector<16xf32>
        %add3A_662 = arith.addf %add3A_659, %mul3A_661 : vector<16xf32>
        %add3A_663 = arith.addf %get3A_629, %add3A_662 : vector<16xf32>
        %min3A_664 = arith.minimumf %scan3A_620, %add3A_663 : vector<16xf32>
        %mul3A_665 = vector.broadcast %squeeze3A_336 : f32 to vector<16xf32>
        %mul3A_666 = arith.mulf %get3A_631, %mul3A_665 : vector<16xf32>
        %mul3A_667 = vector.broadcast %squeeze3A_352 : f32 to vector<16xf32>
        %mul3A_668 = arith.mulf %get3A_633, %mul3A_667 : vector<16xf32>
        %add3A_669 = arith.addf %mul3A_666, %mul3A_668 : vector<16xf32>
        %mul3A_670 = vector.broadcast %squeeze3A_368 : f32 to vector<16xf32>
        %mul3A_671 = arith.mulf %get3A_635, %mul3A_670 : vector<16xf32>
        %add3A_672 = arith.addf %add3A_669, %mul3A_671 : vector<16xf32>
        %add3A_673 = arith.addf %get3A_629, %add3A_672 : vector<16xf32>
        %min3A_674 = arith.minimumf %scan3A_621, %add3A_673 : vector<16xf32>
        %mul3A_675 = vector.broadcast %squeeze3A_338 : f32 to vector<16xf32>
        %mul3A_676 = arith.mulf %get3A_631, %mul3A_675 : vector<16xf32>
        %mul3A_677 = vector.broadcast %squeeze3A_354 : f32 to vector<16xf32>
        %mul3A_678 = arith.mulf %get3A_633, %mul3A_677 : vector<16xf32>
        %add3A_679 = arith.addf %mul3A_676, %mul3A_678 : vector<16xf32>
        %mul3A_680 = vector.broadcast %squeeze3A_370 : f32 to vector<16xf32>
        %mul3A_681 = arith.mulf %get3A_635, %mul3A_680 : vector<16xf32>
        %add3A_682 = arith.addf %add3A_679, %mul3A_681 : vector<16xf32>
        %add3A_683 = arith.addf %get3A_629, %add3A_682 : vector<16xf32>
        %min3A_684 = arith.minimumf %scan3A_622, %add3A_683 : vector<16xf32>
        %mul3A_685 = vector.broadcast %squeeze3A_340 : f32 to vector<16xf32>
        %mul3A_686 = arith.mulf %get3A_631, %mul3A_685 : vector<16xf32>
        %mul3A_687 = vector.broadcast %squeeze3A_356 : f32 to vector<16xf32>
        %mul3A_688 = arith.mulf %get3A_633, %mul3A_687 : vector<16xf32>
        %add3A_689 = arith.addf %mul3A_686, %mul3A_688 : vector<16xf32>
        %mul3A_690 = vector.broadcast %squeeze3A_372 : f32 to vector<16xf32>
        %mul3A_691 = arith.mulf %get3A_635, %mul3A_690 : vector<16xf32>
        %add3A_692 = arith.addf %add3A_689, %mul3A_691 : vector<16xf32>
        %add3A_693 = arith.addf %get3A_629, %add3A_692 : vector<16xf32>
        %min3A_694 = arith.minimumf %scan3A_623, %add3A_693 : vector<16xf32>
        %mul3A_695 = vector.broadcast %squeeze3A_342 : f32 to vector<16xf32>
        %mul3A_696 = arith.mulf %get3A_631, %mul3A_695 : vector<16xf32>
        %mul3A_697 = vector.broadcast %squeeze3A_358 : f32 to vector<16xf32>
        %mul3A_698 = arith.mulf %get3A_633, %mul3A_697 : vector<16xf32>
        %add3A_699 = arith.addf %mul3A_696, %mul3A_698 : vector<16xf32>
        %mul3A_700 = vector.broadcast %squeeze3A_374 : f32 to vector<16xf32>
        %mul3A_701 = arith.mulf %get3A_635, %mul3A_700 : vector<16xf32>
        %add3A_702 = arith.addf %add3A_699, %mul3A_701 : vector<16xf32>
        %add3A_703 = arith.addf %get3A_629, %add3A_702 : vector<16xf32>
        %min3A_704 = arith.minimumf %scan3A_624, %add3A_703 : vector<16xf32>
        %mul3A_705 = vector.broadcast %squeeze3A_344 : f32 to vector<16xf32>
        %mul3A_706 = arith.mulf %get3A_631, %mul3A_705 : vector<16xf32>
        %mul3A_707 = vector.broadcast %squeeze3A_360 : f32 to vector<16xf32>
        %mul3A_708 = arith.mulf %get3A_633, %mul3A_707 : vector<16xf32>
        %add3A_709 = arith.addf %mul3A_706, %mul3A_708 : vector<16xf32>
        %mul3A_710 = vector.broadcast %squeeze3A_376 : f32 to vector<16xf32>
        %mul3A_711 = arith.mulf %get3A_635, %mul3A_710 : vector<16xf32>
        %add3A_712 = arith.addf %add3A_709, %mul3A_711 : vector<16xf32>
        %add3A_713 = arith.addf %get3A_629, %add3A_712 : vector<16xf32>
        %min3A_714 = arith.minimumf %scan3A_625, %add3A_713 : vector<16xf32>
        scf.yield %min3A, %min3A_654, %min3A_664, %min3A_674, %min3A_684, %min3A_694, %min3A_704, %min3A_714 : vector<16xf32>, vector<16xf32>, vector<16xf32>, vector<16xf32>, vector<16xf32>, vector<16xf32>, vector<16xf32>, vector<16xf32>
      }
      %scan3A_568 = arith.constant 128 : i32
      %reduce_min3A_569 = arith.constant true
      %reduce_min3A_570 = vector.broadcast %reduce_min3A_569 : i1 to vector<16xi1>
      %reduce_min3A_571 = tpu.scan <min>, %scan3A_567#0 masked %reduce_min3A_570 : vector<16xf32>, vector<16xi1> -> vector<16xf32>
      %reduce_min3A_572 = vector.extract %reduce_min3A_571[15] : f32 from vector<16xf32>
      %add3A_573 = arith.addf %add3A_560, %reduce_min3A_572 : f32
      %add3A_574 = arith.addf %add3A_573, %squeeze3A_378 : f32
      %reduce_min3A_575 = arith.constant true
      %reduce_min3A_576 = vector.broadcast %reduce_min3A_575 : i1 to vector<16xi1>
      %reduce_min3A_577 = tpu.scan <min>, %scan3A_567#1 masked %reduce_min3A_576 : vector<16xf32>, vector<16xi1> -> vector<16xf32>
      %reduce_min3A_578 = vector.extract %reduce_min3A_577[15] : f32 from vector<16xf32>
      %add3A_579 = arith.addf %add3A_574, %reduce_min3A_578 : f32
      %add3A_580 = arith.addf %add3A_579, %squeeze3A_380 : f32
      %reduce_min3A_581 = arith.constant true
      %reduce_min3A_582 = vector.broadcast %reduce_min3A_581 : i1 to vector<16xi1>
      %reduce_min3A_583 = tpu.scan <min>, %scan3A_567#2 masked %reduce_min3A_582 : vector<16xf32>, vector<16xi1> -> vector<16xf32>
      %reduce_min3A_584 = vector.extract %reduce_min3A_583[15] : f32 from vector<16xf32>
      %add3A_585 = arith.addf %add3A_580, %reduce_min3A_584 : f32
      %add3A_586 = arith.addf %add3A_585, %squeeze3A_382 : f32
      %reduce_min3A_587 = arith.constant true
      %reduce_min3A_588 = vector.broadcast %reduce_min3A_587 : i1 to vector<16xi1>
      %reduce_min3A_589 = tpu.scan <min>, %scan3A_567#3 masked %reduce_min3A_588 : vector<16xf32>, vector<16xi1> -> vector<16xf32>
      %reduce_min3A_590 = vector.extract %reduce_min3A_589[15] : f32 from vector<16xf32>
      %add3A_591 = arith.addf %add3A_586, %reduce_min3A_590 : f32
      %add3A_592 = arith.addf %add3A_591, %squeeze3A_384 : f32
      %reduce_min3A_593 = arith.constant true
      %reduce_min3A_594 = vector.broadcast %reduce_min3A_593 : i1 to vector<16xi1>
      %reduce_min3A_595 = tpu.scan <min>, %scan3A_567#4 masked %reduce_min3A_594 : vector<16xf32>, vector<16xi1> -> vector<16xf32>
      %reduce_min3A_596 = vector.extract %reduce_min3A_595[15] : f32 from vector<16xf32>
      %add3A_597 = arith.addf %add3A_592, %reduce_min3A_596 : f32
      %add3A_598 = arith.addf %add3A_597, %squeeze3A_386 : f32
      %reduce_min3A_599 = arith.constant true
      %reduce_min3A_600 = vector.broadcast %reduce_min3A_599 : i1 to vector<16xi1>
      %reduce_min3A_601 = tpu.scan <min>, %scan3A_567#5 masked %reduce_min3A_600 : vector<16xf32>, vector<16xi1> -> vector<16xf32>
      %reduce_min3A_602 = vector.extract %reduce_min3A_601[15] : f32 from vector<16xf32>
      %add3A_603 = arith.addf %add3A_598, %reduce_min3A_602 : f32
      %add3A_604 = arith.addf %add3A_603, %squeeze3A_388 : f32
      %reduce_min3A_605 = arith.constant true
      %reduce_min3A_606 = vector.broadcast %reduce_min3A_605 : i1 to vector<16xi1>
      %reduce_min3A_607 = tpu.scan <min>, %scan3A_567#6 masked %reduce_min3A_606 : vector<16xf32>, vector<16xi1> -> vector<16xf32>
      %reduce_min3A_608 = vector.extract %reduce_min3A_607[15] : f32 from vector<16xf32>
      %add3A_609 = arith.addf %add3A_604, %reduce_min3A_608 : f32
      %add3A_610 = arith.addf %add3A_609, %squeeze3A_390 : f32
      %reduce_min3A_611 = arith.constant true
      %reduce_min3A_612 = vector.broadcast %reduce_min3A_611 : i1 to vector<16xi1>
      %reduce_min3A_613 = tpu.scan <min>, %scan3A_567#7 masked %reduce_min3A_612 : vector<16xf32>, vector<16xi1> -> vector<16xf32>
      %reduce_min3A_614 = vector.extract %reduce_min3A_613[15] : f32 from vector<16xf32>
      %add3A_615 = arith.addf %add3A_610, %reduce_min3A_614 : f32
      %add3A_616 = arith.addf %add3A_615, %squeeze3A_392 : f32
      scf.yield %add3A_616 : f32
    }
    %scan3A_26 = arith.constant 5 : i32
    %mul3A_27 = arith.constant 6.250000e-02 : f32
    %mul3A_28 = arith.mulf %scan3A_25, %mul3A_27 : f32
    %broadcast_in_dim3A = vector.broadcast %mul3A_28 : f32 to vector<16xf32>
    %swap3A = arith.constant 0 : index
    %swap3A_29 = tpu.vector_load %arg23[%swap3A] {strides = array<i32>} : memref<16xf32, #tpu.memory_space<vmem>>, vector<16xf32>,
    tpu.vector_store %arg23[%swap3A], %broadcast_in_dim3A {strides = array<i32>} : memref<16xf32, #tpu.memory_space<vmem>>, vector<16xf32>,
    "tpu.region"() ({
      %run_scoped3A = tpu.sem_alloc : memref<!tpu.dma_semaphore, #tpu.memory_space<semaphore_mem>>
      %dma_start3A = arith.constant 0 : i32
      %dma_start3A_30 = tpu.memref_slice %arg8[%add3A, %dma_start3A] : memref<32x16xf32, #tpu.memory_space<hbm>> -> memref<1x16xf32, #tpu.memory_space<hbm>>
      %dma_start3A_31 = tpu.memref_squeeze %dma_start3A_30 : memref<1x16xf32, #tpu.memory_space<hbm>> -> memref<16xf32, #tpu.memory_space<hbm>>
      %dma_start3A_32 = arith.constant 0 : i32
      %dma_start3A_33 = tpu.memref_slice %arg8[%add3A, %dma_start3A_32] : memref<32x16xf32, #tpu.memory_space<hbm>> -> memref<1x16xf32, #tpu.memory_space<hbm>>
      %dma_start3A_34 = tpu.memref_squeeze %dma_start3A_33 : memref<1x16xf32, #tpu.memory_space<hbm>> -> memref<16xf32, #tpu.memory_space<hbm>>
      tpu.enqueue_dma source(%arg23 : memref<16xf32, #tpu.memory_space<vmem>>) target(%dma_start3A_34 : memref<16xf32, #tpu.memory_space<hbm>>) target_semaphore(%run_scoped3A : memref<!tpu.dma_semaphore, #tpu.memory_space<semaphore_mem>>)
      %dma_wait3A = arith.constant 0 : i32
      %dma_wait3A_35 = tpu.memref_slice %arg8[%add3A, %dma_wait3A] : memref<32x16xf32, #tpu.memory_space<hbm>> -> memref<1x16xf32, #tpu.memory_space<hbm>>
      %dma_wait3A_36 = tpu.memref_squeeze %dma_wait3A_35 : memref<1x16xf32, #tpu.memory_space<hbm>> -> memref<16xf32, #tpu.memory_space<hbm>>
      %dma_wait3A_37 = arith.constant 0 : i32
      %dma_wait3A_38 = tpu.memref_slice %arg8[%add3A, %dma_wait3A_37] : memref<32x16xf32, #tpu.memory_space<hbm>> -> memref<1x16xf32, #tpu.memory_space<hbm>>
      %dma_wait3A_39 = tpu.memref_squeeze %dma_wait3A_38 : memref<1x16xf32, #tpu.memory_space<hbm>> -> memref<16xf32, #tpu.memory_space<hbm>>
      tpu.wait_dma2 semaphore(%run_scoped3A : memref<!tpu.dma_semaphore, #tpu.memory_space<semaphore_mem>>) src(%arg23 : memref<16xf32, #tpu.memory_space<vmem>>) dst(%dma_wait3A_39 : memref<16xf32, #tpu.memory_space<hbm>>)
      tpu.yield
    }) : () -> ()
    return
  }
}

</mosaic_0001>

<sc_bundles>
// kernel: _chamfer_sc.3.cloned.1.call-start
scs
__scs_entry_jumppad:
0x0: {  	(pc) =	sbr.rel $0x88, $3  }
0x1: {  	(tag) =	ssettag $0x0;
	lr =	simm.s32 $0x1  }
0x2: {  	[smem:$0x3F9B] =	sst lr;
	_ =	strace $0xD0000000  }
0x3: {  	_ = 	snop  }
0x4: {  	_ = 	snop  }
0x5: {  	_ = 	snop  }
0x6: {  	_ = 	snop  }
0x7: {  	_ = 	snop  }
__scs_overlays_trampoline_lowered:
0x8: {  	[smem:$0x3FAA] =	sst s0  }
0x9: {  	[smem:$0x3FAB] =	sst s1  }
0xa: {  	[smem:$0x3FAC] =	sst s2  }
0xb: {  	[smem:$0x3FAD] =	sst s3  }
0xc: {  	[smem:$0x3FAE] =	sst s4  }
0xd: {  	[smem:$0x3FAF] =	sst s5  }
0xe: {  	[smem:$0x3FB0] =	sst s6  }
0xf: {  	[smem:$0x3FB1] =	sst s7  }
0x10: {  	[smem:$0x3FB2] =	sst s8  }
0x11: {  	[smem:$0x3FB3] =	sst s9;
	s0 =	simm.s32 @!p0 $0x0  }
0x12: {  	s1 =	sld [smem:$0x3F99];
	s0 =	simm.s32 @p0 $0x1  }
0x13: {  	[smem:$0x3FB4] =	sst s0;
	s0 =	simm.s32 @!p1 $0x0  }
0x14: {  	s2 =	sld [smem:$0x3F98];
	s0 =	simm.s32 @p1 $0x1  }
0x15: {  	[smem:$0x3FB5] =	sst s0;
	s0 =	simm.s32 @!p2 $0x0  }
0x16: {  	s3 =	sld [smem:$0x3FDB];
	s0 =	simm.s32 @p2 $0x1  }
0x17: {  	s4 =	simm.s32 $0x1BF5;
	[smem:$0x3FB7] =	sst s0  }
0x18: {  	s0 =	sld [smem:$0x3F9A];
	_ =	swait.ge [sflag:s4], $0x0  }
0x19: {  	s7 =	sld [smem:$0x3F9B]  }
0x1a: {  	s8 =	sadd.s32 $0xFFFFE003, lr  }
0x1b: {  	s9 =	sadd.s32 $0xFFFFFEF7, lr;
	s5 =	simm.s32 $0xFFFFFFFF;
	p2 =	slt.u32 s8, $0xFFFFF086  }
0x1c: {  	p1 =	slt.u32 s9, $0xF7A;
	s5 =	simm.s32 @!p2 $0x0  }
0x1d: {  	s5 =	simm.s32 @p1 $0x1;
	p0 =	seq.s32 s7, s2  }
0x1e: {  	s7 =	smul.u32 @!p0 $0xF7A, s2;
	p2 =	seq.s32 @!p0 s5, $0x0  }
0x1f: {  	s9 =	smul.u32 $0xF7A, s1;
	s8 =	simm.s32 @!p0 $0x1BF5;
	p2 =	por !p2, p0  }
0x20: {  	[sflag:s8] =	ssyncset.s32 @!p0 $0xFFFFF086;
	s6 =	sadd.s32 @!p0 s3, s7;
	s7 =	simm.s32 @!p0 $0x108  }
0x21: {  	s3 =	sadd.s32 s3, s9;
	s6 =	sadd.s32 @!p0 $0x88, s6;
	s7 =	simm.s32 @p2 $0x1082  }
0x22: {  	[simem:s7], [sflag:s8] =	dma.local @!p0 [hbm:s6], $0xF7A  }
0x23: {  	s9 =	sor.u32 $0xD0000000, s2;
	s6 =	simm.s32 $0x108;
	_ =	swait.ge @!p0 [sflag:s8], $0x0  }
0x24: {  	s3 =	sadd.s32 $0x88, s3;
	s6 =	simm.s32 @!p1 $0x1082;
	[sflag:s4] =	ssyncset.s32 $0xFFFFF086  }
0x25: {  	[simem:s6], [sflag:s4] =	dma.local [hbm:s3], $0xF7A  }
0x26: {  	[smem:$0x3F9B] =	sst s1;
	(tag) =	ssettag s2;
	_ =	strace s9  }
0x27: {  	s1 =	sld [smem:$0x3FAB]  }
0x28: {  	s2 =	sld [smem:$0x3FAC]  }
0x29: {  	s4 =	sld [smem:$0x3FAE]  }
0x2a: {  	p0 =	seq.s32 s5, $0x0;
	s5 =	sld [smem:$0x3FAF]  }
0x2b: {  	s6 =	sld [smem:$0x3FB0]  }
0x2c: {  	s7 =	sld [smem:$0x3FB1]  }
0x2d: {  	s3 =	simm.s32 $0x108;
	s8 =	sld [smem:$0x3FB2]  }
0x2e: {  	s3 =	simm.s32 @!p0 $0x1082;
	s9 =	sld [smem:$0x3FB3]  }
0x2f: {  	lr =	sadd.s32 s0, s3;
	s0 =	sld [smem:$0x3FAA]  }
0x30: {  	s3 =	sld [smem:$0x3FAD]  }
0x31: {  	[smem:$0x3FB6] =	sst s10  }
0x32: {  	s10 =	sld [smem:$0x3FB4];
	_ =	sdelay $0x3  }
0x33: {  	p0 =	seq.s32 s10, $0x1;
	s10 =	sld [smem:$0x3FB6];
	_ =	sdelay $0x3  }
0x34: {  	[smem:$0x3FB6] =	sst s10  }
0x35: {  	s10 =	sld [smem:$0x3FB5];
	_ =	sdelay $0x3  }
0x36: {  	p1 =	seq.s32 s10, $0x1;
	s10 =	sld [smem:$0x3FB6];
	_ =	sdelay $0x3  }
0x37: {  	[smem:$0x3FB6] =	sst s10  }
0x38: {  	s10 =	sld [smem:$0x3FB7]  }
0x39: {  	_ = 	snop;
	(pc) =	sbr.ind lr, $3  }
0x3a: {  	_ = 	snop  }
0x3b: {  	_ = 	snop  }
0x3c: {  	p2 =	seq.s32 s10, $0x1;
	s10 =	sld [smem:$0x3FB6]  }
0x3d: {  	_ =	shalt  }
0x3e: {  	_ =	shalt  }
0x3f: {  	_ =	shalt  }
0x40: {  	_ =	shalt  }
0x41: {  	_ =	shalt  }
0x42: {  	_ =	shalt  }
0x43: {  	_ =	shalt  }
0x44: {  	_ =	shalt  }
0x45: {  	_ =	shalt  }
0x46: {  	_ =	shalt  }
0x47: {  	_ =	shalt  }
0x48: {  	_ =	shalt  }
0x49: {  	_ =	shalt  }
0x4a: {  	_ =	shalt  }
0x4b: {  	_ =	shalt  }
0x4c: {  	_ =	shalt  }
0x4d: {  	_ =	shalt  }
0x4e: {  	_ =	shalt  }
0x4f: {  	_ =	shalt  }
0x50: {  	_ =	shalt  }
0x51: {  	_ =	shalt  }
0x52: {  	_ =	shalt  }
0x53: {  	_ =	shalt  }
0x54: {  	_ =	shalt  }
0x55: {  	_ =	shalt  }
0x56: {  	_ =	shalt  }
0x57: {  	_ =	shalt  }
0x58: {  	_ =	shalt  }
0x59: {  	_ =	shalt  }
0x5a: {  	_ =	shalt  }
0x5b: {  	_ =	shalt  }
0x5c: {  	_ =	shalt  }
0x5d: {  	_ =	shalt  }
0x5e: {  	_ =	shalt  }
0x5f: {  	_ =	shalt  }
0x60: {  	_ =	shalt  }
0x61: {  	_ =	shalt  }
0x62: {  	_ =	shalt  }
0x63: {  	_ =	shalt  }
0x64: {  	_ =	shalt  }
0x65: {  	_ =	shalt  }
0x66: {  	_ =	shalt  }
0x67: {  	_ =	shalt  }
0x68: {  	_ =	shalt  }
0x69: {  	_ =	shalt  }
0x6a: {  	_ =	shalt  }
0x6b: {  	_ =	shalt  }
0x6c: {  	_ =	shalt  }
0x6d: {  	_ =	shalt  }
0x6e: {  	_ =	shalt  }
0x6f: {  	_ =	shalt  }
0x70: {  	_ =	shalt  }
0x71: {  	_ =	shalt  }
0x72: {  	_ =	shalt  }
0x73: {  	_ =	shalt  }
0x74: {  	_ =	shalt  }
0x75: {  	_ =	shalt  }
0x76: {  	_ =	shalt  }
0x77: {  	_ =	shalt  }
0x78: {  	_ =	shalt  }
0x79: {  	_ =	shalt  }
0x7a: {  	_ =	shalt  }
0x7b: {  	_ =	shalt  }
0x7c: {  	_ =	shalt  }
0x7d: {  	_ =	shalt  }
0x7e: {  	_ =	shalt  }
0x7f: {  	_ =	shalt  }
0x80: {  	_ =	shalt  }
0x81: {  	_ =	shalt  }
0x82: {  	_ =	shalt  }
0x83: {  	_ =	shalt  }
0x84: {  	_ =	shalt  }
0x85: {  	_ =	shalt  }
0x86: {  	_ =	shalt  }
0x87: {  	_ =	shalt  }
.Lfunc_end0:
.L_simem_size_0:
called_computation_lowered:
.L_overlay_start_0:
0x88: {  	s2 =	sld [smem:$0x3FD9]  }
0x89: {  	s3 =	sld [smem:$0x3FFE];
	_ =	sdelay $0x1  }
0x8a: {  	s1 =	srdreg.scid  }
0x8b: {  	s0 =	sand.u32 $0x1, s1  }
0x8c: {  	s17 =	sshll.u32 s0, $0xA;
	s2 =	sadd.s32 s3, s2  }
0x8d: {  	s2 =	sadd.s32 s2, s17  }
0x8e: {  	[smem:$0x3FC2] =	sst s2  }
0x8f: {  	_ = 	snop  }
0x90: {  	s2 =	sld [smem:$0x3FC9]  }
0x91: {  	s18 =	sld [smem:$0x3FC8]  }
0x92: {  	s4 =	sld [smem:$0x3FC7]  }
0x93: {  	s5 =	sld [smem:$0x3FC6]  }
0x94: {  	s6 =	sld [smem:$0x3FC5]  }
0x95: {  	s7 =	sld [smem:$0x3FC4];
	(tm) =	ssettm $0x1  }
0x96: {  	s8 =	sld [smem:$0x3FFB];
	_ =	sdelay $0x3  }
0x97: {  	_ =	strace s8  }
0x98: {  	s8 =	sld [smem:$0x3FFC];
	_ =	sdelay $0x3  }
0x99: {  	_ =	strace s8  }
0x9a: {  	s8 =	sld [smem:$0x3FFD];
	_ =	sdelay $0x3  }
0x9b: {  	_ =	strace s8  }
0x9c: {  	_ =	strace $0x8FFFFFFF  }
0x9d: {  	s19 =	sld [smem:$0x3FDB];
	_ =	sdelay $0x1  }
0x9e: {  	s9 =	simm.s32 $_scs_section_size  }
0x9f: {  	s10 =	simm.s32 $_size__tile_overlayer_lowered;
	s11 =	simm.s32 $_tile_overlayer_lowered  }
0xa0: {  	s22 =	simm.s32 $0x1BFF;
	s21 =	sshll.u32 s11, $0x1;
	s8 =	sadd.s32 s9, s19  }
0xa1: {  	s12 =	simm.s32 $0x0;
	s20 =	sshll.u32 s10, $0x1;
	s10 =	sadd.s32 s21, s8  }
0xa2: {  	[timem:s12], [sflag:s22] =	dma.local [hbm:s10], s20  }
0xa3: {  	_ =	swait.ge [sflag:s22], s20  }
0xa4: {  	s9 =	ssub.s32 $0x0, s20;
	[sflag:s22] =	ssyncset.done $0x0  }
0xa5: {  	[sflag:s22] =	ssyncadd.s32 s9;
	_ =	sdelay $0x1  }
0xa6: {  	s23 =	simm.s32 $0x1B8B  }
0xa7: {  	_ =	swait.ge [sflag:s23], $0x1  }
0xa8: {  	[sflag:s23] =	ssyncset.done $0x0  }
0xa9: {  	s25 =	simm.s32 $0x1B8E;
	s24 =	sld [smem:$0x3FFE];
	[sflag:s23] =	ssyncadd.s32 $0xFFFFFFFF  }
0xaa: {  	s26 =	simm.s32 $execute0_lowered;
	[smem:$0x3FD2] =	sst s25  }
0xab: {  	s10 =	sshll.u32 s26, $0x1;
	_ =	strace $0x80000046;
	[dreg:$0x1] =	wrdreg $0xFFFFFFFF  }
0xac: {  	s28 =	simm.s32 $_size_execute0_lowered;
	s8 =	sadd.s32 s8, s10;
	[dreg:$0x0] =	wrdreg $0x0  }
0xad: {  	s10 =	sshll.u32 s28, $0x1;
	[dreg:$0x2] =	wrdreg s8  }
0xae: {  	[dreg:$0x3] =	wrdreg s10  }
0xaf: {  	[dreg:$0x4] =	wrdreg $0xC0  }
0xb0: {  	_ =	task [dreg:s12], $0x5FFFF  }
0xb1: {  	[dreg:$0x1] =	wrdreg $0xFFFFFFFF  }
0xb2: {  	[dreg:$0x0] =	wrdreg $0x60  }
0xb3: {  	[dreg:$0x2] =	wrdreg s2  }
0xb4: {  	[dreg:$0x3] =	wrdreg s18  }
0xb5: {  	[dreg:$0x4] =	wrdreg s4  }
0xb6: {  	[dreg:$0x5] =	wrdreg s5  }
0xb7: {  	[dreg:$0x6] =	wrdreg s6  }
0xb8: {  	[dreg:$0x7] =	wrdreg s7  }
0xb9: {  	[dreg:$0x8] =	wrdreg s24  }
0xba: {  	[dreg:$0x9] =	wrdreg $0x9  }
0xbb: {  	_ =	task.clear_ibuf [dreg:s12], $0xAFFFF;
	_ =	strace $0x90000046  }
0xbc: {  	s29 =	simm.s32 $0x9;
	_ =	strace $0x80000048  }
0xbd: {  	_ =	swait.ge [sflag:s29], $0x1  }
0xbe: {  	[sflag:s29] =	ssyncadd.s32 $0xFFFFFFFF  }
0xbf: {  	_ =	strace $0x90000048  }
0xc0: {  	_ =	sfence  }
0xc1: {  	s30 =	sld [smem:$0x0];
	_ =	sdelay $0x2  }
0xc2: {  	s31 =	sshll.u32 s1, $0xD;
	s1 =	sshrl.u32 s1, $0x2  }
0xc3: {  	s3 =	sand.u32 $0x4000, s31;
	s1 =	sadd.s32 s1, s30  }
0xc4: {  	s0 =	sor.u32 s3, s0;
	s1 =	sshll.u32 s1, $0x11  }
0xc5: {  	s0 =	sor.u32 s1, s0  }
0xc6: {  	s0 =	sadd.s32 $0x8F2B, s0  }
0xc7: {  	[sflag:s0] =	ssyncadd.remote.s32 $0x1  }
0xc8: {  	_ =	sfence.sel $0xFFFF  }
0xc9: {  	[dreg:$0x0] =	wrdreg $0xFFFFFFFF;
	(pc) =	sbr.abs _section_cstart, $3  }
0xca: {  	[dreg:$0x1] =	wrdreg $0xFFFFFFFF  }
0xcb: {  	_ =	task.clear_ibuf [dreg:s12], $0x2FFFF;
	_ =	strace $0x9FFFFFFF  }
0xcc: {  	(tm) =	ssettm $0x7FFFFFFF  }
0xcd: {  	_ =	shalt  }
tec
execute0_lowered:
.L_overlay_start_1:
0x0: {  	(tag) =	ssettag $0x1  }
0x1: {  	s0 =	rddreg [dreg:$0x0]  }
0x2: {  	s1 =	rddreg [dreg:$0x1]  }
0x3: {  	s2 =	rddreg [dreg:$0x2]  }
0x4: {  	s4 =	rddreg [dreg:$0x3]  }
0x5: {  	s5 =	rddreg [dreg:$0x4]  }
0x6: {  	s6 =	rddreg [dreg:$0x5];
	s3 =	srdreg.scid  }
0x7: {  	s9 =	rddreg [dreg:$0x6];
	s7 =	stileid.u32  }
0x8: {  	s8 =	simm.s32 $0x0;
	s14 =	simm.s32 $0xE000;
	s15 =	simm.s32 $0x10000  }
0x9: {  	s16 =	simm.s32 $0x12000;
	s10 =	sand.u32 $0x1, s3;
	s3 =	rddreg [dreg:$0x7]  }
0xa: {  	s17 =	simm.s32 $0x1C000;
	s12 =	sshll.u32 s7, $0x4;
	[smem:$0x7FF] =	sst s8  }
0xb: {  	s11 =	sshll.u32 s10, $0x4;
	s12 =	sand.u32 $0x70, s12;
	s10 =	ssub.s32 $0x2, s10  }
0xc: {  	_ =	strace $0x80000047;
	s11 =	sor.u32 s7, s11;
	s9 =	sadd.s32 s12, s9  }
0xd: {  	s31 =	sshrl.u32 s10, $0x1;
	s13 =	sshll.u32 s11, $0x4;
	s18 =	smul.u32 $0x50, s11  }
0xe: {  	s12 =	simm.s32 $0x2000;
	s10 =	ssub.s32 s10, s31;
	s30 =	sand.u32 $0x180, s13  }
0xf: {  	s11 =	simm.s32 $0x1;
	s10 =	smax.u32 s10, $0x1;
	s9 =	sadd.s32 s30, s9;
	v0 =	vmov s18  }
0x10: {  	s13 =	simm.s32 $0x4000;
	s18 =	simm.s32 $0x0;
	s9 =	sadd.s32 $0x400, s9;
	[tilespmem:$0x1FFF0] =	vst v0  }
.LBB2_1:
0x11: {  	[tilespmem:s8], [sflag:$0x1] =	stream.linear.gather [hbm4b:s0+s8], $0x2000, $0x38;
	[tilespmem:$0x1C080] =	vst v63  }
0x12: {  	_ =	swait.ge [sflag:s11], $0x2000  }
0x13: {  	[sflag:s11] =	ssyncset.done $0x0  }
0x14: {  	[sflag:s11] =	ssyncadd.s32 $0xFFFFE000  }
0x15: {  	[tilespmem:s12], [sflag:$0x1] =	stream.linear.gather [hbm4b:s1+s8], $0x2000, $0x38;
	[tilespmem:$0x1C080] =	vst v63  }
0x16: {  	_ =	swait.ge [sflag:s11], $0x2000  }
0x17: {  	[sflag:s11] =	ssyncset.done $0x0  }
0x18: {  	[sflag:s11] =	ssyncadd.s32 $0xFFFFE000  }
0x19: {  	[tilespmem:s13], [sflag:$0x1] =	stream.linear.gather [hbm4b:s2+s8], $0x2000, $0x38;
	[tilespmem:$0x1C080] =	vst v63  }
0x1a: {  	_ =	swait.ge [sflag:s11], $0x2000  }
0x1b: {  	[sflag:s11] =	ssyncset.done $0x0  }
0x1c: {  	[sflag:s11] =	ssyncadd.s32 $0xFFFFE000  }
0x1d: {  	[tilespmem:s14], [sflag:$0x1] =	stream.linear.gather [hbm4b:s4+s8], $0x2000, $0x38;
	[tilespmem:$0x1C080] =	vst v63  }
0x1e: {  	_ =	swait.ge [sflag:s11], $0x2000  }
0x1f: {  	[sflag:s11] =	ssyncset.done $0x0  }
0x20: {  	[sflag:s11] =	ssyncadd.s32 $0xFFFFE000  }
0x21: {  	[tilespmem:s15], [sflag:$0x1] =	stream.linear.gather [hbm4b:s5+s8], $0x2000, $0x38;
	[tilespmem:$0x1C080] =	vst v63  }
0x22: {  	_ =	swait.ge [sflag:s11], $0x2000  }
0x23: {  	[sflag:s11] =	ssyncset.done $0x0  }
0x24: {  	[sflag:s11] =	ssyncadd.s32 $0xFFFFE000  }
0x25: {  	[tilespmem:s16], [sflag:$0x1] =	stream.linear.gather [hbm4b:s6+s8], $0x2000, $0x38;
	[tilespmem:$0x1C080] =	vst v63  }
0x26: {  	_ =	swait.ge [sflag:s11], $0x2000  }
0x27: {  	[sflag:s11] =	ssyncset.done $0x0  }
0x28: {  	s20 =	simm.s32 $0x0;
	[sflag:s11] =	ssyncadd.s32 $0xFFFFE000  }
0x29: {  	v1 =	vld [tilespmem:s20+$0x0]  }
0x2a: {  	v2 =	vld [tilespmem:s20+$0x2000]  }
0x2b: {  	v3 =	vld [tilespmem:s20+$0x4000];
	_ =	sdelay $0x2  }
0x2c: {  	s19 =	simm.s32 $0x10;
	v4 =	vmul.f32 $-2.000000000e+00, v1  }
0x2d: {  	v0 =	vld [tilespmem:s19+$0x0];
	v5 =	vmul.f32 v1, v1;
	v6 =	vmul.f32 v2, v2  }
0x2e: {  	v1 =	vld [tilespmem:s19+$0x2000];
	v7 =	vmul.f32 $-2.000000000e+00, v3  }
0x2f: {  	v63 =	vmul.f32 v3, v3;
	[tilespmem:s20+$0x8000] =	vst v4;
	v4 =	vmul.f32 $-2.000000000e+00, v2;
	v5 =	vadd.f32 v6, v5  }
0x30: {  	v2 =	vld [tilespmem:s19+$0x4000];
	[tilespmem:s20+$0xC000] =	vst v7  }
0x31: {  	s21 =	simm.s32 $0x80;
	[tilespmem:s20+$0xA000] =	vst v4;
	v3 =	vadd.f32 v63, v5  }
.LBB2_2:
0x32: {  	s22 =	sshra.s32 s21, $0x2;
	v4 =	vmul.f32 $-2.000000000e+00, v0;
	p0 =	sne.s32 s21, $0x7FC0  }
.Ltmp0:
0x33: {  	s21 =	sadd.s32 $0x40, s21;
	v5 =	vmul.f32 v0, v0;
	v0 =	vld [tilespmem:s22+$0x0];
	v6 =	vmul.f32 v1, v1;
	[tilespmem:s20+$0x6000] =	vst v3;
	(pc) =	sbr.rel @p0 .LBB2_2-.Ltmp0, $4  }
0x34: {  	v3 =	vmul.f32 $-2.000000000e+00, v1;
	s20 =	smov.u32 s19;
	[tilespmem:s19+$0x8000] =	vst v4;
	v1 =	vld [tilespmem:s22+$0x2000];
	s19 =	smov.u32 s22  }
0x35: {  	v4 =	vadd.f32 v6, v5;
	v5 =	vmul.f32 v2, v2;
	v6 =	vmul.f32 $-2.000000000e+00, v2  }
0x36: {  	v2 =	vld [tilespmem:s19+$0x4000];
	[tilespmem:s20+$0xA000] =	vst v3  }
0x37: {  	v3 =	vadd.f32 v5, v4;
	[tilespmem:s20+$0xC000] =	vst v6  }
0x38: {  	_ = 	snop  }
0x39: {  	v4 =	vmul.f32 v0, v0;
	v5 =	vmul.f32 v1, v1  }
0x3a: {  	v0 =	vmul.f32 $-2.000000000e+00, v0  }
0x3b: {  	[tilespmem:s20+$0x6000] =	vst v3;
	v1 =	vmul.f32 $-2.000000000e+00, v1;
	v3 =	vadd.f32 v5, v4;
	v4 =	vmul.f32 v2, v2  }
0x3c: {  	[tilespmem:s19+$0x8000] =	vst v0;
	v0 =	vmul.f32 $-2.000000000e+00, v2  }
0x3d: {  	[tilespmem:s19+$0xA000] =	vst v1;
	v1 =	vadd.f32 v4, v3  }
0x3e: {  	[tilespmem:s19+$0xC000] =	vst v0  }
0x3f: {  	s21 =	simm.s32 $0x0;
	[tilespmem:s19+$0x6000] =	vst v1  }
0x40: {  	v1 =	vld [tilespmem:s21+$0xE000]  }
0x41: {  	v2 =	vld [tilespmem:s21+$0x10000]  }
0x42: {  	v3 =	vld [tilespmem:s21+$0x12000];
	_ =	sdelay $0x2  }
0x43: {  	s19 =	simm.s32 $0x10;
	v4 =	vmul.f32 $-2.000000000e+00, v1  }
0x44: {  	v0 =	vld [tilespmem:s19+$0xE000];
	v5 =	vmul.f32 v1, v1;
	v6 =	vmul.f32 v2, v2  }
0x45: {  	v1 =	vld [tilespmem:s19+$0x10000];
	v7 =	vmul.f32 $-2.000000000e+00, v3  }
0x46: {  	v63 =	vmul.f32 v3, v3;
	[tilespmem:s21+$0x16000] =	vst v4;
	v4 =	vmul.f32 $-2.000000000e+00, v2;
	v5 =	vadd.f32 v6, v5  }
0x47: {  	v2 =	vld [tilespmem:s19+$0x12000];
	[tilespmem:s21+$0x1A000] =	vst v7  }
0x48: {  	s22 =	simm.s32 $0x80;
	s20 =	simm.s32 $0x0;
	[tilespmem:s21+$0x18000] =	vst v4;
	v3 =	vadd.f32 v63, v5  }
.LBB2_4:
0x49: {  	s23 =	sshra.s32 s22, $0x2;
	v4 =	vmul.f32 $-2.000000000e+00, v0;
	p0 =	sne.s32 s22, $0x7FC0  }
.Ltmp1:
0x4a: {  	s22 =	sadd.s32 $0x40, s22;
	v5 =	vmul.f32 v0, v0;
	v0 =	vld [tilespmem:s23+$0xE000];
	v6 =	vmul.f32 v1, v1;
	[tilespmem:s21+$0x14000] =	vst v3;
	(pc) =	sbr.rel @p0 .LBB2_4-.Ltmp1, $4  }
0x4b: {  	v3 =	vmul.f32 $-2.000000000e+00, v1;
	s21 =	smov.u32 s19;
	[tilespmem:s19+$0x16000] =	vst v4;
	v1 =	vld [tilespmem:s23+$0x10000];
	s19 =	smov.u32 s23  }
0x4c: {  	v4 =	vadd.f32 v6, v5;
	v5 =	vmul.f32 v2, v2;
	v6 =	vmul.f32 $-2.000000000e+00, v2  }
0x4d: {  	v2 =	vld [tilespmem:s19+$0x12000];
	[tilespmem:s21+$0x18000] =	vst v3  }
0x4e: {  	v3 =	vadd.f32 v5, v4;
	[tilespmem:s21+$0x1A000] =	vst v6  }
0x4f: {  	_ = 	snop  }
0x50: {  	v4 =	vmul.f32 v0, v0;
	v5 =	vmul.f32 v1, v1  }
0x51: {  	v58 =	vmul.f32 $-2.000000000e+00, v0  }
0x52: {  	[tilespmem:s21+$0x14000] =	vst v3;
	v59 =	vmul.f32 $-2.000000000e+00, v1;
	v60 =	vadd.f32 v5, v4;
	v61 =	vmul.f32 v2, v2  }
0x53: {  	[tilespmem:s19+$0x16000] =	vst v58;
	v62 =	vmul.f32 $-2.000000000e+00, v2  }
0x54: {  	[tilespmem:s19+$0x18000] =	vst v59;
	v63 =	vadd.f32 v61, v60  }
0x55: {  	[tilespmem:s19+$0x1A000] =	vst v62  }
0x56: {  	[tilespmem:s19+$0x14000] =	vst v63;
	s19 =	simm.f32 $0.0e+00  }
.LBB2_6:
0x57: {  	v26 =	vld [tilespmem:$0x1FFF0];
	_ =	sdelay $0x6  }
0x58: {  	s23 =	sshll.u32 s20, $0x4  }
0x59: {  	v27 =	vld.idx.msk [tilespmem:v26+s23+$0xE000 ss:$0x1], $0xffff  }
0x5a: {  	v24 =	vld.idx.msk [tilespmem:v26+s23+$0x10000 ss:$0x1], $0xffff  }
0x5b: {  	v52 =	vld.idx.msk [tilespmem:v26+s23+$0x12000 ss:$0x1], $0xffff;
	_ =	sdelay $0x3  }
0x5c: {  	v47 =	vbroadcast v27, $0x0  }
0x5d: {  	v37 =	vbroadcast v24, $0x0;
	v28 =	vbroadcast v52, $0x0  }
0x5e: {  	v48 =	vbroadcast v27, $0x1;
	v43 =	vbroadcast v24, $0x1  }
0x5f: {  	v29 =	vbroadcast v52, $0x1;
	v44 =	vbroadcast v27, $0x2  }
0x60: {  	v35 =	vbroadcast v24, $0x2;
	v30 =	vbroadcast v52, $0x2  }
0x61: {  	v38 =	vbroadcast v27, $0x3;
	v39 =	vbroadcast v24, $0x3  }
0x62: {  	s22 =	simm.s32 $0x0;
	v31 =	vbroadcast v52, $0x3;
	v40 =	vbroadcast v27, $0x4  }
0x63: {  	v0 =	vld [tilespmem:s22+$0x8000];
	v36 =	vbroadcast v24, $0x4;
	v32 =	vbroadcast v52, $0x4  }
0x64: {  	v41 =	vbroadcast v27, $0x5;
	v45 =	vbroadcast v24, $0x5  }
0x65: {  	v1 =	vld [tilespmem:s22+$0xA000];
	v33 =	vbroadcast v52, $0x5;
	v46 =	vbroadcast v27, $0x6  }
0x66: {  	v42 =	vbroadcast v24, $0x6;
	v34 =	vbroadcast v52, $0x6  }
0x67: {  	v2 =	vld [tilespmem:s22+$0xC000];
	v50 =	vbroadcast v27, $0x7;
	v51 =	vbroadcast v24, $0x7  }
0x68: {  	v49 =	vbroadcast v52, $0x7;
	v3 =	vmul.f32 v0, v47  }
0x69: {  	v4 =	vmul.f32 v0, v48;
	v5 =	vmul.f32 v0, v50  }
0x6a: {  	v6 =	vmul.f32 v1, v51;
	v7 =	vmul.f32 v1, v37  }
0x6b: {  	v8 =	vmul.f32 v1, v43;
	v9 =	vmul.f32 v0, v44  }
0x6c: {  	v11 =	vmul.f32 v2, v49;
	v12 =	vmul.f32 v0, v38  }
0x6d: {  	v13 =	vmul.f32 v0, v40;
	v14 =	vmul.f32 v0, v41  }
0x6e: {  	v10 =	vld [tilespmem:s22+$0x6000];
	v0 =	vmul.f32 v0, v46;
	v5 =	vadd.f32 v6, v5;
	v6 =	vmul.f32 v1, v35  }
0x6f: {  	v3 =	vadd.f32 v7, v3;
	v7 =	vmul.f32 v1, v39;
	v4 =	vadd.f32 v8, v4  }
0x70: {  	v8 =	vmul.f32 v1, v45;
	v5 =	vadd.f32 v11, v5;
	v11 =	vmul.f32 v1, v36  }
0x71: {  	s21 =	simm.s32 $0x10;
	v6 =	vadd.f32 v6, v9;
	v1 =	vmul.f32 v1, v42;
	v7 =	vadd.f32 v7, v12  }
0x72: {  	v18 =	vld [tilespmem:s21+$0xC000];
	v8 =	vadd.f32 v8, v14;
	v12 =	vmul.f32 v2, v29;
	v14 =	vmul.f32 v2, v33  }
0x73: {  	v5 =	vadd.f32 v5, v10;
	v9 =	vadd.f32 v11, v13;
	v11 =	vmul.f32 v2, v28  }
0x74: {  	v1 =	vadd.f32 v1, v0;
	v0 =	vmul.f32 v2, v30;
	v4 =	vadd.f32 v12, v4  }
0x75: {  	v13 =	vmul.f32 v2, v31;
	v12 =	vld [tilespmem:s21+$0x8000];
	v8 =	vadd.f32 v14, v8;
	v3 =	vadd.f32 v11, v3  }
0x76: {  	v11 =	vmul.f32 v2, v32;
	v6 =	vadd.f32 v0, v6;
	v2 =	vmul.f32 v2, v34  }
0x77: {  	v25 =	vmul.f32 v18, v31;
	v7 =	vadd.f32 v13, v7;
	v4 =	vadd.f32 v4, v10  }
0x78: {  	v0 =	vimm.f32 $+Inf;
	v9 =	vadd.f32 v11, v9;
	v11 =	vld [tilespmem:s21+$0xA000];
	v1 =	vadd.f32 v2, v1  }
0x79: {  	v13 =	vmin.f32 v0, v5;
	v2 =	vadd.f32 v3, v10;
	v5 =	vadd.f32 v6, v10  }
0x7a: {  	v7 =	vadd.f32 v7, v10;
	v6 =	vmul.f32 v12, v48;
	v17 =	vmul.f32 v12, v44  }
0x7b: {  	v3 =	vmin.f32 v0, v2;
	v23 =	vadd.f32 v9, v10;
	v9 =	vadd.f32 v8, v10  }
0x7c: {  	v2 =	vmul.f32 v12, v47;
	v10 =	vadd.f32 v1, v10;
	v1 =	vmul.f32 v12, v50  }
0x7d: {  	v14 =	vmul.f32 v11, v51;
	v15 =	vmul.f32 v11, v37  }
0x7e: {  	v4 =	vmin.f32 v0, v4;
	v16 =	vmul.f32 v11, v43;
	v20 =	vmul.f32 v11, v39  }
0x7f: {  	v8 =	vld [tilespmem:s21+$0x6000];
	v21 =	vmul.f32 v11, v45;
	v1 =	vadd.f32 v14, v1;
	v14 =	vmul.f32 v18, v49  }
0x80: {  	v19 =	vadd.f32 v15, v2;
	v2 =	vmul.f32 v11, v35;
	v15 =	vmul.f32 v12, v38  }
0x81: {  	v22 =	vadd.f32 v16, v6;
	v6 =	vmul.f32 v11, v36;
	v16 =	vmul.f32 v12, v41  }
0x82: {  	v1 =	vadd.f32 v14, v1;
	v14 =	vmul.f32 v12, v40;
	v12 =	vmul.f32 v12, v46  }
0x83: {  	v17 =	vadd.f32 v2, v17;
	v20 =	vadd.f32 v20, v15;
	v2 =	vmul.f32 v11, v42  }
0x84: {  	v5 =	vmin.f32 v0, v5;
	v1 =	vadd.f32 v1, v8;
	v11 =	vadd.f32 v6, v14  }
0x85: {  	v14 =	vadd.f32 v21, v16;
	v15 =	vadd.f32 v2, v12;
	v12 =	vmul.f32 v18, v30  }
0x86: {  	v2 =	vmin.f32 v0, v7;
	v7 =	vmul.f32 v18, v32;
	v21 =	vmul.f32 v18, v33  }
0x87: {  	v6 =	vmin.f32 v13, v1;
	v1 =	vmul.f32 v18, v28;
	v13 =	vmul.f32 v18, v29  }
0x88: {  	v20 =	vadd.f32 v25, v20;
	v17 =	vadd.f32 v12, v17;
	v12 =	vimm.f32 $+Inf  }
0x89: {  	s24 =	simm.s32 $0x20;
	v16 =	vadd.f32 v1, v19;
	v19 =	vadd.f32 v13, v22;
	v1 =	vld.idx.msk [tilespmem:v26+s23+$0x14000 ss:$0x1], $0xffff;
	v22 =	vmul.f32 v18, v34  }
0x8a: {  	v18 =	vadd.f32 v7, v11;
	v11 =	vld [tilespmem:s24+$0x8000];
	s23 =	simm.s32 $0xC0;
	v7 =	vmin.f32 v0, v23;
	v13 =	vimm.f32 $+Inf  }
.LBB2_7:
0x8b: {  	p0 =	sne.s32 s23, $0x1FC0;
	v23 =	vld [tilespmem:s24+$0xA000];
	v14 =	vadd.f32 v21, v14;
	v15 =	vadd.f32 v22, v15;
	v13 =	vmin.f32 v13, v9  }
0x8c: {  	v9 =	vadd.f32 v16, v8;
	v16 =	vadd.f32 v19, v8;
	v12 =	vmin.f32 v12, v10  }
0x8d: {  	v17 =	vadd.f32 v17, v8;
	v19 =	vadd.f32 v20, v8;
	v22 =	vld [tilespmem:s24+$0xC000]  }
0x8e: {  	v25 =	vadd.f32 v18, v8;
	v3 =	vmin.f32 v3, v9;
	v9 =	vadd.f32 v14, v8  }
0x8f: {  	v10 =	vadd.f32 v15, v8;
	v14 =	vmul.f32 v11, v47;
	v18 =	vmul.f32 v11, v48  }
0x90: {  	v4 =	vmin.f32 v4, v16;
	v15 =	vmul.f32 v11, v50;
	v20 =	vmul.f32 v23, v51  }
0x91: {  	v5 =	vmin.f32 v5, v17;
	v16 =	vmul.f32 v23, v37;
	v21 =	vmul.f32 v23, v43;
	v8 =	vld [tilespmem:s24+$0x6000]  }
0x92: {  	v17 =	vmul.f32 v11, v44;
	v15 =	vadd.f32 v20, v15;
	v20 =	vmul.f32 v22, v49  }
0x93: {  	v26 =	vmul.f32 v11, v38;
	v16 =	vadd.f32 v16, v14;
	v14 =	vmul.f32 v23, v35  }
0x94: {  	v54 =	vmul.f32 v11, v40;
	v53 =	vmul.f32 v23, v39;
	v15 =	vadd.f32 v20, v15  }
0x95: {  	v18 =	vadd.f32 v21, v18;
	v21 =	vmul.f32 v11, v41;
	v20 =	vmul.f32 v23, v36  }
0x96: {  	v55 =	vmul.f32 v23, v45;
	v11 =	vmul.f32 v11, v46;
	v15 =	vadd.f32 v15, v8  }
0x97: {  	v26 =	vadd.f32 v53, v26;
	v17 =	vadd.f32 v14, v17;
	v23 =	vmul.f32 v23, v42  }
0x98: {  	v14 =	vadd.f32 v55, v21;
	v53 =	vadd.f32 v20, v54;
	v6 =	vmin.f32 v6, v15  }
.Ltmp2:
0x99: {  	v20 =	vmul.f32 v22, v28;
	v54 =	vmul.f32 v22, v29;
	v15 =	vadd.f32 v23, v11;
	(pc) =	sbr.rel @p0 .LBB2_7-.Ltmp2, $4  }
0x9a: {  	v2 =	vmin.f32 v2, v19;
	v11 =	vmul.f32 v22, v30;
	v23 =	vmul.f32 v22, v31  }
0x9b: {  	v55 =	vmul.f32 v22, v32;
	v21 =	vmul.f32 v22, v33;
	v16 =	vadd.f32 v20, v16  }
0x9c: {  	s24 =	sshra.s32 s23, $0x2;
	v19 =	vadd.f32 v54, v18;
	v22 =	vmul.f32 v22, v34;
	v17 =	vadd.f32 v11, v17  }
0x9d: {  	v7 =	vmin.f32 v7, v25;
	s23 =	sadd.s32 $0x40, s23;
	v18 =	vadd.f32 v55, v53;
	v20 =	vadd.f32 v23, v26;
	v11 =	vld [tilespmem:s24+$0x8000]  }
0x9e: {  	v14 =	vadd.f32 v21, v14  }
0x9f: {  	v23 =	vld [tilespmem:s24+$0xA000];
	v15 =	vadd.f32 v22, v15;
	v9 =	vmin.f32 v13, v9;
	v13 =	vadd.f32 v16, v8  }
0xa0: {  	v16 =	vadd.f32 v19, v8;
	v10 =	vmin.f32 v12, v10;
	v17 =	vadd.f32 v17, v8  }
0xa1: {  	v12 =	vld [tilespmem:s24+$0xC000];
	v19 =	vadd.f32 v20, v8;
	v3 =	vmin.f32 v3, v13;
	v13 =	vadd.f32 v18, v8  }
0xa2: {  	v14 =	vadd.f32 v14, v8;
	v18 =	vmul.f32 v11, v47;
	v20 =	vmul.f32 v11, v48  }
0xa3: {  	v8 =	vadd.f32 v15, v8;
	v15 =	vmul.f32 v11, v50;
	v26 =	vmul.f32 v11, v38  }
0xa4: {  	v54 =	vmul.f32 v11, v41;
	v21 =	vmul.f32 v23, v51  }
0xa5: {  	v4 =	vmin.f32 v4, v16;
	v22 =	vmul.f32 v23, v37;
	v25 =	vmul.f32 v23, v43  }
0xa6: {  	v16 =	vld [tilespmem:s24+$0x6000];
	v5 =	vmin.f32 v5, v17;
	v17 =	vmul.f32 v12, v49;
	v53 =	vmul.f32 v23, v39  }
0xa7: {  	v55 =	vmul.f32 v23, v45;
	v62 =	vmul.f32 v12, v33;
	v15 =	vadd.f32 v21, v15  }
0xa8: {  	v21 =	vmul.f32 v11, v44;
	v18 =	vadd.f32 v22, v18;
	v22 =	vmul.f32 v23, v35  }
0xa9: {  	v20 =	vadd.f32 v25, v20;
	v25 =	vmul.f32 v23, v36;
	v15 =	vadd.f32 v17, v15  }
0xaa: {  	v2 =	vmin.f32 v2, v19;
	v23 =	vmul.f32 v23, v42;
	v17 =	vmul.f32 v11, v40  }
0xab: {  	v11 =	vmul.f32 v11, v46;
	v21 =	vadd.f32 v22, v21;
	v15 =	vadd.f32 v15, v16  }
0xac: {  	v22 =	vadd.f32 v53, v26;
	v26 =	vmul.f32 v12, v31;
	v17 =	vadd.f32 v25, v17  }
0xad: {  	v25 =	vadd.f32 v55, v54;
	v56 =	vmin.f32 v6, v15;
	v6 =	vmul.f32 v12, v28  }
0xae: {  	v11 =	vadd.f32 v23, v11;
	v23 =	vmul.f32 v12, v30;
	v15 =	vmul.f32 v12, v29  }
0xaf: {  	v6 =	vadd.f32 v6, v18;
	v18 =	vmul.f32 v12, v32;
	v12 =	vmul.f32 v12, v34  }
0xb0: {  	v7 =	vmin.f32 v7, v13;
	v19 =	vadd.f32 v26, v22;
	v13 =	vadd.f32 v62, v25  }
0xb1: {  	v15 =	vadd.f32 v15, v20;
	v11 =	vadd.f32 v12, v11;
	v12 =	vld [tilespmem:s22+$0x8800]  }
0xb2: {  	v9 =	vmin.f32 v9, v14;
	v20 =	vadd.f32 v23, v21;
	v6 =	vadd.f32 v6, v16  }
0xb3: {  	v8 =	vmin.f32 v10, v8;
	v17 =	vadd.f32 v18, v17;
	v14 =	vadd.f32 v15, v16;
	v15 =	vld [tilespmem:s22+$0xA800]  }
0xb4: {  	v10 =	vadd.f32 v20, v16;
	v18 =	vadd.f32 v19, v16;
	v3 =	vmin.f32 v3, v6  }
0xb5: {  	v6 =	vadd.f32 v13, v16;
	[tilespmem:$0x1FFC0] =	vst v3;
	v3 =	vadd.f32 v17, v16  }
0xb6: {  	v4 =	vmin.f32 v4, v14;
	v60 =	vmin.f32 v2, v18;
	v2 =	vmul.f32 v12, v47  }
0xb7: {  	v13 =	vld [tilespmem:s22+$0xC800];
	[tilespmem:$0x1FFD0] =	vst v4;
	v4 =	vmul.f32 v12, v48;
	v58 =	vmin.f32 v7, v3;
	v3 =	vmul.f32 v12, v50  }
0xb8: {  	v61 =	vmin.f32 v5, v10;
	v5 =	vmul.f32 v15, v51;
	v7 =	vmul.f32 v15, v37  }
0xb9: {  	v57 =	vmin.f32 v9, v6;
	v9 =	vmul.f32 v15, v43;
	v10 =	vmul.f32 v12, v44  }
0xba: {  	v11 =	vadd.f32 v11, v16;
	v14 =	vmul.f32 v12, v38;
	v16 =	vmul.f32 v15, v39  }
0xbb: {  	v17 =	vmul.f32 v12, v40;
	v18 =	vmul.f32 v15, v45  }
0xbc: {  	v6 =	vld [tilespmem:s22+$0x6800];
	v3 =	vadd.f32 v5, v3;
	v5 =	vmul.f32 v13, v49;
	v2 =	vadd.f32 v7, v2  }
0xbd: {  	v7 =	vmul.f32 v15, v35;
	v4 =	vadd.f32 v9, v4;
	v9 =	vmul.f32 v12, v41  }
0xbe: {  	v12 =	vmul.f32 v12, v46;
	v3 =	vadd.f32 v5, v3;
	v5 =	vmul.f32 v15, v36  }
0xbf: {  	v7 =	vadd.f32 v7, v10;
	v10 =	vadd.f32 v16, v14;
	v14 =	vmul.f32 v15, v42  }
0xc0: {  	v9 =	vadd.f32 v18, v9;
	v15 =	vmul.f32 v13, v28;
	v16 =	vmul.f32 v13, v29  }
0xc1: {  	v18 =	vmul.f32 v13, v33;
	v3 =	vadd.f32 v3, v6;
	v5 =	vadd.f32 v5, v17  }
0xc2: {  	v12 =	vadd.f32 v14, v12;
	v14 =	vmul.f32 v13, v30;
	v17 =	vmul.f32 v13, v31  }
0xc3: {  	v2 =	vadd.f32 v15, v2;
	v15 =	vmul.f32 v13, v32;
	v4 =	vadd.f32 v16, v4  }
0xc4: {  	v13 =	vmul.f32 v13, v34;
	v9 =	vadd.f32 v18, v9;
	v7 =	vadd.f32 v14, v7;
	v14 =	vld [tilespmem:s21+$0x8800]  }
0xc5: {  	v10 =	vadd.f32 v17, v10;
	v15 =	vadd.f32 v15, v5;
	v5 =	vmin.f32 v8, v11;
	v8 =	vld [tilespmem:s21+$0xA800]  }
0xc6: {  	v2 =	vadd.f32 v2, v6;
	v11 =	vadd.f32 v13, v12  }
0xc7: {  	v4 =	vadd.f32 v4, v6;
	v7 =	vadd.f32 v7, v6  }
0xc8: {  	[tilespmem:$0x1FFE0] =	vst v5;
	v16 =	vadd.f32 v10, v6;
	v5 =	vmin.f32 v0, v2;
	v22 =	vadd.f32 v15, v6  }
0xc9: {  	v12 =	vld [tilespmem:s21+$0xC800];
	v2 =	vadd.f32 v9, v6;
	v13 =	vmul.f32 v14, v47;
	v15 =	vmul.f32 v14, v48  }
0xca: {  	v10 =	vadd.f32 v11, v6;
	v11 =	vmul.f32 v14, v50;
	v17 =	vmul.f32 v8, v51  }
0xcb: {  	v6 =	vmin.f32 v0, v4;
	v4 =	vmul.f32 v8, v37;
	v18 =	vmul.f32 v8, v43  }
0xcc: {  	v3 =	vmin.f32 v0, v3;
	v19 =	vmul.f32 v14, v44;
	v20 =	vmul.f32 v8, v35  }
0xcd: {  	v7 =	vmin.f32 v0, v7;
	v23 =	vmul.f32 v14, v40;
	v25 =	vmul.f32 v8, v45  }
0xce: {  	v9 =	vld [tilespmem:s21+$0x6800];
	v63 =	vmul.f32 v12, v32;
	v11 =	vadd.f32 v17, v11;
	v17 =	vmul.f32 v12, v49  }
0xcf: {  	v21 =	vadd.f32 v4, v13;
	v4 =	vmul.f32 v14, v38;
	v13 =	vmul.f32 v8, v39  }
0xd0: {  	v18 =	vadd.f32 v18, v15;
	v15 =	vmul.f32 v14, v41;
	v14 =	vmul.f32 v14, v46  }
0xd1: {  	v19 =	vadd.f32 v20, v19;
	v11 =	vadd.f32 v17, v11;
	v17 =	vmul.f32 v8, v36  }
0xd2: {  	v26 =	vadd.f32 v13, v4;
	v8 =	vmul.f32 v8, v42;
	v13 =	vadd.f32 v25, v15  }
0xd3: {  	v20 =	vmul.f32 v12, v33;
	v11 =	vadd.f32 v11, v9;
	v17 =	vadd.f32 v17, v23  }
0xd4: {  	v23 =	vmul.f32 v12, v29;
	v14 =	vadd.f32 v8, v14;
	v8 =	vmul.f32 v12, v30  }
0xd5: {  	v25 =	vmul.f32 v12, v31;
	v4 =	vmin.f32 v3, v11;
	v11 =	vmul.f32 v12, v28  }
0xd6: {  	v3 =	vmin.f32 v0, v16;
	v18 =	vadd.f32 v23, v18;
	v16 =	vadd.f32 v8, v19  }
0xd7: {  	s22 =	simm.s32 $0x20;
	v19 =	vadd.f32 v25, v26;
	v15 =	vadd.f32 v11, v21;
	v21 =	vmul.f32 v12, v34  }
0xd8: {  	s21 =	simm.s32 $0xC0;
	v17 =	vadd.f32 v63, v17;
	v8 =	vmin.f32 v0, v22;
	v11 =	vld [tilespmem:s22+$0x8800];
	v12 =	vimm.f32 $+Inf  }
.LBB2_9:
0xd9: {  	p0 =	sne.s32 s21, $0x1FC0;
	v22 =	vld [tilespmem:s22+$0xA800];
	v13 =	vadd.f32 v20, v13;
	v14 =	vadd.f32 v21, v14;
	v0 =	vmin.f32 v0, v2  }
0xda: {  	v2 =	vadd.f32 v15, v9;
	v15 =	vadd.f32 v18, v9;
	v12 =	vmin.f32 v12, v10  }
0xdb: {  	v16 =	vadd.f32 v16, v9;
	v18 =	vadd.f32 v19, v9;
	v21 =	vld [tilespmem:s22+$0xC800]  }
0xdc: {  	v23 =	vadd.f32 v17, v9;
	v5 =	vmin.f32 v5, v2;
	v2 =	vadd.f32 v13, v9  }
0xdd: {  	v10 =	vadd.f32 v14, v9;
	v13 =	vmul.f32 v11, v47;
	v17 =	vmul.f32 v11, v48  }
0xde: {  	v6 =	vmin.f32 v6, v15;
	v14 =	vmul.f32 v11, v50;
	v19 =	vmul.f32 v22, v51  }
0xdf: {  	v7 =	vmin.f32 v7, v16;
	v15 =	vmul.f32 v22, v37;
	v20 =	vmul.f32 v22, v43;
	v9 =	vld [tilespmem:s22+$0x6800]  }
0xe0: {  	v16 =	vmul.f32 v11, v44;
	v14 =	vadd.f32 v19, v14;
	v19 =	vmul.f32 v21, v49  }
0xe1: {  	v25 =	vmul.f32 v11, v38;
	v15 =	vadd.f32 v15, v13;
	v13 =	vmul.f32 v22, v35  }
0xe2: {  	v53 =	vmul.f32 v11, v40;
	v26 =	vmul.f32 v22, v39;
	v14 =	vadd.f32 v19, v14  }
0xe3: {  	v17 =	vadd.f32 v20, v17;
	v20 =	vmul.f32 v11, v41;
	v19 =	vmul.f32 v22, v36  }
0xe4: {  	v54 =	vmul.f32 v22, v45;
	v11 =	vmul.f32 v11, v46;
	v14 =	vadd.f32 v14, v9  }
0xe5: {  	v25 =	vadd.f32 v26, v25;
	v16 =	vadd.f32 v13, v16;
	v22 =	vmul.f32 v22, v42  }
0xe6: {  	v13 =	vadd.f32 v54, v20;
	v26 =	vadd.f32 v19, v53;
	v4 =	vmin.f32 v4, v14  }
.Ltmp3:
0xe7: {  	v19 =	vmul.f32 v21, v28;
	v53 =	vmul.f32 v21, v29;
	v14 =	vadd.f32 v22, v11;
	(pc) =	sbr.rel @p0 .LBB2_9-.Ltmp3, $4  }
0xe8: {  	v3 =	vmin.f32 v3, v18;
	v11 =	vmul.f32 v21, v30;
	v22 =	vmul.f32 v21, v31  }
0xe9: {  	v54 =	vmul.f32 v21, v32;
	v20 =	vmul.f32 v21, v33;
	v15 =	vadd.f32 v19, v15  }
0xea: {  	s22 =	sshra.s32 s21, $0x2;
	v18 =	vadd.f32 v53, v17;
	v21 =	vmul.f32 v21, v34;
	v16 =	vadd.f32 v11, v16  }
0xeb: {  	v8 =	vmin.f32 v8, v23;
	s21 =	sadd.s32 $0x40, s21;
	v17 =	vadd.f32 v54, v26;
	v19 =	vadd.f32 v22, v25;
	v11 =	vld [tilespmem:s22+$0x8800]  }
0xec: {  	v13 =	vadd.f32 v20, v13  }
0xed: {  	v14 =	vadd.f32 v21, v14;
	v15 =	vadd.f32 v15, v9  }
0xee: {  	v22 =	vld [tilespmem:s22+$0xA800];
	v0 =	vmin.f32 v0, v2;
	v18 =	vadd.f32 v18, v9;
	v10 =	vmin.f32 v12, v10  }
0xef: {  	v16 =	vadd.f32 v16, v9;
	v19 =	vadd.f32 v19, v9;
	v5 =	vmin.f32 v5, v15  }
0xf0: {  	v12 =	vld [tilespmem:s22+$0xC800];
	v15 =	vadd.f32 v17, v9;
	v13 =	vadd.f32 v13, v9;
	v55 =	vmul.f32 v11, v47  }
0xf1: {  	v9 =	vadd.f32 v14, v9;
	v20 =	vmul.f32 v11, v48;
	v59 =	vmul.f32 v11, v50  }
0xf2: {  	v7 =	vmin.f32 v7, v16;
	v16 =	vmul.f32 v11, v44;
	v26 =	vmul.f32 v11, v38  }
0xf3: {  	v6 =	vmin.f32 v6, v18;
	v54 =	vmul.f32 v11, v40;
	v62 =	vmul.f32 v22, v51  }
0xf4: {  	v3 =	vmin.f32 v3, v19;
	v23 =	vmul.f32 v22, v37;
	v25 =	vmul.f32 v22, v43  }
0xf5: {  	v63 =	vmul.f32 v12, v49;
	v53 =	vmul.f32 v22, v39;
	v14 =	vadd.f32 v62, v59  }
0xf6: {  	v18 =	vld [tilespmem:s22+$0x6800];
	v17 =	vadd.f32 v23, v55;
	v59 =	vmul.f32 v22, v35;
	v62 =	vmul.f32 v22, v36  }
0xf7: {  	v20 =	vadd.f32 v25, v20;
	v25 =	vmul.f32 v11, v41;
	v55 =	vmul.f32 v22, v45  }
0xf8: {  	v23 =	vadd.f32 v53, v26;
	v22 =	vmul.f32 v22, v42;
	v26 =	vmul.f32 v12, v28  }
0xf9: {  	v14 =	vadd.f32 v63, v14;
	v63 =	vmul.f32 v11, v46;
	v16 =	vadd.f32 v59, v16  }
0xfa: {  	v21 =	vadd.f32 v62, v54;
	v25 =	vadd.f32 v55, v25;
	v59 =	vmul.f32 v12, v30  }
0xfb: {  	v62 =	vmul.f32 v12, v31;
	v17 =	vadd.f32 v26, v17;
	v14 =	vadd.f32 v14, v18  }
0xfc: {  	v26 =	vmul.f32 v12, v32;
	v11 =	vadd.f32 v22, v63;
	v63 =	vmul.f32 v12, v33  }
0xfd: {  	v22 =	vadd.f32 v17, v18;
	v54 =	vmin.f32 v4, v14;
	v14 =	vadd.f32 v59, v16  }
0xfe: {  	v4 =	vmul.f32 v12, v29;
	v59 =	vadd.f32 v62, v23;
	v63 =	vadd.f32 v63, v25  }
0xff: {  	v12 =	vmul.f32 v12, v34;
	v62 =	vadd.f32 v26, v21;
	v23 =	vadd.f32 v14, v18  }
0x100: {  	v53 =	vadd.f32 v59, v18;
	v59 =	vmin.f32 v5, v22;
	v5 =	vadd.f32 v63, v18  }
0x101: {  	v0 =	vmin.f32 v0, v13;
	[tilespmem:$0x1FF40] =	vst v54;
	v4 =	vadd.f32 v4, v20;
	v11 =	vadd.f32 v12, v11  }
0x102: {  	[tilespmem:$0x1FFB0] =	vst v59;
	v63 =	vmin.f32 v7, v23;
	v7 =	vmin.f32 v3, v53;
	v3 =	vmin.f32 v0, v5  }
0x103: {  	p1 =	por $0x1, $0x1;
	v11 =	vadd.f32 v11, v18;
	[tilespmem:$0x1FF60] =	vst v3  }
.Ltmp4:
0x104: {  	v9 =	vmin.f32 v10, v9;
	v55 =	vadd.f32 v62, v18;
	v4 =	vadd.f32 v4, v18;
	[tilespmem:$0x1FF80] =	vst v7;
	(pc) =	sbr.rel @!p1 .LBB2_11-.Ltmp4, $4  }
0x105: {  	v8 =	vmin.f32 v8, v15;
	[tilespmem:$0x1FF90] =	vst v63;
	v0 =	vmin.f32 v9, v11  }
0x106: {  	v62 =	vmin.f32 v6, v4;
	v6 =	vmin.f32 v8, v55;
	[tilespmem:$0x1FF50] =	vst v0  }
0x107: {  	s21 =	simm.s32 $0x0;
	[tilespmem:$0x1FF70] =	vst v6  }
0x108: {  	v2 =	vimm.f32 $+Inf;
	p2 =	por $0x0, $0x0;
	p0 =	por $0x0, $0x0;
	v4 =	vld [tilespmem:s21+$0x9000];
	[tilespmem:$0x1FFA0] =	vst v62  }
0x109: {  	_ =	sdelay $0x2  }
0x10a: {  	v0 =	vld [tilespmem:s21+$0xB000]  }
0x10b: {  	v5 =	vld [tilespmem:s21+$0xD000];
	v6 =	vmul.f32 v4, v47;
	v7 =	vmul.f32 v4, v48  }
0x10c: {  	v8 =	vmul.f32 v4, v50;
	v12 =	vmul.f32 v4, v44  }
0x10d: {  	v54 =	vmul.f32 v4, v38;
	v15 =	vmul.f32 v4, v40  }
0x10e: {  	v59 =	vmul.f32 v4, v41;
	v4 =	vmul.f32 v4, v46  }
0x10f: {  	v9 =	vmul.f32 v0, v51;
	v10 =	vmul.f32 v0, v37  }
0x110: {  	v11 =	vmul.f32 v0, v43;
	v53 =	vmul.f32 v5, v49  }
0x111: {  	v13 =	vmul.f32 v0, v35;
	v14 =	vmul.f32 v0, v39  }
0x112: {  	v55 =	vmul.f32 v0, v36;
	v16 =	vmul.f32 v0, v45  }
0x113: {  	v3 =	vld [tilespmem:s21+$0x7000];
	v62 =	vmul.f32 v5, v28;
	v8 =	vadd.f32 v9, v8;
	v6 =	vadd.f32 v10, v6  }
0x114: {  	v63 =	vmul.f32 v5, v29;
	v7 =	vadd.f32 v11, v7;
	v12 =	vadd.f32 v13, v12  }
0x115: {  	p3 =	por $0x1, $0x1;
	v10 =	vadd.f32 v14, v54;
	v13 =	vmul.f32 v0, v42;
	v9 =	vadd.f32 v55, v15  }
.Ltmp5:
0x116: {  	v18 =	vmul.f32 v5, v33;
	v14 =	vadd.f32 v16, v59;
	v8 =	vadd.f32 v53, v8;
	(pc) =	sbr.rel @!p3 .LBB2_13-.Ltmp5, $4  }
0x117: {  	v15 =	vadd.f32 v13, v4;
	v4 =	vmul.f32 v5, v30;
	v13 =	vmul.f32 v5, v31  }
0x118: {  	v16 =	vadd.f32 v62, v6;
	v6 =	vmul.f32 v5, v32;
	v8 =	vadd.f32 v8, v3  }
0x119: {  	s22 =	simm.s32 $0x10;
	v22 =	vmul.f32 v5, v34;
	v19 =	vadd.f32 v63, v7;
	v17 =	vadd.f32 v4, v12  }
0x11a: {  	p2 =	por $0x1, $0x1;
	v4 =	vld [tilespmem:s22+$0x9000];
	v21 =	vadd.f32 v13, v10;
	v20 =	vadd.f32 v6, v9;
	v0 =	vmin.f32 v2, v8  }
0x11b: {  	v6 =	vadd.f32 v18, v14  }
0x11c: {  	v8 =	vld [tilespmem:s22+$0xB000];
	v7 =	vadd.f32 v22, v15;
	v5 =	vadd.f32 v16, v3  }
0x11d: {  	v9 =	vadd.f32 v19, v3;
	v13 =	vadd.f32 v17, v3  }
0x11e: {  	v16 =	vadd.f32 v21, v3;
	v23 =	vadd.f32 v20, v3;
	v5 =	vmin.f32 v2, v5  }
0x11f: {  	v12 =	vld [tilespmem:s22+$0xD000];
	v10 =	vadd.f32 v6, v3;
	v14 =	vmul.f32 v4, v47;
	v15 =	vmul.f32 v4, v48  }
0x120: {  	v11 =	vadd.f32 v7, v3;
	v17 =	vmul.f32 v4, v50;
	v20 =	vmul.f32 v4, v38  }
0x121: {  	v6 =	vmin.f32 v2, v9;
	v22 =	vmul.f32 v4, v41;
	v18 =	vmul.f32 v8, v51  }
0x122: {  	v7 =	vmin.f32 v2, v13;
	v9 =	vmul.f32 v8, v37;
	v19 =	vmul.f32 v8, v43  }
0x123: {  	v3 =	vld [tilespmem:s22+$0x7000];
	v21 =	vmul.f32 v8, v39;
	v25 =	vmul.f32 v8, v45;
	v13 =	vadd.f32 v18, v17  }
0x124: {  	v17 =	vmul.f32 v12, v49;
	v18 =	vmul.f32 v4, v44;
	v9 =	vadd.f32 v9, v14  }
0x125: {  	v14 =	vmul.f32 v8, v35;
	v19 =	vadd.f32 v19, v15;
	v15 =	vmul.f32 v8, v36  }
0x126: {  	v20 =	vadd.f32 v21, v20;
	v8 =	vmul.f32 v8, v42;
	v13 =	vadd.f32 v17, v13  }
0x127: {  	v21 =	vmul.f32 v12, v31;
	v17 =	vmul.f32 v4, v40;
	v26 =	vadd.f32 v14, v18  }
0x128: {  	v4 =	vmul.f32 v4, v46;
	v14 =	vadd.f32 v25, v22;
	v13 =	vadd.f32 v13, v3  }
0x129: {  	p4 =	por $0x1, $0x1;
	v18 =	vmul.f32 v12, v33;
	v22 =	vmul.f32 v12, v34;
	v21 =	vadd.f32 v21, v20  }
.Ltmp6:
0x12a: {  	v53 =	vadd.f32 v15, v17;
	v0 =	vmin.f32 v0, v13;
	v13 =	vmul.f32 v12, v28;
	(pc) =	sbr.rel @!p4 .LBB2_15-.Ltmp6, $4  }
0x12b: {  	v17 =	vmul.f32 v12, v29;
	v15 =	vadd.f32 v8, v4;
	v4 =	vmul.f32 v12, v30  }
0x12c: {  	v8 =	vmin.f32 v2, v16;
	v16 =	vadd.f32 v13, v9;
	v9 =	vmul.f32 v12, v32  }
0x12d: {  	s22 =	simm.s32 $0x20;
	v19 =	vadd.f32 v17, v19;
	v17 =	vadd.f32 v4, v26;
	v12 =	vimm.f32 $+Inf  }
0x12e: {  	s23 =	simm.s32 $0xC0;
	p3 =	por $0x1, $0x1;
	v4 =	vld [tilespmem:s22+$0x9000];
	v13 =	vimm.f32 $+Inf;
	v20 =	vadd.f32 v9, v53;
	v9 =	vmin.f32 v2, v23  }
.LBB2_16:
0x12f: {  	p4 =	sne.s32 s23, $0x1FC0;
	v23 =	vld [tilespmem:s22+$0xB000];
	v14 =	vadd.f32 v18, v14;
	v15 =	vadd.f32 v22, v15;
	v12 =	vmin.f32 v12, v10  }
0x130: {  	v10 =	vadd.f32 v16, v3;
	v16 =	vadd.f32 v19, v3;
	v13 =	vmin.f32 v13, v11  }
0x131: {  	v17 =	vadd.f32 v17, v3;
	v18 =	vadd.f32 v21, v3;
	v22 =	vld [tilespmem:s22+$0xD000]  }
0x132: {  	v25 =	vadd.f32 v20, v3;
	v5 =	vmin.f32 v5, v10;
	v10 =	vadd.f32 v14, v3  }
0x133: {  	v11 =	vadd.f32 v15, v3;
	v14 =	vmul.f32 v4, v47;
	v19 =	vmul.f32 v4, v48  }
0x134: {  	v6 =	vmin.f32 v6, v16;
	v15 =	vmul.f32 v4, v50;
	v20 =	vmul.f32 v23, v51  }
0x135: {  	v7 =	vmin.f32 v7, v17;
	v16 =	vmul.f32 v23, v37;
	v21 =	vmul.f32 v23, v43;
	v3 =	vld [tilespmem:s22+$0x7000]  }
0x136: {  	v17 =	vmul.f32 v4, v44;
	v15 =	vadd.f32 v20, v15;
	v20 =	vmul.f32 v22, v49  }
0x137: {  	v26 =	vmul.f32 v4, v38;
	v16 =	vadd.f32 v16, v14;
	v14 =	vmul.f32 v23, v35  }
0x138: {  	v54 =	vmul.f32 v4, v40;
	v53 =	vmul.f32 v23, v39;
	v15 =	vadd.f32 v20, v15  }
0x139: {  	v19 =	vadd.f32 v21, v19;
	v21 =	vmul.f32 v4, v41;
	v20 =	vmul.f32 v23, v36  }
0x13a: {  	v55 =	vmul.f32 v23, v45;
	v4 =	vmul.f32 v4, v46;
	v15 =	vadd.f32 v15, v3  }
0x13b: {  	v26 =	vadd.f32 v53, v26;
	v17 =	vadd.f32 v14, v17;
	v23 =	vmul.f32 v23, v42  }
0x13c: {  	v14 =	vadd.f32 v55, v21;
	v20 =	vadd.f32 v20, v54;
	v0 =	vmin.f32 v0, v15  }
.Ltmp7:
0x13d: {  	v53 =	vmul.f32 v22, v29;
	v21 =	vmul.f32 v22, v28;
	v15 =	vadd.f32 v23, v4;
	(pc) =	sbr.rel @p4 .LBB2_16-.Ltmp7, $4  }
0x13e: {  	v8 =	vmin.f32 v8, v18;
	v4 =	vmul.f32 v22, v30;
	v23 =	vmul.f32 v22, v31  }
0x13f: {  	v18 =	vmul.f32 v22, v33;
	v16 =	vadd.f32 v21, v16;
	v54 =	vmul.f32 v22, v32  }
0x140: {  	s22 =	sshra.s32 s23, $0x2;
	v19 =	vadd.f32 v53, v19;
	v22 =	vmul.f32 v22, v34;
	v17 =	vadd.f32 v4, v17  }
0x141: {  	v9 =	vmin.f32 v9, v25;
	s23 =	sadd.s32 $0x40, s23;
	v20 =	vadd.f32 v54, v20;
	v21 =	vadd.f32 v23, v26;
	v4 =	vld [tilespmem:s22+$0x9000]  }
.LBB2_17:
0x142: {  	v14 =	vadd.f32 @p2 v18, v14;
	v15 =	vadd.f32 @p2 v22, v15;
	v10 =	vmin.f32 @p3 v12, v10  }
0x143: {  	v12 =	vadd.f32 @p2 v16, v3;
	v16 =	vadd.f32 @p2 v19, v3;
	v11 =	vmin.f32 @p3 v13, v11  }
0x144: {  	v23 =	vld [tilespmem:s22+$0xB000];
	v17 =	vadd.f32 @p2 v17, v3;
	v18 =	vadd.f32 @p2 v21, v3;
	v10 =	vpsel p3, v10, v2  }
0x145: {  	v11 =	vpsel p3, v11, v2;
	v5 =	vmin.f32 @p2 v5, v12;
	v12 =	vadd.f32 @p2 v20, v3  }
0x146: {  	v13 =	vld [tilespmem:s22+$0xD000];
	v14 =	vadd.f32 @p2 v14, v3;
	v3 =	vadd.f32 @p2 v15, v3;
	v6 =	vmin.f32 @p2 v6, v16  }
0x147: {  	v7 =	vmin.f32 @p2 v7, v17;
	v8 =	vmin.f32 @p2 v8, v18;
	v54 =	vmul.f32 v4, v47  }
0x148: {  	v5 =	vpsel p2, v5, v2;
	v20 =	vmul.f32 v4, v48;
	v55 =	vmul.f32 v4, v50  }
0x149: {  	v6 =	vpsel p2, v6, v2;
	v26 =	vmul.f32 v4, v38;
	v59 =	vmul.f32 v23, v51  }
0x14a: {  	v7 =	vpsel p2, v7, v2;
	v62 =	vmul.f32 v23, v37;
	v25 =	vmul.f32 v23, v43  }
0x14b: {  	v63 =	vmul.f32 v13, v49;
	v53 =	vmul.f32 v23, v39;
	v15 =	vadd.f32 v59, v55  }
0x14c: {  	v16 =	vld [tilespmem:s22+$0x7000];
	v59 =	vmul.f32 v4, v44;
	v19 =	vadd.f32 v62, v54;
	v62 =	vmul.f32 v23, v35  }
0x14d: {  	v20 =	vadd.f32 v25, v20;
	v25 =	vmul.f32 v23, v36;
	v54 =	vmul.f32 v4, v41  }
0x14e: {  	v55 =	vmul.f32 v23, v45;
	v53 =	vadd.f32 v53, v26;
	v23 =	vmul.f32 v23, v42  }
0x14f: {  	v26 =	vmul.f32 v13, v31;
	v15 =	vadd.f32 v63, v15;
	v63 =	vmul.f32 v4, v40  }
0x150: {  	v4 =	vmul.f32 v4, v46;
	v21 =	vadd.f32 v62, v59;
	v59 =	vmul.f32 v13, v32  }
0x151: {  	v62 =	vmul.f32 v13, v33;
	v15 =	vadd.f32 v15, v16;
	v17 =	vadd.f32 v25, v63  }
0x152: {  	v25 =	vadd.f32 v55, v54;
	v54 =	vmul.f32 v13, v29;
	v55 =	vmul.f32 v13, v30  }
0x153: {  	v53 =	vadd.f32 v26, v53;
	v4 =	vadd.f32 v23, v4;
	v0 =	vmin.f32 v0, v15  }
0x154: {  	v15 =	vadd.f32 v54, v20;
	v63 =	vadd.f32 v55, v21;
	[tilespmem:$0x1FEC0] =	vst v0;
	v0 =	vmul.f32 v13, v28  }
0x155: {  	v17 =	vadd.f32 v59, v17;
	v54 =	vadd.f32 v62, v25;
	v13 =	vmul.f32 v13, v34  }
0x156: {  	v9 =	vmin.f32 @p2 v9, v12;
	v62 =	vadd.f32 v53, v16;
	v0 =	vadd.f32 v0, v19  }
0x157: {  	v8 =	vpsel p2, v8, v2;
	v55 =	vadd.f32 v15, v16;
	v4 =	vadd.f32 v13, v4  }
0x158: {  	v59 =	vadd.f32 v63, v16;
	v8 =	vmin.f32 v8, v62;
	v12 =	vpsel p2, v14, v0  }
0x159: {  	v3 =	vpsel p2, v3, v0;
	v0 =	vadd.f32 v0, v16;
	v4 =	vadd.f32 v4, v16  }
0x15a: {  	[tilespmem:$0x1FF00] =	vst v8;
	v10 =	vmin.f32 @p2 v10, v12;
	v3 =	vmin.f32 @p2 v11, v3;
	v11 =	vmin.f32 v7, v59  }
0x15b: {  	v12 =	vmin.f32 v6, v55;
	v63 =	vmin.f32 v5, v0;
	v0 =	vadd.f32 v17, v16;
	[tilespmem:$0x1FF10] =	vst v11  }
.Ltmp8:
0x15c: {  	v9 =	vpsel p2, v9, v2;
	v5 =	vadd.f32 v54, v16;
	v3 =	vpsel p2, v3, v2;
	[tilespmem:$0x1FF20] =	vst v12;
	(pc) =	sbr.rel @!p1 .LBB2_18-.Ltmp8, $4  }
0x15d: {  	v6 =	vpsel p2, v10, v2;
	[tilespmem:$0x1FF30] =	vst v63;
	v7 =	vmin.f32 v9, v0;
	v0 =	vmin.f32 v3, v4  }
0x15e: {  	v5 =	vmin.f32 v6, v5;
	[tilespmem:$0x1FED0] =	vst v0  }
0x15f: {  	[tilespmem:$0x1FEE0] =	vst v5  }
0x160: {  	v4 =	vld [tilespmem:s21+$0x9800];
	[tilespmem:$0x1FEF0] =	vst v7  }
0x161: {  	_ =	sdelay $0x2  }
0x162: {  	v0 =	vld [tilespmem:s21+$0xB800]  }
0x163: {  	v5 =	vld [tilespmem:s21+$0xD800];
	v6 =	vmul.f32 v4, v47;
	v7 =	vmul.f32 v4, v48  }
0x164: {  	v8 =	vmul.f32 v4, v50;
	v12 =	vmul.f32 v4, v44  }
0x165: {  	v54 =	vmul.f32 v4, v38;
	v15 =	vmul.f32 v4, v40  }
0x166: {  	v59 =	vmul.f32 v4, v41;
	v4 =	vmul.f32 v4, v46  }
0x167: {  	v9 =	vmul.f32 v0, v51;
	v10 =	vmul.f32 v0, v37  }
0x168: {  	v11 =	vmul.f32 v0, v43;
	v53 =	vmul.f32 v5, v49  }
0x169: {  	v13 =	vmul.f32 v0, v35;
	v14 =	vmul.f32 v0, v39  }
0x16a: {  	v55 =	vmul.f32 v0, v36;
	v16 =	vmul.f32 v0, v45  }
0x16b: {  	v3 =	vld [tilespmem:s21+$0x7800];
	v62 =	vmul.f32 v5, v28;
	v8 =	vadd.f32 v9, v8;
	v6 =	vadd.f32 v10, v6  }
0x16c: {  	v63 =	vmul.f32 v5, v29;
	v7 =	vadd.f32 v11, v7;
	v12 =	vadd.f32 v13, v12  }
0x16d: {  	p2 =	por $0x1, $0x1;
	v10 =	vadd.f32 v14, v54;
	v13 =	vmul.f32 v0, v42;
	v9 =	vadd.f32 v55, v15  }
.Ltmp9:
0x16e: {  	v18 =	vmul.f32 v5, v33;
	v14 =	vadd.f32 v16, v59;
	v8 =	vadd.f32 v53, v8;
	(pc) =	sbr.rel @!p2 .LBB2_20-.Ltmp9, $4  }
0x16f: {  	v15 =	vadd.f32 v13, v4;
	v4 =	vmul.f32 v5, v30;
	v13 =	vmul.f32 v5, v31  }
0x170: {  	v16 =	vadd.f32 v62, v6;
	v6 =	vmul.f32 v5, v32;
	v8 =	vadd.f32 v8, v3  }
0x171: {  	s21 =	simm.s32 $0x10;
	v22 =	vmul.f32 v5, v34;
	v19 =	vadd.f32 v63, v7;
	v17 =	vadd.f32 v4, v12  }
0x172: {  	p1 =	por $0x1, $0x1;
	v4 =	vld [tilespmem:s21+$0x9800];
	v21 =	vadd.f32 v13, v10;
	v20 =	vadd.f32 v6, v9;
	v0 =	vmin.f32 v2, v8  }
0x173: {  	v6 =	vadd.f32 v18, v14  }
0x174: {  	v8 =	vld [tilespmem:s21+$0xB800];
	v7 =	vadd.f32 v22, v15;
	v5 =	vadd.f32 v16, v3  }
0x175: {  	v9 =	vadd.f32 v19, v3;
	v13 =	vadd.f32 v17, v3  }
0x176: {  	v16 =	vadd.f32 v21, v3;
	v23 =	vadd.f32 v20, v3;
	v5 =	vmin.f32 v2, v5  }
0x177: {  	v12 =	vld [tilespmem:s21+$0xD800];
	v10 =	vadd.f32 v6, v3;
	v14 =	vmul.f32 v4, v47;
	v15 =	vmul.f32 v4, v48  }
0x178: {  	v11 =	vadd.f32 v7, v3;
	v17 =	vmul.f32 v4, v50;
	v20 =	vmul.f32 v4, v38  }
0x179: {  	v6 =	vmin.f32 v2, v9;
	v22 =	vmul.f32 v4, v41;
	v18 =	vmul.f32 v8, v51  }
0x17a: {  	v7 =	vmin.f32 v2, v13;
	v9 =	vmul.f32 v8, v37;
	v19 =	vmul.f32 v8, v43  }
0x17b: {  	v3 =	vld [tilespmem:s21+$0x7800];
	v21 =	vmul.f32 v8, v39;
	v25 =	vmul.f32 v8, v45;
	v13 =	vadd.f32 v18, v17  }
0x17c: {  	v17 =	vmul.f32 v12, v49;
	v18 =	vmul.f32 v4, v44;
	v9 =	vadd.f32 v9, v14  }
0x17d: {  	v14 =	vmul.f32 v8, v35;
	v19 =	vadd.f32 v19, v15;
	v15 =	vmul.f32 v8, v36  }
0x17e: {  	v20 =	vadd.f32 v21, v20;
	v8 =	vmul.f32 v8, v42;
	v13 =	vadd.f32 v17, v13  }
0x17f: {  	v21 =	vmul.f32 v12, v31;
	v17 =	vmul.f32 v4, v40;
	v26 =	vadd.f32 v14, v18  }
0x180: {  	v4 =	vmul.f32 v4, v46;
	v14 =	vadd.f32 v25, v22;
	v13 =	vadd.f32 v13, v3  }
0x181: {  	p2 =	por $0x1, $0x1;
	v18 =	vmul.f32 v12, v33;
	v22 =	vmul.f32 v12, v34;
	v21 =	vadd.f32 v21, v20  }
.Ltmp10:
0x182: {  	v53 =	vadd.f32 v15, v17;
	v0 =	vmin.f32 v0, v13;
	v13 =	vmul.f32 v12, v28;
	(pc) =	sbr.rel @!p2 .LBB2_22-.Ltmp10, $4  }
0x183: {  	v17 =	vmul.f32 v12, v29;
	v15 =	vadd.f32 v8, v4;
	v4 =	vmul.f32 v12, v30  }
0x184: {  	v8 =	vmin.f32 v2, v16;
	v16 =	vadd.f32 v13, v9;
	v9 =	vmul.f32 v12, v32  }
0x185: {  	s21 =	simm.s32 $0x20;
	v19 =	vadd.f32 v17, v19;
	v17 =	vadd.f32 v4, v26;
	v12 =	vimm.f32 $+Inf  }
0x186: {  	s22 =	simm.s32 $0xC0;
	p0 =	por $0x1, $0x1;
	v4 =	vld [tilespmem:s21+$0x9800];
	v13 =	vimm.f32 $+Inf;
	v20 =	vadd.f32 v9, v53;
	v9 =	vmin.f32 v2, v23  }
.LBB2_23:
0x187: {  	p2 =	sne.s32 s22, $0x1FC0;
	v23 =	vld [tilespmem:s21+$0xB800];
	v14 =	vadd.f32 v18, v14;
	v15 =	vadd.f32 v22, v15;
	v12 =	vmin.f32 v12, v10  }
0x188: {  	v10 =	vadd.f32 v16, v3;
	v16 =	vadd.f32 v19, v3;
	v13 =	vmin.f32 v13, v11  }
0x189: {  	v17 =	vadd.f32 v17, v3;
	v18 =	vadd.f32 v21, v3;
	v22 =	vld [tilespmem:s21+$0xD800]  }
0x18a: {  	v25 =	vadd.f32 v20, v3;
	v5 =	vmin.f32 v5, v10;
	v10 =	vadd.f32 v14, v3  }
0x18b: {  	v11 =	vadd.f32 v15, v3;
	v14 =	vmul.f32 v4, v47;
	v19 =	vmul.f32 v4, v48  }
0x18c: {  	v6 =	vmin.f32 v6, v16;
	v15 =	vmul.f32 v4, v50;
	v20 =	vmul.f32 v23, v51  }
0x18d: {  	v7 =	vmin.f32 v7, v17;
	v16 =	vmul.f32 v23, v37;
	v21 =	vmul.f32 v23, v43;
	v3 =	vld [tilespmem:s21+$0x7800]  }
0x18e: {  	v17 =	vmul.f32 v4, v44;
	v15 =	vadd.f32 v20, v15;
	v20 =	vmul.f32 v22, v49  }
0x18f: {  	v26 =	vmul.f32 v4, v38;
	v16 =	vadd.f32 v16, v14;
	v14 =	vmul.f32 v23, v35  }
0x190: {  	v54 =	vmul.f32 v4, v40;
	v53 =	vmul.f32 v23, v39;
	v15 =	vadd.f32 v20, v15  }
0x191: {  	v19 =	vadd.f32 v21, v19;
	v21 =	vmul.f32 v4, v41;
	v20 =	vmul.f32 v23, v36  }
0x192: {  	v55 =	vmul.f32 v23, v45;
	v4 =	vmul.f32 v4, v46;
	v15 =	vadd.f32 v15, v3  }
0x193: {  	v26 =	vadd.f32 v53, v26;
	v17 =	vadd.f32 v14, v17;
	v23 =	vmul.f32 v23, v42  }
0x194: {  	v14 =	vadd.f32 v55, v21;
	v20 =	vadd.f32 v20, v54;
	v0 =	vmin.f32 v0, v15  }
.Ltmp11:
0x195: {  	v53 =	vmul.f32 v22, v29;
	v21 =	vmul.f32 v22, v28;
	v15 =	vadd.f32 v23, v4;
	(pc) =	sbr.rel @p2 .LBB2_23-.Ltmp11, $4  }
0x196: {  	v8 =	vmin.f32 v8, v18;
	v4 =	vmul.f32 v22, v30;
	v23 =	vmul.f32 v22, v31  }
0x197: {  	v18 =	vmul.f32 v22, v33;
	v16 =	vadd.f32 v21, v16;
	v54 =	vmul.f32 v22, v32  }
0x198: {  	s21 =	sshra.s32 s22, $0x2;
	v19 =	vadd.f32 v53, v19;
	v22 =	vmul.f32 v22, v34;
	v17 =	vadd.f32 v4, v17  }
0x199: {  	v9 =	vmin.f32 v9, v25;
	s22 =	sadd.s32 $0x40, s22;
	v20 =	vadd.f32 v54, v20;
	v21 =	vadd.f32 v23, v26;
	v4 =	vld [tilespmem:s21+$0x9800]  }
.LBB2_24:
0x19a: {  	v14 =	vadd.f32 @p1 v18, v14;
	v15 =	vadd.f32 @p1 v22, v15  }
0x19b: {  	v10 =	vmin.f32 @p0 v12, v10;
	v12 =	vadd.f32 @p1 v16, v3;
	v16 =	vadd.f32 @p1 v19, v3  }
0x19c: {  	v17 =	vadd.f32 @p1 v17, v3;
	v18 =	vadd.f32 @p1 v21, v3  }
0x19d: {  	v5 =	vmin.f32 @p1 v5, v12;
	v12 =	vadd.f32 @p1 v20, v3;
	v14 =	vadd.f32 @p1 v14, v3  }
0x19e: {  	v23 =	vld [tilespmem:s21+$0xB800];
	v3 =	vadd.f32 @p1 v15, v3;
	v19 =	vmul.f32 v4, v47;
	v20 =	vmul.f32 v4, v48  }
0x19f: {  	v7 =	vmin.f32 @p1 v7, v17;
	v15 =	vmul.f32 v4, v50;
	v17 =	vmul.f32 v4, v44  }
0x1a0: {  	v11 =	vmin.f32 @p0 v13, v11;
	v26 =	vmul.f32 v4, v38;
	v62 =	vmul.f32 v4, v40  }
0x1a1: {  	v13 =	vld [tilespmem:s21+$0xD800];
	v10 =	vpsel p0, v10, v2;
	v48 =	vbroadcast v27, $0x8;
	v47 =	vbroadcast v27, $0x9  }
0x1a2: {  	v11 =	vpsel p0, v11, v2;
	v44 =	vbroadcast v24, $0xA;
	v38 =	vbroadcast v24, $0xB  }
0x1a3: {  	v6 =	vmin.f32 @p1 v6, v16;
	v40 =	vbroadcast v24, $0xC;
	v21 =	vmul.f32 v23, v51  }
0x1a4: {  	v8 =	vmin.f32 @p1 v8, v18;
	v22 =	vmul.f32 v23, v37;
	v25 =	vmul.f32 v23, v43  }
0x1a5: {  	v5 =	vpsel p1, v5, v2;
	v59 =	vmul.f32 v23, v39;
	v63 =	vmul.f32 v23, v45  }
0x1a6: {  	v6 =	vpsel p1, v6, v2;
	v18 =	vmul.f32 v13, v32;
	v45 =	vbroadcast v52, $0x8  }
0x1a7: {  	v7 =	vpsel p1, v7, v2;
	v43 =	vbroadcast v27, $0xA;
	v37 =	vbroadcast v27, $0xB  }
0x1a8: {  	v9 =	vmin.f32 @p1 v9, v12;
	v39 =	vbroadcast v27, $0xC;
	v32 =	vbroadcast v52, $0xD  }
0x1a9: {  	v15 =	vadd.f32 v21, v15;
	v21 =	vmul.f32 v13, v49;
	v19 =	vadd.f32 v22, v19  }
0x1aa: {  	v22 =	vmul.f32 v23, v35;
	v20 =	vadd.f32 v25, v20;
	v25 =	vmul.f32 v4, v41  }
0x1ab: {  	v16 =	vld [tilespmem:s21+$0x7800];
	v8 =	vpsel p1, v8, v2;
	v4 =	vmul.f32 v4, v46;
	v49 =	vbroadcast v24, $0x8  }
0x1ac: {  	v9 =	vpsel p1, v9, v2;
	v46 =	vbroadcast v24, $0x9;
	v41 =	vbroadcast v52, $0xA  }
0x1ad: {  	v35 =	vbroadcast v52, $0xB;
	v15 =	vadd.f32 v21, v15;
	v21 =	vmul.f32 v23, v36  }
0x1ae: {  	v17 =	vadd.f32 v22, v17;
	v22 =	vadd.f32 v59, v26;
	v23 =	vmul.f32 v23, v42  }
0x1af: {  	v25 =	vadd.f32 v63, v25;
	v26 =	vmul.f32 v13, v31;
	v42 =	vbroadcast v52, $0x9  }
0x1b0: {  	v36 =	vbroadcast v52, $0xC;
	v31 =	vbroadcast v24, $0xE;
	v15 =	vadd.f32 v15, v16  }
0x1b1: {  	v21 =	vadd.f32 v21, v62;
	v4 =	vadd.f32 v23, v4;
	v23 =	vmul.f32 v13, v30  }
0x1b2: {  	v30 =	vbroadcast v27, $0xE;
	v53 =	vmin.f32 v0, v15;
	v0 =	vmul.f32 v13, v28  }
0x1b3: {  	v15 =	vmul.f32 v13, v29;
	v17 =	vadd.f32 v23, v17;
	v18 =	vadd.f32 v18, v21  }
0x1b4: {  	v28 =	vbroadcast v52, $0xE;
	v29 =	vbroadcast v24, $0xF;
	v0 =	vadd.f32 v0, v19  }
0x1b5: {  	v19 =	vmul.f32 v13, v33;
	v15 =	vadd.f32 v15, v20;
	v13 =	vmul.f32 v13, v34  }
0x1b6: {  	v20 =	vadd.f32 v26, v22;
	v33 =	vbroadcast v27, $0xD;
	v34 =	vbroadcast v24, $0xD  }
0x1b7: {  	s21 =	simm.s32 $0x0;
	v12 =	vpsel p1, v14, v0;
	v3 =	vpsel p1, v3, v0;
	v14 =	vadd.f32 v19, v25  }
0x1b8: {  	v0 =	vadd.f32 v0, v16;
	v10 =	vmin.f32 @p1 v10, v12;
	v12 =	vadd.f32 v15, v16;
	v15 =	vld [tilespmem:s21+$0xA000]  }
0x1b9: {  	v27 =	vbroadcast v27, $0xF;
	v4 =	vadd.f32 v13, v4;
	v3 =	vmin.f32 @p1 v11, v3  }
0x1ba: {  	v11 =	vadd.f32 v17, v16;
	v54 =	vmin.f32 v5, v0;
	v5 =	vadd.f32 v14, v16;
	v14 =	vld [tilespmem:s21+$0x8000]  }
0x1bb: {  	v24 =	vbroadcast v52, $0xF;
	v13 =	vadd.f32 v20, v16;
	v6 =	vmin.f32 v6, v12  }
0x1bc: {  	v0 =	vadd.f32 v18, v16;
	v4 =	vadd.f32 v4, v16;
	[tilespmem:$0x1FE70] =	vst v6;
	v6 =	vmin.f32 v7, v11  }
0x1bd: {  	v7 =	vmin.f32 v8, v13;
	v8 =	vpsel p1, v10, v2;
	v10 =	vmul.f32 v15, v29  }
0x1be: {  	v2 =	vpsel p1, v3, v2;
	v3 =	vmul.f32 v15, v49;
	v11 =	vmul.f32 v15, v46  }
0x1bf: {  	v55 =	vmin.f32 v9, v0;
	[tilespmem:$0x1FE90] =	vst v7;
	v0 =	vmul.f32 v14, v48;
	v7 =	vmul.f32 v14, v47  }
0x1c0: {  	[tilespmem:$0x1FE80] =	vst v6;
	v6 =	vld [tilespmem:s21+$0xC000];
	v5 =	vmin.f32 v8, v5;
	v9 =	vmul.f32 v14, v27;
	v8 =	vmul.f32 v14, v43  }
0x1c1: {  	v13 =	vmul.f32 v14, v37;
	v16 =	vmul.f32 v14, v39  }
0x1c2: {  	v2 =	vmin.f32 v2, v4;
	v17 =	vmul.f32 v14, v33;
	v14 =	vmul.f32 v14, v30  }
0x1c3: {  	v9 =	vadd.f32 v10, v9;
	v10 =	vmul.f32 v15, v44;
	v0 =	vadd.f32 v3, v0  }
0x1c4: {  	v3 =	vmul.f32 v15, v38;
	v7 =	vadd.f32 v11, v7;
	v11 =	vmul.f32 v15, v34  }
0x1c5: {  	v12 =	vmul.f32 v6, v24;
	v8 =	vadd.f32 v10, v8;
	v10 =	vmul.f32 v15, v31  }
0x1c6: {  	[tilespmem:$0x1FEA0] =	vst v5;
	v5 =	vld [tilespmem:s21+$0x6000];
	v3 =	vadd.f32 v3, v13;
	v13 =	vmul.f32 v6, v45;
	v11 =	vadd.f32 v11, v17  }
0x1c7: {  	v17 =	vmul.f32 v6, v32;
	v9 =	vadd.f32 v12, v9;
	v12 =	vmul.f32 v15, v40  }
0x1c8: {  	v15 =	vmul.f32 v6, v42;
	v10 =	vadd.f32 v10, v14;
	v14 =	vmul.f32 v6, v41  }
0x1c9: {  	s22 =	simm.s32 $0x10;
	v13 =	vadd.f32 v13, v0;
	v0 =	vmul.f32 v6, v36;
	v4 =	vadd.f32 v17, v11  }
0x1ca: {  	v12 =	vadd.f32 v12, v16;
	v16 =	vmul.f32 v6, v35;
	v8 =	vadd.f32 v14, v8;
	v14 =	vld [tilespmem:s22+$0x8000]  }
0x1cb: {  	v9 =	vadd.f32 v9, v5;
	v7 =	vadd.f32 v15, v7;
	v6 =	vmul.f32 v6, v28  }
0x1cc: {  	[tilespmem:$0x1FEB0] =	vst v2;
	v3 =	vadd.f32 v16, v3;
	v2 =	vadd.f32 v0, v12  }
0x1cd: {  	v12 =	vld [tilespmem:s22+$0xA000];
	v0 =	vimm.f32 $+Inf;
	v6 =	vadd.f32 v6, v10;
	v10 =	vadd.f32 v13, v5  }
0x1ce: {  	v7 =	vadd.f32 v7, v5;
	v11 =	vmin.f32 v0, v9;
	v16 =	vadd.f32 v3, v5  }
0x1cf: {  	v13 =	vld [tilespmem:s22+$0xC000];
	v3 =	vmin.f32 v0, v10;
	v23 =	vadd.f32 v2, v5;
	v2 =	vmul.f32 v14, v48  }
0x1d0: {  	v10 =	vadd.f32 v6, v5;
	v17 =	vmul.f32 v14, v47;
	v6 =	vmul.f32 v14, v27  }
0x1d1: {  	v15 =	vadd.f32 v8, v5;
	v20 =	vmul.f32 v14, v37;
	v22 =	vmul.f32 v14, v33  }
0x1d2: {  	v9 =	vadd.f32 v4, v5;
	v26 =	vmul.f32 v14, v30;
	v18 =	vmul.f32 v12, v29  }
0x1d3: {  	v4 =	vmin.f32 v0, v7;
	v7 =	vmul.f32 v12, v49;
	v19 =	vmul.f32 v12, v46  }
0x1d4: {  	v8 =	vld [tilespmem:s22+$0x6000];
	v5 =	vmin.f32 v0, v15;
	v15 =	vmul.f32 v13, v24;
	v21 =	vmul.f32 v12, v38  }
0x1d5: {  	v25 =	vmul.f32 v12, v34;
	v6 =	vadd.f32 v18, v6;
	v18 =	vmul.f32 v14, v43  }
0x1d6: {  	v7 =	vadd.f32 v7, v2;
	v2 =	vmul.f32 v12, v44;
	v17 =	vadd.f32 v19, v17  }
0x1d7: {  	v19 =	vmul.f32 v12, v40;
	v20 =	vadd.f32 v21, v20;
	v6 =	vadd.f32 v15, v6  }
0x1d8: {  	v21 =	vmul.f32 v13, v32;
	v15 =	vmul.f32 v14, v39;
	v18 =	vadd.f32 v2, v18  }
0x1d9: {  	v2 =	vmul.f32 v12, v31;
	v14 =	vadd.f32 v25, v22;
	v6 =	vadd.f32 v6, v8  }
0x1da: {  	v22 =	vmul.f32 v13, v41;
	v25 =	vmul.f32 v13, v35;
	v12 =	vadd.f32 v19, v15  }
0x1db: {  	v19 =	vmul.f32 v13, v42;
	v6 =	vmin.f32 v11, v6;
	v11 =	vmul.f32 v13, v45  }
0x1dc: {  	v15 =	vadd.f32 v2, v26;
	v2 =	vmin.f32 v0, v16;
	v20 =	vadd.f32 v25, v20  }
0x1dd: {  	v19 =	vadd.f32 v19, v17;
	v16 =	vadd.f32 v11, v7;
	v7 =	vmul.f32 v13, v36  }
0x1de: {  	s24 =	simm.s32 $0x20;
	v17 =	vadd.f32 v22, v18;
	v22 =	vmul.f32 v13, v28;
	v13 =	vimm.f32 $+Inf  }
0x1df: {  	s23 =	simm.s32 $0xC0;
	v11 =	vld [tilespmem:s24+$0x8000];
	v18 =	vadd.f32 v7, v12;
	v7 =	vmin.f32 v0, v23;
	v12 =	vimm.f32 $+Inf  }
.LBB2_25:
0x1e0: {  	p0 =	sne.s32 s23, $0x1FC0;
	v23 =	vld [tilespmem:s24+$0xA000];
	v14 =	vadd.f32 v21, v14;
	v15 =	vadd.f32 v22, v15;
	v13 =	vmin.f32 v13, v9  }
0x1e1: {  	v9 =	vadd.f32 v16, v8;
	v16 =	vadd.f32 v19, v8;
	v12 =	vmin.f32 v12, v10  }
0x1e2: {  	v17 =	vadd.f32 v17, v8;
	v19 =	vadd.f32 v20, v8;
	v22 =	vld [tilespmem:s24+$0xC000]  }
0x1e3: {  	v25 =	vadd.f32 v18, v8;
	v3 =	vmin.f32 v3, v9;
	v9 =	vadd.f32 v14, v8  }
0x1e4: {  	v10 =	vadd.f32 v15, v8;
	v14 =	vmul.f32 v11, v48;
	v18 =	vmul.f32 v11, v47  }
0x1e5: {  	v4 =	vmin.f32 v4, v16;
	v15 =	vmul.f32 v11, v27;
	v20 =	vmul.f32 v23, v29  }
0x1e6: {  	v5 =	vmin.f32 v5, v17;
	v16 =	vmul.f32 v23, v49;
	v21 =	vmul.f32 v23, v46;
	v8 =	vld [tilespmem:s24+$0x6000]  }
0x1e7: {  	v17 =	vmul.f32 v11, v43;
	v15 =	vadd.f32 v20, v15;
	v20 =	vmul.f32 v22, v24  }
0x1e8: {  	v26 =	vmul.f32 v11, v37;
	v16 =	vadd.f32 v16, v14;
	v14 =	vmul.f32 v23, v44  }
0x1e9: {  	v51 =	vmul.f32 v11, v39;
	v50 =	vmul.f32 v23, v38;
	v15 =	vadd.f32 v20, v15  }
0x1ea: {  	v18 =	vadd.f32 v21, v18;
	v21 =	vmul.f32 v11, v33;
	v20 =	vmul.f32 v23, v40  }
0x1eb: {  	v52 =	vmul.f32 v23, v34;
	v11 =	vmul.f32 v11, v30;
	v15 =	vadd.f32 v15, v8  }
0x1ec: {  	v26 =	vadd.f32 v50, v26;
	v17 =	vadd.f32 v14, v17;
	v23 =	vmul.f32 v23, v31  }
0x1ed: {  	v14 =	vadd.f32 v52, v21;
	v50 =	vadd.f32 v20, v51;
	v6 =	vmin.f32 v6, v15  }
.Ltmp12:
0x1ee: {  	v20 =	vmul.f32 v22, v45;
	v51 =	vmul.f32 v22, v42;
	v15 =	vadd.f32 v23, v11;
	(pc) =	sbr.rel @p0 .LBB2_25-.Ltmp12, $4  }
0x1ef: {  	v2 =	vmin.f32 v2, v19;
	v11 =	vmul.f32 v22, v41;
	v23 =	vmul.f32 v22, v35  }
0x1f0: {  	v52 =	vmul.f32 v22, v36;
	v21 =	vmul.f32 v22, v32;
	v16 =	vadd.f32 v20, v16  }
0x1f1: {  	s24 =	sshra.s32 s23, $0x2;
	v19 =	vadd.f32 v51, v18;
	v22 =	vmul.f32 v22, v28;
	v17 =	vadd.f32 v11, v17  }
0x1f2: {  	v7 =	vmin.f32 v7, v25;
	s23 =	sadd.s32 $0x40, s23;
	v18 =	vadd.f32 v52, v50;
	v20 =	vadd.f32 v23, v26;
	v11 =	vld [tilespmem:s24+$0x8000]  }
0x1f3: {  	v14 =	vadd.f32 v21, v14  }
0x1f4: {  	v23 =	vld [tilespmem:s24+$0xA000];
	v15 =	vadd.f32 v22, v15;
	v9 =	vmin.f32 v13, v9;
	v13 =	vadd.f32 v16, v8  }
0x1f5: {  	v16 =	vadd.f32 v19, v8;
	v10 =	vmin.f32 v12, v10;
	v17 =	vadd.f32 v17, v8  }
0x1f6: {  	v12 =	vld [tilespmem:s24+$0xC000];
	v19 =	vadd.f32 v20, v8;
	v3 =	vmin.f32 v3, v13;
	v13 =	vadd.f32 v18, v8  }
0x1f7: {  	v14 =	vadd.f32 v14, v8;
	v18 =	vmul.f32 v11, v48;
	v20 =	vmul.f32 v11, v47  }
0x1f8: {  	v8 =	vadd.f32 v15, v8;
	v15 =	vmul.f32 v11, v27;
	v26 =	vmul.f32 v11, v37  }
0x1f9: {  	v4 =	vmin.f32 v4, v16;
	v51 =	vmul.f32 v11, v33;
	v21 =	vmul.f32 v23, v29  }
0x1fa: {  	v5 =	vmin.f32 v5, v17;
	v22 =	vmul.f32 v23, v49;
	v25 =	vmul.f32 v23, v46  }
0x1fb: {  	v16 =	vld [tilespmem:s24+$0x6000];
	v2 =	vmin.f32 v2, v19;
	v17 =	vmul.f32 v12, v24;
	v50 =	vmul.f32 v23, v38  }
0x1fc: {  	v52 =	vmul.f32 v23, v34;
	v59 =	vmul.f32 v12, v32;
	v15 =	vadd.f32 v21, v15  }
0x1fd: {  	v21 =	vmul.f32 v11, v43;
	v18 =	vadd.f32 v22, v18;
	v22 =	vmul.f32 v23, v44  }
0x1fe: {  	v20 =	vadd.f32 v25, v20;
	v25 =	vmul.f32 v23, v40;
	v15 =	vadd.f32 v17, v15  }
0x1ff: {  	v23 =	vmul.f32 v23, v31;
	v17 =	vmul.f32 v11, v39;
	v21 =	vadd.f32 v22, v21  }
0x200: {  	v11 =	vmul.f32 v11, v30;
	v22 =	vadd.f32 v50, v26;
	v15 =	vadd.f32 v15, v16  }
0x201: {  	v26 =	vmul.f32 v12, v35;
	v17 =	vadd.f32 v25, v17;
	v25 =	vadd.f32 v52, v51  }
0x202: {  	v11 =	vadd.f32 v23, v11;
	v6 =	vmin.f32 v6, v15;
	v15 =	vmul.f32 v12, v42  }
0x203: {  	v23 =	vmul.f32 v12, v41;
	v19 =	vadd.f32 v26, v22;
	[tilespmem:$0x1FE00] =	vst v6;
	v6 =	vmul.f32 v12, v45  }
0x204: {  	v7 =	vmin.f32 v7, v13;
	v13 =	vadd.f32 v59, v25;
	v15 =	vadd.f32 v15, v20  }
0x205: {  	v9 =	vmin.f32 v9, v14;
	v20 =	vadd.f32 v23, v21;
	v6 =	vadd.f32 v6, v18  }
0x206: {  	v18 =	vmul.f32 v12, v36;
	v12 =	vmul.f32 v12, v28;
	v14 =	vadd.f32 v15, v16;
	v15 =	vld [tilespmem:s21+$0xA800]  }
0x207: {  	v8 =	vmin.f32 v10, v8;
	v10 =	vadd.f32 v20, v16;
	v6 =	vadd.f32 v6, v16  }
0x208: {  	v17 =	vadd.f32 v18, v17;
	v11 =	vadd.f32 v12, v11;
	v12 =	vld [tilespmem:s21+$0x8800]  }
0x209: {  	v18 =	vadd.f32 v19, v16;
	v4 =	vmin.f32 v4, v14;
	v3 =	vmin.f32 v3, v6  }
0x20a: {  	v6 =	vadd.f32 v13, v16;
	v11 =	vadd.f32 v11, v16;
	[tilespmem:$0x1FE20] =	vst v4;
	v4 =	vmin.f32 v5, v10  }
0x20b: {  	v2 =	vmin.f32 v2, v18;
	[tilespmem:$0x1FE10] =	vst v3;
	v3 =	vadd.f32 v17, v16;
	v5 =	vmul.f32 v15, v29  }
0x20c: {  	v6 =	vmin.f32 v9, v6;
	v9 =	vmul.f32 v15, v46;
	v16 =	vmul.f32 v15, v38  }
0x20d: {  	[tilespmem:$0x1FE40] =	vst v2;
	v18 =	vmul.f32 v15, v34;
	v2 =	vmul.f32 v12, v48  }
0x20e: {  	v13 =	vld [tilespmem:s21+$0xC800];
	[tilespmem:$0x1FE30] =	vst v4;
	v4 =	vmul.f32 v12, v47;
	v3 =	vmin.f32 v7, v3;
	v7 =	vmul.f32 v15, v49  }
0x20f: {  	v10 =	vmul.f32 v12, v43;
	v14 =	vmul.f32 v12, v37  }
0x210: {  	v17 =	vmul.f32 v12, v39;
	[tilespmem:$0x1FE50] =	vst v3;
	v3 =	vmul.f32 v12, v27  }
0x211: {  	v2 =	vadd.f32 v7, v2;
	v7 =	vmul.f32 v15, v44;
	v4 =	vadd.f32 v9, v4  }
0x212: {  	v9 =	vmul.f32 v12, v33;
	v12 =	vmul.f32 v12, v30;
	v3 =	vadd.f32 v5, v3  }
0x213: {  	v5 =	vmul.f32 v13, v24;
	v7 =	vadd.f32 v7, v10;
	v10 =	vadd.f32 v16, v14  }
0x214: {  	[tilespmem:$0x1FE60] =	vst v6;
	v6 =	vld [tilespmem:s21+$0x6800];
	v14 =	vmul.f32 v15, v31;
	v9 =	vadd.f32 v18, v9;
	v16 =	vmul.f32 v13, v42  }
0x215: {  	v18 =	vmul.f32 v13, v32;
	v3 =	vadd.f32 v5, v3;
	v5 =	vmul.f32 v15, v40  }
0x216: {  	v15 =	vmul.f32 v13, v45;
	v12 =	vadd.f32 v14, v12;
	v16 =	vadd.f32 v16, v4  }
0x217: {  	v14 =	vmul.f32 v13, v41;
	v9 =	vadd.f32 v18, v9;
	v5 =	vadd.f32 v5, v17  }
0x218: {  	v17 =	vmul.f32 v13, v35;
	v2 =	vadd.f32 v15, v2;
	v15 =	vmul.f32 v13, v36  }
0x219: {  	v3 =	vadd.f32 v3, v6;
	v13 =	vmul.f32 v13, v28;
	v7 =	vadd.f32 v14, v7  }
0x21a: {  	v4 =	vmin.f32 v8, v11;
	v8 =	vld [tilespmem:s22+$0xA800];
	v10 =	vadd.f32 v17, v10;
	v15 =	vadd.f32 v15, v5  }
0x21b: {  	v2 =	vadd.f32 v2, v6;
	v11 =	vadd.f32 v13, v12  }
0x21c: {  	v12 =	vadd.f32 v16, v6;
	v7 =	vadd.f32 v7, v6  }
0x21d: {  	v14 =	vld [tilespmem:s22+$0x8800];
	v16 =	vadd.f32 v10, v6;
	v23 =	vadd.f32 v15, v6  }
0x21e: {  	v10 =	vadd.f32 v9, v6;
	v11 =	vadd.f32 v11, v6  }
0x21f: {  	v18 =	vmul.f32 v8, v29;
	v6 =	vmin.f32 v0, v12;
	v12 =	vmul.f32 v8, v49  }
0x220: {  	v13 =	vld [tilespmem:s22+$0xC800];
	v19 =	vmul.f32 v8, v46;
	v21 =	vmul.f32 v8, v44  }
0x221: {  	v3 =	vmin.f32 v0, v3;
	v22 =	vmul.f32 v8, v38;
	v26 =	vmul.f32 v8, v34  }
0x222: {  	v5 =	vmin.f32 v0, v2;
	v2 =	vmul.f32 v14, v48;
	v17 =	vmul.f32 v14, v27  }
0x223: {  	v7 =	vmin.f32 v0, v7;
	v15 =	vmul.f32 v14, v47;
	v20 =	vmul.f32 v14, v43  }
0x224: {  	v9 =	vld [tilespmem:s22+$0x6800];
	v25 =	vmul.f32 v14, v39;
	v62 =	vmul.f32 v14, v30;
	v17 =	vadd.f32 v18, v17  }
0x225: {  	v18 =	vmul.f32 v13, v24;
	v12 =	vadd.f32 v12, v2;
	v2 =	vmul.f32 v14, v37  }
0x226: {  	v19 =	vadd.f32 v19, v15;
	v15 =	vmul.f32 v14, v33;
	v20 =	vadd.f32 v21, v20  }
0x227: {  	v21 =	vmul.f32 v13, v32;
	v17 =	vadd.f32 v18, v17;
	v18 =	vmul.f32 v8, v40  }
0x228: {  	v63 =	vadd.f32 v22, v2;
	v2 =	vmul.f32 v8, v31;
	v14 =	vadd.f32 v26, v15  }
0x229: {  	v22 =	vmul.f32 v13, v41;
	v26 =	vmul.f32 v13, v36;
	v17 =	vadd.f32 v17, v9  }
0x22a: {  	v8 =	vadd.f32 v18, v25;
	v18 =	vmul.f32 v13, v42;
	v15 =	vadd.f32 v2, v62  }
0x22b: {  	v25 =	vmul.f32 v13, v35;
	v3 =	vmin.f32 v3, v17;
	v17 =	vmul.f32 v13, v45  }
0x22c: {  	v2 =	vmin.f32 v0, v16;
	v19 =	vadd.f32 v18, v19;
	v18 =	vadd.f32 v26, v8  }
0x22d: {  	s22 =	simm.s32 $0x20;
	v16 =	vadd.f32 v17, v12;
	v17 =	vadd.f32 v22, v20;
	v22 =	vmul.f32 v13, v28  }
0x22e: {  	s21 =	simm.s32 $0xC0;
	v8 =	vmin.f32 v0, v23;
	v20 =	vadd.f32 v25, v63;
	v12 =	vld [tilespmem:s22+$0x8800];
	v13 =	vimm.f32 $+Inf  }
.LBB2_27:
0x22f: {  	p0 =	sne.s32 s21, $0x1FC0;
	v23 =	vld [tilespmem:s22+$0xA800];
	v14 =	vadd.f32 v21, v14;
	v15 =	vadd.f32 v22, v15;
	v0 =	vmin.f32 v0, v10  }
0x230: {  	v10 =	vadd.f32 v16, v9;
	v16 =	vadd.f32 v19, v9;
	v13 =	vmin.f32 v13, v11  }
0x231: {  	v17 =	vadd.f32 v17, v9;
	v19 =	vadd.f32 v20, v9;
	v22 =	vld [tilespmem:s22+$0xC800]  }
0x232: {  	v25 =	vadd.f32 v18, v9;
	v5 =	vmin.f32 v5, v10;
	v10 =	vadd.f32 v14, v9  }
0x233: {  	v11 =	vadd.f32 v15, v9;
	v14 =	vmul.f32 v12, v48;
	v18 =	vmul.f32 v12, v47  }
0x234: {  	v6 =	vmin.f32 v6, v16;
	v15 =	vmul.f32 v12, v27;
	v20 =	vmul.f32 v23, v29  }
0x235: {  	v7 =	vmin.f32 v7, v17;
	v16 =	vmul.f32 v23, v49;
	v21 =	vmul.f32 v23, v46;
	v9 =	vld [tilespmem:s22+$0x6800]  }
0x236: {  	v17 =	vmul.f32 v12, v43;
	v15 =	vadd.f32 v20, v15;
	v20 =	vmul.f32 v22, v24  }
0x237: {  	v26 =	vmul.f32 v12, v37;
	v16 =	vadd.f32 v16, v14;
	v14 =	vmul.f32 v23, v44  }
0x238: {  	v51 =	vmul.f32 v12, v39;
	v50 =	vmul.f32 v23, v38;
	v15 =	vadd.f32 v20, v15  }
0x239: {  	v18 =	vadd.f32 v21, v18;
	v21 =	vmul.f32 v12, v33;
	v20 =	vmul.f32 v23, v40  }
0x23a: {  	v52 =	vmul.f32 v23, v34;
	v12 =	vmul.f32 v12, v30;
	v15 =	vadd.f32 v15, v9  }
0x23b: {  	v26 =	vadd.f32 v50, v26;
	v17 =	vadd.f32 v14, v17;
	v23 =	vmul.f32 v23, v31  }
0x23c: {  	v14 =	vadd.f32 v52, v21;
	v50 =	vadd.f32 v20, v51;
	v3 =	vmin.f32 v3, v15  }
.Ltmp13:
0x23d: {  	v20 =	vmul.f32 v22, v45;
	v51 =	vmul.f32 v22, v42;
	v15 =	vadd.f32 v23, v12;
	(pc) =	sbr.rel @p0 .LBB2_27-.Ltmp13, $4  }
0x23e: {  	v2 =	vmin.f32 v2, v19;
	v12 =	vmul.f32 v22, v41;
	v23 =	vmul.f32 v22, v35  }
0x23f: {  	v52 =	vmul.f32 v22, v36;
	v21 =	vmul.f32 v22, v32;
	v16 =	vadd.f32 v20, v16  }
0x240: {  	s22 =	sshra.s32 s21, $0x2;
	v19 =	vadd.f32 v51, v18;
	v22 =	vmul.f32 v22, v28;
	v17 =	vadd.f32 v12, v17  }
0x241: {  	v8 =	vmin.f32 v8, v25;
	s21 =	sadd.s32 $0x40, s21;
	v18 =	vadd.f32 v52, v50;
	v20 =	vadd.f32 v23, v26;
	v12 =	vld [tilespmem:s22+$0x8800]  }
0x242: {  	v14 =	vadd.f32 v21, v14;
	v15 =	vadd.f32 v22, v15;
	v0 =	vmin.f32 v0, v10  }
0x243: {  	v23 =	vld [tilespmem:s22+$0xA800];
	v10 =	vadd.f32 v16, v9;
	v50 =	vadd.f32 v19, v9;
	v11 =	vmin.f32 v13, v11  }
0x244: {  	v59 =	vimm.f32 $+Inf;
	v17 =	vadd.f32 v17, v9;
	v19 =	vadd.f32 v20, v9  }
0x245: {  	v13 =	vld [tilespmem:s22+$0xC800];
	v18 =	vadd.f32 v18, v9;
	v10 =	vmin.f32 v5, v10;
	v14 =	vadd.f32 v14, v9  }
0x246: {  	v9 =	vadd.f32 v15, v9;
	v5 =	vmul.f32 v12, v48;
	v20 =	vmul.f32 v12, v47  }
0x247: {  	v7 =	vmin.f32 v7, v17;
	v51 =	vmul.f32 v12, v27;
	v17 =	vmul.f32 v12, v43  }
0x248: {  	v6 =	vmin.f32 v6, v50;
	v26 =	vmul.f32 v12, v37;
	v52 =	vmul.f32 v23, v29  }
0x249: {  	v2 =	vmin.f32 v2, v19;
	v62 =	vmul.f32 v23, v49;
	v25 =	vmul.f32 v23, v46  }
0x24a: {  	v63 =	vmul.f32 v13, v24;
	v50 =	vmul.f32 v23, v38;
	v15 =	vadd.f32 v52, v51  }
0x24b: {  	v16 =	vld [tilespmem:s22+$0x6800];
	v22 =	vadd.f32 v62, v5;
	v5 =	vmul.f32 v23, v44;
	v51 =	vmul.f32 v12, v39  }
0x24c: {  	v20 =	vadd.f32 v25, v20;
	v62 =	vmul.f32 v23, v40;
	v25 =	vmul.f32 v12, v33  }
0x24d: {  	v52 =	vmul.f32 v23, v34;
	v26 =	vadd.f32 v50, v26;
	v23 =	vmul.f32 v23, v31  }
0x24e: {  	v15 =	vadd.f32 v63, v15;
	v63 =	vmul.f32 v12, v30;
	v17 =	vadd.f32 v5, v17  }
0x24f: {  	v21 =	vadd.f32 v62, v51;
	v25 =	vadd.f32 v52, v25;
	v52 =	vmul.f32 v13, v45  }
0x250: {  	v62 =	vmul.f32 v13, v36;
	v15 =	vadd.f32 v15, v16;
	v12 =	vadd.f32 v23, v63  }
0x251: {  	[tilespmem:$0x1FD60] =	vst v56;
	v23 =	vmul.f32 v13, v35;
	v22 =	vadd.f32 v52, v22;
	v63 =	vmul.f32 v13, v32  }
0x252: {  	[tilespmem:$0x1FD70] =	vst v57;
	v62 =	vadd.f32 v62, v21;
	v5 =	vmin.f32 v3, v15;
	v3 =	vmul.f32 v13, v42  }
0x253: {  	[tilespmem:$0x1FD80] =	vst v58;
	v15 =	vmul.f32 v13, v41;
	v63 =	vadd.f32 v63, v25;
	v50 =	vadd.f32 v22, v16  }
0x254: {  	[tilespmem:$0x1FD90] =	vst v53;
	v13 =	vmul.f32 v13, v28;
	v62 =	vadd.f32 v62, v16;
	v3 =	vadd.f32 v3, v20  }
0x255: {  	p1 =	por $0x1, $0x1;
	[tilespmem:$0x1FDA0] =	vst v54;
	v8 =	vmin.f32 v8, v18;
	v15 =	vadd.f32 v15, v17;
	v17 =	vadd.f32 v23, v26  }
.Ltmp14:
0x256: {  	[tilespmem:$0x1FDB0] =	vst v55;
	v0 =	vmin.f32 v0, v14;
	v13 =	vadd.f32 v13, v12;
	v63 =	vadd.f32 v63, v16;
	(pc) =	sbr.rel @!p1 .LBB2_29-.Ltmp14, $4  }
0x257: {  	[tilespmem:$0x1FDE0] =	vst v60;
	v52 =	vmin.f32 v11, v9;
	v3 =	vadd.f32 v3, v16;
	v51 =	vadd.f32 v15, v16  }
0x258: {  	[tilespmem:$0x1FDF0] =	vst v61;
	v12 =	vmin.f32 v10, v50;
	v9 =	vadd.f32 v17, v16;
	v13 =	vadd.f32 v13, v16  }
0x259: {  	s21 =	simm.s32 $0x0;
	v8 =	vmin.f32 v8, v62;
	[tilespmem:$0x1FDD0] =	vst v12;
	v11 =	vmin.f32 v6, v3;
	v10 =	vmin.f32 v7, v51  }
0x25a: {  	p2 =	por $0x0, $0x0;
	p0 =	por $0x0, $0x0;
	v9 =	vmin.f32 v2, v9;
	v7 =	vmin.f32 v0, v63;
	v6 =	vmin.f32 v52, v13;
	v3 =	vld [tilespmem:s21+$0x9000];
	[tilespmem:$0x1FDC0] =	vst v11  }
0x25b: {  	_ =	sdelay $0x2  }
0x25c: {  	v0 =	vld [tilespmem:s21+$0xB000]  }
0x25d: {  	v13 =	vld [tilespmem:s21+$0xD000];
	v14 =	vmul.f32 v3, v48;
	v15 =	vmul.f32 v3, v47  }
0x25e: {  	v16 =	vmul.f32 v3, v27;
	v20 =	vmul.f32 v3, v43  }
0x25f: {  	v57 =	vmul.f32 v3, v37;
	v23 =	vmul.f32 v3, v39  }
0x260: {  	v60 =	vmul.f32 v3, v33;
	v3 =	vmul.f32 v3, v30  }
0x261: {  	v17 =	vmul.f32 v0, v29;
	v18 =	vmul.f32 v0, v49  }
0x262: {  	v19 =	vmul.f32 v0, v46;
	v56 =	vmul.f32 v13, v24  }
0x263: {  	v21 =	vmul.f32 v0, v44;
	v22 =	vmul.f32 v0, v38  }
0x264: {  	v58 =	vmul.f32 v0, v40;
	v25 =	vmul.f32 v0, v34  }
0x265: {  	v2 =	vld [tilespmem:s21+$0x7000];
	v61 =	vmul.f32 v13, v45;
	v62 =	vmul.f32 v13, v42;
	v16 =	vadd.f32 v17, v16  }
0x266: {  	v63 =	vmul.f32 v13, v36;
	v14 =	vadd.f32 v18, v14;
	v15 =	vadd.f32 v19, v15  }
0x267: {  	p3 =	por $0x1, $0x1;
	v20 =	vadd.f32 v21, v20;
	v18 =	vadd.f32 v22, v57;
	v21 =	vmul.f32 v0, v31  }
.Ltmp15:
0x268: {  	v50 =	vmul.f32 v13, v32;
	v17 =	vadd.f32 v58, v23;
	v16 =	vadd.f32 v56, v16;
	(pc) =	sbr.rel @!p3 .LBB2_31-.Ltmp15, $4  }
0x269: {  	v22 =	vadd.f32 v25, v60;
	v23 =	vadd.f32 v21, v3;
	v3 =	vmul.f32 v13, v41  }
0x26a: {  	v21 =	vmul.f32 v13, v35;
	v25 =	vadd.f32 v61, v14;
	v16 =	vadd.f32 v16, v2  }
0x26b: {  	s22 =	simm.s32 $0x10;
	v54 =	vmul.f32 v13, v28;
	v51 =	vadd.f32 v62, v15;
	v52 =	vadd.f32 v63, v17  }
0x26c: {  	p2 =	por $0x1, $0x1;
	v26 =	vadd.f32 v3, v20;
	v3 =	vld [tilespmem:s22+$0x9000];
	v53 =	vadd.f32 v21, v18;
	v0 =	vmin.f32 v59, v16  }
0x26d: {  	_ = 	snop  }
0x26e: {  	v14 =	vadd.f32 v50, v22  }
0x26f: {  	v16 =	vld [tilespmem:s22+$0xB000];
	v15 =	vadd.f32 v54, v23;
	v13 =	vadd.f32 v25, v2  }
0x270: {  	v17 =	vadd.f32 v51, v2;
	v55 =	vadd.f32 v52, v2  }
0x271: {  	v20 =	vld [tilespmem:s22+$0xD000];
	v21 =	vadd.f32 v26, v2;
	v25 =	vadd.f32 v53, v2;
	v22 =	vmul.f32 v3, v48  }
0x272: {  	v13 =	vmin.f32 v59, v13;
	v23 =	vmul.f32 v3, v47;
	v26 =	vmul.f32 v3, v27  }
0x273: {  	v18 =	vadd.f32 v14, v2;
	v63 =	vmul.f32 v3, v43;
	v60 =	vmul.f32 v3, v37  }
0x274: {  	v14 =	vmin.f32 v59, v17;
	v61 =	vmul.f32 v16, v29;
	v17 =	vmul.f32 v16, v49  }
0x275: {  	v19 =	vadd.f32 v15, v2;
	v62 =	vmul.f32 v16, v46;
	v56 =	vmul.f32 v16, v34  }
0x276: {  	v2 =	vld [tilespmem:s22+$0x7000];
	v15 =	vmin.f32 v59, v21;
	v50 =	vmul.f32 v20, v32;
	v54 =	vmul.f32 v20, v28  }
0x277: {  	v21 =	vadd.f32 v61, v26;
	v26 =	vmul.f32 v20, v24;
	v17 =	vadd.f32 v17, v22  }
0x278: {  	v22 =	vmul.f32 v16, v44;
	v61 =	vmul.f32 v16, v38;
	v51 =	vadd.f32 v62, v23  }
0x279: {  	v23 =	vmul.f32 v16, v40;
	v62 =	vmul.f32 v3, v33;
	v21 =	vadd.f32 v26, v21  }
0x27a: {  	v16 =	vmul.f32 v16, v31;
	v26 =	vmul.f32 v3, v39;
	v57 =	vadd.f32 v22, v63  }
0x27b: {  	v3 =	vmul.f32 v3, v30;
	v52 =	vadd.f32 v61, v60;
	v21 =	vadd.f32 v21, v2  }
0x27c: {  	p4 =	por $0x1, $0x1;
	v22 =	vadd.f32 v56, v62;
	v63 =	vmul.f32 v20, v35;
	v58 =	vadd.f32 v23, v26  }
.Ltmp16:
0x27d: {  	v26 =	vmul.f32 v20, v42;
	v0 =	vmin.f32 v0, v21;
	v21 =	vmul.f32 v20, v45;
	(pc) =	sbr.rel @!p4 .LBB2_33-.Ltmp16, $4  }
0x27e: {  	v23 =	vadd.f32 v16, v3;
	v3 =	vmul.f32 v20, v41;
	v16 =	vmin.f32 v59, v25  }
0x27f: {  	v53 =	vadd.f32 v63, v52;
	v25 =	vadd.f32 v21, v17;
	v17 =	vmul.f32 v20, v36  }
0x280: {  	s22 =	simm.s32 $0x20;
	v51 =	vadd.f32 v26, v51;
	v26 =	vadd.f32 v3, v57;
	v20 =	vimm.f32 $+Inf  }
0x281: {  	s23 =	simm.s32 $0xC0;
	p3 =	por $0x1, $0x1;
	v3 =	vld [tilespmem:s22+$0x9000];
	v21 =	vimm.f32 $+Inf;
	v52 =	vadd.f32 v17, v58;
	v17 =	vmin.f32 v59, v55  }
.LBB2_34:
0x282: {  	p4 =	sne.s32 s23, $0x1FC0;
	v55 =	vld [tilespmem:s22+$0xB000];
	v22 =	vadd.f32 v50, v22;
	v23 =	vadd.f32 v54, v23;
	v20 =	vmin.f32 v20, v18  }
0x283: {  	v18 =	vadd.f32 v25, v2;
	v25 =	vadd.f32 v51, v2;
	v21 =	vmin.f32 v21, v19  }
0x284: {  	v26 =	vadd.f32 v26, v2;
	v50 =	vadd.f32 v53, v2;
	v54 =	vld [tilespmem:s22+$0xD000]  }
0x285: {  	v56 =	vadd.f32 v52, v2;
	v13 =	vmin.f32 v13, v18;
	v18 =	vadd.f32 v22, v2  }
0x286: {  	v19 =	vadd.f32 v23, v2;
	v22 =	vmul.f32 v3, v48;
	v51 =	vmul.f32 v3, v47  }
0x287: {  	v14 =	vmin.f32 v14, v25;
	v23 =	vmul.f32 v3, v27;
	v52 =	vmul.f32 v55, v29  }
0x288: {  	v15 =	vmin.f32 v15, v26;
	v25 =	vmul.f32 v55, v49;
	v53 =	vmul.f32 v55, v46;
	v2 =	vld [tilespmem:s22+$0x7000]  }
0x289: {  	v26 =	vmul.f32 v3, v43;
	v23 =	vadd.f32 v52, v23;
	v52 =	vmul.f32 v54, v24  }
0x28a: {  	v57 =	vmul.f32 v3, v37;
	v25 =	vadd.f32 v25, v22;
	v22 =	vmul.f32 v55, v44  }
0x28b: {  	v60 =	vmul.f32 v3, v39;
	v58 =	vmul.f32 v55, v38;
	v23 =	vadd.f32 v52, v23  }
0x28c: {  	v51 =	vadd.f32 v53, v51;
	v53 =	vmul.f32 v3, v33;
	v52 =	vmul.f32 v55, v40  }
0x28d: {  	v61 =	vmul.f32 v55, v34;
	v3 =	vmul.f32 v3, v30;
	v23 =	vadd.f32 v23, v2  }
0x28e: {  	v57 =	vadd.f32 v58, v57;
	v26 =	vadd.f32 v22, v26;
	v55 =	vmul.f32 v55, v31  }
0x28f: {  	v22 =	vadd.f32 v61, v53;
	v52 =	vadd.f32 v52, v60;
	v0 =	vmin.f32 v0, v23  }
.Ltmp17:
0x290: {  	v58 =	vmul.f32 v54, v42;
	v53 =	vmul.f32 v54, v45;
	v23 =	vadd.f32 v55, v3;
	(pc) =	sbr.rel @p4 .LBB2_34-.Ltmp17, $4  }
0x291: {  	v16 =	vmin.f32 v16, v50;
	v3 =	vmul.f32 v54, v41;
	v55 =	vmul.f32 v54, v35  }
0x292: {  	v50 =	vmul.f32 v54, v32;
	v25 =	vadd.f32 v53, v25;
	v60 =	vmul.f32 v54, v36  }
0x293: {  	s22 =	sshra.s32 s23, $0x2;
	v51 =	vadd.f32 v58, v51;
	v54 =	vmul.f32 v54, v28;
	v26 =	vadd.f32 v3, v26  }
0x294: {  	v17 =	vmin.f32 v17, v56;
	s23 =	sadd.s32 $0x40, s23;
	v52 =	vadd.f32 v60, v52;
	v53 =	vadd.f32 v55, v57;
	v3 =	vld [tilespmem:s22+$0x9000]  }
.LBB2_35:
0x295: {  	v22 =	vadd.f32 @p2 v50, v22  }
0x296: {  	v23 =	vadd.f32 @p2 v54, v23;
	v18 =	vmin.f32 @p3 v20, v18;
	v20 =	vadd.f32 @p2 v25, v2  }
0x297: {  	v25 =	vadd.f32 @p2 v51, v2;
	v19 =	vmin.f32 @p3 v21, v19;
	v26 =	vadd.f32 @p2 v26, v2  }
0x298: {  	v55 =	vld [tilespmem:s22+$0xB000];
	v50 =	vadd.f32 @p2 v53, v2;
	v18 =	vpsel p3, v18, v59;
	v19 =	vpsel p3, v19, v59  }
0x299: {  	v21 =	vld [tilespmem:s22+$0xD000];
	v13 =	vmin.f32 @p2 v13, v20;
	v20 =	vadd.f32 @p2 v52, v2;
	v22 =	vadd.f32 @p2 v22, v2  }
0x29a: {  	v2 =	vadd.f32 @p2 v23, v2;
	v25 =	vmin.f32 @p2 v14, v25;
	v63 =	vmul.f32 v3, v48  }
0x29b: {  	v15 =	vmin.f32 @p2 v15, v26;
	v60 =	vmul.f32 v3, v47;
	v23 =	vmul.f32 v3, v27  }
0x29c: {  	v16 =	vmin.f32 @p2 v16, v50;
	v53 =	vmul.f32 v3, v43;
	v57 =	vmul.f32 v3, v37  }
0x29d: {  	v13 =	vpsel p2, v13, v59;
	v61 =	vmul.f32 v55, v29;
	v14 =	vmul.f32 v55, v49  }
0x29e: {  	v15 =	vpsel p2, v15, v59;
	v56 =	vmul.f32 v55, v46;
	v26 =	vmul.f32 v21, v24  }
0x29f: {  	v54 =	vld [tilespmem:s22+$0x7000];
	v17 =	vmin.f32 @p2 v17, v20;
	v58 =	vmul.f32 v55, v38;
	v62 =	vmul.f32 v21, v41  }
0x2a0: {  	v23 =	vadd.f32 v61, v23;
	v51 =	vadd.f32 v14, v63;
	v14 =	vmul.f32 v55, v44  }
0x2a1: {  	v52 =	vadd.f32 v56, v60;
	v56 =	vmul.f32 v55, v40;
	v60 =	vmul.f32 v3, v33  }
0x2a2: {  	v57 =	vadd.f32 v58, v57;
	v63 =	vmul.f32 v21, v35;
	v23 =	vadd.f32 v26, v23  }
0x2a3: {  	v61 =	vmul.f32 v55, v34;
	v26 =	vmul.f32 v3, v39;
	v53 =	vadd.f32 v14, v53  }
0x2a4: {  	v55 =	vmul.f32 v55, v31;
	v63 =	vadd.f32 v63, v57;
	v23 =	vadd.f32 v23, v54  }
0x2a5: {  	v3 =	vmul.f32 v3, v30;
	v26 =	vadd.f32 v56, v26;
	v56 =	vadd.f32 v61, v60  }
0x2a6: {  	v60 =	vmul.f32 v21, v36;
	v61 =	vmul.f32 v21, v32;
	v0 =	vmin.f32 v0, v23  }
0x2a7: {  	v3 =	vadd.f32 v55, v3;
	v23 =	vmul.f32 v21, v42;
	[tilespmem:$0x1FD40] =	vst v0;
	v0 =	vmul.f32 v21, v45  }
0x2a8: {  	v62 =	vadd.f32 v62, v53;
	v50 =	vadd.f32 v60, v26;
	v21 =	vmul.f32 v21, v28  }
0x2a9: {  	v16 =	vpsel p2, v16, v59;
	v23 =	vadd.f32 v23, v52;
	v0 =	vadd.f32 v0, v51  }
0x2aa: {  	v17 =	vpsel p2, v17, v59;
	v3 =	vadd.f32 v21, v3;
	v21 =	vadd.f32 v63, v54  }
0x2ab: {  	v20 =	vpsel p2, v22, v0;
	v22 =	vpsel p2, v25, v59;
	v25 =	vadd.f32 v61, v56  }
0x2ac: {  	v2 =	vpsel p2, v2, v0;
	v0 =	vadd.f32 v0, v54;
	v3 =	vadd.f32 v3, v54  }
.Ltmp18:
0x2ad: {  	v11 =	vmin.f32 v16, v21;
	v18 =	vmin.f32 @p2 v18, v20;
	v20 =	vadd.f32 v23, v54;
	(pc) =	sbr.rel @!p1 .LBB2_36-.Ltmp18, $4  }
0x2ae: {  	v2 =	vmin.f32 @p2 v19, v2;
	v19 =	vadd.f32 v62, v54;
	v26 =	vmin.f32 v13, v0  }
0x2af: {  	v0 =	vadd.f32 v50, v54;
	v13 =	vadd.f32 v25, v54;
	v2 =	vpsel p2, v2, v59  }
0x2b0: {  	v20 =	vmin.f32 v22, v20;
	v14 =	vmin.f32 v15, v19;
	v15 =	vpsel p2, v18, v59  }
0x2b1: {  	[tilespmem:$0x1FD50] =	vst v4;
	v16 =	vld [tilespmem:s21+$0x9800];
	v12 =	vmin.f32 v17, v0;
	v18 =	vmin.f32 v15, v13;
	v17 =	vmin.f32 v2, v3  }
0x2b2: {  	_ =	sdelay $0x2  }
0x2b3: {  	v0 =	vld [tilespmem:s21+$0xB800]  }
0x2b4: {  	v2 =	vmul.f32 v16, v48;
	v3 =	vmul.f32 v16, v47  }
0x2b5: {  	v13 =	vmul.f32 v16, v27;
	v52 =	vmul.f32 v16, v43  }
0x2b6: {  	v21 =	vld [tilespmem:s21+$0xD800];
	v61 =	vmul.f32 v16, v37;
	v55 =	vmul.f32 v16, v39  }
0x2b7: {  	v62 =	vmul.f32 v16, v33;
	v16 =	vmul.f32 v16, v30  }
0x2b8: {  	v23 =	vmul.f32 v0, v29;
	v50 =	vmul.f32 v0, v49  }
0x2b9: {  	v51 =	vmul.f32 v0, v46;
	v53 =	vmul.f32 v0, v44  }
0x2ba: {  	v54 =	vmul.f32 v0, v38;
	v56 =	vmul.f32 v0, v34  }
0x2bb: {  	v15 =	vld [tilespmem:s21+$0x7800];
	v63 =	vmul.f32 v21, v45;
	v58 =	vmul.f32 v21, v36  }
0x2bc: {  	v13 =	vadd.f32 v23, v13;
	v23 =	vmul.f32 v21, v24;
	v2 =	vadd.f32 v50, v2  }
0x2bd: {  	v60 =	vmul.f32 v21, v28;
	v3 =	vadd.f32 v51, v3;
	v52 =	vadd.f32 v53, v52  }
0x2be: {  	p2 =	por $0x1, $0x1;
	v50 =	vadd.f32 v54, v61;
	v53 =	vmul.f32 v21, v42;
	v13 =	vadd.f32 v23, v13  }
.Ltmp19:
0x2bf: {  	v57 =	vadd.f32 v56, v62;
	v23 =	vmul.f32 v0, v40;
	v0 =	vmul.f32 v0, v31;
	(pc) =	sbr.rel @!p2 .LBB2_38-.Ltmp19, $4  }
0x2c0: {  	v54 =	vmul.f32 v21, v35;
	v2 =	vadd.f32 v63, v2;
	v13 =	vadd.f32 v13, v15  }
0x2c1: {  	v23 =	vadd.f32 v23, v55;
	v56 =	vadd.f32 v0, v16;
	v0 =	vmul.f32 v21, v41  }
0x2c2: {  	s21 =	simm.s32 $0x10;
	v61 =	vmul.f32 v21, v32;
	v3 =	vadd.f32 v53, v3;
	v62 =	vadd.f32 v54, v50  }
0x2c3: {  	p1 =	por $0x1, $0x1;
	v16 =	vld [tilespmem:s21+$0x9800];
	v13 =	vmin.f32 v59, v13;
	v63 =	vadd.f32 v0, v52;
	v58 =	vadd.f32 v58, v23  }
0x2c4: {  	v0 =	vadd.f32 v61, v57  }
0x2c5: {  	v21 =	vadd.f32 v60, v56;
	v2 =	vadd.f32 v2, v15  }
0x2c6: {  	[tilespmem:$0x1FD30] =	vst v1;
	v1 =	vmovc v14;
	v14 =	vmov v11;
	v50 =	vld [tilespmem:s21+$0xB800];
	v3 =	vadd.f32 v3, v15;
	v54 =	vadd.f32 v62, v15  }
0x2c7: {  	v11 =	vmovc v12;
	v53 =	vadd.f32 v63, v15;
	v4 =	vadd.f32 v58, v15;
	v55 =	vmin.f32 v59, v2  }
0x2c8: {  	v12 =	vmovc v18;
	v23 =	vadd.f32 v0, v15;
	v2 =	vmul.f32 v16, v48;
	v56 =	vmul.f32 v16, v47  }
0x2c9: {  	v18 =	vmovc v6;
	v52 =	vld [tilespmem:s21+$0xD800];
	v21 =	vadd.f32 v21, v15;
	v6 =	vmul.f32 v16, v27;
	v58 =	vmul.f32 v16, v43  }
0x2ca: {  	v51 =	vmin.f32 v59, v3;
	v61 =	vmul.f32 v16, v37;
	v57 =	vmul.f32 v16, v39  }
0x2cb: {  	v19 =	vmovc v7;
	v54 =	vmin.f32 v59, v54;
	v63 =	vmul.f32 v16, v33;
	v7 =	vmul.f32 v50, v29  }
0x2cc: {  	v0 =	vmin.f32 v59, v53;
	v16 =	vmul.f32 v16, v30;
	v3 =	vmul.f32 v50, v49  }
0x2cd: {  	[tilespmem:$0x1FD10] =	vst v26;
	v15 =	vld [tilespmem:s21+$0x7800];
	v60 =	vmul.f32 v50, v46;
	v62 =	vmul.f32 v50, v38;
	v6 =	vadd.f32 v7, v6  }
0x2ce: {  	v26 =	vmovc v17;
	v7 =	vmul.f32 v52, v24;
	v2 =	vadd.f32 v3, v2;
	v3 =	vmul.f32 v50, v44  }
0x2cf: {  	v17 =	vmovc v5;
	v5 =	vmul.f32 v50, v34;
	v60 =	vadd.f32 v60, v56;
	v56 =	vmul.f32 v50, v40  }
0x2d0: {  	v53 =	vadd.f32 v7, v6;
	v58 =	vadd.f32 v3, v58;
	v3 =	vmul.f32 v50, v31  }
0x2d1: {  	v50 =	vadd.f32 v56, v57;
	v57 =	vadd.f32 v5, v63;
	v5 =	vmul.f32 v52, v45  }
0x2d2: {  	p2 =	por $0x1, $0x1;
	v62 =	vadd.f32 v62, v61;
	v6 =	vmul.f32 v52, v35;
	v53 =	vadd.f32 v53, v15  }
.Ltmp20:
0x2d3: {  	v56 =	vadd.f32 v3, v16;
	v16 =	vmul.f32 v52, v41;
	v2 =	vadd.f32 v5, v2;
	(pc) =	sbr.rel @!p2 .LBB2_40-.Ltmp20, $4  }
0x2d4: {  	v5 =	vmul.f32 v52, v36;
	v13 =	vmin.f32 v13, v53;
	v53 =	vmul.f32 v52, v42  }
0x2d5: {  	v61 =	vmul.f32 v52, v32;
	v62 =	vadd.f32 v6, v62;
	v63 =	vadd.f32 v16, v58  }
0x2d6: {  	v25 =	vmovc v10;
	s21 =	simm.s32 $0x20;
	v58 =	vadd.f32 v5, v50;
	v3 =	vadd.f32 v53, v60;
	v60 =	vmul.f32 v52, v28  }
0x2d7: {  	[tilespmem:$0x1FD20] =	vst v20;
	v22 =	vmovc v9;
	v20 =	vmovc v8;
	s22 =	simm.s32 $0xC0;
	p0 =	por $0x1, $0x1;
	v16 =	vld [tilespmem:s21+$0x9800];
	v50 =	vimm.f32 $+Inf;
	v53 =	vmin.f32 v59, v4;
	v52 =	vimm.f32 $+Inf  }
.LBB2_41:
0x2d8: {  	p2 =	sne.s32 s22, $0x1FC0;
	v4 =	vld [tilespmem:s21+$0xB800];
	v5 =	vadd.f32 v61, v57;
	v6 =	vadd.f32 v60, v56;
	v52 =	vmin.f32 v52, v23  }
0x2d9: {  	v2 =	vadd.f32 v2, v15;
	v3 =	vadd.f32 v3, v15;
	v50 =	vmin.f32 v50, v21  }
0x2da: {  	v56 =	vadd.f32 v63, v15;
	v61 =	vadd.f32 v62, v15;
	v60 =	vld [tilespmem:s21+$0xD800]  }
0x2db: {  	v7 =	vadd.f32 v58, v15;
	v55 =	vmin.f32 v55, v2;
	v23 =	vadd.f32 v5, v15  }
0x2dc: {  	v21 =	vadd.f32 v6, v15;
	v2 =	vmul.f32 v16, v48;
	v5 =	vmul.f32 v16, v47  }
0x2dd: {  	v51 =	vmin.f32 v51, v3;
	v6 =	vmul.f32 v16, v27;
	v57 =	vmul.f32 v4, v29  }
0x2de: {  	v0 =	vmin.f32 v0, v56;
	v3 =	vmul.f32 v4, v49;
	v58 =	vmul.f32 v4, v46;
	v15 =	vld [tilespmem:s21+$0x7800]  }
0x2df: {  	v56 =	vmul.f32 v16, v43;
	v6 =	vadd.f32 v57, v6;
	v57 =	vmul.f32 v60, v24  }
0x2e0: {  	v62 =	vmul.f32 v16, v37;
	v2 =	vadd.f32 v3, v2;
	v3 =	vmul.f32 v4, v44  }
0x2e1: {  	v8 =	vmul.f32 v16, v39;
	v63 =	vmul.f32 v4, v38;
	v6 =	vadd.f32 v57, v6  }
0x2e2: {  	v5 =	vadd.f32 v58, v5;
	v58 =	vmul.f32 v16, v33;
	v57 =	vmul.f32 v4, v40  }
0x2e3: {  	v9 =	vmul.f32 v4, v34;
	v16 =	vmul.f32 v16, v30;
	v6 =	vadd.f32 v6, v15  }
0x2e4: {  	v62 =	vadd.f32 v63, v62;
	v10 =	vadd.f32 v3, v56;
	v3 =	vmul.f32 v4, v31  }
0x2e5: {  	v4 =	vadd.f32 v57, v8;
	v57 =	vadd.f32 v9, v58;
	v13 =	vmin.f32 v13, v6  }
.Ltmp21:
0x2e6: {  	v8 =	vmul.f32 v60, v42;
	v56 =	vadd.f32 v3, v16;
	v6 =	vmul.f32 v60, v45;
	(pc) =	sbr.rel @p2 .LBB2_41-.Ltmp21, $4  }
0x2e7: {  	v54 =	vmin.f32 v54, v61;
	v9 =	vmul.f32 v60, v41;
	v58 =	vmul.f32 v60, v35  }
0x2e8: {  	v61 =	vmul.f32 v60, v32;
	v2 =	vadd.f32 v6, v2;
	v6 =	vmul.f32 v60, v36  }
0x2e9: {  	s21 =	sshra.s32 s22, $0x2;
	v3 =	vadd.f32 v8, v5;
	v63 =	vadd.f32 v9, v10;
	v60 =	vmul.f32 v60, v28  }
0x2ea: {  	v53 =	vmin.f32 v53, v7;
	s22 =	sadd.s32 $0x40, s22;
	v62 =	vadd.f32 v58, v62;
	v58 =	vadd.f32 v6, v4;
	v16 =	vld [tilespmem:s21+$0x9800]  }
0x2eb: {  	v6 =	vmovc v18;
	v18 =	vmovc v12;
	v12 =	vmov v11;
	v11 =	vmov v14;
	v14 =	vmov v1;
	v1 =	vld [tilespmem:$0x1FD30]  }
0x2ec: {  	v8 =	vmov v20;
	v20 =	vld [tilespmem:$0x1FD20]  }
0x2ed: {  	v5 =	vmovc v17;
	v7 =	vmovc v19;
	v9 =	vmov v22;
	v10 =	vmov v25;
	v17 =	vmov v26;
	v26 =	vld [tilespmem:$0x1FD10]  }
.LBB2_43:
0x2ee: {  	v4 =	vld [tilespmem:$0x1FFC0];
	_ =	sdelay $0x3  }
0x2ef: {  	v22 =	vld [tilespmem:$0x1FFD0];
	(v2sf) =	vpush v1, $0x0  }
0x2f0: {  	(v2sf) =	vpush v1, $0x1;
	(xrf0) =	vmin.scan.msk.f32 $0xffff, v4  }
0x2f1: {  	v19 =	vld [tilespmem:$0x1FDF0];
	(v2sf) =	vpush v1, $0x2  }
0x2f2: {  	(v2sf) =	vpush v1, $0x3  }
0x2f3: {  	(v2sf) =	vpush v1, $0x4  }
0x2f4: {  	(xrf0) =	vmin.scan.msk.f32 $0xffff, v22;
	(v2sf) =	vpush v1, $0x5  }
0x2f5: {  	(v2sf) =	vpush v1, $0x6  }
0x2f6: {  	(v2sf) =	vpush v1, $0x7;
	v25, _, _ =	vpop (xrf0);
	(xrf0) =	vmin.scan.msk.f32 $0xffff, v19  }
0x2f7: {  	(v2sf) =	vpush v25, $0xF;
	v25 =	vld [tilespmem:$0x1FDE0];
	_ =	sdelay $0x2  }
0x2f8: {  	v22, _, _ =	vpop (xrf0)  }
0x2f9: {  	(v2sf) =	vpush v22, $0xF;
	v22 =	vld [tilespmem:$0x1FD80]  }
0x2fa: {  	(xrf0) =	vmin.scan.msk.f32 $0xffff, v25;
	v19, _, _ =	vpop (xrf0)  }
0x2fb: {  	(v2sf) =	vpush v19, $0xF;
	v19 =	vld [tilespmem:$0x1FD70]  }
0x2fc: {  	s29 =	spop (v2sf)  }
0x2fd: {  	s28 =	spop (v2sf)  }
0x2fe: {  	(xrf0) =	vmin.scan.msk.f32 $0xffff, v22;
	s26 =	spop (v2sf)  }
0x2ff: {  	s25 =	spop (v2sf)  }
0x300: {  	s24 =	spop (v2sf);
	v25, _, _ =	vpop (xrf0);
	(xrf0) =	vmin.scan.msk.f32 $0xffff, v19  }
0x301: {  	s23 =	spop (v2sf);
	(v2sf) =	vpush v25, $0xF;
	v25 =	vld [tilespmem:$0x1FFE0]  }
0x302: {  	s22 =	spop (v2sf)  }
0x303: {  	s30 =	spop (v2sf)  }
0x304: {  	v22, _, _ =	vpop (xrf0);
	s31 =	spop (v2sf)  }
0x305: {  	(v2sf) =	vpush v22, $0xF;
	v22 =	vld [tilespmem:$0x1FD60];
	s19 =	sadd.f32 s31, s19  }
0x306: {  	(xrf0) =	vmin.scan.msk.f32 $0xffff, v25;
	v19, _, _ =	vpop (xrf0)  }
0x307: {  	s19 =	sadd.f32 s19, s29;
	(v2sf) =	vpush v19, $0xF;
	v19 =	vld [tilespmem:$0x1FFB0]  }
0x308: {  	s31 =	spop (v2sf)  }
0x309: {  	s19 =	sadd.f32 s19, s31  }
0x30a: {  	(xrf0) =	vmin.scan.msk.f32 $0xffff, v22  }
0x30b: {  	s19 =	sadd.f32 s19, s28  }
0x30c: {  	s31 =	spop (v2sf);
	v25, _, _ =	vpop (xrf0);
	(xrf0) =	vmin.scan.msk.f32 $0xffff, v19  }
0x30d: {  	(v2sf) =	vpush v25, $0xF;
	s19 =	sadd.f32 s19, s31;
	v25 =	vld [tilespmem:$0x1FFA0];
	_ =	sdelay $0x1  }
0x30e: {  	s19 =	sadd.f32 s19, s26  }
0x30f: {  	v22, _, _ =	vpop (xrf0);
	s31 =	spop (v2sf)  }
0x310: {  	(v2sf) =	vpush v22, $0xF;
	v22 =	vld [tilespmem:$0x1FF90];
	s19 =	sadd.f32 s19, s31  }
0x311: {  	(xrf0) =	vmin.scan.msk.f32 $0xffff, v25;
	v19, _, _ =	vpop (xrf0)  }
0x312: {  	s19 =	sadd.f32 s19, s25;
	(v2sf) =	vpush v19, $0xF;
	v19 =	vld [tilespmem:$0x1FF80]  }
0x313: {  	s31 =	spop (v2sf)  }
0x314: {  	s19 =	sadd.f32 s19, s31  }
0x315: {  	(xrf0) =	vmin.scan.msk.f32 $0xffff, v22  }
0x316: {  	s19 =	sadd.f32 s19, s24  }
0x317: {  	s31 =	spop (v2sf);
	v25, _, _ =	vpop (xrf0);
	(xrf0) =	vmin.scan.msk.f32 $0xffff, v19  }
0x318: {  	(v2sf) =	vpush v25, $0xF;
	s19 =	sadd.f32 s19, s31;
	v25 =	vld [tilespmem:$0x1FF70];
	_ =	sdelay $0x1  }
0x319: {  	s19 =	sadd.f32 s19, s23  }
0x31a: {  	v22, _, _ =	vpop (xrf0);
	s31 =	spop (v2sf)  }
0x31b: {  	(v2sf) =	vpush v22, $0xF;
	v22 =	vld [tilespmem:$0x1FF60];
	s19 =	sadd.f32 s19, s31  }
0x31c: {  	(xrf0) =	vmin.scan.msk.f32 $0xffff, v25;
	v19, _, _ =	vpop (xrf0)  }
0x31d: {  	s19 =	sadd.f32 s19, s22;
	(v2sf) =	vpush v19, $0xF;
	v19 =	vld [tilespmem:$0x1FF50]  }
0x31e: {  	s31 =	spop (v2sf)  }
0x31f: {  	s19 =	sadd.f32 s19, s31  }
0x320: {  	(xrf0) =	vmin.scan.msk.f32 $0xffff, v22  }
0x321: {  	s19 =	sadd.f32 s19, s30  }
0x322: {  	s31 =	spop (v2sf);
	v25, _, _ =	vpop (xrf0);
	(xrf0) =	vmin.scan.msk.f32 $0xffff, v19  }
0x323: {  	(v2sf) =	vpush v25, $0xF;
	s19 =	sadd.f32 s31, s19;
	v25 =	vld [tilespmem:$0x1FF40];
	_ =	sdelay $0x1  }
0x324: {  	s19 =	sadd.f32 s19, s29  }
0x325: {  	v22, _, _ =	vpop (xrf0);
	s31 =	spop (v2sf)  }
0x326: {  	(v2sf) =	vpush v22, $0xF;
	v22 =	vld [tilespmem:$0x1FF30];
	s19 =	sadd.f32 s19, s31  }
0x327: {  	(xrf0) =	vmin.scan.msk.f32 $0xffff, v25;
	v19, _, _ =	vpop (xrf0)  }
0x328: {  	s19 =	sadd.f32 s19, s28;
	(v2sf) =	vpush v19, $0xF;
	v19 =	vld [tilespmem:$0x1FF20]  }
0x329: {  	s31 =	spop (v2sf)  }
0x32a: {  	s19 =	sadd.f32 s19, s31  }
0x32b: {  	(xrf0) =	vmin.scan.msk.f32 $0xffff, v22  }
0x32c: {  	s19 =	sadd.f32 s19, s26  }
0x32d: {  	s31 =	spop (v2sf);
	v25, _, _ =	vpop (xrf0);
	(xrf0) =	vmin.scan.msk.f32 $0xffff, v19  }
0x32e: {  	(v2sf) =	vpush v25, $0xF;
	s19 =	sadd.f32 s19, s31;
	v25 =	vld [tilespmem:$0x1FF10];
	_ =	sdelay $0x1  }
0x32f: {  	s19 =	sadd.f32 s19, s25  }
0x330: {  	v22, _, _ =	vpop (xrf0);
	s31 =	spop (v2sf)  }
0x331: {  	(v2sf) =	vpush v22, $0xF;
	v22 =	vld [tilespmem:$0x1FF00];
	s19 =	sadd.f32 s19, s31  }
0x332: {  	(xrf0) =	vmin.scan.msk.f32 $0xffff, v25;
	v19, _, _ =	vpop (xrf0)  }
0x333: {  	s19 =	sadd.f32 s19, s24;
	(v2sf) =	vpush v19, $0xF;
	v19 =	vld [tilespmem:$0x1FEF0]  }
0x334: {  	s31 =	spop (v2sf)  }
0x335: {  	s19 =	sadd.f32 s19, s31  }
0x336: {  	(xrf0) =	vmin.scan.msk.f32 $0xffff, v22  }
0x337: {  	s19 =	sadd.f32 s19, s23  }
0x338: {  	s31 =	spop (v2sf);
	v25, _, _ =	vpop (xrf0);
	(xrf0) =	vmin.scan.msk.f32 $0xffff, v19  }
0x339: {  	(v2sf) =	vpush v25, $0xF;
	s19 =	sadd.f32 s19, s31;
	v25 =	vld [tilespmem:$0x1FEE0];
	_ =	sdelay $0x1  }
0x33a: {  	s19 =	sadd.f32 s19, s22  }
0x33b: {  	v22, _, _ =	vpop (xrf0);
	s31 =	spop (v2sf)  }
0x33c: {  	(v2sf) =	vpush v22, $0xF;
	v22 =	vld [tilespmem:$0x1FED0];
	s19 =	sadd.f32 s19, s31  }
0x33d: {  	(xrf0) =	vmin.scan.msk.f32 $0xffff, v25;
	v19, _, _ =	vpop (xrf0)  }
0x33e: {  	s19 =	sadd.f32 s19, s30;
	(v2sf) =	vpush v19, $0xF;
	v19 =	vld [tilespmem:$0x1FEC0]  }
0x33f: {  	s31 =	spop (v2sf)  }
0x340: {  	s19 =	sadd.f32 s31, s19  }
0x341: {  	(xrf0) =	vmin.scan.msk.f32 $0xffff, v22  }
0x342: {  	s19 =	sadd.f32 s19, s29  }
0x343: {  	s31 =	spop (v2sf);
	v25, _, _ =	vpop (xrf0);
	(xrf0) =	vmin.scan.msk.f32 $0xffff, v19  }
0x344: {  	(v2sf) =	vpush v25, $0xF;
	s19 =	sadd.f32 s19, s31;
	v25 =	vld [tilespmem:$0x1FDA0];
	_ =	sdelay $0x1  }
0x345: {  	s19 =	sadd.f32 s19, s28  }
0x346: {  	v22, _, _ =	vpop (xrf0);
	s31 =	spop (v2sf)  }
0x347: {  	(v2sf) =	vpush v22, $0xF;
	v22 =	vld [tilespmem:$0x1FE70];
	s19 =	sadd.f32 s19, s31  }
0x348: {  	(xrf0) =	vmin.scan.msk.f32 $0xffff, v25;
	v19, _, _ =	vpop (xrf0)  }
0x349: {  	s19 =	sadd.f32 s19, s26;
	(v2sf) =	vpush v19, $0xF;
	v19 =	vld [tilespmem:$0x1FE80]  }
0x34a: {  	s31 =	spop (v2sf)  }
0x34b: {  	s19 =	sadd.f32 s19, s31  }
0x34c: {  	(xrf0) =	vmin.scan.msk.f32 $0xffff, v22  }
0x34d: {  	s19 =	sadd.f32 s19, s25  }
0x34e: {  	s31 =	spop (v2sf);
	v25, _, _ =	vpop (xrf0);
	(xrf0) =	vmin.scan.msk.f32 $0xffff, v19  }
0x34f: {  	(v2sf) =	vpush v25, $0xF;
	s19 =	sadd.f32 s19, s31;
	v25 =	vld [tilespmem:$0x1FE90];
	_ =	sdelay $0x1  }
0x350: {  	s19 =	sadd.f32 s19, s24  }
0x351: {  	v22, _, _ =	vpop (xrf0);
	s31 =	spop (v2sf)  }
0x352: {  	(v2sf) =	vpush v22, $0xF;
	v22 =	vld [tilespmem:$0x1FDB0];
	s19 =	sadd.f32 s19, s31  }
0x353: {  	(xrf0) =	vmin.scan.msk.f32 $0xffff, v25;
	v19, _, _ =	vpop (xrf0)  }
0x354: {  	s19 =	sadd.f32 s19, s23;
	(v2sf) =	vpush v19, $0xF;
	v19 =	vld [tilespmem:$0x1FEA0]  }
0x355: {  	s31 =	spop (v2sf)  }
0x356: {  	s19 =	sadd.f32 s19, s31  }
0x357: {  	(xrf0) =	vmin.scan.msk.f32 $0xffff, v22  }
0x358: {  	v22 =	vld [tilespmem:$0x1FEB0];
	s19 =	sadd.f32 s19, s22  }
0x359: {  	s31 =	spop (v2sf);
	v25, _, _ =	vpop (xrf0);
	(xrf0) =	vmin.scan.msk.f32 $0xffff, v19;
	v19 =	vld [tilespmem:$0x1FD90]  }
0x35a: {  	(v2sf) =	vpush v25, $0xF;
	s19 =	sadd.f32 s19, s31;
	_ =	sdelay $0x1  }
0x35b: {  	s19 =	sadd.f32 s19, s30  }
0x35c: {  	(xrf0) =	vmin.scan.msk.f32 $0xffff, v22;
	v25, _, _ =	vpop (xrf0);
	s31 =	spop (v2sf)  }
0x35d: {  	(v2sf) =	vpush v25, $0xF;
	(xrf0) =	vmin.scan.msk.f32 $0xffff, v19;
	s19 =	sadd.f32 s31, s19;
	_ =	sdelay $0x1  }
0x35e: {  	s19 =	sadd.f32 s19, s29  }
0x35f: {  	s31 =	spop (v2sf);
	v22, _, _ =	vpop (xrf0)  }
0x360: {  	(v2sf) =	vpush v22, $0xF;
	v22 =	vld [tilespmem:$0x1FE10];
	s19 =	sadd.f32 s19, s31  }
0x361: {  	v25, _, _ =	vpop (xrf0)  }
0x362: {  	(v2sf) =	vpush v25, $0xF;
	s19 =	sadd.f32 s19, s28;
	v19, _, _ =	vpop (xrf0)  }
0x363: {  	s31 =	spop (v2sf);
	(v2sf) =	vpush v19, $0xF  }
0x364: {  	v25 =	vld [tilespmem:$0x1FE20];
	s19 =	sadd.f32 s19, s31;
	(v2sf) =	vpush v1, $0x8  }
0x365: {  	(xrf0) =	vmin.scan.msk.f32 $0xffff, v22;
	(v2sf) =	vpush v1, $0x9  }
0x366: {  	s19 =	sadd.f32 s19, s26;
	(v2sf) =	vpush v1, $0xA  }
0x367: {  	s29 =	spop (v2sf);
	(v2sf) =	vpush v1, $0xB  }
0x368: {  	v19 =	vld [tilespmem:$0x1FE30];
	s19 =	sadd.f32 s19, s29;
	(v2sf) =	vpush v1, $0xC  }
0x369: {  	(xrf0) =	vmin.scan.msk.f32 $0xffff, v25;
	(v2sf) =	vpush v1, $0xD  }
0x36a: {  	s19 =	sadd.f32 s19, s25;
	(v2sf) =	vpush v1, $0xE  }
0x36b: {  	s31 =	spop (v2sf);
	v4, _, _ =	vpop (xrf0);
	(v2sf) =	vpush v1, $0xF  }
0x36c: {  	v25 =	vld [tilespmem:$0x1FE40];
	(v2sf) =	vpush v4, $0xF;
	s19 =	sadd.f32 s19, s31  }
0x36d: {  	(xrf0) =	vmin.scan.msk.f32 $0xffff, v19  }
0x36e: {  	s19 =	sadd.f32 s19, s24  }
0x36f: {  	v22, _, _ =	vpop (xrf0);
	s25 =	spop (v2sf)  }
0x370: {  	v19 =	vld [tilespmem:$0x1FE50];
	(v2sf) =	vpush v22, $0xF;
	s19 =	sadd.f32 s19, s25  }
0x371: {  	(xrf0) =	vmin.scan.msk.f32 $0xffff, v25;
	s26 =	spop (v2sf)  }
0x372: {  	s31 =	spop (v2sf);
	s19 =	sadd.f32 s19, s23  }
0x373: {  	v4, _, _ =	vpop (xrf0);
	s29 =	spop (v2sf)  }
0x374: {  	v25 =	vld [tilespmem:$0x1FE60];
	(v2sf) =	vpush v4, $0xF;
	s28 =	spop (v2sf);
	s19 =	sadd.f32 s19, s26  }
0x375: {  	(xrf0) =	vmin.scan.msk.f32 $0xffff, v19;
	s26 =	spop (v2sf)  }
0x376: {  	s25 =	spop (v2sf);
	s19 =	sadd.f32 s19, s22  }
0x377: {  	v22, _, _ =	vpop (xrf0);
	s22 =	spop (v2sf)  }
0x378: {  	v19 =	vld [tilespmem:$0x1FD50];
	(v2sf) =	vpush v22, $0xF;
	s23 =	spop (v2sf);
	s19 =	sadd.f32 s19, s31  }
0x379: {  	(xrf0) =	vmin.scan.msk.f32 $0xffff, v25;
	s24 =	spop (v2sf)  }
0x37a: {  	s30 =	sadd.f32 s19, s30;
	s19 =	spop (v2sf)  }
0x37b: {  	v4, _, _ =	vpop (xrf0);
	s31 =	spop (v2sf)  }
0x37c: {  	v25 =	vld [tilespmem:$0x1FE00];
	(v2sf) =	vpush v4, $0xF;
	s30 =	sadd.f32 s31, s30  }
0x37d: {  	(xrf0) =	vmin.scan.msk.f32 $0xffff, v19  }
0x37e: {  	s30 =	sadd.f32 s30, s29  }
0x37f: {  	v22, _, _ =	vpop (xrf0);
	s31 =	spop (v2sf)  }
0x380: {  	v19 =	vld [tilespmem:$0x1FDD0];
	(v2sf) =	vpush v22, $0xF;
	s30 =	sadd.f32 s30, s31  }
0x381: {  	(xrf0) =	vmin.scan.msk.f32 $0xffff, v25  }
0x382: {  	s30 =	sadd.f32 s30, s28  }
0x383: {  	v4, _, _ =	vpop (xrf0);
	s31 =	spop (v2sf)  }
0x384: {  	v25 =	vld [tilespmem:$0x1FDC0];
	(v2sf) =	vpush v4, $0xF;
	s30 =	sadd.f32 s30, s31  }
0x385: {  	(xrf0) =	vmin.scan.msk.f32 $0xffff, v19  }
0x386: {  	s30 =	sadd.f32 s30, s26  }
0x387: {  	v22, _, _ =	vpop (xrf0);
	s31 =	spop (v2sf)  }
0x388: {  	(v2sf) =	vpush v22, $0xF;
	s30 =	sadd.f32 s30, s31  }
0x389: {  	(xrf0) =	vmin.scan.msk.f32 $0xffff, v25  }
0x38a: {  	s30 =	sadd.f32 s30, s25  }
0x38b: {  	v4, _, _ =	vpop (xrf0);
	s31 =	spop (v2sf)  }
0x38c: {  	(v2sf) =	vpush v4, $0xF;
	s30 =	sadd.f32 s30, s31  }
0x38d: {  	(xrf0) =	vmin.scan.msk.f32 $0xffff, v10  }
0x38e: {  	s30 =	sadd.f32 s30, s22  }
0x38f: {  	v19, _, _ =	vpop (xrf0);
	s31 =	spop (v2sf)  }
0x390: {  	(v2sf) =	vpush v19, $0xF;
	s30 =	sadd.f32 s30, s31  }
0x391: {  	(xrf0) =	vmin.scan.msk.f32 $0xffff, v9  }
0x392: {  	s30 =	sadd.f32 s30, s23  }
0x393: {  	v22, _, _ =	vpop (xrf0);
	s31 =	spop (v2sf)  }
0x394: {  	(v2sf) =	vpush v22, $0xF;
	s30 =	sadd.f32 s30, s31  }
0x395: {  	(xrf0) =	vmin.scan.msk.f32 $0xffff, v8  }
0x396: {  	s30 =	sadd.f32 s30, s24  }
0x397: {  	v25, _, _ =	vpop (xrf0);
	s31 =	spop (v2sf)  }
0x398: {  	(v2sf) =	vpush v25, $0xF;
	s30 =	sadd.f32 s30, s31  }
0x399: {  	(xrf0) =	vmin.scan.msk.f32 $0xffff, v7  }
0x39a: {  	s30 =	sadd.f32 s30, s19  }
0x39b: {  	v4, _, _ =	vpop (xrf0);
	s31 =	spop (v2sf)  }
0x39c: {  	(v2sf) =	vpush v4, $0xF;
	s30 =	sadd.f32 s31, s30  }
0x39d: {  	(xrf0) =	vmin.scan.msk.f32 $0xffff, v6  }
0x39e: {  	s30 =	sadd.f32 s30, s29  }
0x39f: {  	v6, _, _ =	vpop (xrf0);
	s31 =	spop (v2sf)  }
0x3a0: {  	(v2sf) =	vpush v6, $0xF;
	s30 =	sadd.f32 s30, s31  }
0x3a1: {  	(xrf0) =	vmin.scan.msk.f32 $0xffff, v5  }
0x3a2: {  	s30 =	sadd.f32 s30, s28  }
0x3a3: {  	v7, _, _ =	vpop (xrf0);
	s31 =	spop (v2sf)  }
0x3a4: {  	(v2sf) =	vpush v7, $0xF;
	s30 =	sadd.f32 s30, s31  }
0x3a5: {  	(xrf0) =	vmin.scan.msk.f32 $0xffff, v26  }
0x3a6: {  	s30 =	sadd.f32 s30, s26  }
0x3a7: {  	v8, _, _ =	vpop (xrf0);
	s31 =	spop (v2sf)  }
0x3a8: {  	(v2sf) =	vpush v8, $0xF;
	s30 =	sadd.f32 s30, s31  }
0x3a9: {  	(xrf0) =	vmin.scan.msk.f32 $0xffff, v20  }
0x3aa: {  	s30 =	sadd.f32 s30, s25  }
0x3ab: {  	v9, _, _ =	vpop (xrf0);
	s31 =	spop (v2sf)  }
0x3ac: {  	(v2sf) =	vpush v9, $0xF;
	s30 =	sadd.f32 s30, s31  }
0x3ad: {  	(xrf0) =	vmin.scan.msk.f32 $0xffff, v14  }
0x3ae: {  	s30 =	sadd.f32 s30, s22  }
0x3af: {  	v10, _, _ =	vpop (xrf0);
	s31 =	spop (v2sf)  }
0x3b0: {  	(v2sf) =	vpush v10, $0xF;
	s30 =	sadd.f32 s30, s31  }
0x3b1: {  	(xrf0) =	vmin.scan.msk.f32 $0xffff, v11  }
0x3b2: {  	s30 =	sadd.f32 s30, s23  }
0x3b3: {  	v14, _, _ =	vpop (xrf0);
	s31 =	spop (v2sf)  }
0x3b4: {  	(v2sf) =	vpush v14, $0xF;
	s30 =	sadd.f32 s30, s31  }
0x3b5: {  	(xrf0) =	vmin.scan.msk.f32 $0xffff, v12  }
0x3b6: {  	v5 =	vld [tilespmem:s21+$0xB800];
	s30 =	sadd.f32 s30, s24  }
0x3b7: {  	v19, _, _ =	vpop (xrf0);
	s31 =	spop (v2sf)  }
0x3b8: {  	v4 =	vld [tilespmem:s21+$0xD800];
	(v2sf) =	vpush v19, $0xF;
	s30 =	sadd.f32 s30, s31  }
0x3b9: {  	v2 =	vadd.f32 @p1 v2, v15;
	(xrf0) =	vmin.scan.msk.f32 $0xffff, v18  }
0x3ba: {  	s30 =	sadd.f32 s30, s19  }
0x3bb: {  	v2 =	vmin.f32 @p1 v55, v2;
	v55 =	vld [tilespmem:$0x1FD40];
	v22 =	vmul.f32 v5, v49;
	v20 =	vmul.f32 v16, v48;
	v25, _, _ =	vpop (xrf0);
	s31 =	spop (v2sf)  }
0x3bc: {  	v1 =	vld [tilespmem:s21+$0x7800];
	(v2sf) =	vpush v25, $0xF;
	s30 =	sadd.f32 s31, s30  }
0x3bd: {  	v6 =	vadd.f32 v22, v20;
	v48 =	vmul.f32 v4, v45;
	(xrf0) =	vmin.scan.msk.f32 $0xffff, v17  }
0x3be: {  	s21 =	sadd.f32 s30, s29  }
0x3bf: {  	v26 =	vmul.f32 v16, v47;
	v47 =	vmul.f32 v5, v46;
	v6 =	vadd.f32 v48, v6;
	v49, _, _ =	vpop (xrf0);
	s31 =	spop (v2sf)  }
0x3c0: {  	(v2sf) =	vpush v49, $0xF;
	s21 =	sadd.f32 s21, s31  }
0x3c1: {  	v12 =	vmul.f32 v4, v42;
	v7 =	vadd.f32 v47, v26;
	v6 =	vadd.f32 v6, v1;
	(xrf0) =	vmin.scan.msk.f32 $0xffff, v55  }
0x3c2: {  	v3 =	vadd.f32 @p1 v3, v15;
	v37 =	vmul.f32 v16, v37;
	v2 =	vpsel p1, v2, v59;
	s21 =	sadd.f32 s21, s28  }
0x3c3: {  	v39 =	vmul.f32 v16, v39;
	v7 =	vadd.f32 v12, v7;
	v2 =	vmin.f32 v2, v6;
	v19, _, _ =	vpop (xrf0);
	s31 =	spop (v2sf)  }
0x3c4: {  	v17 =	vmul.f32 v5, v44;
	v14 =	vmul.f32 v16, v43;
	(v2sf) =	vpush v19, $0xF;
	s21 =	sadd.f32 s21, s31  }
0x3c5: {  	v3 =	vmin.f32 @p1 v51, v3;
	v38 =	vmul.f32 v5, v38;
	v7 =	vadd.f32 v7, v1;
	(xrf0) =	vmin.scan.msk.f32 $0xffff, v2  }
0x3c6: {  	v22 =	vpsel p1, v3, v59;
	v20 =	vmul.f32 v4, v41;
	v18 =	vadd.f32 v17, v14;
	s21 =	sadd.f32 s21, s26  }
0x3c7: {  	v40 =	vmul.f32 v5, v40;
	v2 =	vmin.f32 v22, v7;
	v7 =	vadd.f32 @p1 v63, v15;
	v26, _, _ =	vpop (xrf0);
	s31 =	spop (v2sf)  }
0x3c8: {  	v51 =	vmul.f32 v5, v31;
	v25 =	vadd.f32 v20, v18;
	(v2sf) =	vpush v26, $0xF;
	s21 =	sadd.f32 s21, s31  }
0x3c9: {  	v11 =	vmin.f32 @p0 v50, v21;
	v41 =	vmul.f32 v4, v35;
	(xrf0) =	vmin.scan.msk.f32 $0xffff, v2;
	v2 =	vadd.f32 v38, v37  }
0x3ca: {  	v42 =	vadd.f32 v40, v39;
	v0 =	vmin.f32 @p1 v0, v7;
	v3 =	vadd.f32 v25, v1;
	s21 =	sadd.f32 s21, s25  }
0x3cb: {  	v43 =	vmul.f32 v4, v36;
	v2 =	vadd.f32 v41, v2;
	v0 =	vpsel p1, v0, v59;
	v44, _, _ =	vpop (xrf0);
	s31 =	spop (v2sf)  }
0x3cc: {  	v0 =	vmin.f32 v0, v3;
	v3 =	vadd.f32 @p1 v62, v15;
	(v2sf) =	vpush v44, $0xF;
	s21 =	sadd.f32 s21, s31  }
0x3cd: {  	v47 =	vmul.f32 v16, v33;
	v48 =	vmul.f32 v5, v34;
	v10 =	vadd.f32 @p1 v61, v57;
	(xrf0) =	vmin.scan.msk.f32 $0xffff, v0  }
0x3ce: {  	v7 =	vadd.f32 v43, v42;
	v46 =	vadd.f32 v2, v1;
	v3 =	vmin.f32 @p1 v54, v3;
	s21 =	sadd.f32 s21, s22  }
0x3cf: {  	v2 =	vadd.f32 v48, v47;
	v45, _, _ =	vpop (xrf0);
	v49 =	vmul.f32 v4, v32;
	v3 =	vpsel p1, v3, v59;
	s31 =	spop (v2sf)  }
0x3d0: {  	v0 =	vmin.f32 v3, v46;
	v3 =	vadd.f32 @p1 v58, v15;
	(v2sf) =	vpush v45, $0xF;
	s21 =	sadd.f32 s21, s31  }
0x3d1: {  	v50 =	vmul.f32 v16, v30;
	v9 =	vmin.f32 @p0 v52, v23;
	v10 =	vadd.f32 @p1 v10, v15;
	(xrf0) =	vmin.scan.msk.f32 $0xffff, v0  }
0x3d2: {  	v7 =	vadd.f32 v7, v1;
	v0 =	vadd.f32 v49, v2;
	v3 =	vmin.f32 @p1 v53, v3;
	s21 =	sadd.f32 s21, s23  }
0x3d3: {  	v6 =	vadd.f32 @p1 v60, v56;
	v2 =	vpsel p0, v9, v59;
	v3 =	vpsel p1, v3, v59;
	v52, _, _ =	vpop (xrf0);
	s31 =	spop (v2sf)  }
0x3d4: {  	v53 =	vmin.f32 v3, v7;
	v7 =	vpsel p1, v10, v0;
	(v2sf) =	vpush v52, $0xF;
	s21 =	sadd.f32 s21, s31  }
0x3d5: {  	v56 =	vmul.f32 v16, v27;
	v0 =	vadd.f32 v0, v1;
	(xrf0) =	vmin.scan.msk.f32 $0xffff, v53;
	v2 =	vmin.f32 @p1 v2, v7  }
0x3d6: {  	v55 =	vmul.f32 v4, v28;
	v54 =	vadd.f32 v51, v50;
	v2 =	vpsel p1, v2, v59;
	s21 =	sadd.f32 s21, s24  }
0x3d7: {  	v5 =	vmul.f32 v5, v29;
	v6 =	vadd.f32 @p1 v6, v15;
	v57, _, _ =	vpop (xrf0);
	v0 =	vmin.f32 v2, v0;
	s31 =	spop (v2sf)  }
0x3d8: {  	v3 =	vadd.f32 v55, v54;
	(xrf0) =	vmin.scan.msk.f32 $0xffff, v0;
	v0 =	vpsel p0, v11, v59;
	(v2sf) =	vpush v57, $0xF;
	s21 =	sadd.f32 s21, s31  }
0x3d9: {  	v58 =	vadd.f32 v5, v56;
	v5 =	vpsel p1, v6, v0  }
0x3da: {  	v4 =	vmul.f32 v4, v24;
	v3 =	vadd.f32 v3, v1;
	v0 =	vmin.f32 @p1 v0, v5;
	s21 =	sadd.f32 s21, s19  }
0x3db: {  	v0 =	vpsel p1, v0, v59;
	v59, _, _ =	vpop (xrf0);
	s31 =	spop (v2sf)  }
0x3dc: {  	v2 =	vadd.f32 v4, v58;
	v0 =	vmin.f32 v0, v3;
	(v2sf) =	vpush v59, $0xF;
	s21 =	sadd.f32 s31, s21  }
0x3dd: {  	(xrf0) =	vmin.scan.msk.f32 $0xffff, v0  }
0x3de: {  	v60 =	vadd.f32 v2, v1;
	s21 =	sadd.f32 s21, s29  }
0x3df: {  	v61, _, _ =	vpop (xrf0);
	s31 =	spop (v2sf)  }
0x3e0: {  	v0 =	vmin.f32 v13, v60;
	(v2sf) =	vpush v61, $0xF;
	s21 =	sadd.f32 s21, s31  }
0x3e1: {  	(xrf0) =	vmin.scan.msk.f32 $0xffff, v0  }
0x3e2: {  	s21 =	sadd.f32 s21, s28  }
0x3e3: {  	v62, _, _ =	vpop (xrf0);
	s30 =	spop (v2sf)  }
0x3e4: {  	(v2sf) =	vpush v62, $0xF;
	s21 =	sadd.f32 s21, s30;
	_ =	sdelay $0x1  }
0x3e5: {  	s21 =	sadd.f32 s21, s26  }
0x3e6: {  	v63, _, _ =	vpop (xrf0);
	s31 =	spop (v2sf)  }
0x3e7: {  	(v2sf) =	vpush v63, $0xF;
	s21 =	sadd.f32 s21, s31;
	_ =	sdelay $0x1  }
0x3e8: {  	s21 =	sadd.f32 s21, s25  }
0x3e9: {  	s28 =	spop (v2sf)  }
0x3ea: {  	s21 =	sadd.f32 s21, s28;
	_ =	sdelay $0x1  }
0x3eb: {  	s21 =	sadd.f32 s21, s22  }
0x3ec: {  	s29 =	spop (v2sf)  }
0x3ed: {  	s21 =	sadd.f32 s21, s29;
	_ =	sdelay $0x1  }
0x3ee: {  	s21 =	sadd.f32 s21, s23  }
0x3ef: {  	s30 =	spop (v2sf)  }
0x3f0: {  	s20 =	sadd.s32 $0x1, s20;
	s21 =	sadd.f32 s21, s30  }
0x3f1: {  	p0 =	sne.s32 s20, $0x5  }
.Ltmp22:
0x3f2: {  	s21 =	sadd.f32 s21, s24;
	(pc) =	sbr.rel @p0 .LBB2_6-.Ltmp22, $4  }
.Ltmp23:
0x3f3: {  	s31 =	spop (v2sf);
	(pc) =	sbr.rel @!p0 .LBB2_44-.Ltmp23, $4  }
0x3f4: {  	s21 =	sadd.f32 s21, s31  }
0x3f5: {  	_ = 	snop  }
0x3f6: {  	s19 =	sadd.f32 s21, s19;
	s21 =	simm.s32 $0x0  }
0x3f7: {  	_ = 	snop  }
.LBB2_11:
.Ltmp24:
0x3f8: {  	(pc) =	sbr.rel .LBB2_17-.Ltmp24, $4  }
0x3f9: {  	_ = 	snop  }
0x3fa: {  	v12 =	vimm.f32 $+Inf;
	v13 =	vimm.f32 $+Inf  }
0x3fb: {  	v5 =	vimm.f32 $+Inf;
	v6 =	vimm.f32 $+Inf;
	v7 =	vimm.f32 $+Inf  }
0x3fc: {  	s22 =	simm.s32 $0x0;
	v0 =	vimm.f32 $+Inf;
	v8 =	vimm.f32 $+Inf;
	v9 =	vimm.f32 $+Inf;
	p3 =	por $0x0, $0x0  }
.LBB2_18:
.Ltmp25:
0x3fd: {  	(pc) =	sbr.rel .LBB2_24-.Ltmp25, $4  }
0x3fe: {  	_ = 	snop  }
0x3ff: {  	v12 =	vimm.f32 $+Inf;
	v13 =	vimm.f32 $+Inf  }
0x400: {  	v5 =	vimm.f32 $+Inf;
	v6 =	vimm.f32 $+Inf;
	v7 =	vimm.f32 $+Inf  }
0x401: {  	v0 =	vimm.f32 $+Inf;
	v8 =	vimm.f32 $+Inf;
	v9 =	vimm.f32 $+Inf;
	p1 =	por $0x0, $0x0  }
.LBB2_29:
.Ltmp26:
0x402: {  	(pc) =	sbr.rel .LBB2_35-.Ltmp26, $4  }
0x403: {  	_ = 	snop  }
0x404: {  	v20 =	vimm.f32 $+Inf;
	v21 =	vimm.f32 $+Inf  }
0x405: {  	v13 =	vimm.f32 $+Inf;
	v14 =	vimm.f32 $+Inf;
	v15 =	vimm.f32 $+Inf  }
0x406: {  	s22 =	simm.s32 $0x0;
	v0 =	vimm.f32 $+Inf;
	v16 =	vimm.f32 $+Inf;
	v17 =	vimm.f32 $+Inf;
	p3 =	por $0x0, $0x0  }
.LBB2_36:
.Ltmp27:
0x407: {  	(pc) =	sbr.rel .LBB2_43-.Ltmp27, $4  }
0x408: {  	_ = 	snop  }
0x409: {  	v52 =	vimm.f32 $+Inf;
	v50 =	vimm.f32 $+Inf  }
0x40a: {  	v55 =	vimm.f32 $+Inf;
	v51 =	vimm.f32 $+Inf;
	v0 =	vimm.f32 $+Inf  }
0x40b: {  	v13 =	vimm.f32 $+Inf;
	v54 =	vimm.f32 $+Inf;
	v53 =	vimm.f32 $+Inf;
	p1 =	por $0x0, $0x0  }
.LBB2_13:
.Ltmp28:
0x40c: {  	(pc) =	sbr.rel .LBB2_17-.Ltmp28, $4  }
0x40d: {  	_ = 	snop  }
0x40e: {  	v12 =	vimm.f32 $+Inf  }
0x40f: {  	v13 =	vimm.f32 $+Inf;
	v5 =	vimm.f32 $+Inf;
	v6 =	vimm.f32 $+Inf  }
0x410: {  	v7 =	vimm.f32 $+Inf;
	v8 =	vimm.f32 $+Inf;
	v9 =	vimm.f32 $+Inf;
	p3 =	por $0x0, $0x0  }
.LBB2_20:
.Ltmp29:
0x411: {  	(pc) =	sbr.rel .LBB2_24-.Ltmp29, $4  }
0x412: {  	_ = 	snop  }
0x413: {  	v12 =	vimm.f32 $+Inf  }
0x414: {  	v13 =	vimm.f32 $+Inf;
	v5 =	vimm.f32 $+Inf;
	v6 =	vimm.f32 $+Inf  }
0x415: {  	v7 =	vimm.f32 $+Inf;
	v8 =	vimm.f32 $+Inf;
	v9 =	vimm.f32 $+Inf  }
.LBB2_31:
.Ltmp30:
0x416: {  	(pc) =	sbr.rel .LBB2_35-.Ltmp30, $4  }
0x417: {  	_ = 	snop  }
0x418: {  	v20 =	vimm.f32 $+Inf  }
0x419: {  	v21 =	vimm.f32 $+Inf;
	v13 =	vimm.f32 $+Inf;
	v14 =	vimm.f32 $+Inf  }
0x41a: {  	v15 =	vimm.f32 $+Inf;
	v16 =	vimm.f32 $+Inf;
	v17 =	vimm.f32 $+Inf;
	p3 =	por $0x0, $0x0  }
.LBB2_38:
.Ltmp31:
0x41b: {  	(pc) =	sbr.rel .LBB2_43-.Ltmp31, $4  }
0x41c: {  	_ = 	snop  }
0x41d: {  	v52 =	vimm.f32 $+Inf  }
0x41e: {  	v50 =	vimm.f32 $+Inf;
	v55 =	vimm.f32 $+Inf;
	v51 =	vimm.f32 $+Inf  }
0x41f: {  	v0 =	vimm.f32 $+Inf;
	v54 =	vimm.f32 $+Inf;
	v53 =	vimm.f32 $+Inf  }
.LBB2_15:
.Ltmp32:
0x420: {  	(pc) =	sbr.rel .LBB2_17-.Ltmp32, $2  }
0x421: {  	_ =	sdelay $0x2  }
0x422: {  	v12 =	vimm.f32 $+Inf;
	v13 =	vimm.f32 $+Inf  }
.LBB2_22:
.Ltmp33:
0x423: {  	(pc) =	sbr.rel .LBB2_24-.Ltmp33, $2  }
0x424: {  	_ =	sdelay $0x2  }
0x425: {  	v12 =	vimm.f32 $+Inf;
	v13 =	vimm.f32 $+Inf  }
.LBB2_33:
.Ltmp34:
0x426: {  	(pc) =	sbr.rel .LBB2_35-.Ltmp34, $2  }
0x427: {  	_ =	sdelay $0x2  }
0x428: {  	v20 =	vimm.f32 $+Inf;
	v21 =	vimm.f32 $+Inf  }
.LBB2_40:
.Ltmp35:
0x429: {  	(pc) =	sbr.rel .LBB2_43-.Ltmp35, $4  }
0x42a: {  	_ = 	snop  }
0x42b: {  	v6 =	vmovc v18;
	v18 =	vmovc v12;
	v12 =	vmov v11;
	v11 =	vmov v14;
	v14 =	vmov v1;
	v1 =	vld [tilespmem:$0x1FD30]  }
0x42c: {  	v52 =	vimm.f32 $+Inf;
	v50 =	vimm.f32 $+Inf;
	v8 =	vmov v20;
	v20 =	vld [tilespmem:$0x1FD20]  }
0x42d: {  	v5 =	vmovc v17;
	v7 =	vmovc v19;
	v9 =	vmov v22;
	v10 =	vmov v25;
	v17 =	vmov v26;
	v26 =	vld [tilespmem:$0x1FD10]  }
.LBB2_47:
.Ltmp36:
0x42e: {  	(pc) =	sbr.rel .LBB2_53-.Ltmp36, $4  }
0x42f: {  	_ = 	snop  }
0x430: {  	v12 =	vimm.f32 $+Inf;
	v13 =	vimm.f32 $+Inf  }
0x431: {  	v6 =	vimm.f32 $+Inf;
	v7 =	vimm.f32 $+Inf;
	v8 =	vimm.f32 $+Inf  }
0x432: {  	s22 =	simm.s32 $0x0;
	v0 =	vimm.f32 $+Inf;
	v9 =	vimm.f32 $+Inf;
	v10 =	vimm.f32 $+Inf;
	p3 =	por $0x0, $0x0  }
.LBB2_54:
.Ltmp37:
0x433: {  	(pc) =	sbr.rel .LBB2_60-.Ltmp37, $4  }
0x434: {  	_ = 	snop  }
0x435: {  	v12 =	vimm.f32 $+Inf;
	v13 =	vimm.f32 $+Inf  }
0x436: {  	v5 =	vimm.f32 $+Inf;
	v6 =	vimm.f32 $+Inf;
	v7 =	vimm.f32 $+Inf  }
0x437: {  	v0 =	vimm.f32 $+Inf;
	v8 =	vimm.f32 $+Inf;
	v9 =	vimm.f32 $+Inf;
	p1 =	por $0x0, $0x0  }
.LBB2_67:
.Ltmp38:
0x438: {  	(pc) =	sbr.rel .LBB2_73-.Ltmp38, $4  }
0x439: {  	_ = 	snop  }
0x43a: {  	v31 =	vimm.f32 $+Inf;
	v36 =	vimm.f32 $+Inf  }
0x43b: {  	v13 =	vimm.f32 $+Inf;
	v14 =	vimm.f32 $+Inf;
	v15 =	vimm.f32 $+Inf  }
0x43c: {  	s22 =	simm.s32 $0x0;
	v0 =	vimm.f32 $+Inf;
	v16 =	vimm.f32 $+Inf;
	v17 =	vimm.f32 $+Inf;
	p3 =	por $0x0, $0x0  }
.LBB2_74:
.Ltmp39:
0x43d: {  	(pc) =	sbr.rel .LBB2_81-.Ltmp39, $4  }
0x43e: {  	_ = 	snop  }
0x43f: {  	v52 =	vimm.f32 $+Inf;
	v50 =	vimm.f32 $+Inf  }
0x440: {  	v55 =	vimm.f32 $+Inf;
	v51 =	vimm.f32 $+Inf;
	v0 =	vimm.f32 $+Inf  }
0x441: {  	v13 =	vimm.f32 $+Inf;
	v54 =	vimm.f32 $+Inf;
	v53 =	vimm.f32 $+Inf;
	p1 =	por $0x0, $0x0  }
.LBB2_49:
.Ltmp40:
0x442: {  	(pc) =	sbr.rel .LBB2_53-.Ltmp40, $4  }
0x443: {  	_ = 	snop  }
0x444: {  	v12 =	vimm.f32 $+Inf  }
0x445: {  	v13 =	vimm.f32 $+Inf;
	v6 =	vimm.f32 $+Inf;
	v7 =	vimm.f32 $+Inf  }
0x446: {  	v8 =	vimm.f32 $+Inf;
	v9 =	vimm.f32 $+Inf;
	v10 =	vimm.f32 $+Inf;
	p3 =	por $0x0, $0x0  }
.LBB2_56:
.Ltmp41:
0x447: {  	(pc) =	sbr.rel .LBB2_60-.Ltmp41, $4  }
0x448: {  	_ = 	snop  }
0x449: {  	v12 =	vimm.f32 $+Inf  }
0x44a: {  	v13 =	vimm.f32 $+Inf;
	v5 =	vimm.f32 $+Inf;
	v6 =	vimm.f32 $+Inf  }
0x44b: {  	v7 =	vimm.f32 $+Inf;
	v8 =	vimm.f32 $+Inf;
	v9 =	vimm.f32 $+Inf  }
.LBB2_69:
.Ltmp42:
0x44c: {  	(pc) =	sbr.rel .LBB2_73-.Ltmp42, $4  }
0x44d: {  	_ = 	snop  }
0x44e: {  	v31 =	vimm.f32 $+Inf  }
0x44f: {  	v36 =	vimm.f32 $+Inf;
	v13 =	vimm.f32 $+Inf;
	v14 =	vimm.f32 $+Inf  }
0x450: {  	v15 =	vimm.f32 $+Inf;
	v16 =	vimm.f32 $+Inf;
	v17 =	vimm.f32 $+Inf;
	p3 =	por $0x0, $0x0  }
.LBB2_76:
.Ltmp43:
0x451: {  	(pc) =	sbr.rel .LBB2_81-.Ltmp43, $4  }
0x452: {  	_ = 	snop  }
0x453: {  	v52 =	vimm.f32 $+Inf  }
0x454: {  	v50 =	vimm.f32 $+Inf;
	v55 =	vimm.f32 $+Inf;
	v51 =	vimm.f32 $+Inf  }
0x455: {  	v0 =	vimm.f32 $+Inf;
	v54 =	vimm.f32 $+Inf;
	v53 =	vimm.f32 $+Inf  }
.LBB2_51:
.Ltmp44:
0x456: {  	(pc) =	sbr.rel .LBB2_53-.Ltmp44, $2  }
0x457: {  	_ =	sdelay $0x2  }
0x458: {  	v12 =	vimm.f32 $+Inf;
	v13 =	vimm.f32 $+Inf  }
.LBB2_58:
.Ltmp45:
0x459: {  	(pc) =	sbr.rel .LBB2_60-.Ltmp45, $2  }
0x45a: {  	_ =	sdelay $0x2  }
0x45b: {  	v12 =	vimm.f32 $+Inf;
	v13 =	vimm.f32 $+Inf  }
.LBB2_71:
.Ltmp46:
0x45c: {  	(pc) =	sbr.rel .LBB2_73-.Ltmp46, $2  }
0x45d: {  	_ =	sdelay $0x2  }
0x45e: {  	v31 =	vimm.f32 $+Inf;
	v36 =	vimm.f32 $+Inf  }
.LBB2_78:
.Ltmp47:
0x45f: {  	v8 =	vmov v18;
	v18 =	vmov v14;
	v14 =	vmov v1;
	v1 =	vld [tilespmem:$0x1FA70];
	(pc) =	sbr.rel .LBB2_81-.Ltmp47, $4  }
0x460: {  	v9 =	vmov v30;
	v30 =	vld [tilespmem:$0x1FA60]  }
0x461: {  	v10 =	vmov v31;
	v31 =	vld [tilespmem:$0x1FA50]  }
0x462: {  	v52 =	vimm.f32 $+Inf;
	v6 =	vmov v11;
	v11 =	vmov v37;
	v37 =	vld [tilespmem:$0x1FA40]  }
0x463: {  	v50 =	vimm.f32 $+Inf;
	v5 =	vmovc v12;
	v7 =	vmovc v17;
	v12 =	vmov v40;
	v17 =	vmov v46;
	v46 =	vld [tilespmem:$0x1FA30]  }
.LBB2_44:
0x464: {  	v53 =	vld [tilespmem:$0x1FFF0];
	_ =	sdelay $0x6  }
0x465: {  	s20 =	sshll.u32 s21, $0x4  }
0x466: {  	v20 =	vld.idx.msk [tilespmem:v53+s20+$0x0 ss:$0x1], $0xffff  }
0x467: {  	v19 =	vld.idx.msk [tilespmem:v53+s20+$0x2000 ss:$0x1], $0xffff  }
0x468: {  	v51 =	vld.idx.msk [tilespmem:v53+s20+$0x4000 ss:$0x1], $0xffff;
	_ =	sdelay $0x3  }
0x469: {  	v47 =	vbroadcast v20, $0x0;
	v34 =	vbroadcast v19, $0x0  }
0x46a: {  	v21 =	vbroadcast v51, $0x0;
	v48 =	vbroadcast v20, $0x1  }
0x46b: {  	v42 =	vbroadcast v19, $0x1;
	v22 =	vbroadcast v51, $0x1  }
0x46c: {  	v43 =	vbroadcast v20, $0x2;
	v28 =	vbroadcast v19, $0x2  }
0x46d: {  	v23 =	vbroadcast v51, $0x2;
	v29 =	vbroadcast v20, $0x3  }
0x46e: {  	v32 =	vbroadcast v19, $0x3;
	v24 =	vbroadcast v51, $0x3  }
0x46f: {  	s22 =	simm.s32 $0x0;
	v35 =	vbroadcast v20, $0x4;
	v33 =	vbroadcast v19, $0x4  }
0x470: {  	v0 =	vld [tilespmem:s22+$0x16000];
	v25 =	vbroadcast v51, $0x4;
	v38 =	vbroadcast v20, $0x5  }
0x471: {  	v1 =	vld [tilespmem:s22+$0x18000];
	v44 =	vbroadcast v19, $0x5;
	v26 =	vbroadcast v51, $0x5  }
0x472: {  	v45 =	vbroadcast v20, $0x6;
	v41 =	vbroadcast v19, $0x6  }
0x473: {  	v2 =	vld [tilespmem:s22+$0x1A000];
	v27 =	vbroadcast v51, $0x6;
	v50 =	vbroadcast v20, $0x7  }
0x474: {  	v52 =	vbroadcast v19, $0x7;
	v49 =	vbroadcast v51, $0x7  }
0x475: {  	v3 =	vmul.f32 v0, v47;
	v4 =	vmul.f32 v0, v48  }
0x476: {  	v5 =	vmul.f32 v0, v50;
	v6 =	vmul.f32 v1, v52  }
0x477: {  	v7 =	vmul.f32 v1, v34;
	v8 =	vmul.f32 v1, v42  }
0x478: {  	v9 =	vmul.f32 v0, v43;
	v11 =	vmul.f32 v2, v49  }
0x479: {  	v12 =	vmul.f32 v0, v29;
	v13 =	vmul.f32 v0, v35  }
0x47a: {  	v10 =	vld [tilespmem:s22+$0x14000];
	v14 =	vmul.f32 v0, v38;
	v0 =	vmul.f32 v0, v45;
	v5 =	vadd.f32 v6, v5  }
0x47b: {  	v6 =	vmul.f32 v1, v28;
	v3 =	vadd.f32 v7, v3;
	v7 =	vmul.f32 v1, v32  }
0x47c: {  	v4 =	vadd.f32 v8, v4;
	v8 =	vmul.f32 v1, v44;
	v5 =	vadd.f32 v11, v5  }
0x47d: {  	v11 =	vmul.f32 v1, v33;
	v6 =	vadd.f32 v6, v9;
	v1 =	vmul.f32 v1, v41  }
0x47e: {  	v7 =	vadd.f32 v7, v12;
	v8 =	vadd.f32 v8, v14;
	v12 =	vmul.f32 v2, v22  }
0x47f: {  	s31 =	simm.s32 $0x10;
	v14 =	vmul.f32 v2, v26;
	v5 =	vadd.f32 v5, v10;
	v9 =	vadd.f32 v11, v13  }
0x480: {  	v18 =	vld [tilespmem:s31+$0x1A000];
	v11 =	vmul.f32 v2, v21;
	v0 =	vadd.f32 v1, v0;
	v1 =	vmul.f32 v2, v23  }
0x481: {  	v13 =	vmul.f32 v2, v24;
	v4 =	vadd.f32 v12, v4;
	v8 =	vadd.f32 v14, v8  }
0x482: {  	v12 =	vld [tilespmem:s31+$0x16000];
	v11 =	vadd.f32 v11, v3;
	v3 =	vmul.f32 v2, v25;
	v2 =	vmul.f32 v2, v27  }
0x483: {  	v1 =	vadd.f32 v1, v6;
	v6 =	vadd.f32 v13, v7  }
0x484: {  	v7 =	vadd.f32 v3, v9;
	v0 =	vadd.f32 v2, v0  }
0x485: {  	v63 =	vmul.f32 v18, v25;
	v2 =	vadd.f32 v11, v10;
	v1 =	vadd.f32 v1, v10  }
0x486: {  	v13 =	vld [tilespmem:s31+$0x18000];
	v3 =	vimm.f32 $+Inf;
	v16 =	vadd.f32 v6, v10;
	v9 =	vadd.f32 v8, v10  }
0x487: {  	v11 =	vmin.f32 v3, v5;
	v5 =	vadd.f32 v4, v10;
	v14 =	vmul.f32 v12, v48  }
0x488: {  	v31 =	vmul.f32 v12, v29;
	v37 =	vmul.f32 v12, v38;
	v4 =	vmin.f32 v3, v2  }
0x489: {  	v7 =	vadd.f32 v7, v10;
	v2 =	vmul.f32 v12, v47;
	v10 =	vadd.f32 v0, v10  }
0x48a: {  	v0 =	vmul.f32 v12, v50;
	v6 =	vmin.f32 v3, v1;
	v1 =	vmul.f32 v18, v49  }
0x48b: {  	v15 =	vmul.f32 v13, v52;
	v17 =	vmul.f32 v13, v34  }
0x48c: {  	v8 =	vld [tilespmem:s31+$0x14000];
	v5 =	vmin.f32 v3, v5;
	v30 =	vmul.f32 v13, v42;
	v36 =	vmul.f32 v13, v32  }
0x48d: {  	v39 =	vmul.f32 v13, v44;
	v7 =	vmin.f32 v3, v7;
	v0 =	vadd.f32 v15, v0  }
0x48e: {  	v15 =	vmul.f32 v12, v43;
	v17 =	vadd.f32 v17, v2;
	v2 =	vmul.f32 v13, v28  }
0x48f: {  	v30 =	vadd.f32 v30, v14;
	v14 =	vmul.f32 v13, v33;
	v0 =	vadd.f32 v1, v0  }
0x490: {  	v31 =	vadd.f32 v36, v31;
	v13 =	vmul.f32 v13, v41;
	v1 =	vmul.f32 v12, v35  }
0x491: {  	v12 =	vmul.f32 v12, v45;
	v40 =	vadd.f32 v2, v15;
	v0 =	vadd.f32 v0, v8  }
0x492: {  	v36 =	vmul.f32 v18, v26;
	v46 =	vadd.f32 v14, v1;
	v14 =	vadd.f32 v39, v37  }
0x493: {  	v1 =	vmul.f32 v18, v21;
	v15 =	vadd.f32 v13, v12;
	v12 =	vmul.f32 v18, v23  }
0x494: {  	v13 =	vmul.f32 v18, v24;
	v2 =	vmin.f32 v11, v0;
	v11 =	vmul.f32 v18, v22  }
0x495: {  	v0 =	vmin.f32 v3, v16;
	v16 =	vadd.f32 v1, v17;
	v17 =	vadd.f32 v12, v40  }
0x496: {  	s22 =	simm.s32 $0x20;
	v37 =	vmul.f32 v18, v27;
	v1 =	vld.idx.msk [tilespmem:v53+s20+$0x6000 ss:$0x1], $0xffff;
	v31 =	vadd.f32 v13, v31;
	v18 =	vadd.f32 v63, v46  }
0x497: {  	s20 =	simm.s32 $0xC0;
	v13 =	vimm.f32 $+Inf;
	v12 =	vimm.f32 $+Inf;
	v30 =	vadd.f32 v11, v30;
	v11 =	vld [tilespmem:s22+$0x16000]  }
.LBB2_45:
0x498: {  	p0 =	sne.s32 s20, $0x1FC0;
	v39 =	vld [tilespmem:s22+$0x18000];
	v14 =	vadd.f32 v36, v14;
	v15 =	vadd.f32 v37, v15;
	v13 =	vmin.f32 v13, v9  }
0x499: {  	v9 =	vadd.f32 v16, v8;
	v16 =	vadd.f32 v30, v8;
	v12 =	vmin.f32 v12, v10  }
0x49a: {  	v17 =	vadd.f32 v17, v8;
	v30 =	vadd.f32 v31, v8;
	v37 =	vld [tilespmem:s22+$0x1A000]  }
0x49b: {  	v40 =	vadd.f32 v18, v8;
	v4 =	vmin.f32 v4, v9;
	v9 =	vadd.f32 v14, v8  }
0x49c: {  	v10 =	vadd.f32 v15, v8;
	v14 =	vmul.f32 v11, v47;
	v18 =	vmul.f32 v11, v48  }
0x49d: {  	v5 =	vmin.f32 v5, v16;
	v15 =	vmul.f32 v11, v50;
	v31 =	vmul.f32 v39, v52  }
0x49e: {  	v6 =	vmin.f32 v6, v17;
	v16 =	vmul.f32 v39, v34;
	v36 =	vmul.f32 v39, v42;
	v8 =	vld [tilespmem:s22+$0x14000]  }
0x49f: {  	v17 =	vmul.f32 v11, v43;
	v15 =	vadd.f32 v31, v15;
	v31 =	vmul.f32 v37, v49  }
0x4a0: {  	v46 =	vmul.f32 v11, v29;
	v16 =	vadd.f32 v16, v14;
	v14 =	vmul.f32 v39, v28  }
0x4a1: {  	v54 =	vmul.f32 v11, v35;
	v53 =	vmul.f32 v39, v32;
	v15 =	vadd.f32 v31, v15  }
0x4a2: {  	v18 =	vadd.f32 v36, v18;
	v36 =	vmul.f32 v11, v38;
	v31 =	vmul.f32 v39, v33  }
0x4a3: {  	v55 =	vmul.f32 v39, v44;
	v11 =	vmul.f32 v11, v45;
	v15 =	vadd.f32 v15, v8  }
0x4a4: {  	v46 =	vadd.f32 v53, v46;
	v17 =	vadd.f32 v14, v17;
	v39 =	vmul.f32 v39, v41  }
0x4a5: {  	v14 =	vadd.f32 v55, v36;
	v53 =	vadd.f32 v31, v54;
	v2 =	vmin.f32 v2, v15  }
.Ltmp48:
0x4a6: {  	v31 =	vmul.f32 v37, v21;
	v54 =	vmul.f32 v37, v22;
	v15 =	vadd.f32 v39, v11;
	(pc) =	sbr.rel @p0 .LBB2_45-.Ltmp48, $4  }
0x4a7: {  	v0 =	vmin.f32 v0, v30;
	v11 =	vmul.f32 v37, v23;
	v39 =	vmul.f32 v37, v24  }
0x4a8: {  	v55 =	vmul.f32 v37, v25;
	v36 =	vmul.f32 v37, v26;
	v16 =	vadd.f32 v31, v16  }
0x4a9: {  	s22 =	sshra.s32 s20, $0x2;
	v30 =	vadd.f32 v54, v18;
	v37 =	vmul.f32 v37, v27;
	v17 =	vadd.f32 v11, v17  }
0x4aa: {  	v7 =	vmin.f32 v7, v40;
	s20 =	sadd.s32 $0x40, s20;
	v18 =	vadd.f32 v55, v53;
	v31 =	vadd.f32 v39, v46;
	v11 =	vld [tilespmem:s22+$0x16000]  }
0x4ab: {  	_ =	sdelay $0x1  }
0x4ac: {  	v14 =	vadd.f32 v36, v14;
	v9 =	vmin.f32 v13, v9  }
0x4ad: {  	v39 =	vld [tilespmem:s22+$0x18000];
	v55 =	vadd.f32 v16, v8;
	v16 =	vadd.f32 v30, v8;
	v10 =	vmin.f32 v12, v10  }
0x4ae: {  	v17 =	vadd.f32 v17, v8;
	v13 =	vadd.f32 v18, v8;
	v18 =	vmul.f32 v11, v47  }
0x4af: {  	v12 =	vld [tilespmem:s22+$0x1A000];
	v30 =	vadd.f32 v31, v8;
	v31 =	vmul.f32 v11, v48;
	v56 =	vmul.f32 v11, v50  }
0x4b0: {  	v6 =	vmin.f32 v6, v17;
	v17 =	vmul.f32 v11, v43;
	v46 =	vmul.f32 v11, v29  }
0x4b1: {  	v15 =	vadd.f32 v37, v15;
	v54 =	vmul.f32 v11, v35;
	v62 =	vmul.f32 v11, v38  }
0x4b2: {  	v4 =	vmin.f32 v4, v55;
	v63 =	vmul.f32 v11, v45;
	v57 =	vmul.f32 v39, v52  }
0x4b3: {  	v14 =	vadd.f32 v14, v8;
	v58 =	vmul.f32 v39, v34;
	v40 =	vmul.f32 v39, v42  }
0x4b4: {  	v8 =	vadd.f32 v15, v8;
	v59 =	vmul.f32 v12, v49;
	v60 =	vmul.f32 v39, v28  }
0x4b5: {  	v5 =	vmin.f32 v5, v16;
	v53 =	vmul.f32 v39, v32;
	v61 =	vmul.f32 v39, v33  }
0x4b6: {  	v16 =	vld [tilespmem:s22+$0x14000];
	v55 =	vmul.f32 v39, v44;
	v15 =	vadd.f32 v57, v56;
	v18 =	vadd.f32 v58, v18  }
0x4b7: {  	v39 =	vmul.f32 v39, v41;
	v31 =	vadd.f32 v40, v31;
	v17 =	vadd.f32 v60, v17  }
0x4b8: {  	v37 =	vadd.f32 v53, v46;
	v36 =	vadd.f32 v61, v54;
	v60 =	vmul.f32 v12, v21  }
0x4b9: {  	v0 =	vmin.f32 v0, v30;
	v40 =	vadd.f32 v55, v62;
	v15 =	vadd.f32 v59, v15  }
0x4ba: {  	v11 =	vadd.f32 v39, v63;
	v63 =	vmul.f32 v12, v25;
	v18 =	vadd.f32 v60, v18  }
0x4bb: {  	v61 =	vmul.f32 v12, v23;
	v62 =	vmul.f32 v12, v24;
	v15 =	vadd.f32 v15, v16  }
0x4bc: {  	v57 =	vmul.f32 v12, v26;
	v30 =	vadd.f32 v63, v36;
	v58 =	vadd.f32 v18, v16  }
0x4bd: {  	v56 =	vmin.f32 v2, v15;
	v2 =	vmul.f32 v12, v22;
	v15 =	vadd.f32 v61, v17  }
0x4be: {  	v12 =	vmul.f32 v12, v27;
	v17 =	vadd.f32 v62, v37;
	v61 =	vadd.f32 v30, v16  }
0x4bf: {  	v7 =	vmin.f32 v7, v13;
	v2 =	vadd.f32 v2, v31;
	v59 =	vadd.f32 v15, v16  }
0x4c0: {  	[tilespmem:$0x1FC90] =	vst v56;
	v11 =	vadd.f32 v12, v11;
	v60 =	vadd.f32 v17, v16;
	v17 =	vmin.f32 v4, v58  }
0x4c1: {  	v31 =	vadd.f32 v57, v40;
	[tilespmem:$0x1FD00] =	vst v17;
	v63 =	vmin.f32 v6, v59;
	v6 =	vmin.f32 v7, v61  }
0x4c2: {  	p1 =	por $0x1, $0x1;
	v8 =	vmin.f32 v10, v8;
	v11 =	vadd.f32 v11, v16;
	v10 =	vmin.f32 v0, v60;
	[tilespmem:$0x1FCC0] =	vst v6  }
.Ltmp49:
0x4c3: {  	v2 =	vadd.f32 v2, v16;
	v4 =	vadd.f32 v31, v16;
	[tilespmem:$0x1FCD0] =	vst v10;
	(pc) =	sbr.rel @!p1 .LBB2_47-.Ltmp49, $4  }
0x4c4: {  	v9 =	vmin.f32 v9, v14;
	[tilespmem:$0x1FCE0] =	vst v63;
	v0 =	vmin.f32 v8, v11  }
0x4c5: {  	v62 =	vmin.f32 v5, v2;
	v2 =	vmin.f32 v9, v4;
	[tilespmem:$0x1FCA0] =	vst v0  }
0x4c6: {  	s20 =	simm.s32 $0x0;
	[tilespmem:$0x1FCB0] =	vst v2  }
0x4c7: {  	p2 =	por $0x0, $0x0;
	p0 =	por $0x0, $0x0;
	v5 =	vld [tilespmem:s20+$0x16800];
	[tilespmem:$0x1FCF0] =	vst v62  }
0x4c8: {  	_ =	sdelay $0x2  }
0x4c9: {  	v0 =	vld [tilespmem:s20+$0x18800]  }
0x4ca: {  	v2 =	vld [tilespmem:s20+$0x1A800];
	v6 =	vmul.f32 v5, v47;
	v7 =	vmul.f32 v5, v48  }
0x4cb: {  	v8 =	vmul.f32 v5, v50;
	v12 =	vmul.f32 v5, v43  }
0x4cc: {  	v59 =	vmul.f32 v5, v29;
	v15 =	vmul.f32 v5, v35  }
0x4cd: {  	v61 =	vmul.f32 v5, v38;
	v5 =	vmul.f32 v5, v45  }
0x4ce: {  	v9 =	vmul.f32 v0, v52;
	v10 =	vmul.f32 v0, v34  }
0x4cf: {  	v11 =	vmul.f32 v0, v42;
	v58 =	vmul.f32 v2, v49  }
0x4d0: {  	v13 =	vmul.f32 v0, v28;
	v14 =	vmul.f32 v0, v32  }
0x4d1: {  	v60 =	vmul.f32 v0, v33;
	v16 =	vmul.f32 v0, v44  }
0x4d2: {  	v4 =	vld [tilespmem:s20+$0x14800];
	v62 =	vmul.f32 v2, v21;
	v8 =	vadd.f32 v9, v8;
	v6 =	vadd.f32 v10, v6  }
0x4d3: {  	v63 =	vmul.f32 v2, v22;
	v7 =	vadd.f32 v11, v7;
	v12 =	vadd.f32 v13, v12  }
0x4d4: {  	p3 =	por $0x1, $0x1;
	v10 =	vadd.f32 v14, v59;
	v13 =	vmul.f32 v0, v41;
	v9 =	vadd.f32 v60, v15  }
.Ltmp50:
0x4d5: {  	v18 =	vmul.f32 v2, v26;
	v14 =	vadd.f32 v16, v61;
	v8 =	vadd.f32 v58, v8;
	(pc) =	sbr.rel @!p3 .LBB2_49-.Ltmp50, $4  }
0x4d6: {  	v15 =	vadd.f32 v13, v5;
	v5 =	vmul.f32 v2, v23;
	v13 =	vmul.f32 v2, v24  }
0x4d7: {  	v16 =	vadd.f32 v62, v6;
	v6 =	vmul.f32 v2, v25;
	v8 =	vadd.f32 v8, v4  }
0x4d8: {  	s22 =	simm.s32 $0x10;
	v37 =	vmul.f32 v2, v27;
	v30 =	vadd.f32 v63, v7;
	v17 =	vadd.f32 v5, v12  }
0x4d9: {  	p2 =	por $0x1, $0x1;
	v5 =	vld [tilespmem:s22+$0x16800];
	v36 =	vadd.f32 v13, v10;
	v31 =	vadd.f32 v6, v9;
	v0 =	vmin.f32 v3, v8  }
0x4da: {  	_ = 	snop  }
0x4db: {  	v2 =	vadd.f32 v18, v14  }
0x4dc: {  	v9 =	vld [tilespmem:s22+$0x18800];
	v7 =	vadd.f32 v37, v15;
	v6 =	vadd.f32 v16, v4  }
0x4dd: {  	v8 =	vadd.f32 v30, v4;
	v12 =	vadd.f32 v17, v4  }
0x4de: {  	v10 =	vld [tilespmem:s22+$0x1A800];
	v13 =	vadd.f32 v36, v4;
	v39 =	vadd.f32 v31, v4;
	v14 =	vmul.f32 v5, v47  }
0x4df: {  	v6 =	vmin.f32 v3, v6;
	v15 =	vmul.f32 v5, v48;
	v16 =	vmul.f32 v5, v50  }
0x4e0: {  	v2 =	vadd.f32 v2, v4;
	v31 =	vmul.f32 v5, v29;
	v61 =	vmul.f32 v5, v38  }
0x4e1: {  	v11 =	vadd.f32 v7, v4;
	v17 =	vmul.f32 v9, v52;
	v18 =	vmul.f32 v9, v34  }
0x4e2: {  	v7 =	vmin.f32 v3, v8;
	v30 =	vmul.f32 v9, v42;
	v60 =	vmul.f32 v9, v32  }
0x4e3: {  	v4 =	vld [tilespmem:s22+$0x14800];
	v8 =	vmin.f32 v3, v12;
	v40 =	vmul.f32 v9, v44;
	v62 =	vmul.f32 v10, v22  }
0x4e4: {  	v63 =	vmul.f32 v10, v24;
	v12 =	vadd.f32 v17, v16;
	v16 =	vmul.f32 v10, v49  }
0x4e5: {  	v37 =	vmul.f32 v10, v27;
	v17 =	vmul.f32 v5, v43;
	v18 =	vadd.f32 v18, v14  }
0x4e6: {  	v14 =	vmul.f32 v9, v28;
	v30 =	vadd.f32 v30, v15;
	v12 =	vadd.f32 v16, v12  }
0x4e7: {  	v15 =	vmul.f32 v9, v33;
	v31 =	vadd.f32 v60, v31;
	v9 =	vmul.f32 v9, v41  }
0x4e8: {  	v16 =	vmul.f32 v5, v35;
	v17 =	vadd.f32 v14, v17;
	v12 =	vadd.f32 v12, v4  }
0x4e9: {  	p4 =	por $0x1, $0x1;
	v5 =	vmul.f32 v5, v45;
	v14 =	vadd.f32 v40, v61;
	v30 =	vadd.f32 v62, v30  }
.Ltmp51:
0x4ea: {  	v36 =	vadd.f32 v63, v31;
	v0 =	vmin.f32 v0, v12;
	v12 =	vmul.f32 v10, v21;
	(pc) =	sbr.rel @!p4 .LBB2_51-.Ltmp51, $4  }
0x4eb: {  	v46 =	vadd.f32 v15, v16;
	v15 =	vadd.f32 v9, v5;
	v5 =	vmul.f32 v10, v23  }
0x4ec: {  	v9 =	vmin.f32 v3, v13;
	v16 =	vadd.f32 v12, v18;
	v12 =	vmul.f32 v10, v25  }
0x4ed: {  	s22 =	simm.s32 $0x20;
	v13 =	vimm.f32 $+Inf;
	v17 =	vadd.f32 v5, v17;
	v18 =	vmul.f32 v10, v26  }
0x4ee: {  	s23 =	simm.s32 $0xC0;
	p3 =	por $0x1, $0x1;
	v5 =	vld [tilespmem:s22+$0x16800];
	v10 =	vmin.f32 v3, v39;
	v31 =	vadd.f32 v12, v46;
	v12 =	vimm.f32 $+Inf  }
.LBB2_52:
0x4ef: {  	p4 =	sne.s32 s23, $0x1FC0;
	v39 =	vld [tilespmem:s22+$0x18800];
	v14 =	vadd.f32 v18, v14;
	v15 =	vadd.f32 v37, v15;
	v12 =	vmin.f32 v12, v2  }
0x4f0: {  	v2 =	vadd.f32 v16, v4;
	v16 =	vadd.f32 v30, v4;
	v13 =	vmin.f32 v13, v11  }
0x4f1: {  	v17 =	vadd.f32 v17, v4;
	v18 =	vadd.f32 v36, v4;
	v37 =	vld [tilespmem:s22+$0x1A800]  }
0x4f2: {  	v40 =	vadd.f32 v31, v4;
	v6 =	vmin.f32 v6, v2;
	v2 =	vadd.f32 v14, v4  }
0x4f3: {  	v11 =	vadd.f32 v15, v4;
	v14 =	vmul.f32 v5, v47;
	v30 =	vmul.f32 v5, v48  }
0x4f4: {  	v7 =	vmin.f32 v7, v16;
	v15 =	vmul.f32 v5, v50;
	v31 =	vmul.f32 v39, v52  }
0x4f5: {  	v8 =	vmin.f32 v8, v17;
	v16 =	vmul.f32 v39, v34;
	v36 =	vmul.f32 v39, v42;
	v4 =	vld [tilespmem:s22+$0x14800]  }
0x4f6: {  	v17 =	vmul.f32 v5, v43;
	v15 =	vadd.f32 v31, v15;
	v31 =	vmul.f32 v37, v49  }
0x4f7: {  	v46 =	vmul.f32 v5, v29;
	v16 =	vadd.f32 v16, v14;
	v14 =	vmul.f32 v39, v28  }
0x4f8: {  	v54 =	vmul.f32 v5, v35;
	v53 =	vmul.f32 v39, v32;
	v15 =	vadd.f32 v31, v15  }
0x4f9: {  	v30 =	vadd.f32 v36, v30;
	v36 =	vmul.f32 v5, v38;
	v31 =	vmul.f32 v39, v33  }
0x4fa: {  	v55 =	vmul.f32 v39, v44;
	v5 =	vmul.f32 v5, v45;
	v15 =	vadd.f32 v15, v4  }
0x4fb: {  	v46 =	vadd.f32 v53, v46;
	v17 =	vadd.f32 v14, v17;
	v39 =	vmul.f32 v39, v41  }
0x4fc: {  	v14 =	vadd.f32 v55, v36;
	v31 =	vadd.f32 v31, v54;
	v0 =	vmin.f32 v0, v15  }
.Ltmp52:
0x4fd: {  	v53 =	vmul.f32 v37, v22;
	v36 =	vmul.f32 v37, v21;
	v15 =	vadd.f32 v39, v5;
	(pc) =	sbr.rel @p4 .LBB2_52-.Ltmp52, $4  }
0x4fe: {  	v9 =	vmin.f32 v9, v18;
	v5 =	vmul.f32 v37, v23;
	v39 =	vmul.f32 v37, v24  }
0x4ff: {  	v18 =	vmul.f32 v37, v26;
	v16 =	vadd.f32 v36, v16;
	v54 =	vmul.f32 v37, v25  }
0x500: {  	s22 =	sshra.s32 s23, $0x2;
	v30 =	vadd.f32 v53, v30;
	v37 =	vmul.f32 v37, v27;
	v17 =	vadd.f32 v5, v17  }
0x501: {  	v10 =	vmin.f32 v10, v40;
	s23 =	sadd.s32 $0x40, s23;
	v31 =	vadd.f32 v54, v31;
	v36 =	vadd.f32 v39, v46;
	v5 =	vld [tilespmem:s22+$0x16800]  }
.LBB2_53:
0x502: {  	v14 =	vadd.f32 @p2 v18, v14  }
0x503: {  	v15 =	vadd.f32 @p2 v37, v15;
	v12 =	vmin.f32 @p3 v12, v2;
	v16 =	vadd.f32 @p2 v16, v4  }
0x504: {  	v18 =	vadd.f32 @p2 v30, v4;
	v11 =	vmin.f32 @p3 v13, v11;
	v17 =	vadd.f32 @p2 v17, v4  }
0x505: {  	v30 =	vadd.f32 @p2 v36, v4;
	v12 =	vpsel p3, v12, v3;
	v11 =	vpsel p3, v11, v3  }
0x506: {  	v39 =	vld [tilespmem:s22+$0x18800];
	v6 =	vmin.f32 @p2 v6, v16;
	v16 =	vadd.f32 @p2 v31, v4;
	v14 =	vadd.f32 @p2 v14, v4  }
0x507: {  	v13 =	vld [tilespmem:s22+$0x1A800];
	v4 =	vadd.f32 @p2 v15, v4;
	v7 =	vmin.f32 @p2 v7, v18;
	v8 =	vmin.f32 @p2 v8, v17  }
0x508: {  	v9 =	vmin.f32 @p2 v9, v30;
	v31 =	vmul.f32 v5, v47;
	v58 =	vmul.f32 v5, v48  }
0x509: {  	v6 =	vpsel p2, v6, v3;
	v59 =	vmul.f32 v5, v50;
	v61 =	vmul.f32 v5, v43  }
0x50a: {  	v7 =	vpsel p2, v7, v3;
	v53 =	vmul.f32 v5, v29;
	v55 =	vmul.f32 v5, v38  }
0x50b: {  	v8 =	vpsel p2, v8, v3;
	v60 =	vmul.f32 v39, v52;
	v40 =	vmul.f32 v39, v34  }
0x50c: {  	v10 =	vmin.f32 @p2 v10, v16;
	v46 =	vmul.f32 v39, v42;
	v17 =	vmul.f32 v13, v49  }
0x50d: {  	v18 =	vld [tilespmem:s22+$0x14800];
	v9 =	vpsel p2, v9, v3;
	v62 =	vmul.f32 v39, v28;
	v54 =	vmul.f32 v39, v32  }
0x50e: {  	v63 =	vmul.f32 v39, v33;
	v56 =	vmul.f32 v39, v44;
	v15 =	vadd.f32 v60, v59  }
0x50f: {  	v39 =	vmul.f32 v39, v41;
	v31 =	vadd.f32 v40, v31;
	v37 =	vadd.f32 v62, v61  }
0x510: {  	v30 =	vmul.f32 v13, v25;
	v60 =	vadd.f32 v54, v53;
	v15 =	vadd.f32 v17, v15  }
0x511: {  	v61 =	vadd.f32 v56, v55;
	v56 =	vmul.f32 v13, v24;
	v17 =	vmul.f32 v5, v35  }
0x512: {  	v36 =	vadd.f32 v46, v58;
	v62 =	vmul.f32 v13, v22;
	v15 =	vadd.f32 v15, v18  }
0x513: {  	v5 =	vmul.f32 v5, v45;
	v58 =	vadd.f32 v56, v60;
	v17 =	vadd.f32 v63, v17  }
0x514: {  	v63 =	vmul.f32 v13, v23;
	v54 =	vmin.f32 v0, v15;
	v0 =	vmul.f32 v13, v21  }
0x515: {  	v10 =	vpsel p2, v10, v3;
	v5 =	vadd.f32 v39, v5;
	v15 =	vadd.f32 v62, v36  }
0x516: {  	v57 =	vadd.f32 v63, v37;
	v0 =	vadd.f32 v0, v31;
	v31 =	vmul.f32 v13, v26  }
0x517: {  	v17 =	vadd.f32 v30, v17;
	v13 =	vmul.f32 v13, v27;
	v59 =	vadd.f32 v15, v18  }
0x518: {  	v60 =	vadd.f32 v57, v18;
	v14 =	vpsel p2, v14, v0;
	v16 =	vadd.f32 v31, v61  }
0x519: {  	v4 =	vpsel p2, v4, v0;
	v5 =	vadd.f32 v13, v5;
	v0 =	vadd.f32 v0, v18  }
0x51a: {  	[tilespmem:$0x1FC10] =	vst v54;
	v61 =	vadd.f32 v58, v18;
	v13 =	vmin.f32 v7, v59;
	v12 =	vmin.f32 @p2 v12, v14  }
0x51b: {  	v4 =	vmin.f32 @p2 v11, v4;
	v11 =	vmin.f32 v8, v60;
	[tilespmem:$0x1FC70] =	vst v13;
	v62 =	vmin.f32 v6, v0  }
0x51c: {  	v0 =	vadd.f32 v17, v18;
	v5 =	vadd.f32 v5, v18;
	v9 =	vmin.f32 v9, v61;
	[tilespmem:$0x1FC60] =	vst v11  }
.Ltmp53:
0x51d: {  	v6 =	vadd.f32 v16, v18;
	v7 =	vpsel p2, v12, v3;
	v3 =	vpsel p2, v4, v3;
	[tilespmem:$0x1FC50] =	vst v9;
	(pc) =	sbr.rel @!p1 .LBB2_54-.Ltmp53, $4  }
0x51e: {  	[tilespmem:$0x1FC80] =	vst v62;
	v63 =	vmin.f32 v10, v0;
	v0 =	vmin.f32 v3, v5  }
0x51f: {  	v6 =	vmin.f32 v7, v6;
	[tilespmem:$0x1FC20] =	vst v0  }
0x520: {  	[tilespmem:$0x1FC30] =	vst v6  }
0x521: {  	v2 =	vimm.f32 $+Inf;
	v4 =	vld [tilespmem:s20+$0x17000];
	[tilespmem:$0x1FC40] =	vst v63  }
0x522: {  	_ =	sdelay $0x2  }
0x523: {  	v0 =	vld [tilespmem:s20+$0x19000]  }
0x524: {  	v5 =	vld [tilespmem:s20+$0x1B000];
	v6 =	vmul.f32 v4, v47;
	v7 =	vmul.f32 v4, v48  }
0x525: {  	v8 =	vmul.f32 v4, v50;
	v12 =	vmul.f32 v4, v43  }
0x526: {  	v59 =	vmul.f32 v4, v29;
	v15 =	vmul.f32 v4, v35  }
0x527: {  	v61 =	vmul.f32 v4, v38;
	v4 =	vmul.f32 v4, v45  }
0x528: {  	v9 =	vmul.f32 v0, v52;
	v10 =	vmul.f32 v0, v34  }
0x529: {  	v11 =	vmul.f32 v0, v42;
	v58 =	vmul.f32 v5, v49  }
0x52a: {  	v13 =	vmul.f32 v0, v28;
	v14 =	vmul.f32 v0, v32  }
0x52b: {  	v60 =	vmul.f32 v0, v33;
	v16 =	vmul.f32 v0, v44  }
0x52c: {  	v3 =	vld [tilespmem:s20+$0x15000];
	v62 =	vmul.f32 v5, v21;
	v8 =	vadd.f32 v9, v8;
	v6 =	vadd.f32 v10, v6  }
0x52d: {  	v63 =	vmul.f32 v5, v22;
	v7 =	vadd.f32 v11, v7;
	v12 =	vadd.f32 v13, v12  }
0x52e: {  	p2 =	por $0x1, $0x1;
	v10 =	vadd.f32 v14, v59;
	v13 =	vmul.f32 v0, v41;
	v9 =	vadd.f32 v60, v15  }
.Ltmp54:
0x52f: {  	v30 =	vmul.f32 v5, v26;
	v14 =	vadd.f32 v16, v61;
	v8 =	vadd.f32 v58, v8;
	(pc) =	sbr.rel @!p2 .LBB2_56-.Ltmp54, $4  }
0x530: {  	v15 =	vadd.f32 v13, v4;
	v4 =	vmul.f32 v5, v23;
	v13 =	vmul.f32 v5, v24  }
0x531: {  	v16 =	vadd.f32 v62, v6;
	v6 =	vmul.f32 v5, v25;
	v8 =	vadd.f32 v8, v3  }
0x532: {  	s20 =	simm.s32 $0x10;
	v37 =	vmul.f32 v5, v27;
	v18 =	vadd.f32 v63, v7;
	v17 =	vadd.f32 v4, v12  }
0x533: {  	p1 =	por $0x1, $0x1;
	v4 =	vld [tilespmem:s20+$0x17000];
	v36 =	vadd.f32 v13, v10;
	v31 =	vadd.f32 v6, v9;
	v0 =	vmin.f32 v2, v8  }
0x534: {  	_ = 	snop  }
0x535: {  	v8 =	vld [tilespmem:s20+$0x19000];
	v6 =	vadd.f32 v30, v14  }
0x536: {  	v7 =	vadd.f32 v37, v15;
	v5 =	vadd.f32 v16, v3  }
0x537: {  	v9 =	vadd.f32 v18, v3;
	v13 =	vadd.f32 v17, v3  }
0x538: {  	v12 =	vld [tilespmem:s20+$0x1B000];
	v16 =	vadd.f32 v36, v3;
	v39 =	vadd.f32 v31, v3;
	v14 =	vmul.f32 v4, v47  }
0x539: {  	v5 =	vmin.f32 v2, v5;
	v15 =	vmul.f32 v4, v48;
	v17 =	vmul.f32 v4, v50  }
0x53a: {  	v10 =	vadd.f32 v6, v3;
	v31 =	vmul.f32 v4, v29;
	v18 =	vmul.f32 v8, v52  }
0x53b: {  	v6 =	vmin.f32 v2, v9;
	v9 =	vmul.f32 v8, v34;
	v30 =	vmul.f32 v8, v42  }
0x53c: {  	v11 =	vadd.f32 v7, v3;
	v61 =	vmul.f32 v8, v32;
	v40 =	vmul.f32 v8, v44  }
0x53d: {  	v3 =	vld [tilespmem:s20+$0x15000];
	v7 =	vmin.f32 v2, v13;
	v63 =	vmul.f32 v12, v24;
	v37 =	vmul.f32 v12, v27  }
0x53e: {  	v13 =	vadd.f32 v18, v17;
	v17 =	vmul.f32 v12, v49;
	v18 =	vmul.f32 v4, v43  }
0x53f: {  	v9 =	vadd.f32 v9, v14;
	v14 =	vmul.f32 v8, v28;
	v62 =	vadd.f32 v30, v15  }
0x540: {  	v15 =	vmul.f32 v8, v33;
	v30 =	vmul.f32 v4, v38;
	v13 =	vadd.f32 v17, v13  }
0x541: {  	v31 =	vadd.f32 v61, v31;
	v8 =	vmul.f32 v8, v41;
	v17 =	vmul.f32 v4, v35  }
0x542: {  	v4 =	vmul.f32 v4, v45;
	v46 =	vadd.f32 v14, v18;
	v13 =	vadd.f32 v13, v3  }
0x543: {  	p2 =	por $0x1, $0x1;
	v14 =	vadd.f32 v40, v30;
	v30 =	vmul.f32 v12, v26;
	v36 =	vadd.f32 v63, v31  }
.Ltmp55:
0x544: {  	v53 =	vadd.f32 v15, v17;
	v0 =	vmin.f32 v0, v13;
	v13 =	vmul.f32 v12, v21;
	(pc) =	sbr.rel @!p2 .LBB2_58-.Ltmp55, $4  }
0x545: {  	v17 =	vmul.f32 v12, v22;
	v15 =	vadd.f32 v8, v4;
	v4 =	vmul.f32 v12, v23  }
0x546: {  	v8 =	vmin.f32 v2, v16;
	v16 =	vadd.f32 v13, v9;
	v9 =	vmul.f32 v12, v25  }
0x547: {  	s20 =	simm.s32 $0x20;
	v18 =	vadd.f32 v17, v62;
	v17 =	vadd.f32 v4, v46;
	v12 =	vimm.f32 $+Inf  }
0x548: {  	s22 =	simm.s32 $0xC0;
	p0 =	por $0x1, $0x1;
	v4 =	vld [tilespmem:s20+$0x17000];
	v13 =	vimm.f32 $+Inf;
	v31 =	vadd.f32 v9, v53;
	v9 =	vmin.f32 v2, v39  }
.LBB2_59:
0x549: {  	p2 =	sne.s32 s22, $0x1FC0;
	v39 =	vld [tilespmem:s20+$0x19000];
	v14 =	vadd.f32 v30, v14;
	v15 =	vadd.f32 v37, v15;
	v12 =	vmin.f32 v12, v10  }
0x54a: {  	v10 =	vadd.f32 v16, v3;
	v16 =	vadd.f32 v18, v3;
	v13 =	vmin.f32 v13, v11  }
0x54b: {  	v17 =	vadd.f32 v17, v3;
	v18 =	vadd.f32 v36, v3;
	v37 =	vld [tilespmem:s20+$0x1B000]  }
0x54c: {  	v40 =	vadd.f32 v31, v3;
	v5 =	vmin.f32 v5, v10;
	v10 =	vadd.f32 v14, v3  }
0x54d: {  	v11 =	vadd.f32 v15, v3;
	v14 =	vmul.f32 v4, v47;
	v30 =	vmul.f32 v4, v48  }
0x54e: {  	v6 =	vmin.f32 v6, v16;
	v15 =	vmul.f32 v4, v50;
	v31 =	vmul.f32 v39, v52  }
0x54f: {  	v7 =	vmin.f32 v7, v17;
	v16 =	vmul.f32 v39, v34;
	v36 =	vmul.f32 v39, v42;
	v3 =	vld [tilespmem:s20+$0x15000]  }
0x550: {  	v17 =	vmul.f32 v4, v43;
	v15 =	vadd.f32 v31, v15;
	v31 =	vmul.f32 v37, v49  }
0x551: {  	v46 =	vmul.f32 v4, v29;
	v16 =	vadd.f32 v16, v14;
	v14 =	vmul.f32 v39, v28  }
0x552: {  	v54 =	vmul.f32 v4, v35;
	v53 =	vmul.f32 v39, v32;
	v15 =	vadd.f32 v31, v15  }
0x553: {  	v31 =	vadd.f32 v36, v30;
	v30 =	vmul.f32 v39, v33;
	v36 =	vmul.f32 v4, v38  }
0x554: {  	v55 =	vmul.f32 v39, v44;
	v4 =	vmul.f32 v4, v45;
	v15 =	vadd.f32 v15, v3  }
0x555: {  	v46 =	vadd.f32 v53, v46;
	v17 =	vadd.f32 v14, v17;
	v39 =	vmul.f32 v39, v41  }
0x556: {  	v53 =	vadd.f32 v30, v54;
	v14 =	vadd.f32 v55, v36;
	v0 =	vmin.f32 v0, v15  }
.Ltmp56:
0x557: {  	v30 =	vmul.f32 v37, v21;
	v36 =	vmul.f32 v37, v22;
	v15 =	vadd.f32 v39, v4;
	(pc) =	sbr.rel @p2 .LBB2_59-.Ltmp56, $4  }
0x558: {  	v8 =	vmin.f32 v8, v18;
	v4 =	vmul.f32 v37, v23;
	v39 =	vmul.f32 v37, v24  }
0x559: {  	v54 =	vmul.f32 v37, v25;
	v16 =	vadd.f32 v30, v16;
	v30 =	vmul.f32 v37, v26  }
0x55a: {  	s20 =	sshra.s32 s22, $0x2;
	v18 =	vadd.f32 v36, v31;
	v37 =	vmul.f32 v37, v27;
	v17 =	vadd.f32 v4, v17  }
0x55b: {  	v9 =	vmin.f32 v9, v40;
	s22 =	sadd.s32 $0x40, s22;
	v31 =	vadd.f32 v54, v53;
	v36 =	vadd.f32 v39, v46;
	v4 =	vld [tilespmem:s20+$0x17000]  }
.LBB2_60:
0x55c: {  	v14 =	vadd.f32 @p1 v30, v14  }
0x55d: {  	v15 =	vadd.f32 @p1 v37, v15;
	v16 =	vadd.f32 @p1 v16, v3  }
0x55e: {  	v10 =	vmin.f32 @p0 v12, v10;
	v12 =	vadd.f32 @p1 v18, v3;
	v11 =	vmin.f32 @p0 v13, v11  }
0x55f: {  	v17 =	vadd.f32 @p1 v17, v3;
	v18 =	vadd.f32 @p1 v36, v3;
	v10 =	vpsel p0, v10, v2  }
0x560: {  	v30 =	vld [tilespmem:s20+$0x19000];
	v11 =	vpsel p0, v11, v2;
	v5 =	vmin.f32 @p1 v5, v16;
	v16 =	vadd.f32 @p1 v31, v3  }
0x561: {  	v13 =	vld [tilespmem:s20+$0x1B000];
	v14 =	vadd.f32 @p1 v14, v3;
	v3 =	vadd.f32 @p1 v15, v3;
	v6 =	vmin.f32 @p1 v6, v12  }
0x562: {  	v7 =	vmin.f32 @p1 v7, v17;
	v31 =	vmul.f32 v4, v47;
	v58 =	vmul.f32 v4, v48  }
0x563: {  	v8 =	vmin.f32 @p1 v8, v18;
	v15 =	vmul.f32 v4, v50;
	v17 =	vmul.f32 v4, v43  }
0x564: {  	v5 =	vpsel p1, v5, v2;
	v54 =	vmul.f32 v4, v35;
	v62 =	vmul.f32 v4, v38  }
0x565: {  	v6 =	vpsel p1, v6, v2;
	v59 =	vmul.f32 v30, v52;
	v12 =	vmul.f32 v30, v34  }
0x566: {  	v7 =	vpsel p1, v7, v2;
	v40 =	vmul.f32 v30, v42;
	v60 =	vmul.f32 v13, v49  }
0x567: {  	v39 =	vld [tilespmem:s20+$0x15000];
	v9 =	vmin.f32 @p1 v9, v16;
	v46 =	vmul.f32 v30, v28;
	v53 =	vmul.f32 v30, v32  }
0x568: {  	v61 =	vmul.f32 v30, v33;
	v55 =	vmul.f32 v30, v44;
	v15 =	vadd.f32 v59, v15  }
0x569: {  	v8 =	vpsel p1, v8, v2;
	v30 =	vmul.f32 v30, v41;
	v63 =	vmul.f32 v13, v24  }
0x56a: {  	v12 =	vadd.f32 v12, v31;
	v31 =	vmul.f32 v4, v29;
	v15 =	vadd.f32 v60, v15  }
0x56b: {  	v36 =	vadd.f32 v40, v58;
	v4 =	vmul.f32 v4, v45;
	v17 =	vadd.f32 v46, v17  }
0x56c: {  	v18 =	vmul.f32 v13, v26;
	v37 =	vadd.f32 v61, v54;
	v15 =	vadd.f32 v15, v39  }
0x56d: {  	v40 =	vadd.f32 v55, v62;
	v4 =	vadd.f32 v30, v4;
	v30 =	vmul.f32 v13, v23  }
0x56e: {  	v31 =	vadd.f32 v53, v31;
	v55 =	vmin.f32 v0, v15;
	v0 =	vmul.f32 v13, v21  }
0x56f: {  	v16 =	vadd.f32 v18, v40;
	v17 =	vadd.f32 v30, v17;
	v15 =	vmul.f32 v13, v22  }
0x570: {  	v0 =	vadd.f32 v0, v12;
	v12 =	vmul.f32 v13, v25;
	v13 =	vmul.f32 v13, v27  }
0x571: {  	s30 =	simm.s32 $0x0;
	v9 =	vpsel p1, v9, v2;
	v30 =	vadd.f32 v63, v31;
	v15 =	vadd.f32 v15, v36  }
0x572: {  	v12 =	vadd.f32 v12, v37;
	v14 =	vpsel p1, v14, v0;
	v4 =	vadd.f32 v13, v4;
	v13 =	vld [tilespmem:s30+$0x17800]  }
0x573: {  	v3 =	vpsel p1, v3, v0;
	v0 =	vadd.f32 v0, v39;
	v10 =	vmin.f32 @p1 v10, v14  }
0x574: {  	v14 =	vadd.f32 v15, v39;
	v3 =	vmin.f32 @p1 v11, v3;
	v11 =	vadd.f32 v17, v39  }
0x575: {  	v15 =	vld [tilespmem:s30+$0x19800];
	v17 =	vadd.f32 v30, v39;
	v0 =	vmin.f32 v5, v0;
	v5 =	vadd.f32 v16, v39  }
0x576: {  	v4 =	vadd.f32 v4, v39;
	[tilespmem:$0x1FBF0] =	vst v0;
	v0 =	vadd.f32 v12, v39;
	v61 =	vmin.f32 v6, v14  }
0x577: {  	v60 =	vmin.f32 v7, v11;
	v58 =	vmin.f32 v8, v17;
	v7 =	vmul.f32 v13, v47  }
0x578: {  	v6 =	vld [tilespmem:s30+$0x1B800];
	v56 =	vmin.f32 v9, v0;
	v8 =	vmul.f32 v13, v48;
	v9 =	vmul.f32 v13, v50  }
0x579: {  	v3 =	vpsel p1, v3, v2;
	v12 =	vmul.f32 v13, v43;
	v14 =	vmul.f32 v13, v29  }
0x57a: {  	v0 =	vpsel p1, v10, v2;
	v17 =	vmul.f32 v13, v35;
	v10 =	vmul.f32 v15, v52  }
0x57b: {  	v57 =	vmin.f32 v0, v5;
	v0 =	vmul.f32 v15, v34;
	v11 =	vmul.f32 v15, v42  }
0x57c: {  	v3 =	vmin.f32 v3, v4;
	v16 =	vmul.f32 v15, v32;
	v18 =	vmul.f32 v15, v44  }
0x57d: {  	v5 =	vld [tilespmem:s30+$0x15800];
	v9 =	vadd.f32 v10, v9;
	v10 =	vmul.f32 v6, v49;
	v0 =	vadd.f32 v0, v7  }
0x57e: {  	v7 =	vmul.f32 v15, v28;
	v8 =	vadd.f32 v11, v8;
	v11 =	vmul.f32 v13, v38  }
0x57f: {  	v13 =	vmul.f32 v13, v45;
	v9 =	vadd.f32 v10, v9;
	v10 =	vmul.f32 v15, v33  }
0x580: {  	v7 =	vadd.f32 v7, v12;
	v12 =	vadd.f32 v16, v14;
	v14 =	vmul.f32 v15, v41  }
0x581: {  	v11 =	vadd.f32 v18, v11;
	v15 =	vmul.f32 v6, v21;
	v16 =	vmul.f32 v6, v22  }
0x582: {  	v18 =	vmul.f32 v6, v26;
	v9 =	vadd.f32 v9, v5;
	v10 =	vadd.f32 v10, v17  }
0x583: {  	v13 =	vadd.f32 v14, v13;
	v14 =	vmul.f32 v6, v23;
	v17 =	vmul.f32 v6, v24  }
0x584: {  	s31 =	simm.s32 $0x10;
	v0 =	vadd.f32 v15, v0;
	v15 =	vmul.f32 v6, v25;
	v8 =	vadd.f32 v16, v8  }
0x585: {  	[tilespmem:$0x1FC00] =	vst v3;
	v6 =	vmul.f32 v6, v27;
	v3 =	vadd.f32 v18, v11;
	v18 =	vld [tilespmem:s31+$0x1B800];
	v7 =	vadd.f32 v14, v7  }
0x586: {  	v14 =	vld [tilespmem:s31+$0x17800];
	v12 =	vadd.f32 v17, v12;
	v10 =	vadd.f32 v15, v10  }
0x587: {  	v15 =	vld [tilespmem:s31+$0x19800];
	v0 =	vadd.f32 v0, v5;
	v4 =	vadd.f32 v6, v13  }
0x588: {  	v11 =	vmin.f32 v2, v9;
	v6 =	vadd.f32 v8, v5;
	v9 =	vadd.f32 v3, v5  }
0x589: {  	v7 =	vadd.f32 v7, v5;
	v12 =	vadd.f32 v12, v5  }
0x58a: {  	v0 =	vmin.f32 v2, v0;
	v63 =	vmul.f32 v18, v24;
	v36 =	vmul.f32 v18, v27  }
0x58b: {  	v37 =	vadd.f32 v10, v5;
	v13 =	vmul.f32 v14, v47;
	v16 =	vmul.f32 v14, v48  }
0x58c: {  	v10 =	vadd.f32 v4, v5;
	v5 =	vmul.f32 v14, v50;
	v17 =	vmul.f32 v15, v52  }
0x58d: {  	v3 =	vmin.f32 v2, v6;
	v6 =	vmul.f32 v15, v34;
	v30 =	vmul.f32 v15, v42  }
0x58e: {  	v4 =	vmin.f32 v2, v7;
	v7 =	vmul.f32 v14, v43;
	v31 =	vmul.f32 v15, v28  }
0x58f: {  	v8 =	vld [tilespmem:s31+$0x15800];
	v54 =	vmul.f32 v14, v35;
	v59 =	vmul.f32 v15, v44;
	v5 =	vadd.f32 v17, v5  }
0x590: {  	v17 =	vmul.f32 v18, v49;
	v53 =	vadd.f32 v6, v13;
	v6 =	vmul.f32 v14, v29  }
0x591: {  	v13 =	vmul.f32 v15, v32;
	v16 =	vadd.f32 v30, v16;
	v30 =	vmul.f32 v14, v38  }
0x592: {  	v14 =	vmul.f32 v14, v45;
	v7 =	vadd.f32 v31, v7;
	v5 =	vadd.f32 v17, v5  }
0x593: {  	v17 =	vmul.f32 v15, v33;
	v62 =	vadd.f32 v13, v6;
	v6 =	vmul.f32 v15, v41  }
0x594: {  	v13 =	vadd.f32 v59, v30;
	v30 =	vmul.f32 v18, v23;
	v5 =	vadd.f32 v5, v8  }
0x595: {  	v39 =	vadd.f32 v17, v54;
	v17 =	vmul.f32 v18, v22;
	v14 =	vadd.f32 v6, v14  }
0x596: {  	v6 =	vmin.f32 v2, v12;
	v12 =	vmul.f32 v18, v25;
	v5 =	vmin.f32 v11, v5  }
0x597: {  	v11 =	vmul.f32 v18, v21;
	v17 =	vadd.f32 v17, v16;
	v16 =	vadd.f32 v30, v7  }
0x598: {  	s22 =	simm.s32 $0x20;
	v31 =	vmul.f32 v18, v26;
	v30 =	vadd.f32 v63, v62;
	v18 =	vadd.f32 v12, v39  }
0x599: {  	s20 =	simm.s32 $0xC0;
	v7 =	vmin.f32 v2, v37;
	v12 =	vimm.f32 $+Inf;
	v15 =	vadd.f32 v11, v53;
	v11 =	vld [tilespmem:s22+$0x17800]  }
.LBB2_61:
0x59a: {  	p0 =	sne.s32 s20, $0x1FC0;
	v37 =	vld [tilespmem:s22+$0x19800];
	v13 =	vadd.f32 v31, v13;
	v14 =	vadd.f32 v36, v14;
	v2 =	vmin.f32 v2, v9  }
0x59b: {  	v9 =	vadd.f32 v15, v8;
	v15 =	vadd.f32 v17, v8;
	v12 =	vmin.f32 v12, v10  }
0x59c: {  	v16 =	vadd.f32 v16, v8;
	v17 =	vadd.f32 v30, v8;
	v36 =	vld [tilespmem:s22+$0x1B800]  }
0x59d: {  	v39 =	vadd.f32 v18, v8;
	v0 =	vmin.f32 v0, v9;
	v9 =	vadd.f32 v13, v8  }
0x59e: {  	v10 =	vadd.f32 v14, v8;
	v13 =	vmul.f32 v11, v47;
	v18 =	vmul.f32 v11, v48  }
0x59f: {  	v3 =	vmin.f32 v3, v15;
	v14 =	vmul.f32 v11, v50;
	v30 =	vmul.f32 v37, v52  }
0x5a0: {  	v4 =	vmin.f32 v4, v16;
	v15 =	vmul.f32 v37, v34;
	v31 =	vmul.f32 v37, v42;
	v8 =	vld [tilespmem:s22+$0x15800]  }
0x5a1: {  	v16 =	vmul.f32 v11, v43;
	v14 =	vadd.f32 v30, v14;
	v30 =	vmul.f32 v36, v49  }
0x5a2: {  	v40 =	vmul.f32 v11, v29;
	v15 =	vadd.f32 v15, v13;
	v13 =	vmul.f32 v37, v28  }
0x5a3: {  	v53 =	vmul.f32 v11, v35;
	v46 =	vmul.f32 v37, v32;
	v14 =	vadd.f32 v30, v14  }
0x5a4: {  	v18 =	vadd.f32 v31, v18;
	v31 =	vmul.f32 v11, v38;
	v30 =	vmul.f32 v37, v33  }
0x5a5: {  	v54 =	vmul.f32 v37, v44;
	v11 =	vmul.f32 v11, v45;
	v14 =	vadd.f32 v14, v8  }
0x5a6: {  	v40 =	vadd.f32 v46, v40;
	v16 =	vadd.f32 v13, v16;
	v37 =	vmul.f32 v37, v41  }
0x5a7: {  	v13 =	vadd.f32 v54, v31;
	v46 =	vadd.f32 v30, v53;
	v5 =	vmin.f32 v5, v14  }
.Ltmp57:
0x5a8: {  	v30 =	vmul.f32 v36, v21;
	v53 =	vmul.f32 v36, v22;
	v14 =	vadd.f32 v37, v11;
	(pc) =	sbr.rel @p0 .LBB2_61-.Ltmp57, $4  }
0x5a9: {  	v6 =	vmin.f32 v6, v17;
	v11 =	vmul.f32 v36, v23;
	v37 =	vmul.f32 v36, v24  }
0x5aa: {  	v54 =	vmul.f32 v36, v25;
	v31 =	vmul.f32 v36, v26;
	v15 =	vadd.f32 v30, v15  }
0x5ab: {  	s22 =	sshra.s32 s20, $0x2;
	v17 =	vadd.f32 v53, v18;
	v36 =	vmul.f32 v36, v27;
	v16 =	vadd.f32 v11, v16  }
0x5ac: {  	v7 =	vmin.f32 v7, v39;
	s20 =	sadd.s32 $0x40, s20;
	v18 =	vadd.f32 v54, v46;
	v30 =	vadd.f32 v37, v40;
	v11 =	vld [tilespmem:s22+$0x17800]  }
0x5ad: {  	v13 =	vadd.f32 v31, v13;
	v14 =	vadd.f32 v36, v14  }
0x5ae: {  	v15 =	vadd.f32 v15, v8;
	v2 =	vmin.f32 v2, v9;
	v9 =	vadd.f32 v17, v8  }
0x5af: {  	v31 =	vld [tilespmem:s22+$0x19800];
	v10 =	vmin.f32 v12, v10;
	v16 =	vadd.f32 v16, v8;
	v17 =	vadd.f32 v30, v8  }
0x5b0: {  	v0 =	vmin.f32 v0, v15;
	v15 =	vadd.f32 v18, v8;
	v13 =	vadd.f32 v13, v8  }
0x5b1: {  	v12 =	vld [tilespmem:s22+$0x1B800];
	v8 =	vadd.f32 v14, v8;
	v18 =	vmul.f32 v11, v47;
	v30 =	vmul.f32 v11, v48  }
0x5b2: {  	v4 =	vmin.f32 v4, v16;
	v14 =	vmul.f32 v11, v50;
	v16 =	vmul.f32 v11, v43  }
0x5b3: {  	v50 =	vmul.f32 v11, v35;
	v43 =	vbroadcast v19, $0xA  }
0x5b4: {  	v35 =	vbroadcast v19, $0xC;
	v47 =	vmul.f32 v31, v52  }
0x5b5: {  	v3 =	vmin.f32 v3, v9;
	v9 =	vmul.f32 v31, v34;
	v48 =	vmul.f32 v31, v42  }
0x5b6: {  	v49 =	vmul.f32 v12, v49;
	v28 =	vmul.f32 v31, v28  }
0x5b7: {  	v33 =	vmul.f32 v31, v33;
	v52 =	vmul.f32 v11, v38  }
0x5b8: {  	v6 =	vmin.f32 v6, v17;
	v53 =	vmul.f32 v31, v44;
	v17 =	vmul.f32 v12, v26  }
0x5b9: {  	v7 =	vmin.f32 v7, v15;
	v44 =	vbroadcast v51, $0x8;
	v42 =	vbroadcast v20, $0xA  }
0x5ba: {  	v37 =	vld [tilespmem:s22+$0x15800];
	v2 =	vmin.f32 v2, v13;
	v38 =	vbroadcast v51, $0xA;
	v34 =	vbroadcast v20, $0xC  }
0x5bb: {  	v26 =	vbroadcast v20, $0xD;
	v14 =	vadd.f32 v47, v14;
	v9 =	vadd.f32 v9, v18  }
0x5bc: {  	v18 =	vmul.f32 v11, v29;
	v29 =	vmul.f32 v31, v32;
	v30 =	vadd.f32 v48, v30  }
0x5bd: {  	v11 =	vmul.f32 v11, v45;
	v16 =	vadd.f32 v28, v16;
	v14 =	vadd.f32 v49, v14  }
0x5be: {  	v28 =	vmul.f32 v31, v41;
	v31 =	vadd.f32 v53, v52;
	v48 =	vbroadcast v20, $0x8  }
0x5bf: {  	v47 =	vbroadcast v20, $0x9;
	v45 =	vbroadcast v19, $0x9;
	v14 =	vadd.f32 v14, v37  }
0x5c0: {  	v41 =	vbroadcast v51, $0x9;
	v32 =	vbroadcast v20, $0xB;
	v18 =	vadd.f32 v29, v18  }
0x5c1: {  	v29 =	vadd.f32 v33, v50;
	v49 =	vbroadcast v19, $0x8;
	v5 =	vmin.f32 v5, v14  }
0x5c2: {  	v11 =	vadd.f32 v28, v11;
	v33 =	vbroadcast v19, $0xB;
	[tilespmem:$0x1FB70] =	vst v5;
	v5 =	vmul.f32 v12, v21  }
0x5c3: {  	v15 =	vadd.f32 v17, v31;
	v28 =	vbroadcast v51, $0xB;
	v14 =	vmul.f32 v12, v22  }
0x5c4: {  	v22 =	vmul.f32 v12, v24;
	v5 =	vadd.f32 v5, v9;
	v9 =	vmul.f32 v12, v25  }
0x5c5: {  	v21 =	vmul.f32 v12, v23;
	v14 =	vadd.f32 v14, v30;
	v12 =	vmul.f32 v12, v27  }
0x5c6: {  	v24 =	vbroadcast v19, $0xE;
	v18 =	vadd.f32 v22, v18;
	v9 =	vadd.f32 v9, v29  }
0x5c7: {  	s20 =	simm.s32 $0x0;
	v23 =	vbroadcast v20, $0xE;
	v11 =	vadd.f32 v12, v11;
	v5 =	vadd.f32 v5, v37  }
0x5c8: {  	v20 =	vbroadcast v20, $0xF;
	v12 =	vadd.f32 v14, v37;
	v14 =	vadd.f32 v15, v37;
	v15 =	vld [tilespmem:s20+$0x1A000]  }
0x5c9: {  	v16 =	vadd.f32 v21, v16;
	v0 =	vmin.f32 v0, v5;
	v5 =	vadd.f32 v9, v37;
	v9 =	vld [tilespmem:s20+$0x18000]  }
0x5ca: {  	v8 =	vmin.f32 v10, v8;
	v22 =	vbroadcast v19, $0xF;
	v27 =	vbroadcast v19, $0xD  }
0x5cb: {  	v25 =	vbroadcast v51, $0xD;
	v13 =	vadd.f32 v18, v37;
	v10 =	vadd.f32 v16, v37;
	[tilespmem:$0x1FB80] =	vst v0;
	v0 =	vld [tilespmem:s20+$0x16000]  }
0x5cc: {  	v21 =	vbroadcast v51, $0xE;
	v19 =	vbroadcast v51, $0xF;
	v3 =	vmin.f32 v3, v12  }
0x5cd: {  	v29 =	vbroadcast v51, $0xC;
	v6 =	vmin.f32 v6, v13;
	[tilespmem:$0x1FB90] =	vst v3;
	v3 =	vmin.f32 v4, v10  }
0x5ce: {  	v5 =	vmin.f32 v7, v5;
	v13 =	vmul.f32 v15, v19;
	v10 =	vmul.f32 v9, v22  }
0x5cf: {  	[tilespmem:$0x1FBC0] =	vst v5;
	v5 =	vmul.f32 v9, v49;
	v7 =	vmul.f32 v9, v45  }
0x5d0: {  	[tilespmem:$0x1FBA0] =	vst v3;
	v3 =	vmul.f32 v0, v48;
	v4 =	vmul.f32 v0, v47  }
0x5d1: {  	v11 =	vadd.f32 v11, v37;
	[tilespmem:$0x1FBB0] =	vst v6;
	v6 =	vmul.f32 v0, v20;
	v12 =	vmul.f32 v0, v42  }
0x5d2: {  	v2 =	vmin.f32 v2, v14;
	v14 =	vmul.f32 v0, v32;
	v16 =	vmul.f32 v0, v34  }
0x5d3: {  	[tilespmem:$0x1FBD0] =	vst v2;
	v2 =	vld [tilespmem:s20+$0x14000];
	v17 =	vmul.f32 v0, v26;
	v0 =	vmul.f32 v0, v23;
	v6 =	vadd.f32 v10, v6  }
0x5d4: {  	v10 =	vmul.f32 v9, v43;
	v3 =	vadd.f32 v5, v3;
	v5 =	vmul.f32 v9, v33  }
0x5d5: {  	v4 =	vadd.f32 v7, v4;
	v7 =	vmul.f32 v9, v27;
	v6 =	vadd.f32 v13, v6  }
0x5d6: {  	v13 =	vmul.f32 v9, v35;
	v10 =	vadd.f32 v10, v12;
	v9 =	vmul.f32 v9, v24  }
0x5d7: {  	v5 =	vadd.f32 v5, v14;
	v7 =	vadd.f32 v7, v17;
	v14 =	vmul.f32 v15, v41  }
0x5d8: {  	v17 =	vmul.f32 v15, v25;
	v6 =	vadd.f32 v6, v2;
	v12 =	vadd.f32 v13, v16  }
0x5d9: {  	v13 =	vmul.f32 v15, v44;
	v9 =	vadd.f32 v9, v0;
	v0 =	vmul.f32 v15, v38  }
0x5da: {  	s22 =	simm.s32 $0x10;
	v16 =	vmul.f32 v15, v28;
	v4 =	vadd.f32 v14, v4;
	v14 =	vmul.f32 v15, v21  }
0x5db: {  	v7 =	vadd.f32 v17, v7;
	v3 =	vadd.f32 v13, v3;
	v13 =	vmul.f32 v15, v29;
	v15 =	vld [tilespmem:s22+$0x16000]  }
0x5dc: {  	v10 =	vadd.f32 v0, v10;
	v5 =	vadd.f32 v16, v5  }
0x5dd: {  	v0 =	vmin.f32 v8, v11;
	v11 =	vld [tilespmem:s22+$0x18000];
	v4 =	vadd.f32 v4, v2;
	v8 =	vadd.f32 v13, v12  }
0x5de: {  	v12 =	vadd.f32 v14, v9;
	v3 =	vadd.f32 v3, v2  }
0x5df: {  	[tilespmem:$0x1FBE0] =	vst v0;
	v0 =	vimm.f32 $+Inf;
	v14 =	vadd.f32 v10, v2;
	v16 =	vadd.f32 v5, v2  }
0x5e0: {  	v9 =	vadd.f32 v7, v2;
	v39 =	vadd.f32 v8, v2;
	v7 =	vmul.f32 v15, v48  }
0x5e1: {  	v13 =	vld [tilespmem:s22+$0x1A000];
	v10 =	vadd.f32 v12, v2;
	v17 =	vmul.f32 v15, v47;
	v2 =	vmul.f32 v15, v20  }
0x5e2: {  	v6 =	vmin.f32 v0, v6;
	v12 =	vmul.f32 v11, v22;
	v18 =	vmul.f32 v11, v49  }
0x5e3: {  	v5 =	vmin.f32 v0, v14;
	v30 =	vmul.f32 v11, v45;
	v14 =	vmul.f32 v15, v42  }
0x5e4: {  	v4 =	vmin.f32 v0, v4;
	v31 =	vmul.f32 v15, v32;
	v54 =	vmul.f32 v11, v33  }
0x5e5: {  	v3 =	vmin.f32 v0, v3;
	v59 =	vmul.f32 v15, v26;
	v40 =	vmul.f32 v11, v27  }
0x5e6: {  	v8 =	vld [tilespmem:s22+$0x14000];
	v2 =	vadd.f32 v12, v2;
	v12 =	vmul.f32 v13, v19;
	v7 =	vadd.f32 v18, v7  }
0x5e7: {  	v18 =	vmul.f32 v11, v43;
	v17 =	vadd.f32 v30, v17;
	v30 =	vmul.f32 v11, v35  }
0x5e8: {  	v31 =	vadd.f32 v54, v31;
	v11 =	vmul.f32 v11, v24;
	v62 =	vmul.f32 v13, v41  }
0x5e9: {  	v63 =	vmul.f32 v13, v28;
	v36 =	vmul.f32 v13, v25;
	v2 =	vadd.f32 v12, v2  }
0x5ea: {  	v37 =	vmul.f32 v13, v21;
	v12 =	vmul.f32 v15, v34;
	v18 =	vadd.f32 v18, v14  }
0x5eb: {  	v15 =	vmul.f32 v15, v23;
	v14 =	vadd.f32 v40, v59;
	v2 =	vadd.f32 v2, v8  }
0x5ec: {  	v31 =	vadd.f32 v63, v31;
	v12 =	vadd.f32 v30, v12;
	v30 =	vmul.f32 v13, v44  }
0x5ed: {  	v15 =	vadd.f32 v11, v15;
	v11 =	vmul.f32 v13, v38;
	v6 =	vmin.f32 v6, v2  }
0x5ee: {  	v2 =	vmin.f32 v0, v16;
	v16 =	vadd.f32 v30, v7;
	v7 =	vmul.f32 v13, v29  }
0x5ef: {  	s24 =	simm.s32 $0x20;
	v30 =	vadd.f32 v62, v17;
	v17 =	vadd.f32 v11, v18;
	v13 =	vimm.f32 $+Inf  }
0x5f0: {  	s23 =	simm.s32 $0xC0;
	v11 =	vld [tilespmem:s24+$0x16000];
	v18 =	vadd.f32 v7, v12;
	v7 =	vmin.f32 v0, v39;
	v12 =	vimm.f32 $+Inf  }
.LBB2_63:
0x5f1: {  	p0 =	sne.s32 s23, $0x1FC0;
	v39 =	vld [tilespmem:s24+$0x18000];
	v14 =	vadd.f32 v36, v14;
	v15 =	vadd.f32 v37, v15;
	v13 =	vmin.f32 v13, v9  }
0x5f2: {  	v9 =	vadd.f32 v16, v8;
	v16 =	vadd.f32 v30, v8;
	v12 =	vmin.f32 v12, v10  }
0x5f3: {  	v17 =	vadd.f32 v17, v8;
	v30 =	vadd.f32 v31, v8;
	v37 =	vld [tilespmem:s24+$0x1A000]  }
0x5f4: {  	v40 =	vadd.f32 v18, v8;
	v3 =	vmin.f32 v3, v9;
	v9 =	vadd.f32 v14, v8  }
0x5f5: {  	v10 =	vadd.f32 v15, v8;
	v14 =	vmul.f32 v11, v48;
	v18 =	vmul.f32 v11, v47  }
0x5f6: {  	v4 =	vmin.f32 v4, v16;
	v15 =	vmul.f32 v11, v20;
	v31 =	vmul.f32 v39, v22  }
0x5f7: {  	v5 =	vmin.f32 v5, v17;
	v16 =	vmul.f32 v39, v49;
	v36 =	vmul.f32 v39, v45;
	v8 =	vld [tilespmem:s24+$0x14000]  }
0x5f8: {  	v17 =	vmul.f32 v11, v42;
	v15 =	vadd.f32 v31, v15;
	v31 =	vmul.f32 v37, v19  }
0x5f9: {  	v46 =	vmul.f32 v11, v32;
	v16 =	vadd.f32 v16, v14;
	v14 =	vmul.f32 v39, v43  }
0x5fa: {  	v51 =	vmul.f32 v11, v34;
	v50 =	vmul.f32 v39, v33;
	v15 =	vadd.f32 v31, v15  }
0x5fb: {  	v18 =	vadd.f32 v36, v18;
	v36 =	vmul.f32 v11, v26;
	v31 =	vmul.f32 v39, v35  }
0x5fc: {  	v52 =	vmul.f32 v39, v27;
	v11 =	vmul.f32 v11, v23;
	v15 =	vadd.f32 v15, v8  }
0x5fd: {  	v46 =	vadd.f32 v50, v46;
	v17 =	vadd.f32 v14, v17;
	v39 =	vmul.f32 v39, v24  }
0x5fe: {  	v14 =	vadd.f32 v52, v36;
	v50 =	vadd.f32 v31, v51;
	v6 =	vmin.f32 v6, v15  }
.Ltmp58:
0x5ff: {  	v31 =	vmul.f32 v37, v44;
	v51 =	vmul.f32 v37, v41;
	v15 =	vadd.f32 v39, v11;
	(pc) =	sbr.rel @p0 .LBB2_63-.Ltmp58, $4  }
0x600: {  	v2 =	vmin.f32 v2, v30;
	v11 =	vmul.f32 v37, v38;
	v39 =	vmul.f32 v37, v28  }
0x601: {  	v52 =	vmul.f32 v37, v29;
	v36 =	vmul.f32 v37, v25;
	v16 =	vadd.f32 v31, v16  }
0x602: {  	s24 =	sshra.s32 s23, $0x2;
	v30 =	vadd.f32 v51, v18;
	v37 =	vmul.f32 v37, v21;
	v17 =	vadd.f32 v11, v17  }
0x603: {  	v7 =	vmin.f32 v7, v40;
	s23 =	sadd.s32 $0x40, s23;
	v18 =	vadd.f32 v52, v50;
	v31 =	vadd.f32 v39, v46;
	v11 =	vld [tilespmem:s24+$0x16000]  }
0x604: {  	v14 =	vadd.f32 v36, v14  }
0x605: {  	v15 =	vadd.f32 v37, v15;
	v9 =	vmin.f32 v13, v9;
	v13 =	vadd.f32 v16, v8  }
0x606: {  	v39 =	vld [tilespmem:s24+$0x18000];
	v16 =	vadd.f32 v30, v8;
	v10 =	vmin.f32 v12, v10;
	v17 =	vadd.f32 v17, v8  }
0x607: {  	v12 =	vld [tilespmem:s24+$0x1A000];
	v30 =	vadd.f32 v31, v8;
	v3 =	vmin.f32 v3, v13;
	v13 =	vadd.f32 v18, v8  }
0x608: {  	v14 =	vadd.f32 v14, v8;
	v18 =	vmul.f32 v11, v48;
	v31 =	vmul.f32 v11, v47  }
0x609: {  	v8 =	vadd.f32 v15, v8;
	v15 =	vmul.f32 v11, v20;
	v59 =	vmul.f32 v11, v42  }
0x60a: {  	v4 =	vmin.f32 v4, v16;
	v46 =	vmul.f32 v11, v32;
	v51 =	vmul.f32 v11, v26  }
0x60b: {  	v5 =	vmin.f32 v5, v17;
	v53 =	vmul.f32 v39, v22;
	v54 =	vmul.f32 v39, v49  }
0x60c: {  	v16 =	vld [tilespmem:s24+$0x14000];
	v7 =	vmin.f32 v7, v13;
	v40 =	vmul.f32 v39, v45;
	v17 =	vmul.f32 v12, v19  }
0x60d: {  	v62 =	vmul.f32 v39, v43;
	v50 =	vmul.f32 v39, v33;
	v15 =	vadd.f32 v53, v15  }
0x60e: {  	v63 =	vmul.f32 v39, v35;
	v52 =	vmul.f32 v39, v27;
	v18 =	vadd.f32 v54, v18  }
0x60f: {  	v39 =	vmul.f32 v39, v24;
	v31 =	vadd.f32 v40, v31;
	v15 =	vadd.f32 v17, v15  }
0x610: {  	v36 =	vadd.f32 v62, v59;
	v54 =	vadd.f32 v50, v46;
	v17 =	vmul.f32 v11, v34  }
0x611: {  	v59 =	vadd.f32 v52, v51;
	v62 =	vmul.f32 v12, v38;
	v15 =	vadd.f32 v15, v16  }
0x612: {  	v52 =	vmul.f32 v12, v25;
	v11 =	vmul.f32 v11, v23;
	v17 =	vadd.f32 v63, v17  }
0x613: {  	v63 =	vmul.f32 v12, v28;
	v6 =	vmin.f32 v6, v15;
	v15 =	vmul.f32 v12, v41  }
0x614: {  	v13 =	vadd.f32 v52, v59;
	v11 =	vadd.f32 v39, v11;
	[tilespmem:$0x1FB00] =	vst v6;
	v6 =	vmul.f32 v12, v44  }
0x615: {  	v2 =	vmin.f32 v2, v30;
	v30 =	vadd.f32 v63, v54;
	v15 =	vadd.f32 v15, v31  }
0x616: {  	v9 =	vmin.f32 v9, v14;
	v31 =	vadd.f32 v62, v36;
	v6 =	vadd.f32 v6, v18  }
0x617: {  	v18 =	vmul.f32 v12, v29;
	v12 =	vmul.f32 v12, v21;
	v14 =	vadd.f32 v15, v16;
	v15 =	vld [tilespmem:s20+$0x18800]  }
0x618: {  	v8 =	vmin.f32 v10, v8;
	v10 =	vadd.f32 v31, v16;
	v6 =	vadd.f32 v6, v16  }
0x619: {  	v17 =	vadd.f32 v18, v17;
	v11 =	vadd.f32 v12, v11;
	v12 =	vld [tilespmem:s20+$0x16800]  }
0x61a: {  	v18 =	vadd.f32 v30, v16;
	v4 =	vmin.f32 v4, v14;
	v3 =	vmin.f32 v3, v6  }
0x61b: {  	v6 =	vadd.f32 v13, v16;
	v11 =	vadd.f32 v11, v16;
	[tilespmem:$0x1FB20] =	vst v4;
	v4 =	vmin.f32 v5, v10  }
0x61c: {  	v2 =	vmin.f32 v2, v18;
	[tilespmem:$0x1FB10] =	vst v3;
	v3 =	vadd.f32 v17, v16;
	v5 =	vmul.f32 v15, v22  }
0x61d: {  	v6 =	vmin.f32 v9, v6;
	v9 =	vmul.f32 v15, v45;
	v16 =	vmul.f32 v15, v33  }
0x61e: {  	v13 =	vld [tilespmem:s20+$0x1A800];
	[tilespmem:$0x1FB40] =	vst v2;
	v18 =	vmul.f32 v15, v27;
	v2 =	vmul.f32 v12, v48  }
0x61f: {  	[tilespmem:$0x1FB30] =	vst v4;
	v4 =	vmul.f32 v12, v47;
	v3 =	vmin.f32 v7, v3;
	v7 =	vmul.f32 v15, v49  }
0x620: {  	v10 =	vmul.f32 v12, v42;
	v14 =	vmul.f32 v12, v32  }
0x621: {  	v17 =	vmul.f32 v12, v34;
	[tilespmem:$0x1FB50] =	vst v3;
	v3 =	vmul.f32 v12, v20;
	v2 =	vadd.f32 v7, v2  }
0x622: {  	v7 =	vmul.f32 v15, v43;
	v4 =	vadd.f32 v9, v4;
	v9 =	vmul.f32 v12, v26  }
0x623: {  	v12 =	vmul.f32 v12, v23;
	v3 =	vadd.f32 v5, v3;
	v5 =	vmul.f32 v13, v19  }
0x624: {  	v7 =	vadd.f32 v7, v10;
	v10 =	vadd.f32 v16, v14;
	v14 =	vmul.f32 v15, v24  }
0x625: {  	[tilespmem:$0x1FB60] =	vst v6;
	v6 =	vld [tilespmem:s20+$0x14800];
	v9 =	vadd.f32 v18, v9;
	v16 =	vmul.f32 v13, v41;
	v18 =	vmul.f32 v13, v25  }
0x626: {  	v3 =	vadd.f32 v5, v3;
	v5 =	vmul.f32 v15, v35;
	v15 =	vmul.f32 v13, v44  }
0x627: {  	v12 =	vadd.f32 v14, v12;
	v14 =	vmul.f32 v13, v38;
	v16 =	vadd.f32 v16, v4  }
0x628: {  	v4 =	vmin.f32 v8, v11;
	v9 =	vadd.f32 v18, v9;
	v5 =	vadd.f32 v5, v17  }
0x629: {  	v17 =	vmul.f32 v13, v28;
	v2 =	vadd.f32 v15, v2;
	v15 =	vmul.f32 v13, v29  }
0x62a: {  	v8 =	vld [tilespmem:s22+$0x18800];
	v3 =	vadd.f32 v3, v6;
	v13 =	vmul.f32 v13, v21;
	v7 =	vadd.f32 v14, v7  }
0x62b: {  	v10 =	vadd.f32 v17, v10;
	v15 =	vadd.f32 v15, v5  }
0x62c: {  	v2 =	vadd.f32 v2, v6;
	v11 =	vadd.f32 v13, v12  }
0x62d: {  	v14 =	vld [tilespmem:s22+$0x16800];
	v12 =	vadd.f32 v16, v6;
	v7 =	vadd.f32 v7, v6  }
0x62e: {  	v16 =	vadd.f32 v10, v6;
	v39 =	vadd.f32 v15, v6  }
0x62f: {  	v10 =	vadd.f32 v9, v6;
	v11 =	vadd.f32 v11, v6;
	v18 =	vmul.f32 v8, v22  }
0x630: {  	v13 =	vld [tilespmem:s22+$0x1A800];
	v6 =	vmin.f32 v0, v12;
	v12 =	vmul.f32 v8, v49;
	v30 =	vmul.f32 v8, v45  }
0x631: {  	v53 =	vmul.f32 v8, v43;
	v54 =	vmul.f32 v8, v33  }
0x632: {  	v5 =	vmin.f32 v0, v2;
	v62 =	vmul.f32 v8, v27;
	v2 =	vmul.f32 v14, v48  }
0x633: {  	v15 =	vmul.f32 v14, v47;
	v17 =	vmul.f32 v14, v20  }
0x634: {  	v3 =	vmin.f32 v0, v3;
	v31 =	vmul.f32 v14, v42;
	v59 =	vmul.f32 v14, v34  }
0x635: {  	v9 =	vld [tilespmem:s22+$0x14800];
	v7 =	vmin.f32 v0, v7;
	v63 =	vmul.f32 v14, v23;
	v36 =	vmul.f32 v13, v25  }
0x636: {  	v37 =	vmul.f32 v13, v21;
	v17 =	vadd.f32 v18, v17;
	v18 =	vmul.f32 v13, v19  }
0x637: {  	v12 =	vadd.f32 v12, v2;
	v2 =	vmul.f32 v14, v32;
	v30 =	vadd.f32 v30, v15  }
0x638: {  	v15 =	vmul.f32 v14, v26;
	v31 =	vadd.f32 v53, v31;
	v17 =	vadd.f32 v18, v17  }
0x639: {  	v18 =	vmul.f32 v8, v35;
	v54 =	vadd.f32 v54, v2;
	v2 =	vmul.f32 v8, v24  }
0x63a: {  	v14 =	vadd.f32 v62, v15;
	v62 =	vmul.f32 v13, v28;
	v17 =	vadd.f32 v17, v9  }
0x63b: {  	v8 =	vadd.f32 v18, v59;
	v18 =	vmul.f32 v13, v41;
	v15 =	vadd.f32 v2, v63  }
0x63c: {  	v63 =	vmul.f32 v13, v29;
	v3 =	vmin.f32 v3, v17;
	v17 =	vmul.f32 v13, v44  }
0x63d: {  	v59 =	vmul.f32 v13, v38;
	v2 =	vmin.f32 v0, v16;
	v30 =	vadd.f32 v18, v30  }
0x63e: {  	s22 =	simm.s32 $0x20;
	v18 =	vadd.f32 v63, v8;
	v8 =	vmin.f32 v0, v39;
	v16 =	vadd.f32 v17, v12  }
0x63f: {  	s20 =	simm.s32 $0xC0;
	v13 =	vimm.f32 $+Inf;
	v17 =	vadd.f32 v59, v31;
	v31 =	vadd.f32 v62, v54;
	v12 =	vld [tilespmem:s22+$0x16800]  }
.LBB2_65:
0x640: {  	p0 =	sne.s32 s20, $0x1FC0;
	v39 =	vld [tilespmem:s22+$0x18800];
	v14 =	vadd.f32 v36, v14;
	v15 =	vadd.f32 v37, v15;
	v0 =	vmin.f32 v0, v10  }
0x641: {  	v10 =	vadd.f32 v16, v9;
	v16 =	vadd.f32 v30, v9;
	v13 =	vmin.f32 v13, v11  }
0x642: {  	v17 =	vadd.f32 v17, v9;
	v30 =	vadd.f32 v31, v9;
	v37 =	vld [tilespmem:s22+$0x1A800]  }
0x643: {  	v40 =	vadd.f32 v18, v9;
	v5 =	vmin.f32 v5, v10;
	v10 =	vadd.f32 v14, v9  }
0x644: {  	v11 =	vadd.f32 v15, v9;
	v14 =	vmul.f32 v12, v48;
	v18 =	vmul.f32 v12, v47  }
0x645: {  	v6 =	vmin.f32 v6, v16;
	v15 =	vmul.f32 v12, v20;
	v31 =	vmul.f32 v39, v22  }
0x646: {  	v7 =	vmin.f32 v7, v17;
	v16 =	vmul.f32 v39, v49;
	v36 =	vmul.f32 v39, v45;
	v9 =	vld [tilespmem:s22+$0x14800]  }
0x647: {  	v17 =	vmul.f32 v12, v42;
	v15 =	vadd.f32 v31, v15;
	v31 =	vmul.f32 v37, v19  }
0x648: {  	v46 =	vmul.f32 v12, v32;
	v16 =	vadd.f32 v16, v14;
	v14 =	vmul.f32 v39, v43  }
0x649: {  	v51 =	vmul.f32 v12, v34;
	v50 =	vmul.f32 v39, v33;
	v15 =	vadd.f32 v31, v15  }
0x64a: {  	v18 =	vadd.f32 v36, v18;
	v36 =	vmul.f32 v12, v26;
	v31 =	vmul.f32 v39, v35  }
0x64b: {  	v52 =	vmul.f32 v39, v27;
	v12 =	vmul.f32 v12, v23;
	v15 =	vadd.f32 v15, v9  }
0x64c: {  	v46 =	vadd.f32 v50, v46;
	v17 =	vadd.f32 v14, v17;
	v39 =	vmul.f32 v39, v24  }
0x64d: {  	v14 =	vadd.f32 v52, v36;
	v50 =	vadd.f32 v31, v51;
	v3 =	vmin.f32 v3, v15  }
.Ltmp59:
0x64e: {  	v31 =	vmul.f32 v37, v44;
	v51 =	vmul.f32 v37, v41;
	v15 =	vadd.f32 v39, v12;
	(pc) =	sbr.rel @p0 .LBB2_65-.Ltmp59, $4  }
0x64f: {  	v2 =	vmin.f32 v2, v30;
	v12 =	vmul.f32 v37, v38;
	v39 =	vmul.f32 v37, v28  }
0x650: {  	v52 =	vmul.f32 v37, v29;
	v36 =	vmul.f32 v37, v25;
	v16 =	vadd.f32 v31, v16  }
0x651: {  	s22 =	sshra.s32 s20, $0x2;
	v30 =	vadd.f32 v51, v18;
	v37 =	vmul.f32 v37, v21;
	v17 =	vadd.f32 v12, v17  }
0x652: {  	v8 =	vmin.f32 v8, v40;
	s20 =	sadd.s32 $0x40, s20;
	v18 =	vadd.f32 v52, v50;
	v31 =	vadd.f32 v39, v46;
	v12 =	vld [tilespmem:s22+$0x16800]  }
0x653: {  	v14 =	vadd.f32 v36, v14;
	v15 =	vadd.f32 v37, v15  }
0x654: {  	v0 =	vmin.f32 v0, v10;
	v10 =	vadd.f32 v16, v9;
	v16 =	vadd.f32 v30, v9  }
0x655: {  	v11 =	vmin.f32 v13, v11;
	v17 =	vadd.f32 v17, v9;
	v30 =	vadd.f32 v31, v9  }
0x656: {  	v39 =	vld [tilespmem:s22+$0x18800];
	v18 =	vadd.f32 v18, v9;
	v10 =	vmin.f32 v5, v10;
	v14 =	vadd.f32 v14, v9  }
0x657: {  	v13 =	vld [tilespmem:s22+$0x1A800];
	v9 =	vadd.f32 v15, v9;
	v5 =	vmul.f32 v12, v48;
	v31 =	vmul.f32 v12, v47  }
0x658: {  	v7 =	vmin.f32 v7, v17;
	v15 =	vmul.f32 v12, v20;
	v17 =	vmul.f32 v12, v42  }
0x659: {  	v46 =	vmul.f32 v12, v32;
	v51 =	vmul.f32 v12, v34  }
0x65a: {  	v63 =	vmul.f32 v12, v26;
	v12 =	vmul.f32 v12, v23  }
0x65b: {  	v6 =	vmin.f32 v6, v16;
	v52 =	vmul.f32 v39, v22;
	v53 =	vmul.f32 v39, v49  }
0x65c: {  	v16 =	vld [tilespmem:s22+$0x14800];
	v2 =	vmin.f32 v2, v30;
	v40 =	vmul.f32 v39, v45;
	v54 =	vmul.f32 v13, v19  }
0x65d: {  	v50 =	vmul.f32 v39, v33;
	v62 =	vmul.f32 v39, v35;
	v15 =	vadd.f32 v52, v15  }
0x65e: {  	v37 =	vadd.f32 v53, v5;
	v5 =	vmul.f32 v39, v43;
	v31 =	vadd.f32 v40, v31  }
0x65f: {  	v52 =	vmul.f32 v39, v27;
	v46 =	vadd.f32 v50, v46;
	v15 =	vadd.f32 v54, v15  }
0x660: {  	v39 =	vmul.f32 v39, v24;
	v36 =	vadd.f32 v62, v51;
	v53 =	vmul.f32 v13, v44  }
0x661: {  	v62 =	vmul.f32 v13, v29;
	v17 =	vadd.f32 v5, v17;
	v15 =	vadd.f32 v15, v16  }
0x662: {  	v40 =	vadd.f32 v52, v63;
	v12 =	vadd.f32 v39, v12;
	v54 =	vmul.f32 v13, v28  }
0x663: {  	v5 =	vmin.f32 v3, v15;
	v3 =	vmul.f32 v13, v41;
	v15 =	vmul.f32 v13, v38  }
0x664: {  	v37 =	vadd.f32 v53, v37;
	v63 =	vmul.f32 v13, v25;
	v30 =	vadd.f32 v62, v36  }
0x665: {  	v13 =	vmul.f32 v13, v21;
	v3 =	vadd.f32 v3, v31;
	v15 =	vadd.f32 v15, v17  }
0x666: {  	v59 =	vimm.f32 $+Inf;
	v17 =	vadd.f32 v54, v46;
	v31 =	vadd.f32 v63, v40  }
0x667: {  	p1 =	por $0x1, $0x1;
	[tilespmem:$0x1FAA0] =	vst v55;
	v8 =	vmin.f32 v8, v18;
	v13 =	vadd.f32 v13, v12;
	v12 =	vadd.f32 v37, v16  }
.Ltmp60:
0x668: {  	[tilespmem:$0x1FAB0] =	vst v57;
	v0 =	vmin.f32 v0, v14;
	v3 =	vadd.f32 v3, v16;
	v14 =	vadd.f32 v15, v16;
	(pc) =	sbr.rel @!p1 .LBB2_67-.Ltmp60, $4  }
0x669: {  	[tilespmem:$0x1FAC0] =	vst v56;
	v15 =	vmin.f32 v11, v9;
	v9 =	vadd.f32 v17, v16;
	v17 =	vadd.f32 v30, v16  }
0x66a: {  	[tilespmem:$0x1FAD0] =	vst v58;
	v12 =	vmin.f32 v10, v12;
	v18 =	vadd.f32 v31, v16;
	v13 =	vadd.f32 v13, v16  }
0x66b: {  	s20 =	simm.s32 $0x0;
	[tilespmem:$0x1FAE0] =	vst v60;
	v11 =	vmin.f32 v6, v3;
	v10 =	vmin.f32 v7, v14;
	v9 =	vmin.f32 v2, v9  }
0x66c: {  	p2 =	por $0x0, $0x0;
	p0 =	por $0x0, $0x0;
	[tilespmem:$0x1FAF0] =	vst v61;
	v8 =	vmin.f32 v8, v17;
	v7 =	vmin.f32 v0, v18;
	v6 =	vmin.f32 v15, v13;
	v3 =	vld [tilespmem:s20+$0x17000]  }
0x66d: {  	_ = 	snop  }
0x66e: {  	v0 =	vld [tilespmem:s20+$0x19000];
	_ =	sdelay $0x1  }
0x66f: {  	v13 =	vld [tilespmem:s20+$0x1B000]  }
0x670: {  	v14 =	vmul.f32 v3, v48;
	v15 =	vmul.f32 v3, v47  }
0x671: {  	v16 =	vmul.f32 v3, v20;
	v31 =	vmul.f32 v3, v42  }
0x672: {  	v39 =	vmul.f32 v3, v34;
	v17 =	vmul.f32 v0, v22  }
0x673: {  	v2 =	vld [tilespmem:s20+$0x15000];
	v18 =	vmul.f32 v0, v49;
	v30 =	vmul.f32 v0, v45  }
0x674: {  	v36 =	vmul.f32 v0, v43;
	v16 =	vadd.f32 v17, v16;
	v17 =	vmul.f32 v13, v19  }
0x675: {  	v37 =	vmul.f32 v0, v33;
	v40 =	vmul.f32 v0, v27  }
0x676: {  	v62 =	vmul.f32 v0, v24;
	v63 =	vmul.f32 v13, v28;
	v16 =	vadd.f32 v17, v16  }
0x677: {  	v14 =	vadd.f32 v18, v14;
	v18 =	vmul.f32 v3, v32;
	v15 =	vadd.f32 v30, v15  }
0x678: {  	v30 =	vmul.f32 v3, v26;
	v3 =	vmul.f32 v3, v23;
	v16 =	vadd.f32 v16, v2  }
0x679: {  	p3 =	por $0x1, $0x1;
	v31 =	vadd.f32 v36, v31;
	v17 =	vmul.f32 v0, v35;
	v18 =	vadd.f32 v37, v18  }
.Ltmp61:
0x67a: {  	v37 =	vadd.f32 v40, v30;
	v0 =	vmin.f32 v59, v16;
	v16 =	vmul.f32 v13, v44;
	(pc) =	sbr.rel @!p3 .LBB2_69-.Ltmp61, $4  }
0x67b: {  	v30 =	vmul.f32 v13, v41;
	v17 =	vadd.f32 v17, v39;
	v39 =	vadd.f32 v62, v3  }
0x67c: {  	v3 =	vmul.f32 v13, v38;
	v40 =	vadd.f32 v16, v14;
	v14 =	vmul.f32 v13, v29  }
0x67d: {  	s22 =	simm.s32 $0x10;
	v50 =	vmul.f32 v13, v25;
	v51 =	vadd.f32 v30, v15;
	v53 =	vadd.f32 v63, v18  }
0x67e: {  	p2 =	por $0x1, $0x1;
	v54 =	vmul.f32 v13, v21;
	v46 =	vadd.f32 v3, v31;
	v3 =	vld [tilespmem:s22+$0x17000];
	v52 =	vadd.f32 v14, v17  }
0x67f: {  	_ = 	snop  }
0x680: {  	v14 =	vadd.f32 v50, v37  }
0x681: {  	v16 =	vld [tilespmem:s22+$0x19000];
	v13 =	vadd.f32 v40, v2;
	v17 =	vadd.f32 v51, v2  }
0x682: {  	v31 =	vld [tilespmem:s22+$0x1B000];
	v40 =	vadd.f32 v53, v2;
	v15 =	vadd.f32 v54, v39  }
0x683: {  	v36 =	vadd.f32 v46, v2;
	v55 =	vadd.f32 v52, v2;
	v62 =	vmul.f32 v3, v48  }
0x684: {  	v18 =	vadd.f32 v14, v2;
	v63 =	vmul.f32 v3, v47;
	v54 =	vmul.f32 v3, v20  }
0x685: {  	v14 =	vmin.f32 v59, v17;
	v50 =	vmul.f32 v3, v42;
	v52 =	vmul.f32 v3, v32  }
0x686: {  	v30 =	vadd.f32 v15, v2;
	v56 =	vmul.f32 v16, v22;
	v17 =	vmul.f32 v16, v49  }
0x687: {  	v15 =	vmin.f32 v59, v36;
	v57 =	vmul.f32 v16, v45;
	v60 =	vmul.f32 v31, v19  }
0x688: {  	v37 =	vmul.f32 v16, v43;
	v61 =	vmul.f32 v16, v33;
	v58 =	vadd.f32 v56, v54  }
0x689: {  	v2 =	vld [tilespmem:s22+$0x15000];
	v17 =	vadd.f32 v17, v62;
	v62 =	vmul.f32 v3, v34;
	v51 =	vadd.f32 v57, v63  }
0x68a: {  	v63 =	vmul.f32 v16, v35;
	v56 =	vmul.f32 v16, v27;
	v57 =	vadd.f32 v37, v50  }
0x68b: {  	v52 =	vadd.f32 v61, v52;
	v16 =	vmul.f32 v16, v24;
	v61 =	vmul.f32 v31, v44  }
0x68c: {  	v50 =	vmul.f32 v31, v25;
	v54 =	vmul.f32 v31, v21;
	v36 =	vadd.f32 v60, v58  }
0x68d: {  	v13 =	vmin.f32 v59, v13;
	v60 =	vmul.f32 v3, v26;
	v3 =	vmul.f32 v3, v23  }
0x68e: {  	p4 =	por $0x1, $0x1;
	v58 =	vadd.f32 v63, v62;
	v62 =	vmul.f32 v31, v41;
	v36 =	vadd.f32 v36, v2  }
.Ltmp62:
0x68f: {  	v63 =	vmul.f32 v31, v28;
	v37 =	vadd.f32 v56, v60;
	v39 =	vadd.f32 v16, v3;
	(pc) =	sbr.rel @!p4 .LBB2_71-.Ltmp62, $4  }
0x690: {  	v3 =	vmul.f32 v31, v38;
	v16 =	vmin.f32 v59, v40;
	v40 =	vadd.f32 v61, v17  }
0x691: {  	v17 =	vmul.f32 v31, v29;
	v51 =	vadd.f32 v62, v51;
	v53 =	vadd.f32 v63, v52  }
0x692: {  	s22 =	simm.s32 $0x20;
	v31 =	vimm.f32 $+Inf;
	v0 =	vmin.f32 v0, v36;
	v46 =	vadd.f32 v3, v57  }
0x693: {  	s23 =	simm.s32 $0xC0;
	p3 =	por $0x1, $0x1;
	v52 =	vadd.f32 v17, v58;
	v3 =	vld [tilespmem:s22+$0x17000];
	v17 =	vmin.f32 v59, v55;
	v36 =	vimm.f32 $+Inf  }
.LBB2_72:
0x694: {  	p4 =	sne.s32 s23, $0x1FC0;
	v55 =	vld [tilespmem:s22+$0x19000];
	v37 =	vadd.f32 v50, v37;
	v39 =	vadd.f32 v54, v39;
	v31 =	vmin.f32 v31, v18  }
0x695: {  	v18 =	vadd.f32 v40, v2;
	v40 =	vadd.f32 v51, v2;
	v36 =	vmin.f32 v36, v30  }
0x696: {  	v46 =	vadd.f32 v46, v2;
	v50 =	vadd.f32 v53, v2;
	v54 =	vld [tilespmem:s22+$0x1B000]  }
0x697: {  	v56 =	vadd.f32 v52, v2;
	v13 =	vmin.f32 v13, v18;
	v18 =	vadd.f32 v37, v2  }
0x698: {  	v30 =	vadd.f32 v39, v2;
	v37 =	vmul.f32 v3, v48;
	v51 =	vmul.f32 v3, v47  }
0x699: {  	v14 =	vmin.f32 v14, v40;
	v39 =	vmul.f32 v3, v20;
	v52 =	vmul.f32 v55, v22  }
0x69a: {  	v15 =	vmin.f32 v15, v46;
	v40 =	vmul.f32 v55, v49;
	v53 =	vmul.f32 v55, v45;
	v2 =	vld [tilespmem:s22+$0x15000]  }
0x69b: {  	v46 =	vmul.f32 v3, v42;
	v39 =	vadd.f32 v52, v39;
	v52 =	vmul.f32 v54, v19  }
0x69c: {  	v57 =	vmul.f32 v3, v32;
	v40 =	vadd.f32 v40, v37;
	v37 =	vmul.f32 v55, v43  }
0x69d: {  	v60 =	vmul.f32 v3, v34;
	v58 =	vmul.f32 v55, v33;
	v39 =	vadd.f32 v52, v39  }
0x69e: {  	v51 =	vadd.f32 v53, v51;
	v53 =	vmul.f32 v3, v26;
	v52 =	vmul.f32 v55, v35  }
0x69f: {  	v61 =	vmul.f32 v55, v27;
	v3 =	vmul.f32 v3, v23;
	v39 =	vadd.f32 v39, v2  }
0x6a0: {  	v57 =	vadd.f32 v58, v57;
	v46 =	vadd.f32 v37, v46;
	v55 =	vmul.f32 v55, v24  }
0x6a1: {  	v37 =	vadd.f32 v61, v53;
	v52 =	vadd.f32 v52, v60;
	v0 =	vmin.f32 v0, v39  }
.Ltmp63:
0x6a2: {  	v58 =	vmul.f32 v54, v41;
	v53 =	vmul.f32 v54, v44;
	v39 =	vadd.f32 v55, v3;
	(pc) =	sbr.rel @p4 .LBB2_72-.Ltmp63, $4  }
0x6a3: {  	v16 =	vmin.f32 v16, v50;
	v3 =	vmul.f32 v54, v38;
	v55 =	vmul.f32 v54, v28  }
0x6a4: {  	v50 =	vmul.f32 v54, v25;
	v40 =	vadd.f32 v53, v40;
	v60 =	vmul.f32 v54, v29  }
0x6a5: {  	s22 =	sshra.s32 s23, $0x2;
	v51 =	vadd.f32 v58, v51;
	v54 =	vmul.f32 v54, v21;
	v46 =	vadd.f32 v3, v46  }
0x6a6: {  	v17 =	vmin.f32 v17, v56;
	s23 =	sadd.s32 $0x40, s23;
	v52 =	vadd.f32 v60, v52;
	v53 =	vadd.f32 v55, v57;
	v3 =	vld [tilespmem:s22+$0x17000]  }
.LBB2_73:
0x6a7: {  	v37 =	vadd.f32 @p2 v50, v37  }
0x6a8: {  	v39 =	vadd.f32 @p2 v54, v39;
	v18 =	vmin.f32 @p3 v31, v18;
	v31 =	vadd.f32 @p2 v40, v2  }
0x6a9: {  	v40 =	vadd.f32 @p2 v51, v2;
	v30 =	vmin.f32 @p3 v36, v30;
	v46 =	vadd.f32 @p2 v46, v2  }
0x6aa: {  	v55 =	vld [tilespmem:s22+$0x19000];
	v50 =	vadd.f32 @p2 v53, v2;
	v18 =	vpsel p3, v18, v59;
	v30 =	vpsel p3, v30, v59  }
0x6ab: {  	v13 =	vmin.f32 @p2 v13, v31;
	v31 =	vadd.f32 @p2 v52, v2;
	v37 =	vadd.f32 @p2 v37, v2  }
0x6ac: {  	v36 =	vld [tilespmem:s22+$0x1B000];
	v2 =	vadd.f32 @p2 v39, v2;
	v40 =	vmin.f32 @p2 v14, v40;
	v51 =	vmul.f32 v3, v48  }
0x6ad: {  	v15 =	vmin.f32 @p2 v15, v46;
	v63 =	vmul.f32 v3, v47;
	v60 =	vmul.f32 v3, v20  }
0x6ae: {  	v16 =	vmin.f32 @p2 v16, v50;
	v53 =	vmul.f32 v3, v42;
	v57 =	vmul.f32 v3, v32  }
0x6af: {  	v13 =	vpsel p2, v13, v59;
	v46 =	vmul.f32 v3, v34;
	v61 =	vmul.f32 v55, v22  }
0x6b0: {  	v15 =	vpsel p2, v15, v59;
	v14 =	vmul.f32 v55, v49;
	v56 =	vmul.f32 v55, v45  }
0x6b1: {  	v54 =	vld [tilespmem:s22+$0x15000];
	v17 =	vmin.f32 @p2 v17, v31;
	v62 =	vmul.f32 v36, v19;
	v58 =	vmul.f32 v55, v33  }
0x6b2: {  	v39 =	vadd.f32 v61, v60;
	v51 =	vadd.f32 v14, v51;
	v14 =	vmul.f32 v55, v43  }
0x6b3: {  	v52 =	vadd.f32 v56, v63;
	v56 =	vmul.f32 v55, v35;
	v60 =	vmul.f32 v3, v26  }
0x6b4: {  	v61 =	vmul.f32 v55, v27;
	v3 =	vmul.f32 v3, v23;
	v39 =	vadd.f32 v62, v39  }
0x6b5: {  	v57 =	vadd.f32 v58, v57;
	v55 =	vmul.f32 v55, v24;
	v53 =	vadd.f32 v14, v53  }
0x6b6: {  	v16 =	vpsel p2, v16, v59;
	v46 =	vadd.f32 v56, v46;
	v39 =	vadd.f32 v39, v54  }
0x6b7: {  	v63 =	vmul.f32 v36, v38;
	v56 =	vadd.f32 v61, v60;
	v3 =	vadd.f32 v55, v3  }
0x6b8: {  	v60 =	vmul.f32 v36, v28;
	v61 =	vmul.f32 v36, v29;
	v0 =	vmin.f32 v0, v39  }
0x6b9: {  	v62 =	vmul.f32 v36, v25;
	v63 =	vadd.f32 v63, v53;
	[tilespmem:$0x1FA80] =	vst v0;
	v0 =	vmul.f32 v36, v44  }
0x6ba: {  	v60 =	vadd.f32 v60, v57;
	v39 =	vmul.f32 v36, v41;
	v36 =	vmul.f32 v36, v21  }
0x6bb: {  	v17 =	vpsel p2, v17, v59;
	v50 =	vadd.f32 v61, v46;
	v0 =	vadd.f32 v0, v51  }
0x6bc: {  	v61 =	vpsel p2, v40, v59;
	v62 =	vadd.f32 v62, v56;
	v3 =	vadd.f32 v36, v3  }
0x6bd: {  	v39 =	vadd.f32 v39, v52;
	v31 =	vpsel p2, v37, v0;
	v2 =	vpsel p2, v2, v0  }
0x6be: {  	v0 =	vadd.f32 v0, v54;
	v3 =	vadd.f32 v3, v54;
	v18 =	vmin.f32 @p2 v18, v31  }
.Ltmp64:
0x6bf: {  	v31 =	vadd.f32 v39, v54;
	v2 =	vmin.f32 @p2 v30, v2;
	v30 =	vadd.f32 v63, v54;
	(pc) =	sbr.rel @!p1 .LBB2_74-.Ltmp64, $4  }
0x6c0: {  	v63 =	vadd.f32 v60, v54;
	v46 =	vmin.f32 v13, v0;
	v0 =	vadd.f32 v50, v54  }
0x6c1: {  	v13 =	vadd.f32 v62, v54;
	v2 =	vpsel p2, v2, v59;
	v37 =	vmin.f32 v61, v31  }
0x6c2: {  	v31 =	vmin.f32 v15, v30;
	v30 =	vmin.f32 v16, v63;
	v15 =	vpsel p2, v18, v59  }
0x6c3: {  	[tilespmem:$0x1FA90] =	vst v4;
	v16 =	vld [tilespmem:s20+$0x17800];
	v14 =	vmin.f32 v17, v0;
	v18 =	vmin.f32 v15, v13;
	v17 =	vmin.f32 v2, v3  }
0x6c4: {  	_ =	sdelay $0x2  }
0x6c5: {  	v0 =	vld [tilespmem:s20+$0x19800]  }
0x6c6: {  	v36 =	vld [tilespmem:s20+$0x1B800];
	v2 =	vmul.f32 v16, v48;
	v3 =	vmul.f32 v16, v47  }
0x6c7: {  	v13 =	vmul.f32 v16, v20;
	v52 =	vmul.f32 v16, v42  }
0x6c8: {  	v60 =	vmul.f32 v16, v32;
	v55 =	vmul.f32 v16, v34  }
0x6c9: {  	v62 =	vmul.f32 v16, v26;
	v16 =	vmul.f32 v16, v23  }
0x6ca: {  	v39 =	vmul.f32 v0, v22;
	v50 =	vmul.f32 v0, v49  }
0x6cb: {  	v51 =	vmul.f32 v0, v45;
	v58 =	vmul.f32 v36, v19  }
0x6cc: {  	v53 =	vmul.f32 v0, v43;
	v54 =	vmul.f32 v0, v33  }
0x6cd: {  	v61 =	vmul.f32 v0, v35;
	v56 =	vmul.f32 v0, v27  }
0x6ce: {  	v15 =	vld [tilespmem:s20+$0x15800];
	v0 =	vmul.f32 v0, v24;
	v13 =	vadd.f32 v39, v13;
	v2 =	vadd.f32 v50, v2  }
0x6cf: {  	v63 =	vmul.f32 v36, v44;
	v3 =	vadd.f32 v51, v3;
	v52 =	vadd.f32 v53, v52  }
0x6d0: {  	p2 =	por $0x1, $0x1;
	v40 =	vmul.f32 v36, v28;
	v50 =	vadd.f32 v54, v60;
	v39 =	vadd.f32 v61, v55  }
.Ltmp65:
0x6d1: {  	v57 =	vadd.f32 v56, v62;
	v53 =	vmul.f32 v36, v41;
	v13 =	vadd.f32 v58, v13;
	(pc) =	sbr.rel @!p2 .LBB2_76-.Ltmp65, $4  }
0x6d2: {  	v56 =	vadd.f32 v0, v16;
	v0 =	vmul.f32 v36, v38;
	v61 =	vmul.f32 v36, v25  }
0x6d3: {  	v2 =	vadd.f32 v63, v2;
	v58 =	vmul.f32 v36, v29;
	v13 =	vadd.f32 v13, v15  }
0x6d4: {  	s20 =	simm.s32 $0x10;
	v60 =	vmul.f32 v36, v21;
	v3 =	vadd.f32 v53, v3;
	v63 =	vadd.f32 v0, v52  }
0x6d5: {  	p1 =	por $0x1, $0x1;
	v16 =	vld [tilespmem:s20+$0x17800];
	v62 =	vadd.f32 v40, v50;
	v58 =	vadd.f32 v58, v39;
	v13 =	vmin.f32 v59, v13  }
0x6d6: {  	v0 =	vadd.f32 v61, v57  }
0x6d7: {  	v36 =	vadd.f32 v60, v56;
	v2 =	vadd.f32 v2, v15  }
0x6d8: {  	[tilespmem:$0x1FA30] =	vst v46;
	v50 =	vld [tilespmem:s20+$0x19800];
	v3 =	vadd.f32 v3, v15;
	v53 =	vadd.f32 v63, v15  }
0x6d9: {  	[tilespmem:$0x1FA40] =	vst v37;
	v54 =	vadd.f32 v62, v15;
	v4 =	vadd.f32 v58, v15;
	v55 =	vmin.f32 v59, v2  }
0x6da: {  	v37 =	vmovc v11;
	v39 =	vadd.f32 v0, v15;
	v2 =	vmul.f32 v16, v48;
	v56 =	vmul.f32 v16, v47  }
0x6db: {  	v11 =	vmovc v6;
	v52 =	vld [tilespmem:s20+$0x1B800];
	v36 =	vadd.f32 v36, v15;
	v6 =	vmul.f32 v16, v20;
	v58 =	vmul.f32 v16, v42  }
0x6dc: {  	v46 =	vmovc v17;
	v51 =	vmin.f32 v59, v3;
	v61 =	vmul.f32 v16, v32;
	v57 =	vmul.f32 v16, v34  }
0x6dd: {  	v17 =	vmovc v7;
	v0 =	vmin.f32 v59, v53;
	v63 =	vmul.f32 v16, v26;
	v7 =	vmul.f32 v50, v22  }
0x6de: {  	v54 =	vmin.f32 v59, v54;
	v16 =	vmul.f32 v16, v23;
	v3 =	vmul.f32 v50, v49  }
0x6df: {  	v15 =	vld [tilespmem:s20+$0x15800];
	v60 =	vmul.f32 v50, v45;
	v62 =	vmul.f32 v50, v33;
	v6 =	vadd.f32 v7, v6  }
0x6e0: {  	v40 =	vmovc v12;
	v7 =	vmul.f32 v52, v19;
	v2 =	vadd.f32 v3, v2;
	v3 =	vmul.f32 v50, v43  }
0x6e1: {  	v12 =	vmovc v5;
	v5 =	vmul.f32 v50, v27;
	v60 =	vadd.f32 v60, v56;
	v56 =	vmul.f32 v50, v35  }
0x6e2: {  	v53 =	vadd.f32 v7, v6;
	v58 =	vadd.f32 v3, v58;
	v3 =	vmul.f32 v50, v24  }
0x6e3: {  	v50 =	vadd.f32 v56, v57;
	v57 =	vadd.f32 v5, v63;
	v5 =	vmul.f32 v52, v44  }
0x6e4: {  	[tilespmem:$0x1FA50] =	vst v31;
	p2 =	por $0x1, $0x1;
	v62 =	vadd.f32 v62, v61;
	v6 =	vmul.f32 v52, v28;
	v53 =	vadd.f32 v53, v15  }
.Ltmp66:
0x6e5: {  	[tilespmem:$0x1FA70] =	vst v1;
	v56 =	vadd.f32 v3, v16;
	v16 =	vmul.f32 v52, v38;
	v2 =	vadd.f32 v5, v2;
	(pc) =	sbr.rel @!p2 .LBB2_78-.Ltmp66, $4  }
0x6e6: {  	v1 =	vmovc v14;
	v5 =	vmul.f32 v52, v29;
	v13 =	vmin.f32 v13, v53;
	v53 =	vmul.f32 v52, v41  }
0x6e7: {  	v14 =	vmovc v18;
	v61 =	vmul.f32 v52, v25;
	v62 =	vadd.f32 v6, v62;
	v63 =	vadd.f32 v16, v58  }
0x6e8: {  	v31 =	vmovc v10;
	s20 =	simm.s32 $0x20;
	v58 =	vadd.f32 v5, v50;
	v3 =	vadd.f32 v53, v60;
	v60 =	vmul.f32 v52, v21  }
0x6e9: {  	[tilespmem:$0x1FA60] =	vst v30;
	v30 =	vmovc v9;
	v18 =	vmovc v8;
	s22 =	simm.s32 $0xC0;
	p0 =	por $0x1, $0x1;
	v16 =	vld [tilespmem:s20+$0x17800];
	v50 =	vimm.f32 $+Inf;
	v53 =	vmin.f32 v59, v4;
	v52 =	vimm.f32 $+Inf  }
.LBB2_79:
0x6ea: {  	p2 =	sne.s32 s22, $0x1FC0;
	v4 =	vld [tilespmem:s20+$0x19800];
	v5 =	vadd.f32 v61, v57;
	v6 =	vadd.f32 v60, v56;
	v52 =	vmin.f32 v52, v39  }
0x6eb: {  	v2 =	vadd.f32 v2, v15;
	v3 =	vadd.f32 v3, v15;
	v50 =	vmin.f32 v50, v36  }
0x6ec: {  	v56 =	vadd.f32 v63, v15;
	v61 =	vadd.f32 v62, v15;
	v60 =	vld [tilespmem:s20+$0x1B800]  }
0x6ed: {  	v7 =	vadd.f32 v58, v15;
	v55 =	vmin.f32 v55, v2;
	v39 =	vadd.f32 v5, v15  }
0x6ee: {  	v36 =	vadd.f32 v6, v15;
	v2 =	vmul.f32 v16, v48;
	v5 =	vmul.f32 v16, v47  }
0x6ef: {  	v51 =	vmin.f32 v51, v3;
	v6 =	vmul.f32 v16, v20;
	v57 =	vmul.f32 v4, v22  }
0x6f0: {  	v0 =	vmin.f32 v0, v56;
	v3 =	vmul.f32 v4, v49;
	v58 =	vmul.f32 v4, v45;
	v15 =	vld [tilespmem:s20+$0x15800]  }
0x6f1: {  	v56 =	vmul.f32 v16, v42;
	v6 =	vadd.f32 v57, v6;
	v57 =	vmul.f32 v60, v19  }
0x6f2: {  	v62 =	vmul.f32 v16, v32;
	v2 =	vadd.f32 v3, v2;
	v3 =	vmul.f32 v4, v43  }
0x6f3: {  	v8 =	vmul.f32 v16, v34;
	v63 =	vmul.f32 v4, v33;
	v6 =	vadd.f32 v57, v6  }
0x6f4: {  	v5 =	vadd.f32 v58, v5;
	v58 =	vmul.f32 v16, v26;
	v57 =	vmul.f32 v4, v35  }
0x6f5: {  	v9 =	vmul.f32 v4, v27;
	v16 =	vmul.f32 v16, v23;
	v6 =	vadd.f32 v6, v15  }
0x6f6: {  	v62 =	vadd.f32 v63, v62;
	v10 =	vadd.f32 v3, v56;
	v3 =	vmul.f32 v4, v24  }
0x6f7: {  	v4 =	vadd.f32 v57, v8;
	v57 =	vadd.f32 v9, v58;
	v13 =	vmin.f32 v13, v6  }
.Ltmp67:
0x6f8: {  	v8 =	vmul.f32 v60, v41;
	v56 =	vadd.f32 v3, v16;
	v6 =	vmul.f32 v60, v44;
	(pc) =	sbr.rel @p2 .LBB2_79-.Ltmp67, $4  }
0x6f9: {  	v54 =	vmin.f32 v54, v61;
	v9 =	vmul.f32 v60, v38;
	v58 =	vmul.f32 v60, v28  }
0x6fa: {  	v61 =	vmul.f32 v60, v25;
	v2 =	vadd.f32 v6, v2;
	v6 =	vmul.f32 v60, v29  }
0x6fb: {  	s20 =	sshra.s32 s22, $0x2;
	v3 =	vadd.f32 v8, v5;
	v63 =	vadd.f32 v9, v10;
	v60 =	vmul.f32 v60, v21  }
0x6fc: {  	v53 =	vmin.f32 v53, v7;
	s22 =	sadd.s32 $0x40, s22;
	v62 =	vadd.f32 v58, v62;
	v58 =	vadd.f32 v6, v4;
	v16 =	vld [tilespmem:s20+$0x17800]  }
0x6fd: {  	v8 =	vmov v18;
	v18 =	vmov v14;
	v14 =	vmov v1;
	v1 =	vld [tilespmem:$0x1FA70]  }
0x6fe: {  	v9 =	vmov v30;
	v30 =	vld [tilespmem:$0x1FA60]  }
0x6ff: {  	v10 =	vmov v31;
	v31 =	vld [tilespmem:$0x1FA50]  }
0x700: {  	v6 =	vmov v11;
	v11 =	vmov v37;
	v37 =	vld [tilespmem:$0x1FA40]  }
0x701: {  	v5 =	vmovc v12;
	v7 =	vmov v17;
	v12 =	vmov v40;
	v17 =	vmov v46;
	v46 =	vld [tilespmem:$0x1FA30]  }
.LBB2_81:
0x702: {  	v4 =	vld [tilespmem:$0x1FD00];
	_ =	sdelay $0x3  }
0x703: {  	(v2sf) =	vpush v1, $0x0  }
0x704: {  	(v2sf) =	vpush v1, $0x1;
	(xrf0) =	vmin.scan.msk.f32 $0xffff, v4  }
0x705: {  	v40 =	vld [tilespmem:$0x1FCF0];
	(v2sf) =	vpush v1, $0x2  }
0x706: {  	(v2sf) =	vpush v1, $0x3  }
0x707: {  	(v2sf) =	vpush v1, $0x4  }
0x708: {  	(v2sf) =	vpush v1, $0x5  }
0x709: {  	(v2sf) =	vpush v1, $0x6  }
0x70a: {  	(xrf0) =	vmin.scan.msk.f32 $0xffff, v40;
	(v2sf) =	vpush v1, $0x7;
	v40, _, _ =	vpop (xrf0)  }
0x70b: {  	(v2sf) =	vpush v40, $0xF;
	v40 =	vld [tilespmem:$0x1FCE0];
	_ =	sdelay $0x4  }
0x70c: {  	(xrf0) =	vmin.scan.msk.f32 $0xffff, v40;
	v40, _, _ =	vpop (xrf0)  }
0x70d: {  	(v2sf) =	vpush v40, $0xF;
	v40 =	vld [tilespmem:$0x1FCD0];
	_ =	sdelay $0x4  }
0x70e: {  	(xrf0) =	vmin.scan.msk.f32 $0xffff, v40;
	v40, _, _ =	vpop (xrf0)  }
0x70f: {  	(v2sf) =	vpush v40, $0xF;
	v40 =	vld [tilespmem:$0x1FCC0];
	_ =	sdelay $0x2  }
0x710: {  	s29 =	spop (v2sf)  }
0x711: {  	s28 =	spop (v2sf)  }
0x712: {  	s26 =	spop (v2sf);
	(xrf0) =	vmin.scan.msk.f32 $0xffff, v40;
	v40, _, _ =	vpop (xrf0)  }
0x713: {  	s25 =	spop (v2sf);
	(v2sf) =	vpush v40, $0xF;
	v40 =	vld [tilespmem:$0x1FCB0];
	_ =	sdelay $0x4  }
0x714: {  	(xrf0) =	vmin.scan.msk.f32 $0xffff, v40;
	v40, _, _ =	vpop (xrf0)  }
0x715: {  	s24 =	spop (v2sf);
	(v2sf) =	vpush v40, $0xF;
	v40 =	vld [tilespmem:$0x1FCA0];
	_ =	sdelay $0x4  }
0x716: {  	(xrf0) =	vmin.scan.msk.f32 $0xffff, v40;
	v40, _, _ =	vpop (xrf0)  }
0x717: {  	s23 =	spop (v2sf);
	(v2sf) =	vpush v40, $0xF;
	v40 =	vld [tilespmem:$0x1FC90];
	_ =	sdelay $0x4  }
0x718: {  	(xrf0) =	vmin.scan.msk.f32 $0xffff, v40;
	v40, _, _ =	vpop (xrf0)  }
0x719: {  	s22 =	spop (v2sf);
	(v2sf) =	vpush v40, $0xF;
	v40 =	vld [tilespmem:$0x1FC80];
	_ =	sdelay $0x4  }
0x71a: {  	(xrf0) =	vmin.scan.msk.f32 $0xffff, v40;
	v40, _, _ =	vpop (xrf0)  }
0x71b: {  	s30 =	spop (v2sf);
	(v2sf) =	vpush v40, $0xF;
	v40 =	vld [tilespmem:$0x1FC70];
	_ =	sdelay $0x4  }
0x71c: {  	(xrf0) =	vmin.scan.msk.f32 $0xffff, v40;
	v40, _, _ =	vpop (xrf0)  }
0x71d: {  	s31 =	spop (v2sf);
	(v2sf) =	vpush v40, $0xF;
	v40 =	vld [tilespmem:$0x1FC60];
	_ =	sdelay $0x4  }
0x71e: {  	(xrf0) =	vmin.scan.msk.f32 $0xffff, v40;
	v40, _, _ =	vpop (xrf0)  }
0x71f: {  	s19 =	sadd.f32 s31, s19;
	s31 =	spop (v2sf);
	(v2sf) =	vpush v40, $0xF;
	v40 =	vld [tilespmem:$0x1FC50]  }
0x720: {  	_ =	sdelay $0x3  }
0x721: {  	(xrf0) =	vmin.scan.msk.f32 $0xffff, v40;
	v40, _, _ =	vpop (xrf0)  }
0x722: {  	(v2sf) =	vpush v40, $0xF;
	v40 =	vld [tilespmem:$0x1FC40];
	_ =	sdelay $0x1  }
0x723: {  	s19 =	sadd.f32 s19, s29;
	_ =	sdelay $0x1  }
0x724: {  	s19 =	sadd.f32 s19, s31  }
0x725: {  	(xrf0) =	vmin.scan.msk.f32 $0xffff, v40;
	v40, _, _ =	vpop (xrf0)  }
0x726: {  	s19 =	sadd.f32 s19, s28;
	s31 =	spop (v2sf);
	(v2sf) =	vpush v40, $0xF;
	v40 =	vld [tilespmem:$0x1FC30]  }
0x727: {  	_ = 	snop  }
0x728: {  	s19 =	sadd.f32 s19, s31;
	_ =	sdelay $0x1  }
0x729: {  	s19 =	sadd.f32 s19, s26  }
0x72a: {  	s31 =	spop (v2sf);
	(xrf0) =	vmin.scan.msk.f32 $0xffff, v40;
	v40, _, _ =	vpop (xrf0)  }
0x72b: {  	s19 =	sadd.f32 s19, s31;
	s31 =	spop (v2sf);
	(v2sf) =	vpush v40, $0xF;
	v40 =	vld [tilespmem:$0x1FC20]  }
0x72c: {  	_ =	sdelay $0x2  }
0x72d: {  	s19 =	sadd.f32 s19, s25  }
0x72e: {  	(xrf0) =	vmin.scan.msk.f32 $0xffff, v40;
	v40, _, _ =	vpop (xrf0)  }
0x72f: {  	s19 =	sadd.f32 s19, s31;
	s31 =	spop (v2sf);
	(v2sf) =	vpush v40, $0xF;
	v40 =	vld [tilespmem:$0x1FC10]  }
0x730: {  	_ =	sdelay $0x2  }
0x731: {  	s19 =	sadd.f32 s19, s24  }
0x732: {  	(xrf0) =	vmin.scan.msk.f32 $0xffff, v40;
	v40, _, _ =	vpop (xrf0)  }
0x733: {  	s19 =	sadd.f32 s19, s31;
	s31 =	spop (v2sf);
	(v2sf) =	vpush v40, $0xF;
	v40 =	vld [tilespmem:$0x1FBF0]  }
0x734: {  	_ =	sdelay $0x2  }
0x735: {  	s19 =	sadd.f32 s19, s23  }
0x736: {  	(xrf0) =	vmin.scan.msk.f32 $0xffff, v40;
	v40, _, _ =	vpop (xrf0)  }
0x737: {  	s19 =	sadd.f32 s19, s31;
	s31 =	spop (v2sf);
	(v2sf) =	vpush v40, $0xF;
	v40 =	vld [tilespmem:$0x1FAF0]  }
0x738: {  	_ =	sdelay $0x2  }
0x739: {  	s19 =	sadd.f32 s19, s22  }
0x73a: {  	(xrf0) =	vmin.scan.msk.f32 $0xffff, v40;
	v40, _, _ =	vpop (xrf0)  }
0x73b: {  	s19 =	sadd.f32 s19, s31;
	s31 =	spop (v2sf);
	(v2sf) =	vpush v40, $0xF;
	v40 =	vld [tilespmem:$0x1FAE0]  }
0x73c: {  	_ =	sdelay $0x2  }
0x73d: {  	s19 =	sadd.f32 s19, s30  }
0x73e: {  	(xrf0) =	vmin.scan.msk.f32 $0xffff, v40;
	v40, _, _ =	vpop (xrf0)  }
0x73f: {  	s19 =	sadd.f32 s31, s19;
	s31 =	spop (v2sf);
	(v2sf) =	vpush v40, $0xF;
	v40 =	vld [tilespmem:$0x1FAD0]  }
0x740: {  	_ =	sdelay $0x2  }
0x741: {  	s19 =	sadd.f32 s19, s29  }
0x742: {  	(xrf0) =	vmin.scan.msk.f32 $0xffff, v40;
	v40, _, _ =	vpop (xrf0)  }
0x743: {  	s19 =	sadd.f32 s19, s31;
	s31 =	spop (v2sf);
	(v2sf) =	vpush v40, $0xF;
	v40 =	vld [tilespmem:$0x1FAC0]  }
0x744: {  	_ =	sdelay $0x2  }
0x745: {  	s19 =	sadd.f32 s19, s28  }
0x746: {  	(xrf0) =	vmin.scan.msk.f32 $0xffff, v40;
	v40, _, _ =	vpop (xrf0)  }
0x747: {  	s19 =	sadd.f32 s19, s31;
	s31 =	spop (v2sf);
	(v2sf) =	vpush v40, $0xF;
	v40 =	vld [tilespmem:$0x1FAB0]  }
0x748: {  	_ =	sdelay $0x2  }
0x749: {  	s19 =	sadd.f32 s19, s26  }
0x74a: {  	(xrf0) =	vmin.scan.msk.f32 $0xffff, v40;
	v40, _, _ =	vpop (xrf0)  }
0x74b: {  	s19 =	sadd.f32 s19, s31;
	s31 =	spop (v2sf);
	(v2sf) =	vpush v40, $0xF;
	v40 =	vld [tilespmem:$0x1FC00]  }
0x74c: {  	_ =	sdelay $0x2  }
0x74d: {  	s19 =	sadd.f32 s19, s25  }
0x74e: {  	(xrf0) =	vmin.scan.msk.f32 $0xffff, v40;
	v40, _, _ =	vpop (xrf0)  }
0x74f: {  	s19 =	sadd.f32 s19, s31;
	s31 =	spop (v2sf);
	(v2sf) =	vpush v40, $0xF;
	v40 =	vld [tilespmem:$0x1FAA0]  }
0x750: {  	_ =	sdelay $0x2  }
0x751: {  	s19 =	sadd.f32 s19, s24  }
0x752: {  	(xrf0) =	vmin.scan.msk.f32 $0xffff, v40;
	v40, _, _ =	vpop (xrf0)  }
0x753: {  	s19 =	sadd.f32 s19, s31;
	s31 =	spop (v2sf);
	(v2sf) =	vpush v40, $0xF;
	v40 =	vld [tilespmem:$0x1FB80]  }
0x754: {  	_ =	sdelay $0x2  }
0x755: {  	s19 =	sadd.f32 s19, s23  }
0x756: {  	(xrf0) =	vmin.scan.msk.f32 $0xffff, v40;
	v40, _, _ =	vpop (xrf0)  }
0x757: {  	s19 =	sadd.f32 s19, s31;
	s31 =	spop (v2sf);
	(v2sf) =	vpush v40, $0xF;
	v40 =	vld [tilespmem:$0x1FB90]  }
0x758: {  	_ =	sdelay $0x2  }
0x759: {  	s19 =	sadd.f32 s19, s22  }
0x75a: {  	(xrf0) =	vmin.scan.msk.f32 $0xffff, v40;
	v40, _, _ =	vpop (xrf0)  }
0x75b: {  	s19 =	sadd.f32 s19, s31;
	s31 =	spop (v2sf);
	(v2sf) =	vpush v40, $0xF;
	v40 =	vld [tilespmem:$0x1FBA0]  }
0x75c: {  	_ =	sdelay $0x2  }
0x75d: {  	s19 =	sadd.f32 s19, s30  }
0x75e: {  	(xrf0) =	vmin.scan.msk.f32 $0xffff, v40;
	v40, _, _ =	vpop (xrf0)  }
0x75f: {  	s19 =	sadd.f32 s31, s19;
	s31 =	spop (v2sf);
	(v2sf) =	vpush v40, $0xF;
	v40 =	vld [tilespmem:$0x1FBB0]  }
0x760: {  	_ =	sdelay $0x2  }
0x761: {  	s19 =	sadd.f32 s19, s29  }
0x762: {  	(xrf0) =	vmin.scan.msk.f32 $0xffff, v40;
	v40, _, _ =	vpop (xrf0)  }
0x763: {  	s19 =	sadd.f32 s19, s31;
	s31 =	spop (v2sf);
	(v2sf) =	vpush v40, $0xF;
	v40 =	vld [tilespmem:$0x1FBC0]  }
0x764: {  	_ =	sdelay $0x2  }
0x765: {  	s19 =	sadd.f32 s19, s28  }
0x766: {  	(xrf0) =	vmin.scan.msk.f32 $0xffff, v40;
	v40, _, _ =	vpop (xrf0)  }
0x767: {  	s19 =	sadd.f32 s19, s31;
	s31 =	spop (v2sf);
	(v2sf) =	vpush v40, $0xF;
	v40 =	vld [tilespmem:$0x1FBD0]  }
0x768: {  	_ =	sdelay $0x2  }
0x769: {  	s19 =	sadd.f32 s19, s26  }
0x76a: {  	(xrf0) =	vmin.scan.msk.f32 $0xffff, v40;
	v40 =	vld [tilespmem:$0x1FBE0]  }
0x76b: {  	s19 =	sadd.f32 s19, s31;
	_ =	sdelay $0x1  }
0x76c: {  	s19 =	sadd.f32 s19, s25  }
0x76d: {  	s31 =	spop (v2sf)  }
0x76e: {  	s19 =	sadd.f32 s19, s31;
	(xrf0) =	vmin.scan.msk.f32 $0xffff, v40;
	v40, _, _ =	vpop (xrf0)  }
0x76f: {  	(v2sf) =	vpush v40, $0xF;
	v40 =	vld [tilespmem:$0x1FB70]  }
0x770: {  	s19 =	sadd.f32 s19, s24  }
0x771: {  	s31 =	spop (v2sf)  }
0x772: {  	s19 =	sadd.f32 s19, s31;
	_ =	sdelay $0x1  }
0x773: {  	s19 =	sadd.f32 s19, s23;
	(xrf0) =	vmin.scan.msk.f32 $0xffff, v40  }
0x774: {  	s31 =	spop (v2sf)  }
0x775: {  	s19 =	sadd.f32 s19, s31;
	_ =	sdelay $0x1  }
0x776: {  	s19 =	sadd.f32 s19, s22;
	v40, _, _ =	vpop (xrf0)  }
0x777: {  	s31 =	spop (v2sf);
	(v2sf) =	vpush v40, $0xF;
	v40, _, _ =	vpop (xrf0)  }
0x778: {  	s19 =	sadd.f32 s19, s31;
	(v2sf) =	vpush v40, $0xF;
	v40, _, _ =	vpop (xrf0)  }
0x779: {  	(v2sf) =	vpush v40, $0xF;
	v40 =	vld [tilespmem:$0x1FB10]  }
0x77a: {  	s19 =	sadd.f32 s19, s30  }
0x77b: {  	s31 =	spop (v2sf)  }
0x77c: {  	s19 =	sadd.f32 s31, s19;
	_ =	sdelay $0x1  }
0x77d: {  	s19 =	sadd.f32 s19, s29;
	(xrf0) =	vmin.scan.msk.f32 $0xffff, v40;
	v40 =	vld [tilespmem:$0x1FB20]  }
0x77e: {  	s31 =	spop (v2sf)  }
0x77f: {  	s19 =	sadd.f32 s19, s31;
	_ =	sdelay $0x1  }
0x780: {  	s19 =	sadd.f32 s19, s28  }
0x781: {  	s31 =	spop (v2sf);
	(xrf0) =	vmin.scan.msk.f32 $0xffff, v40;
	v40 =	vld [tilespmem:$0x1FB30]  }
0x782: {  	s19 =	sadd.f32 s19, s31;
	(v2sf) =	vpush v1, $0x8  }
0x783: {  	(v2sf) =	vpush v1, $0x9  }
0x784: {  	s19 =	sadd.f32 s19, s26;
	(v2sf) =	vpush v1, $0xA  }
0x785: {  	s29 =	spop (v2sf);
	(v2sf) =	vpush v1, $0xB  }
0x786: {  	s19 =	sadd.f32 s19, s29;
	(v2sf) =	vpush v1, $0xC;
	v4, _, _ =	vpop (xrf0);
	(xrf0) =	vmin.scan.msk.f32 $0xffff, v40;
	v40 =	vld [tilespmem:$0x1FB40]  }
0x787: {  	(v2sf) =	vpush v1, $0xD  }
0x788: {  	s19 =	sadd.f32 s19, s25;
	(v2sf) =	vpush v1, $0xE  }
0x789: {  	s31 =	spop (v2sf);
	(v2sf) =	vpush v1, $0xF  }
0x78a: {  	s19 =	sadd.f32 s19, s31;
	(v2sf) =	vpush v4, $0xF  }
0x78b: {  	v4, _, _ =	vpop (xrf0);
	(xrf0) =	vmin.scan.msk.f32 $0xffff, v40;
	v40 =	vld [tilespmem:$0x1FB50]  }
0x78c: {  	s19 =	sadd.f32 s19, s24  }
0x78d: {  	s25 =	spop (v2sf)  }
0x78e: {  	s19 =	sadd.f32 s19, s25;
	(v2sf) =	vpush v4, $0xF  }
0x78f: {  	s26 =	spop (v2sf)  }
0x790: {  	s19 =	sadd.f32 s19, s23;
	s31 =	spop (v2sf);
	v4, _, _ =	vpop (xrf0);
	(xrf0) =	vmin.scan.msk.f32 $0xffff, v40;
	v40 =	vld [tilespmem:$0x1FB60]  }
0x791: {  	s29 =	spop (v2sf)  }
0x792: {  	s19 =	sadd.f32 s19, s26;
	s28 =	spop (v2sf);
	(v2sf) =	vpush v4, $0xF  }
0x793: {  	s26 =	spop (v2sf)  }
0x794: {  	s19 =	sadd.f32 s19, s22;
	s25 =	spop (v2sf)  }
0x795: {  	s22 =	spop (v2sf);
	v4, _, _ =	vpop (xrf0);
	(xrf0) =	vmin.scan.msk.f32 $0xffff, v40;
	v40 =	vld [tilespmem:$0x1FA90]  }
0x796: {  	s19 =	sadd.f32 s19, s31;
	s23 =	spop (v2sf);
	(v2sf) =	vpush v4, $0xF  }
0x797: {  	s24 =	spop (v2sf)  }
0x798: {  	s30 =	sadd.f32 s19, s30;
	s19 =	spop (v2sf)  }
0x799: {  	s31 =	spop (v2sf);
	v4, _, _ =	vpop (xrf0)  }
0x79a: {  	s30 =	sadd.f32 s31, s30;
	(v2sf) =	vpush v4, $0xF;
	(xrf0) =	vmin.scan.msk.f32 $0xffff, v40;
	v40 =	vld [tilespmem:$0x1FB00];
	_ =	sdelay $0x1  }
0x79b: {  	s30 =	sadd.f32 s30, s29  }
0x79c: {  	s31 =	spop (v2sf);
	v4, _, _ =	vpop (xrf0)  }
0x79d: {  	s30 =	sadd.f32 s30, s31;
	(v2sf) =	vpush v4, $0xF  }
0x79e: {  	(xrf0) =	vmin.scan.msk.f32 $0xffff, v40  }
0x79f: {  	s30 =	sadd.f32 s30, s28  }
0x7a0: {  	s31 =	spop (v2sf);
	v4, _, _ =	vpop (xrf0)  }
0x7a1: {  	s30 =	sadd.f32 s30, s31;
	(v2sf) =	vpush v4, $0xF  }
0x7a2: {  	(xrf0) =	vmin.scan.msk.f32 $0xffff, v12  }
0x7a3: {  	s30 =	sadd.f32 s30, s26  }
0x7a4: {  	s31 =	spop (v2sf);
	v40, _, _ =	vpop (xrf0)  }
0x7a5: {  	s30 =	sadd.f32 s30, s31;
	(v2sf) =	vpush v40, $0xF  }
0x7a6: {  	(xrf0) =	vmin.scan.msk.f32 $0xffff, v11  }
0x7a7: {  	s30 =	sadd.f32 s30, s25  }
0x7a8: {  	s31 =	spop (v2sf);
	v4, _, _ =	vpop (xrf0)  }
0x7a9: {  	(v2sf) =	vpush v4, $0xF;
	s30 =	sadd.f32 s30, s31  }
0x7aa: {  	(xrf0) =	vmin.scan.msk.f32 $0xffff, v10  }
0x7ab: {  	s30 =	sadd.f32 s30, s22  }
0x7ac: {  	s31 =	spop (v2sf);
	v11, _, _ =	vpop (xrf0)  }
0x7ad: {  	(v2sf) =	vpush v11, $0xF;
	s30 =	sadd.f32 s30, s31  }
0x7ae: {  	(xrf0) =	vmin.scan.msk.f32 $0xffff, v9  }
0x7af: {  	s30 =	sadd.f32 s30, s23  }
0x7b0: {  	v12, _, _ =	vpop (xrf0);
	s31 =	spop (v2sf)  }
0x7b1: {  	(v2sf) =	vpush v12, $0xF;
	s30 =	sadd.f32 s30, s31  }
0x7b2: {  	(xrf0) =	vmin.scan.msk.f32 $0xffff, v8  }
0x7b3: {  	s30 =	sadd.f32 s30, s24  }
0x7b4: {  	v40, _, _ =	vpop (xrf0);
	s31 =	spop (v2sf)  }
0x7b5: {  	(v2sf) =	vpush v40, $0xF;
	s30 =	sadd.f32 s30, s31  }
0x7b6: {  	(xrf0) =	vmin.scan.msk.f32 $0xffff, v7  }
0x7b7: {  	s30 =	sadd.f32 s30, s19  }
0x7b8: {  	v4, _, _ =	vpop (xrf0);
	s31 =	spop (v2sf)  }
0x7b9: {  	(v2sf) =	vpush v4, $0xF;
	s30 =	sadd.f32 s31, s30  }
0x7ba: {  	(xrf0) =	vmin.scan.msk.f32 $0xffff, v6  }
0x7bb: {  	s30 =	sadd.f32 s30, s29  }
0x7bc: {  	v7, _, _ =	vpop (xrf0);
	s31 =	spop (v2sf)  }
0x7bd: {  	(v2sf) =	vpush v7, $0xF;
	s30 =	sadd.f32 s30, s31  }
0x7be: {  	(xrf0) =	vmin.scan.msk.f32 $0xffff, v5  }
0x7bf: {  	s30 =	sadd.f32 s30, s28  }
0x7c0: {  	v8, _, _ =	vpop (xrf0);
	s31 =	spop (v2sf)  }
0x7c1: {  	(v2sf) =	vpush v8, $0xF;
	s30 =	sadd.f32 s30, s31  }
0x7c2: {  	(xrf0) =	vmin.scan.msk.f32 $0xffff, v46  }
0x7c3: {  	s30 =	sadd.f32 s30, s26  }
0x7c4: {  	v9, _, _ =	vpop (xrf0);
	s31 =	spop (v2sf)  }
0x7c5: {  	(v2sf) =	vpush v9, $0xF;
	s30 =	sadd.f32 s30, s31  }
0x7c6: {  	(xrf0) =	vmin.scan.msk.f32 $0xffff, v37  }
0x7c7: {  	s30 =	sadd.f32 s30, s25  }
0x7c8: {  	v10, _, _ =	vpop (xrf0);
	s31 =	spop (v2sf)  }
0x7c9: {  	(v2sf) =	vpush v10, $0xF;
	s30 =	sadd.f32 s30, s31  }
0x7ca: {  	(xrf0) =	vmin.scan.msk.f32 $0xffff, v31  }
0x7cb: {  	s30 =	sadd.f32 s30, s22  }
0x7cc: {  	v11, _, _ =	vpop (xrf0);
	s31 =	spop (v2sf)  }
0x7cd: {  	(v2sf) =	vpush v11, $0xF;
	s30 =	sadd.f32 s30, s31  }
0x7ce: {  	(xrf0) =	vmin.scan.msk.f32 $0xffff, v30  }
0x7cf: {  	s30 =	sadd.f32 s30, s23  }
0x7d0: {  	v12, _, _ =	vpop (xrf0);
	s31 =	spop (v2sf)  }
0x7d1: {  	(v2sf) =	vpush v12, $0xF;
	s30 =	sadd.f32 s30, s31  }
0x7d2: {  	(xrf0) =	vmin.scan.msk.f32 $0xffff, v14  }
0x7d3: {  	s30 =	sadd.f32 s30, s24  }
0x7d4: {  	v5 =	vld [tilespmem:s20+$0x19800];
	v14, _, _ =	vpop (xrf0);
	s31 =	spop (v2sf)  }
0x7d5: {  	(v2sf) =	vpush v14, $0xF;
	s30 =	sadd.f32 s30, s31  }
0x7d6: {  	v4 =	vld [tilespmem:s20+$0x1B800];
	(xrf0) =	vmin.scan.msk.f32 $0xffff, v18  }
0x7d7: {  	s30 =	sadd.f32 s30, s19  }
0x7d8: {  	v37 =	vmul.f32 v16, v47;
	v31, _, _ =	vpop (xrf0);
	s31 =	spop (v2sf)  }
0x7d9: {  	v47 =	vld [tilespmem:$0x1FA80];
	v30 =	vmul.f32 v5, v49;
	v18 =	vmul.f32 v16, v48;
	(v2sf) =	vpush v31, $0xF;
	s30 =	sadd.f32 s31, s30  }
0x7da: {  	v1 =	vld [tilespmem:s20+$0x15800];
	(xrf0) =	vmin.scan.msk.f32 $0xffff, v17  }
0x7db: {  	v40 =	vmul.f32 v5, v45;
	v45 =	vmul.f32 v4, v44;
	v6 =	vadd.f32 v30, v18;
	s20 =	sadd.f32 s30, s29  }
0x7dc: {  	v2 =	vadd.f32 @p1 v2, v15;
	v3 =	vadd.f32 @p1 v3, v15;
	v46, _, _ =	vpop (xrf0);
	s31 =	spop (v2sf)  }
0x7dd: {  	v6 =	vadd.f32 v45, v6;
	(v2sf) =	vpush v46, $0xF;
	s20 =	sadd.f32 s20, s31  }
0x7de: {  	v2 =	vmin.f32 @p1 v55, v2;
	v7 =	vadd.f32 v40, v37;
	v48 =	vmul.f32 v4, v41;
	(xrf0) =	vmin.scan.msk.f32 $0xffff, v47  }
0x7df: {  	v32 =	vmul.f32 v16, v32;
	v2 =	vpsel p1, v2, v59;
	v6 =	vadd.f32 v6, v1;
	s20 =	sadd.f32 s20, s28  }
0x7e0: {  	v55 =	vmul.f32 v5, v43;
	v49 =	vmul.f32 v16, v42;
	v7 =	vadd.f32 v48, v7;
	v14, _, _ =	vpop (xrf0);
	s31 =	spop (v2sf)  }
0x7e1: {  	v3 =	vmin.f32 @p1 v51, v3;
	v2 =	vmin.f32 v2, v6;
	(v2sf) =	vpush v14, $0xF;
	s20 =	sadd.f32 s20, s31  }
0x7e2: {  	v17 =	vmul.f32 v4, v38;
	v7 =	vadd.f32 v7, v1;
	v12 =	vadd.f32 v55, v49;
	(xrf0) =	vmin.scan.msk.f32 $0xffff, v2  }
0x7e3: {  	v43 =	vmul.f32 v4, v29;
	v51 =	vmul.f32 v5, v24;
	v18 =	vpsel p1, v3, v59;
	s20 =	sadd.f32 s20, s26  }
0x7e4: {  	v30 =	vadd.f32 v17, v12;
	v2 =	vmin.f32 v18, v7;
	v7 =	vadd.f32 @p1 v63, v15;
	v31, _, _ =	vpop (xrf0);
	s31 =	spop (v2sf)  }
0x7e5: {  	v37 =	vmul.f32 v5, v33;
	v40 =	vmul.f32 v5, v35;
	(v2sf) =	vpush v31, $0xF;
	s20 =	sadd.f32 s20, s31  }
0x7e6: {  	v10 =	vadd.f32 @p1 v61, v57;
	v3 =	vadd.f32 v30, v1;
	v0 =	vmin.f32 @p1 v0, v7;
	(xrf0) =	vmin.scan.msk.f32 $0xffff, v2  }
0x7e7: {  	v41 =	vmul.f32 v4, v28;
	v2 =	vadd.f32 v37, v32;
	v0 =	vpsel p1, v0, v59;
	s20 =	sadd.f32 s20, s25  }
0x7e8: {  	v38 =	vmul.f32 v16, v34;
	v0 =	vmin.f32 v0, v3;
	v3 =	vadd.f32 @p1 v62, v15;
	v44, _, _ =	vpop (xrf0);
	s31 =	spop (v2sf)  }
0x7e9: {  	v9 =	vmin.f32 @p0 v52, v39;
	v2 =	vadd.f32 v41, v2;
	(v2sf) =	vpush v44, $0xF;
	s20 =	sadd.f32 s20, s31  }
0x7ea: {  	v48 =	vmul.f32 v5, v27;
	v42 =	vadd.f32 v40, v38;
	v47 =	vmul.f32 v16, v26;
	(xrf0) =	vmin.scan.msk.f32 $0xffff, v0  }
0x7eb: {  	v49 =	vmul.f32 v4, v25;
	v3 =	vmin.f32 @p1 v54, v3;
	v46 =	vadd.f32 v2, v1;
	s20 =	sadd.f32 s20, s22  }
0x7ec: {  	v7 =	vadd.f32 v43, v42;
	v3 =	vpsel p1, v3, v59;
	v2 =	vadd.f32 v48, v47;
	v45, _, _ =	vpop (xrf0);
	s31 =	spop (v2sf)  }
0x7ed: {  	v0 =	vmin.f32 v3, v46;
	v3 =	vadd.f32 @p1 v58, v15;
	(v2sf) =	vpush v45, $0xF;
	s20 =	sadd.f32 s20, s31  }
0x7ee: {  	v10 =	vadd.f32 @p1 v10, v15;
	v11 =	vmin.f32 @p0 v50, v36;
	v50 =	vmul.f32 v16, v23;
	(xrf0) =	vmin.scan.msk.f32 $0xffff, v0  }
0x7ef: {  	v7 =	vadd.f32 v7, v1;
	v0 =	vadd.f32 v49, v2;
	v3 =	vmin.f32 @p1 v53, v3;
	s20 =	sadd.f32 s20, s23  }
0x7f0: {  	v5 =	vmul.f32 v5, v22;
	v2 =	vpsel p0, v9, v59;
	v3 =	vpsel p1, v3, v59;
	v52, _, _ =	vpop (xrf0);
	s31 =	spop (v2sf)  }
0x7f1: {  	v53 =	vmin.f32 v3, v7;
	v7 =	vpsel p1, v10, v0;
	(v2sf) =	vpush v52, $0xF;
	s20 =	sadd.f32 s20, s31  }
0x7f2: {  	v6 =	vadd.f32 @p1 v60, v56;
	v0 =	vadd.f32 v0, v1;
	(xrf0) =	vmin.scan.msk.f32 $0xffff, v53;
	v2 =	vmin.f32 @p1 v2, v7  }
0x7f3: {  	v55 =	vmul.f32 v4, v21;
	v54 =	vadd.f32 v51, v50;
	v2 =	vpsel p1, v2, v59;
	s20 =	sadd.f32 s20, s24  }
0x7f4: {  	v56 =	vmul.f32 v16, v20;
	v6 =	vadd.f32 @p1 v6, v15;
	v57, _, _ =	vpop (xrf0);
	v0 =	vmin.f32 v2, v0;
	s31 =	spop (v2sf)  }
0x7f5: {  	v3 =	vadd.f32 v55, v54;
	(xrf0) =	vmin.scan.msk.f32 $0xffff, v0;
	v0 =	vpsel p0, v11, v59;
	(v2sf) =	vpush v57, $0xF;
	s20 =	sadd.f32 s20, s31  }
0x7f6: {  	v58 =	vadd.f32 v5, v56;
	v5 =	vpsel p1, v6, v0  }
0x7f7: {  	v4 =	vmul.f32 v4, v19;
	v3 =	vadd.f32 v3, v1;
	v0 =	vmin.f32 @p1 v0, v5;
	s20 =	sadd.f32 s20, s19  }
0x7f8: {  	v0 =	vpsel p1, v0, v59;
	v59, _, _ =	vpop (xrf0);
	s31 =	spop (v2sf)  }
0x7f9: {  	v2 =	vadd.f32 v4, v58;
	v0 =	vmin.f32 v0, v3;
	(v2sf) =	vpush v59, $0xF;
	s20 =	sadd.f32 s31, s20  }
0x7fa: {  	(xrf0) =	vmin.scan.msk.f32 $0xffff, v0  }
0x7fb: {  	v60 =	vadd.f32 v2, v1;
	s20 =	sadd.f32 s20, s29  }
0x7fc: {  	v61, _, _ =	vpop (xrf0);
	s31 =	spop (v2sf)  }
0x7fd: {  	v0 =	vmin.f32 v13, v60;
	(v2sf) =	vpush v61, $0xF;
	s20 =	sadd.f32 s20, s31  }
0x7fe: {  	(xrf0) =	vmin.scan.msk.f32 $0xffff, v0  }
0x7ff: {  	s20 =	sadd.f32 s20, s28  }
0x800: {  	v62, _, _ =	vpop (xrf0);
	s30 =	spop (v2sf)  }
0x801: {  	(v2sf) =	vpush v62, $0xF;
	s20 =	sadd.f32 s20, s30;
	_ =	sdelay $0x1  }
0x802: {  	s20 =	sadd.f32 s20, s26  }
0x803: {  	v63, _, _ =	vpop (xrf0);
	s31 =	spop (v2sf)  }
0x804: {  	(v2sf) =	vpush v63, $0xF;
	s20 =	sadd.f32 s20, s31;
	_ =	sdelay $0x1  }
0x805: {  	s20 =	sadd.f32 s20, s25  }
0x806: {  	s28 =	spop (v2sf)  }
0x807: {  	s20 =	sadd.f32 s20, s28;
	_ =	sdelay $0x1  }
0x808: {  	s20 =	sadd.f32 s20, s22  }
0x809: {  	s29 =	spop (v2sf)  }
0x80a: {  	s20 =	sadd.f32 s20, s29;
	_ =	sdelay $0x1  }
0x80b: {  	s20 =	sadd.f32 s20, s23  }
0x80c: {  	s30 =	spop (v2sf)  }
0x80d: {  	s21 =	sadd.s32 $0x1, s21;
	s20 =	sadd.f32 s20, s30  }
0x80e: {  	p0 =	sne.s32 s21, $0x5  }
.Ltmp68:
0x80f: {  	s20 =	sadd.f32 s20, s24;
	(pc) =	sbr.rel @p0 .LBB2_44-.Ltmp68, $3  }
0x810: {  	s31 =	spop (v2sf)  }
0x811: {  	s20 =	sadd.f32 s20, s31;
	_ =	sdelay $0x1  }
0x812: {  	s19 =	sadd.f32 s20, s19  }
0x813: {  	_ = 	snop  }
0x814: {  	s19 =	smul.f32 $6.250000000e-02, s19  }
0x815: {  	s18 =	sadd.s32 $0x1, s18  }
0x816: {  	p0 =	sne.s32 s18, s10;
	v0 =	vmov s19  }
.Ltmp69:
0x817: {  	[tilespmem:$0x1C000] =	vst v0;
	(pc) =	sbr.rel @p0 .LBB2_1-.Ltmp69, $4  }
0x818: {  	[hbm4b:s9+s8] =	stream.linear.scatter [tilespmem:s17], [sflag:$0x1], $0x80, $0x38;
	[tilespmem:$0x1C080] =	vst v63  }
0x819: {  	_ =	swait.ge [sflag:s11], $0x80  }
0x81a: {  	[sflag:s11] =	ssyncset.done $0x0  }
0x81b: {  	[sflag:s11] =	ssyncadd.s32 $0xFFFFFF80  }
0x81c: {  	_ =	sfence.sel $0x180000  }
0x81d: {  	[bflag:$0x0] =	sbarrier.arrive $0xFFFF  }
0x81e: {  	p0 =	sne.s32 s7, $0x0;
	_ =	strace $0x90000047  }
0x81f: {  	s0 =	sadd.s32 @!p0 $0x100000, s3;
	[bflag:$0x2] =	sbarrier.arrive $0xFFFF  }
0x820: {  	[sflag:s0] =	ssyncadd.tile.s32 @!p0 $0x1;
	_ =	shalt  }
.Lfunc_end2:
_tile_overlayer_lowered:
.L_overlay_start_2:
0x821: {  	(tag) =	ssettag $0x2  }
0x822: {  	s0 =	rddreg [dreg:$0x0];
	s2 =	stileid.u32  }
0x823: {  	s1 =	rddreg [dreg:$0x1];
	p0 =	sne.s32 s2, $0x0  }
0x824: {  	s3 =	rddreg [dreg:$0x2];
	[bflag:$0x3] =	sbarrier.arrive $0xFFFF;
	s2 =	simm.s32 @!p0 $0x1C01  }
0x825: {  	[timem:s3], [sflag:s2] =	dma.local @!p0 [hbm:s0], s1  }
0x826: {  	s0 =	simm.s32 @!p0 $0x1  }
0x827: {  	_ =	swait.ge @!p0 [sflag:s0], s1  }
0x828: {  	s1 =	ssub.s32 @!p0 $0x0, s1;
	[sflag:s0] =	ssyncset.done @!p0 $0x0  }
0x829: {  	[sflag:s0] =	ssyncadd.s32 @!p0 s1  }
0x82a: {  	[bflag:$0x3] =	sbarrier.arrive $0xFFFF  }
0x82b: {  	_ =	shalt  }

</sc_bundles>
